<compile_context>
chip_gen: v7x
topology: tpu7x:2x2x1
jax: 0.10.2.dev20260603
libtpu: 0.0.44.dev20260713+nightly
codegen_flags: <defaults>
</compile_context>

<pallas_src>
import functools

import jax
import jax.numpy as jnp
from jax import lax
from jax.experimental import pallas as pl
from jax.experimental.pallas import tpu as pltpu
from jax.experimental.pallas import tpu_sc as plsc

N = 10000
E = 320000
N_PAD = 10240
DUMMY = N
NW = 32
CHUNK = 80
NCHUNK = 125
EPW = NCHUNK * CHUNK
E_PAD = NW * EPW
RPT = N_PAD // 16
D = 128
BLK = 1024
GRID = N_PAD // BLK


def _mesh():
    return plsc.VectorSubcoreMesh(core_axis_name="c", subcore_axis_name="s")


_SC_PARAMS = pltpu.CompilerParams(needs_layout_passes=False)



@functools.partial(
    pl.kernel,
    out_type=jax.ShapeDtypeStruct((NW, N_PAD), jnp.float32),
    mesh=_mesh(),
    compiler_params=_SC_PARAMS,
    scratch_types=[
        pltpu.VMEM((NCHUNK, CHUNK), jnp.int32),
        pltpu.VMEM((N_PAD,), jnp.float32),
    ],
)
def _deg(e3, out, pk_v, hist):
    cid = lax.axis_index("c")
    sid = lax.axis_index("s")
    wid = sid * 2 + cid
    pltpu.sync_copy(e3.at[wid], pk_v)

    @pl.loop(0, N_PAD // 16)
    def _zero(i):
        hist[pl.ds(i * 16, 16)] = jnp.zeros((16,), jnp.float32)

    ones = jnp.ones((16,), jnp.float32)

    @pl.loop(0, NCHUNK)
    def _hist(r):
        for j in range(CHUNK // 16):
            p = pk_v[r, pl.ds(j * 16, 16)]
            s = p >> 14
            d = p & 16383
            sp = jnp.where(s != d, s, DUMMY)
            plsc.addupdate_scatter(hist, [sp], ones)

    pltpu.sync_copy(hist, out.at[wid])


@functools.partial(
    pl.kernel,
    out_type=jax.ShapeDtypeStruct((2, N_PAD, D), jnp.float32),
    mesh=_mesh(),
    compiler_params=_SC_PARAMS,
    scratch_types=[
        pltpu.VMEM((NCHUNK, CHUNK), jnp.int32),
        pltpu.VMEM((NCHUNK, CHUNK), jnp.int32),
        pltpu.VMEM((CHUNK, D), jnp.float32),
        pltpu.VMEM((32, D), jnp.float32),
        pltpu.VMEM_SHARED((N_PAD, D), jnp.float32),
        pltpu.SemaphoreType.DMA,
    ],
)
def _lhat(e3, vs, out, src_v, dst_v, rows_v, zbuf, acc, sem_a):
    cid = lax.axis_index("c")
    sid = lax.axis_index("s")
    wid = sid * 2 + cid
    pltpu.sync_copy(e3.at[wid], src_v)

    @pl.loop(0, 32)
    def _zb(r):
        for j in range(D // 16):
            zbuf[r, pl.ds(j * 16, 16)] = jnp.zeros((16,), jnp.float32)

    @pl.loop(0, RPT // 32)
    def _za(t):
        pltpu.sync_copy(zbuf, acc.at[pl.ds(sid * RPT + t * 32, 32)])

    @pl.loop(0, NCHUNK)
    def _fix(r):
        for j in range(CHUNK // 16):
            p = src_v[r, pl.ds(j * 16, 16)]
            sp = p >> 14
            dd = p & 16383
            src_v[r, pl.ds(j * 16, 16)] = sp
            dst_v[r, pl.ds(j * 16, 16)] = jnp.where(sp != dd, dd, DUMMY)

    plsc.subcore_barrier()

    @pl.loop(0, NCHUNK)
    def _edges(c):
        pltpu.async_copy(vs.at[src_v.at[c]], rows_v, sem_a).wait()
        pltpu.sync_copy(rows_v, acc.at[dst_v.at[c]], add=True)

    plsc.subcore_barrier()
    pltpu.sync_copy(acc.at[pl.ds(sid * RPT, RPT)],
                    out.at[cid, pl.ds(sid * RPT, RPT)])



def _dinv_body(h_ref, o_ref):
    pid = pl.program_id(0)
    s = jnp.sum(h_ref[...], axis=0)
    row = lax.broadcasted_iota(jnp.int32, (BLK,), 0) + pid * BLK
    o_ref[...] = jnp.where((s > 0.0) & (row < N), lax.rsqrt(s), 0.0)[:, None]


def _dinv_call(hists):
    return pl.pallas_call(
        _dinv_body,
        grid=(GRID,),
        in_specs=[pl.BlockSpec((NW, BLK), lambda i: (0, i))],
        out_specs=pl.BlockSpec((BLK, 1), lambda i: (i, 0)),
        out_shape=jax.ShapeDtypeStruct((N_PAD, 1), jnp.float32),
    )(hists)


def _row(i):
    return (i, 0)


def _col(k):
    return lambda i: (i, k)


def _start_body(h_ref, w_ref, dv_ref, c_ref, vs_ref):
    c = jnp.dot(h_ref[...], w_ref[...], preferred_element_type=jnp.float32)
    c_ref[...] = c
    vs_ref[...] = c[:, 3 * D:] * dv_ref[...]


def _start_call(h, wcat, dinv):
    d_in = h.shape[1]
    return pl.pallas_call(
        _start_body,
        grid=(GRID,),
        in_specs=[
            pl.BlockSpec((BLK, d_in), _row),
            pl.BlockSpec((d_in, 4 * D), lambda i: (0, 0)),
            pl.BlockSpec((BLK, 1), _row),
        ],
        out_specs=[
            pl.BlockSpec((BLK, 4 * D), _row),
            pl.BlockSpec((BLK, D), _row),
        ],
        out_shape=[
            jax.ShapeDtypeStruct((N_PAD, 4 * D), jnp.float32),
            jax.ShapeDtypeStruct((N_PAD, D), jnp.float32),
        ],
    )(h, wcat, dinv)


def _s1_body(a_ref, dv_ref, c2_ref, b2_ref, vs_ref):
    dv = dv_ref[...]
    b2 = c2_ref[...] - 2.0 * (a_ref[0] + a_ref[1]) * dv
    b2_ref[...] = b2
    vs_ref[...] = b2 * dv


def _s1_call(acc, dinv, c):
    return pl.pallas_call(
        _s1_body,
        grid=(GRID,),
        in_specs=[
            pl.BlockSpec((2, BLK, D), lambda i: (0, i, 0)),
            pl.BlockSpec((BLK, 1), _row),
            pl.BlockSpec((BLK, D), _col(2)),
        ],
        out_specs=[
            pl.BlockSpec((BLK, D), _row),
            pl.BlockSpec((BLK, D), _row),
        ],
        out_shape=[
            jax.ShapeDtypeStruct((N_PAD, D), jnp.float32),
            jax.ShapeDtypeStruct((N_PAD, D), jnp.float32),
        ],
    )(acc, dinv, c)


def _s2_body(a_ref, dv_ref, c1_ref, c3_ref, vs_ref):
    dv = dv_ref[...]
    b1 = c1_ref[...] - 2.0 * (a_ref[0] + a_ref[1]) * dv - c3_ref[...]
    vs_ref[...] = b1 * dv


def _s2_call(acc, dinv, c):
    return pl.pallas_call(
        _s2_body,
        grid=(GRID,),
        in_specs=[
            pl.BlockSpec((2, BLK, D), lambda i: (0, i, 0)),
            pl.BlockSpec((BLK, 1), _row),
            pl.BlockSpec((BLK, D), _col(1)),
            pl.BlockSpec((BLK, D), _col(3)),
        ],
        out_specs=pl.BlockSpec((BLK, D), _row),
        out_shape=jax.ShapeDtypeStruct((N_PAD, D), jnp.float32),
    )(acc, dinv, c, c)


def _end_body(a_ref, dv_ref, c0_ref, b2_ref, b_ref, h_ref):
    out = c0_ref[...] - (a_ref[0] + a_ref[1]) * dv_ref[...] - b2_ref[...]
    h_ref[...] = jnp.maximum(out + b_ref[...], 0.0)


def _end_call(acc, dinv, c, b2, bias):
    return pl.pallas_call(
        _end_body,
        grid=(GRID,),
        in_specs=[
            pl.BlockSpec((2, BLK, D), lambda i: (0, i, 0)),
            pl.BlockSpec((BLK, 1), _row),
            pl.BlockSpec((BLK, D), _col(0)),
            pl.BlockSpec((BLK, D), _row),
            pl.BlockSpec((1, D), lambda i: (0, 0)),
        ],
        out_specs=pl.BlockSpec((BLK, D), _row),
        out_shape=jax.ShapeDtypeStruct((N_PAD, D), jnp.float32),
    )(acc, dinv, c, b2, bias)


def _pool_body(h_ref, wmu_ref, bmu_ref, wlv_ref, blv_ref, mu_ref, lv_ref):
    g = jnp.sum(h_ref[...], axis=0, keepdims=True) * (1.0 / N)
    mu_ref[...] = jnp.dot(g, wmu_ref[...],
                          preferred_element_type=jnp.float32) + bmu_ref[...]
    lv_ref[...] = jnp.dot(g, wlv_ref[...],
                          preferred_element_type=jnp.float32) + blv_ref[...]


def _pool_call(h, wmu, bmu, wlv, blv):
    lat = wmu.shape[1]
    return pl.pallas_call(
        _pool_body,
        out_shape=[
            jax.ShapeDtypeStruct((1, lat), jnp.float32),
            jax.ShapeDtypeStruct((1, lat), jnp.float32),
        ],
    )(h, wmu, bmu, wlv, blv)



def kernel(x, edge_index, lap_pe, W1, b1, W2, b2, Wmu, bmu, Wlv, blv):
    ei = edge_index.astype(jnp.int32)
    packed = (ei[0] << 14) | ei[1]
    pad = jnp.full((E_PAD - E,), (N << 14) | N, jnp.int32)
    e3 = jnp.concatenate([packed, pad]).reshape(NW, NCHUNK, CHUNK)
    h = jnp.concatenate([x, lap_pe], axis=1)
    h = jnp.pad(h, ((0, N_PAD - N), (0, 0)))

    hists = _deg(e3)
    dinv = _dinv_call(hists)

    for W, bias in ((W1, b1), (W2, b2)):
        wcat = W.transpose(1, 0, 2).reshape(W.shape[1], 4 * D)
        c, vs = _start_call(h, wcat, dinv)
        a = _lhat(e3, vs)
        b2v, vs = _s1_call(a, dinv, c)
        a = _lhat(e3, vs)
        vs = _s2_call(a, dinv, c)
        a = _lhat(e3, vs)
        h = _end_call(a, dinv, c, b2v, bias.reshape(1, -1))

    mu, lv = _pool_call(h[:N], Wmu, bmu.reshape(1, -1), Wlv, blv.reshape(1, -1))
    return (mu, lv)

# --- scband reference (transcript-rebuilt; emitter-appended) ---
"""Pipeline reference for scband-spectral-encoder-6545530159339 (READ-ONLY COPY).

The authoritative reference and input builder live on the scoring server;
editing this copy changes nothing except your own understanding.
"""

import jax, jax.numpy as jnp
import numpy as np

N_NODES = 10000
N_EDGES = 320000
IN_DIM = 128
PE_DIM = 16
HID_DIM = 128
LAT_DIM = 64
K = 4


def _norm(src, dst):
    # PyG ChebConv with sym normalization and default lambda_max=2.0:
    # L_hat = 2L/lambda_max - I = (I - D^-1/2 A D^-1/2) - I = -D^-1/2 A D^-1/2
    # Self loops (added in forward, removed inside ChebConv) get weight 0.
    w = (src != dst).astype(jnp.float32)
    deg = jnp.zeros((N_NODES,), jnp.float32).at[src].add(w)
    safe = jnp.where(deg > 0.0, deg, 1.0)
    dinv = jnp.where(deg > 0.0, 1.0 / jnp.sqrt(safe), 0.0)
    return -dinv[src] * w * dinv[dst]


def _cheb_conv(x, src, dst, norm, W, b):
    # Chebyshev recurrence: Tx0 = x, Tx1 = L_hat x, Tx_k = 2 L_hat Tx_{k-1} - Tx_{k-2}
    def lhat(v):
        msg = norm[:, None] * jnp.take(v, src, axis=0)
        return jnp.zeros_like(v).at[dst].add(msg)
    Tx0 = x
    out = Tx0 @ W[0]
    Tx1 = lhat(Tx0)
    out = out + Tx1 @ W[1]
    Tx2 = 2.0 * lhat(Tx1) - Tx0
    out = out + Tx2 @ W[2]
    Tx3 = 2.0 * lhat(Tx2) - Tx1
    out = out + Tx3 @ W[3]
    return out + b


def setup_inputs(seed: int = 0):
    key = jax.random.key(seed)
    ks = jax.random.split(key, 8)
    x = jax.random.normal(ks[0], (N_NODES, IN_DIM), dtype=jnp.float32)
    lap_pe = jax.random.normal(ks[1], (N_NODES, PE_DIM), dtype=jnp.float32)
    edge_index = jax.random.randint(ks[2], (2, N_EDGES), 0, N_NODES)
    d0 = IN_DIM + PE_DIM
    W1 = jax.random.normal(ks[3], (K, d0, HID_DIM), dtype=jnp.float32) / np.sqrt(d0)
    b1 = jnp.zeros((HID_DIM,), jnp.float32)
    W2 = jax.random.normal(ks[4], (K, HID_DIM, HID_DIM), dtype=jnp.float32) / np.sqrt(HID_DIM)
    b2 = jnp.zeros((HID_DIM,), jnp.float32)
    Wmu = jax.random.normal(ks[5], (HID_DIM, LAT_DIM), dtype=jnp.float32) / np.sqrt(HID_DIM)
    bmu = jnp.zeros((LAT_DIM,), jnp.float32)
    Wlv = jax.random.normal(ks[6], (HID_DIM, LAT_DIM), dtype=jnp.float32) / np.sqrt(HID_DIM)
    blv = jnp.zeros((LAT_DIM,), jnp.float32)
    return {"x": x, "edge_index": edge_index, "lap_pe": lap_pe, "W1": W1, "b1": b1, "W2": W2, "b2": b2, "Wmu": Wmu, "bmu": bmu, "Wlv": Wlv, "blv": blv}


def reference(x, edge_index, lap_pe, W1, b1, W2, b2, Wmu, bmu, Wlv, blv):
    src = edge_index[0]
    dst = edge_index[1]
    norm = _norm(src, dst)
    h = jnp.concatenate([x, lap_pe], axis=1)
    h = jax.nn.relu(_cheb_conv(h, src, dst, norm, W1, b1))
    h = jax.nn.relu(_cheb_conv(h, src, dst, norm, W2, b2))
    # scatter_mean with all-zero segment ids over dim 0 == global mean pooling -> [1, hid]
    g = jnp.mean(h, axis=0, keepdims=True)
    mu = g @ Wmu + bmu
    logvar = g @ Wlv + blv
    return (mu, logvar)

if __name__ == "__main__":
    import jax
    _d = setup_inputs()
    print(jax.jit(kernel)(*tuple(_d.values())))

</pallas_src>

<mosaic_0001>
#map = affine_map<(d0, d1) -> (0, 0, 0)>
#map1 = affine_map<(d0, d1) -> (0, 0)>
module attributes {stable_mosaic.version = 14 : i64} {
  func.func @_deg(%arg0: i32, %arg1: i32, %arg2: memref<32x125x80xi32, #tpu.memory_space<hbm>>, %arg3: memref<32x10240xf32, #tpu.memory_space<hbm>>, %arg4: memref<125x80xi32, #tpu.memory_space<vmem>>, %arg5: memref<10240xf32, #tpu.memory_space<vmem>>) attributes {dimension_semantics = [#tpu.dimension_semantics<core_parallel>, #tpu.dimension_semantics<subcore_parallel>], iteration_bounds = array<i64: 2, 16>, scalar_prefetch = 0 : i64, scratch_operands = 2 : i64, tpu.core_type = #tpu.core_type<sc_vector_subcore>, window_params = [{transform_indices = #map}, {transform_indices = #map1}]} {
    %mul3A = arith.constant 2 : i32
    %mul3A_0 = arith.muli %arg1, %mul3A : i32
    %add3A = arith.addi %mul3A_0, %arg0 : i32
    "tpu.region"() ({
      %run_scoped3A = tpu.sem_alloc : memref<!tpu.dma_semaphore, #tpu.memory_space<semaphore_mem>>
      %dma_start3A = arith.constant 0 : i32
      %dma_start3A_11 = arith.constant 0 : i32
      %dma_start3A_12 = tpu.memref_slice %arg2[%add3A, %dma_start3A, %dma_start3A_11] : memref<32x125x80xi32, #tpu.memory_space<hbm>> -> memref<1x125x80xi32, #tpu.memory_space<hbm>>
      %dma_start3A_13 = tpu.memref_squeeze %dma_start3A_12 : memref<1x125x80xi32, #tpu.memory_space<hbm>> -> memref<125x80xi32, #tpu.memory_space<hbm>>
      %dma_start3A_14 = arith.constant 0 : i32
      %dma_start3A_15 = arith.constant 0 : i32
      %dma_start3A_16 = tpu.memref_slice %arg2[%add3A, %dma_start3A_14, %dma_start3A_15] : memref<32x125x80xi32, #tpu.memory_space<hbm>> -> memref<1x125x80xi32, #tpu.memory_space<hbm>>
      %dma_start3A_17 = tpu.memref_squeeze %dma_start3A_16 : memref<1x125x80xi32, #tpu.memory_space<hbm>> -> memref<125x80xi32, #tpu.memory_space<hbm>>
      tpu.enqueue_dma source(%dma_start3A_17 : memref<125x80xi32, #tpu.memory_space<hbm>>) target(%arg4 : memref<125x80xi32, #tpu.memory_space<vmem>>) target_semaphore(%run_scoped3A : memref<!tpu.dma_semaphore, #tpu.memory_space<semaphore_mem>>)
      %dma_wait3A = arith.constant 0 : i32
      %dma_wait3A_18 = arith.constant 0 : i32
      %dma_wait3A_19 = tpu.memref_slice %arg2[%add3A, %dma_wait3A, %dma_wait3A_18] : memref<32x125x80xi32, #tpu.memory_space<hbm>> -> memref<1x125x80xi32, #tpu.memory_space<hbm>>
      %dma_wait3A_20 = tpu.memref_squeeze %dma_wait3A_19 : memref<1x125x80xi32, #tpu.memory_space<hbm>> -> memref<125x80xi32, #tpu.memory_space<hbm>>
      %dma_wait3A_21 = arith.constant 0 : i32
      %dma_wait3A_22 = arith.constant 0 : i32
      %dma_wait3A_23 = tpu.memref_slice %arg2[%add3A, %dma_wait3A_21, %dma_wait3A_22] : memref<32x125x80xi32, #tpu.memory_space<hbm>> -> memref<1x125x80xi32, #tpu.memory_space<hbm>>
      %dma_wait3A_24 = tpu.memref_squeeze %dma_wait3A_23 : memref<1x125x80xi32, #tpu.memory_space<hbm>> -> memref<125x80xi32, #tpu.memory_space<hbm>>
      tpu.wait_dma2 semaphore(%run_scoped3A : memref<!tpu.dma_semaphore, #tpu.memory_space<semaphore_mem>>) src(%dma_wait3A_24 : memref<125x80xi32, #tpu.memory_space<hbm>>) dst(%arg4 : memref<125x80xi32, #tpu.memory_space<vmem>>)
      tpu.yield
    }) : () -> ()
    %scan3A = arith.constant 0 : i32
    %scan3A_1 = arith.constant 640 : i32
    %scan3A_2 = arith.addi %scan3A, %scan3A_1 : i32
    %scan3A_3 = arith.constant 1 : i32
    scf.for %scan3A_11 = %scan3A to %scan3A_2 step %scan3A_3  : i32 {
      %mul3A_12 = arith.constant 1 : i32
      %mul3A_13 = arith.muli %scan3A_11, %mul3A_12 : i32
      %add3A_14 = arith.constant 0 : i32
      %add3A_15 = arith.addi %add3A_14, %mul3A_13 : i32
      %broadcast_in_dim3A_16 = arith.constant 0.000000e+00 : f32
      %broadcast_in_dim3A_17 = vector.broadcast %broadcast_in_dim3A_16 : f32 to vector<16xf32>
      %mul3A_18 = arith.constant 16 : i32
      %mul3A_19 = arith.muli %add3A_15, %mul3A_18 : i32
      %swap3A = arith.index_cast %mul3A_19 : i32 to index
      %swap3A_20 = tpu.vector_load %arg5[%swap3A] {strides = array<i32>} : memref<10240xf32, #tpu.memory_space<vmem>>, vector<16xf32>,
      tpu.vector_store %arg5[%swap3A], %broadcast_in_dim3A_17 {strides = array<i32>} : memref<10240xf32, #tpu.memory_space<vmem>>, vector<16xf32>,
    }
    %scan3A_4 = arith.constant 640 : i32
    %broadcast_in_dim3A = arith.constant 1.000000e+00 : f32
    %broadcast_in_dim3A_5 = vector.broadcast %broadcast_in_dim3A : f32 to vector<16xf32>
    %scan3A_6 = arith.constant 0 : i32
    %scan3A_7 = arith.constant 125 : i32
    %scan3A_8 = arith.addi %scan3A_6, %scan3A_7 : i32
    %scan3A_9 = arith.constant 1 : i32
    scf.for %scan3A_11 = %scan3A_6 to %scan3A_8 step %scan3A_9  : i32 {
      %mul3A_12 = arith.constant 1 : i32
      %mul3A_13 = arith.muli %scan3A_11, %mul3A_12 : i32
      %add3A_14 = arith.constant 0 : i32
      %add3A_15 = arith.addi %add3A_14, %mul3A_13 : i32
      %get3A = arith.index_cast %add3A_15 : i32 to index
      %get3A_16 = arith.constant 0 : index
      %get3A_17 = tpu.vector_load %arg4[%get3A, %get3A_16] {strides = array<i32>} : memref<125x80xi32, #tpu.memory_space<vmem>>, vector<16xi32>,
      %shift_right_arithmetic3A = arith.constant 14 : i32
      %shift_right_arithmetic3A_18 = vector.broadcast %shift_right_arithmetic3A : i32 to vector<16xi32>
      %shift_right_arithmetic3A_19 = arith.shrsi %get3A_17, %shift_right_arithmetic3A_18 : vector<16xi32>
      %and3A = arith.constant 16383 : i32
      %and3A_20 = vector.broadcast %and3A : i32 to vector<16xi32>
      %and3A_21 = arith.andi %get3A_17, %and3A_20 : vector<16xi32>
      %ne3A = arith.cmpi ne, %shift_right_arithmetic3A_19, %and3A_21 : vector<16xi32>
      %jit3A = arith.constant 10000 : i32
      %broadcast_in_dim3A_22 = vector.broadcast %jit3A : i32 to vector<16xi32>
      %select_n3A = arith.select %ne3A, %shift_right_arithmetic3A_19, %broadcast_in_dim3A_22 : vector<16xi1>, vector<16xi32>
      tpu.vector_store_idx %arg5[%select_n3A], %broadcast_in_dim3A_5 {add = true} : memref<10240xf32, #tpu.memory_space<vmem>>[vector<16xi32>], vector<16xf32>,
      %get3A_23 = arith.index_cast %add3A_15 : i32 to index
      %get3A_24 = arith.constant 16 : index
      %get3A_25 = tpu.vector_load %arg4[%get3A_23, %get3A_24] {strides = array<i32>} : memref<125x80xi32, #tpu.memory_space<vmem>>, vector<16xi32>,
      %shift_right_arithmetic3A_26 = arith.constant 14 : i32
      %shift_right_arithmetic3A_27 = vector.broadcast %shift_right_arithmetic3A_26 : i32 to vector<16xi32>
      %shift_right_arithmetic3A_28 = arith.shrsi %get3A_25, %shift_right_arithmetic3A_27 : vector<16xi32>
      %and3A_29 = arith.constant 16383 : i32
      %and3A_30 = vector.broadcast %and3A_29 : i32 to vector<16xi32>
      %and3A_31 = arith.andi %get3A_25, %and3A_30 : vector<16xi32>
      %ne3A_32 = arith.cmpi ne, %shift_right_arithmetic3A_28, %and3A_31 : vector<16xi32>
      %jit3A_33 = arith.constant 10000 : i32
      %broadcast_in_dim3A_34 = vector.broadcast %jit3A_33 : i32 to vector<16xi32>
      %select_n3A_35 = arith.select %ne3A_32, %shift_right_arithmetic3A_28, %broadcast_in_dim3A_34 : vector<16xi1>, vector<16xi32>
      tpu.vector_store_idx %arg5[%select_n3A_35], %broadcast_in_dim3A_5 {add = true} : memref<10240xf32, #tpu.memory_space<vmem>>[vector<16xi32>], vector<16xf32>,
      %get3A_36 = arith.index_cast %add3A_15 : i32 to index
      %get3A_37 = arith.constant 32 : index
      %get3A_38 = tpu.vector_load %arg4[%get3A_36, %get3A_37] {strides = array<i32>} : memref<125x80xi32, #tpu.memory_space<vmem>>, vector<16xi32>,
      %shift_right_arithmetic3A_39 = arith.constant 14 : i32
      %shift_right_arithmetic3A_40 = vector.broadcast %shift_right_arithmetic3A_39 : i32 to vector<16xi32>
      %shift_right_arithmetic3A_41 = arith.shrsi %get3A_38, %shift_right_arithmetic3A_40 : vector<16xi32>
      %and3A_42 = arith.constant 16383 : i32
      %and3A_43 = vector.broadcast %and3A_42 : i32 to vector<16xi32>
      %and3A_44 = arith.andi %get3A_38, %and3A_43 : vector<16xi32>
      %ne3A_45 = arith.cmpi ne, %shift_right_arithmetic3A_41, %and3A_44 : vector<16xi32>
      %jit3A_46 = arith.constant 10000 : i32
      %broadcast_in_dim3A_47 = vector.broadcast %jit3A_46 : i32 to vector<16xi32>
      %select_n3A_48 = arith.select %ne3A_45, %shift_right_arithmetic3A_41, %broadcast_in_dim3A_47 : vector<16xi1>, vector<16xi32>
      tpu.vector_store_idx %arg5[%select_n3A_48], %broadcast_in_dim3A_5 {add = true} : memref<10240xf32, #tpu.memory_space<vmem>>[vector<16xi32>], vector<16xf32>,
      %get3A_49 = arith.index_cast %add3A_15 : i32 to index
      %get3A_50 = arith.constant 48 : index
      %get3A_51 = tpu.vector_load %arg4[%get3A_49, %get3A_50] {strides = array<i32>} : memref<125x80xi32, #tpu.memory_space<vmem>>, vector<16xi32>,
      %shift_right_arithmetic3A_52 = arith.constant 14 : i32
      %shift_right_arithmetic3A_53 = vector.broadcast %shift_right_arithmetic3A_52 : i32 to vector<16xi32>
      %shift_right_arithmetic3A_54 = arith.shrsi %get3A_51, %shift_right_arithmetic3A_53 : vector<16xi32>
      %and3A_55 = arith.constant 16383 : i32
      %and3A_56 = vector.broadcast %and3A_55 : i32 to vector<16xi32>
      %and3A_57 = arith.andi %get3A_51, %and3A_56 : vector<16xi32>
      %ne3A_58 = arith.cmpi ne, %shift_right_arithmetic3A_54, %and3A_57 : vector<16xi32>
      %jit3A_59 = arith.constant 10000 : i32
      %broadcast_in_dim3A_60 = vector.broadcast %jit3A_59 : i32 to vector<16xi32>
      %select_n3A_61 = arith.select %ne3A_58, %shift_right_arithmetic3A_54, %broadcast_in_dim3A_60 : vector<16xi1>, vector<16xi32>
      tpu.vector_store_idx %arg5[%select_n3A_61], %broadcast_in_dim3A_5 {add = true} : memref<10240xf32, #tpu.memory_space<vmem>>[vector<16xi32>], vector<16xf32>,
      %get3A_62 = arith.index_cast %add3A_15 : i32 to index
      %get3A_63 = arith.constant 64 : index
      %get3A_64 = tpu.vector_load %arg4[%get3A_62, %get3A_63] {strides = array<i32>} : memref<125x80xi32, #tpu.memory_space<vmem>>, vector<16xi32>,
      %shift_right_arithmetic3A_65 = arith.constant 14 : i32
      %shift_right_arithmetic3A_66 = vector.broadcast %shift_right_arithmetic3A_65 : i32 to vector<16xi32>
      %shift_right_arithmetic3A_67 = arith.shrsi %get3A_64, %shift_right_arithmetic3A_66 : vector<16xi32>
      %and3A_68 = arith.constant 16383 : i32
      %and3A_69 = vector.broadcast %and3A_68 : i32 to vector<16xi32>
      %and3A_70 = arith.andi %get3A_64, %and3A_69 : vector<16xi32>
      %ne3A_71 = arith.cmpi ne, %shift_right_arithmetic3A_67, %and3A_70 : vector<16xi32>
      %jit3A_72 = arith.constant 10000 : i32
      %broadcast_in_dim3A_73 = vector.broadcast %jit3A_72 : i32 to vector<16xi32>
      %select_n3A_74 = arith.select %ne3A_71, %shift_right_arithmetic3A_67, %broadcast_in_dim3A_73 : vector<16xi1>, vector<16xi32>
      tpu.vector_store_idx %arg5[%select_n3A_74], %broadcast_in_dim3A_5 {add = true} : memref<10240xf32, #tpu.memory_space<vmem>>[vector<16xi32>], vector<16xf32>,
    }
    %scan3A_10 = arith.constant 125 : i32
    "tpu.region"() ({
      %run_scoped3A = tpu.sem_alloc : memref<!tpu.dma_semaphore, #tpu.memory_space<semaphore_mem>>
      %dma_start3A = arith.constant 0 : i32
      %dma_start3A_11 = tpu.memref_slice %arg3[%add3A, %dma_start3A] : memref<32x10240xf32, #tpu.memory_space<hbm>> -> memref<1x10240xf32, #tpu.memory_space<hbm>>
      %dma_start3A_12 = tpu.memref_squeeze %dma_start3A_11 : memref<1x10240xf32, #tpu.memory_space<hbm>> -> memref<10240xf32, #tpu.memory_space<hbm>>
      %dma_start3A_13 = arith.constant 0 : i32
      %dma_start3A_14 = tpu.memref_slice %arg3[%add3A, %dma_start3A_13] : memref<32x10240xf32, #tpu.memory_space<hbm>> -> memref<1x10240xf32, #tpu.memory_space<hbm>>
      %dma_start3A_15 = tpu.memref_squeeze %dma_start3A_14 : memref<1x10240xf32, #tpu.memory_space<hbm>> -> memref<10240xf32, #tpu.memory_space<hbm>>
      tpu.enqueue_dma source(%arg5 : memref<10240xf32, #tpu.memory_space<vmem>>) target(%dma_start3A_15 : memref<10240xf32, #tpu.memory_space<hbm>>) target_semaphore(%run_scoped3A : memref<!tpu.dma_semaphore, #tpu.memory_space<semaphore_mem>>)
      %dma_wait3A = arith.constant 0 : i32
      %dma_wait3A_16 = tpu.memref_slice %arg3[%add3A, %dma_wait3A] : memref<32x10240xf32, #tpu.memory_space<hbm>> -> memref<1x10240xf32, #tpu.memory_space<hbm>>
      %dma_wait3A_17 = tpu.memref_squeeze %dma_wait3A_16 : memref<1x10240xf32, #tpu.memory_space<hbm>> -> memref<10240xf32, #tpu.memory_space<hbm>>
      %dma_wait3A_18 = arith.constant 0 : i32
      %dma_wait3A_19 = tpu.memref_slice %arg3[%add3A, %dma_wait3A_18] : memref<32x10240xf32, #tpu.memory_space<hbm>> -> memref<1x10240xf32, #tpu.memory_space<hbm>>
      %dma_wait3A_20 = tpu.memref_squeeze %dma_wait3A_19 : memref<1x10240xf32, #tpu.memory_space<hbm>> -> memref<10240xf32, #tpu.memory_space<hbm>>
      tpu.wait_dma2 semaphore(%run_scoped3A : memref<!tpu.dma_semaphore, #tpu.memory_space<semaphore_mem>>) src(%arg5 : memref<10240xf32, #tpu.memory_space<vmem>>) dst(%dma_wait3A_20 : memref<10240xf32, #tpu.memory_space<hbm>>)
      tpu.yield
    }) : () -> ()
    return
  }
}

#map = affine_map<(d0, d1) -> (0, 0, 0)>
#map1 = affine_map<(d0, d1) -> (0, 0)>
module attributes {stable_mosaic.version = 14 : i64} {
  func.func @_lhat(%arg0: i32, %arg1: i32, %arg2: memref<32x125x80xi32, #tpu.memory_space<hbm>>, %arg3: memref<10240x128xf32, #tpu.memory_space<hbm>>, %arg4: memref<2x10240x128xf32, #tpu.memory_space<hbm>>, %arg5: memref<125x80xi32, #tpu.memory_space<vmem>>, %arg6: memref<125x80xi32, #tpu.memory_space<vmem>>, %arg7: memref<80x128xf32, #tpu.memory_space<vmem>>, %arg8: memref<32x128xf32, #tpu.memory_space<vmem>>, %arg9: memref<10240x128xf32, #tpu.memory_space<vmem_shared>>, %arg10: memref<!tpu.dma_semaphore, #tpu.memory_space<semaphore_mem>>) attributes {dimension_semantics = [#tpu.dimension_semantics<core_parallel>, #tpu.dimension_semantics<subcore_parallel>], iteration_bounds = array<i64: 2, 16>, scalar_prefetch = 0 : i64, scratch_operands = 6 : i64, tpu.core_type = #tpu.core_type<sc_vector_subcore>, window_params = [{transform_indices = #map}, {transform_indices = #map1}, {transform_indices = #map}]} {
    %mul3A = arith.constant 2 : i32
    %mul3A_0 = arith.muli %arg1, %mul3A : i32
    %add3A = arith.addi %mul3A_0, %arg0 : i32
    "tpu.region"() ({
      %run_scoped3A = tpu.sem_alloc : memref<!tpu.dma_semaphore, #tpu.memory_space<semaphore_mem>>
      %dma_start3A = arith.constant 0 : i32
      %dma_start3A_25 = arith.constant 0 : i32
      %dma_start3A_26 = tpu.memref_slice %arg2[%add3A, %dma_start3A, %dma_start3A_25] : memref<32x125x80xi32, #tpu.memory_space<hbm>> -> memref<1x125x80xi32, #tpu.memory_space<hbm>>
      %dma_start3A_27 = tpu.memref_squeeze %dma_start3A_26 : memref<1x125x80xi32, #tpu.memory_space<hbm>> -> memref<125x80xi32, #tpu.memory_space<hbm>>
      %dma_start3A_28 = arith.constant 0 : i32
      %dma_start3A_29 = arith.constant 0 : i32
      %dma_start3A_30 = tpu.memref_slice %arg2[%add3A, %dma_start3A_28, %dma_start3A_29] : memref<32x125x80xi32, #tpu.memory_space<hbm>> -> memref<1x125x80xi32, #tpu.memory_space<hbm>>
      %dma_start3A_31 = tpu.memref_squeeze %dma_start3A_30 : memref<1x125x80xi32, #tpu.memory_space<hbm>> -> memref<125x80xi32, #tpu.memory_space<hbm>>
      tpu.enqueue_dma source(%dma_start3A_31 : memref<125x80xi32, #tpu.memory_space<hbm>>) target(%arg5 : memref<125x80xi32, #tpu.memory_space<vmem>>) target_semaphore(%run_scoped3A : memref<!tpu.dma_semaphore, #tpu.memory_space<semaphore_mem>>)
      %dma_wait3A = arith.constant 0 : i32
      %dma_wait3A_32 = arith.constant 0 : i32
      %dma_wait3A_33 = tpu.memref_slice %arg2[%add3A, %dma_wait3A, %dma_wait3A_32] : memref<32x125x80xi32, #tpu.memory_space<hbm>> -> memref<1x125x80xi32, #tpu.memory_space<hbm>>
      %dma_wait3A_34 = tpu.memref_squeeze %dma_wait3A_33 : memref<1x125x80xi32, #tpu.memory_space<hbm>> -> memref<125x80xi32, #tpu.memory_space<hbm>>
      %dma_wait3A_35 = arith.constant 0 : i32
      %dma_wait3A_36 = arith.constant 0 : i32
      %dma_wait3A_37 = tpu.memref_slice %arg2[%add3A, %dma_wait3A_35, %dma_wait3A_36] : memref<32x125x80xi32, #tpu.memory_space<hbm>> -> memref<1x125x80xi32, #tpu.memory_space<hbm>>
      %dma_wait3A_38 = tpu.memref_squeeze %dma_wait3A_37 : memref<1x125x80xi32, #tpu.memory_space<hbm>> -> memref<125x80xi32, #tpu.memory_space<hbm>>
      tpu.wait_dma2 semaphore(%run_scoped3A : memref<!tpu.dma_semaphore, #tpu.memory_space<semaphore_mem>>) src(%dma_wait3A_38 : memref<125x80xi32, #tpu.memory_space<hbm>>) dst(%arg5 : memref<125x80xi32, #tpu.memory_space<vmem>>)
      tpu.yield
    }) : () -> ()
    %scan3A = arith.constant 0 : i32
    %scan3A_1 = arith.constant 32 : i32
    %scan3A_2 = arith.addi %scan3A, %scan3A_1 : i32
    %scan3A_3 = arith.constant 1 : i32
    scf.for %scan3A_25 = %scan3A to %scan3A_2 step %scan3A_3  : i32 {
      %mul3A_26 = arith.constant 1 : i32
      %mul3A_27 = arith.muli %scan3A_25, %mul3A_26 : i32
      %add3A_28 = arith.constant 0 : i32
      %add3A_29 = arith.addi %add3A_28, %mul3A_27 : i32
      %broadcast_in_dim3A = arith.constant 0.000000e+00 : f32
      %broadcast_in_dim3A_30 = vector.broadcast %broadcast_in_dim3A : f32 to vector<16xf32>
      %swap3A = arith.index_cast %add3A_29 : i32 to index
      %swap3A_31 = arith.constant 0 : index
      %swap3A_32 = tpu.vector_load %arg8[%swap3A, %swap3A_31] {strides = array<i32>} : memref<32x128xf32, #tpu.memory_space<vmem>>, vector<16xf32>,
      tpu.vector_store %arg8[%swap3A, %swap3A_31], %broadcast_in_dim3A_30 {strides = array<i32>} : memref<32x128xf32, #tpu.memory_space<vmem>>, vector<16xf32>,
      %broadcast_in_dim3A_33 = arith.constant 0.000000e+00 : f32
      %broadcast_in_dim3A_34 = vector.broadcast %broadcast_in_dim3A_33 : f32 to vector<16xf32>
      %swap3A_35 = arith.index_cast %add3A_29 : i32 to index
      %swap3A_36 = arith.constant 16 : index
      %swap3A_37 = tpu.vector_load %arg8[%swap3A_35, %swap3A_36] {strides = array<i32>} : memref<32x128xf32, #tpu.memory_space<vmem>>, vector<16xf32>,
      tpu.vector_store %arg8[%swap3A_35, %swap3A_36], %broadcast_in_dim3A_34 {strides = array<i32>} : memref<32x128xf32, #tpu.memory_space<vmem>>, vector<16xf32>,
      %broadcast_in_dim3A_38 = arith.constant 0.000000e+00 : f32
      %broadcast_in_dim3A_39 = vector.broadcast %broadcast_in_dim3A_38 : f32 to vector<16xf32>
      %swap3A_40 = arith.index_cast %add3A_29 : i32 to index
      %swap3A_41 = arith.constant 32 : index
      %swap3A_42 = tpu.vector_load %arg8[%swap3A_40, %swap3A_41] {strides = array<i32>} : memref<32x128xf32, #tpu.memory_space<vmem>>, vector<16xf32>,
      tpu.vector_store %arg8[%swap3A_40, %swap3A_41], %broadcast_in_dim3A_39 {strides = array<i32>} : memref<32x128xf32, #tpu.memory_space<vmem>>, vector<16xf32>,
      %broadcast_in_dim3A_43 = arith.constant 0.000000e+00 : f32
      %broadcast_in_dim3A_44 = vector.broadcast %broadcast_in_dim3A_43 : f32 to vector<16xf32>
      %swap3A_45 = arith.index_cast %add3A_29 : i32 to index
      %swap3A_46 = arith.constant 48 : index
      %swap3A_47 = tpu.vector_load %arg8[%swap3A_45, %swap3A_46] {strides = array<i32>} : memref<32x128xf32, #tpu.memory_space<vmem>>, vector<16xf32>,
      tpu.vector_store %arg8[%swap3A_45, %swap3A_46], %broadcast_in_dim3A_44 {strides = array<i32>} : memref<32x128xf32, #tpu.memory_space<vmem>>, vector<16xf32>,
      %broadcast_in_dim3A_48 = arith.constant 0.000000e+00 : f32
      %broadcast_in_dim3A_49 = vector.broadcast %broadcast_in_dim3A_48 : f32 to vector<16xf32>
      %swap3A_50 = arith.index_cast %add3A_29 : i32 to index
      %swap3A_51 = arith.constant 64 : index
      %swap3A_52 = tpu.vector_load %arg8[%swap3A_50, %swap3A_51] {strides = array<i32>} : memref<32x128xf32, #tpu.memory_space<vmem>>, vector<16xf32>,
      tpu.vector_store %arg8[%swap3A_50, %swap3A_51], %broadcast_in_dim3A_49 {strides = array<i32>} : memref<32x128xf32, #tpu.memory_space<vmem>>, vector<16xf32>,
      %broadcast_in_dim3A_53 = arith.constant 0.000000e+00 : f32
      %broadcast_in_dim3A_54 = vector.broadcast %broadcast_in_dim3A_53 : f32 to vector<16xf32>
      %swap3A_55 = arith.index_cast %add3A_29 : i32 to index
      %swap3A_56 = arith.constant 80 : index
      %swap3A_57 = tpu.vector_load %arg8[%swap3A_55, %swap3A_56] {strides = array<i32>} : memref<32x128xf32, #tpu.memory_space<vmem>>, vector<16xf32>,
      tpu.vector_store %arg8[%swap3A_55, %swap3A_56], %broadcast_in_dim3A_54 {strides = array<i32>} : memref<32x128xf32, #tpu.memory_space<vmem>>, vector<16xf32>,
      %broadcast_in_dim3A_58 = arith.constant 0.000000e+00 : f32
      %broadcast_in_dim3A_59 = vector.broadcast %broadcast_in_dim3A_58 : f32 to vector<16xf32>
      %swap3A_60 = arith.index_cast %add3A_29 : i32 to index
      %swap3A_61 = arith.constant 96 : index
      %swap3A_62 = tpu.vector_load %arg8[%swap3A_60, %swap3A_61] {strides = array<i32>} : memref<32x128xf32, #tpu.memory_space<vmem>>, vector<16xf32>,
      tpu.vector_store %arg8[%swap3A_60, %swap3A_61], %broadcast_in_dim3A_59 {strides = array<i32>} : memref<32x128xf32, #tpu.memory_space<vmem>>, vector<16xf32>,
      %broadcast_in_dim3A_63 = arith.constant 0.000000e+00 : f32
      %broadcast_in_dim3A_64 = vector.broadcast %broadcast_in_dim3A_63 : f32 to vector<16xf32>
      %swap3A_65 = arith.index_cast %add3A_29 : i32 to index
      %swap3A_66 = arith.constant 112 : index
      %swap3A_67 = tpu.vector_load %arg8[%swap3A_65, %swap3A_66] {strides = array<i32>} : memref<32x128xf32, #tpu.memory_space<vmem>>, vector<16xf32>,
      tpu.vector_store %arg8[%swap3A_65, %swap3A_66], %broadcast_in_dim3A_64 {strides = array<i32>} : memref<32x128xf32, #tpu.memory_space<vmem>>, vector<16xf32>,
    }
    %scan3A_4 = arith.constant 32 : i32
    %scan3A_5 = arith.constant 0 : i32
    %scan3A_6 = arith.constant 20 : i32
    %scan3A_7 = arith.addi %scan3A_5, %scan3A_6 : i32
    %scan3A_8 = arith.constant 1 : i32
    scf.for %scan3A_25 = %scan3A_5 to %scan3A_7 step %scan3A_8  : i32 {
      %mul3A_26 = arith.constant 1 : i32
      %mul3A_27 = arith.muli %scan3A_25, %mul3A_26 : i32
      %add3A_28 = arith.constant 0 : i32
      %add3A_29 = arith.addi %add3A_28, %mul3A_27 : i32
      %mul3A_30 = arith.constant 640 : i32
      %mul3A_31 = arith.muli %arg1, %mul3A_30 : i32
      %mul3A_32 = arith.constant 32 : i32
      %mul3A_33 = arith.muli %add3A_29, %mul3A_32 : i32
      %add3A_34 = arith.addi %mul3A_31, %mul3A_33 : i32
      "tpu.region"() ({
        %run_scoped3A = tpu.sem_alloc : memref<!tpu.dma_semaphore, #tpu.memory_space<semaphore_mem>>
        %dma_start3A = arith.constant 0 : i32
        %dma_start3A_35 = tpu.memref_slice %arg9[%add3A_34, %dma_start3A] : memref<10240x128xf32, #tpu.memory_space<vmem_shared>> -> memref<32x128xf32, #tpu.memory_space<vmem_shared>>
        %dma_start3A_36 = arith.constant 0 : i32
        %dma_start3A_37 = tpu.memref_slice %arg9[%add3A_34, %dma_start3A_36] : memref<10240x128xf32, #tpu.memory_space<vmem_shared>> -> memref<32x128xf32, #tpu.memory_space<vmem_shared>>
        tpu.enqueue_dma source(%arg8 : memref<32x128xf32, #tpu.memory_space<vmem>>) target(%dma_start3A_37 : memref<32x128xf32, #tpu.memory_space<vmem_shared>>) target_semaphore(%run_scoped3A : memref<!tpu.dma_semaphore, #tpu.memory_space<semaphore_mem>>)
        %dma_wait3A = arith.constant 0 : i32
        %dma_wait3A_38 = tpu.memref_slice %arg9[%add3A_34, %dma_wait3A] : memref<10240x128xf32, #tpu.memory_space<vmem_shared>> -> memref<32x128xf32, #tpu.memory_space<vmem_shared>>
        %dma_wait3A_39 = arith.constant 0 : i32
        %dma_wait3A_40 = tpu.memref_slice %arg9[%add3A_34, %dma_wait3A_39] : memref<10240x128xf32, #tpu.memory_space<vmem_shared>> -> memref<32x128xf32, #tpu.memory_space<vmem_shared>>
        tpu.wait_dma2 semaphore(%run_scoped3A : memref<!tpu.dma_semaphore, #tpu.memory_space<semaphore_mem>>) src(%arg8 : memref<32x128xf32, #tpu.memory_space<vmem>>) dst(%dma_wait3A_40 : memref<32x128xf32, #tpu.memory_space<vmem_shared>>)
        tpu.yield
      }) : () -> ()
    }
    %scan3A_9 = arith.constant 20 : i32
    %scan3A_10 = arith.constant 0 : i32
    %scan3A_11 = arith.constant 125 : i32
    %scan3A_12 = arith.addi %scan3A_10, %scan3A_11 : i32
    %scan3A_13 = arith.constant 1 : i32
    scf.for %scan3A_25 = %scan3A_10 to %scan3A_12 step %scan3A_13  : i32 {
      %mul3A_26 = arith.constant 1 : i32
      %mul3A_27 = arith.muli %scan3A_25, %mul3A_26 : i32
      %add3A_28 = arith.constant 0 : i32
      %add3A_29 = arith.addi %add3A_28, %mul3A_27 : i32
      %get3A = arith.index_cast %add3A_29 : i32 to index
      %get3A_30 = arith.constant 0 : index
      %get3A_31 = tpu.vector_load %arg5[%get3A, %get3A_30] {strides = array<i32>} : memref<125x80xi32, #tpu.memory_space<vmem>>, vector<16xi32>,
      %shift_right_arithmetic3A = arith.constant 14 : i32
      %shift_right_arithmetic3A_32 = vector.broadcast %shift_right_arithmetic3A : i32 to vector<16xi32>
      %shift_right_arithmetic3A_33 = arith.shrsi %get3A_31, %shift_right_arithmetic3A_32 : vector<16xi32>
      %and3A = arith.constant 16383 : i32
      %and3A_34 = vector.broadcast %and3A : i32 to vector<16xi32>
      %and3A_35 = arith.andi %get3A_31, %and3A_34 : vector<16xi32>
      %swap3A = arith.index_cast %add3A_29 : i32 to index
      %swap3A_36 = arith.constant 0 : index
      %swap3A_37 = tpu.vector_load %arg5[%swap3A, %swap3A_36] {strides = array<i32>} : memref<125x80xi32, #tpu.memory_space<vmem>>, vector<16xi32>,
      tpu.vector_store %arg5[%swap3A, %swap3A_36], %shift_right_arithmetic3A_33 {strides = array<i32>} : memref<125x80xi32, #tpu.memory_space<vmem>>, vector<16xi32>,
      %ne3A = arith.cmpi ne, %shift_right_arithmetic3A_33, %and3A_35 : vector<16xi32>
      %jit3A = arith.constant 10000 : i32
      %broadcast_in_dim3A = vector.broadcast %jit3A : i32 to vector<16xi32>
      %select_n3A = arith.select %ne3A, %and3A_35, %broadcast_in_dim3A : vector<16xi1>, vector<16xi32>
      %swap3A_38 = arith.index_cast %add3A_29 : i32 to index
      %swap3A_39 = arith.constant 0 : index
      %swap3A_40 = tpu.vector_load %arg6[%swap3A_38, %swap3A_39] {strides = array<i32>} : memref<125x80xi32, #tpu.memory_space<vmem>>, vector<16xi32>,
      tpu.vector_store %arg6[%swap3A_38, %swap3A_39], %select_n3A {strides = array<i32>} : memref<125x80xi32, #tpu.memory_space<vmem>>, vector<16xi32>,
      %get3A_41 = arith.index_cast %add3A_29 : i32 to index
      %get3A_42 = arith.constant 16 : index
      %get3A_43 = tpu.vector_load %arg5[%get3A_41, %get3A_42] {strides = array<i32>} : memref<125x80xi32, #tpu.memory_space<vmem>>, vector<16xi32>,
      %shift_right_arithmetic3A_44 = arith.constant 14 : i32
      %shift_right_arithmetic3A_45 = vector.broadcast %shift_right_arithmetic3A_44 : i32 to vector<16xi32>
      %shift_right_arithmetic3A_46 = arith.shrsi %get3A_43, %shift_right_arithmetic3A_45 : vector<16xi32>
      %and3A_47 = arith.constant 16383 : i32
      %and3A_48 = vector.broadcast %and3A_47 : i32 to vector<16xi32>
      %and3A_49 = arith.andi %get3A_43, %and3A_48 : vector<16xi32>
      %swap3A_50 = arith.index_cast %add3A_29 : i32 to index
      %swap3A_51 = arith.constant 16 : index
      %swap3A_52 = tpu.vector_load %arg5[%swap3A_50, %swap3A_51] {strides = array<i32>} : memref<125x80xi32, #tpu.memory_space<vmem>>, vector<16xi32>,
      tpu.vector_store %arg5[%swap3A_50, %swap3A_51], %shift_right_arithmetic3A_46 {strides = array<i32>} : memref<125x80xi32, #tpu.memory_space<vmem>>, vector<16xi32>,
      %ne3A_53 = arith.cmpi ne, %shift_right_arithmetic3A_46, %and3A_49 : vector<16xi32>
      %jit3A_54 = arith.constant 10000 : i32
      %broadcast_in_dim3A_55 = vector.broadcast %jit3A_54 : i32 to vector<16xi32>
      %select_n3A_56 = arith.select %ne3A_53, %and3A_49, %broadcast_in_dim3A_55 : vector<16xi1>, vector<16xi32>
      %swap3A_57 = arith.index_cast %add3A_29 : i32 to index
      %swap3A_58 = arith.constant 16 : index
      %swap3A_59 = tpu.vector_load %arg6[%swap3A_57, %swap3A_58] {strides = array<i32>} : memref<125x80xi32, #tpu.memory_space<vmem>>, vector<16xi32>,
      tpu.vector_store %arg6[%swap3A_57, %swap3A_58], %select_n3A_56 {strides = array<i32>} : memref<125x80xi32, #tpu.memory_space<vmem>>, vector<16xi32>,
      %get3A_60 = arith.index_cast %add3A_29 : i32 to index
      %get3A_61 = arith.constant 32 : index
      %get3A_62 = tpu.vector_load %arg5[%get3A_60, %get3A_61] {strides = array<i32>} : memref<125x80xi32, #tpu.memory_space<vmem>>, vector<16xi32>,
      %shift_right_arithmetic3A_63 = arith.constant 14 : i32
      %shift_right_arithmetic3A_64 = vector.broadcast %shift_right_arithmetic3A_63 : i32 to vector<16xi32>
      %shift_right_arithmetic3A_65 = arith.shrsi %get3A_62, %shift_right_arithmetic3A_64 : vector<16xi32>
      %and3A_66 = arith.constant 16383 : i32
      %and3A_67 = vector.broadcast %and3A_66 : i32 to vector<16xi32>
      %and3A_68 = arith.andi %get3A_62, %and3A_67 : vector<16xi32>
      %swap3A_69 = arith.index_cast %add3A_29 : i32 to index
      %swap3A_70 = arith.constant 32 : index
      %swap3A_71 = tpu.vector_load %arg5[%swap3A_69, %swap3A_70] {strides = array<i32>} : memref<125x80xi32, #tpu.memory_space<vmem>>, vector<16xi32>,
      tpu.vector_store %arg5[%swap3A_69, %swap3A_70], %shift_right_arithmetic3A_65 {strides = array<i32>} : memref<125x80xi32, #tpu.memory_space<vmem>>, vector<16xi32>,
      %ne3A_72 = arith.cmpi ne, %shift_right_arithmetic3A_65, %and3A_68 : vector<16xi32>
      %jit3A_73 = arith.constant 10000 : i32
      %broadcast_in_dim3A_74 = vector.broadcast %jit3A_73 : i32 to vector<16xi32>
      %select_n3A_75 = arith.select %ne3A_72, %and3A_68, %broadcast_in_dim3A_74 : vector<16xi1>, vector<16xi32>
      %swap3A_76 = arith.index_cast %add3A_29 : i32 to index
      %swap3A_77 = arith.constant 32 : index
      %swap3A_78 = tpu.vector_load %arg6[%swap3A_76, %swap3A_77] {strides = array<i32>} : memref<125x80xi32, #tpu.memory_space<vmem>>, vector<16xi32>,
      tpu.vector_store %arg6[%swap3A_76, %swap3A_77], %select_n3A_75 {strides = array<i32>} : memref<125x80xi32, #tpu.memory_space<vmem>>, vector<16xi32>,
      %get3A_79 = arith.index_cast %add3A_29 : i32 to index
      %get3A_80 = arith.constant 48 : index
      %get3A_81 = tpu.vector_load %arg5[%get3A_79, %get3A_80] {strides = array<i32>} : memref<125x80xi32, #tpu.memory_space<vmem>>, vector<16xi32>,
      %shift_right_arithmetic3A_82 = arith.constant 14 : i32
      %shift_right_arithmetic3A_83 = vector.broadcast %shift_right_arithmetic3A_82 : i32 to vector<16xi32>
      %shift_right_arithmetic3A_84 = arith.shrsi %get3A_81, %shift_right_arithmetic3A_83 : vector<16xi32>
      %and3A_85 = arith.constant 16383 : i32
      %and3A_86 = vector.broadcast %and3A_85 : i32 to vector<16xi32>
      %and3A_87 = arith.andi %get3A_81, %and3A_86 : vector<16xi32>
      %swap3A_88 = arith.index_cast %add3A_29 : i32 to index
      %swap3A_89 = arith.constant 48 : index
      %swap3A_90 = tpu.vector_load %arg5[%swap3A_88, %swap3A_89] {strides = array<i32>} : memref<125x80xi32, #tpu.memory_space<vmem>>, vector<16xi32>,
      tpu.vector_store %arg5[%swap3A_88, %swap3A_89], %shift_right_arithmetic3A_84 {strides = array<i32>} : memref<125x80xi32, #tpu.memory_space<vmem>>, vector<16xi32>,
      %ne3A_91 = arith.cmpi ne, %shift_right_arithmetic3A_84, %and3A_87 : vector<16xi32>
      %jit3A_92 = arith.constant 10000 : i32
      %broadcast_in_dim3A_93 = vector.broadcast %jit3A_92 : i32 to vector<16xi32>
      %select_n3A_94 = arith.select %ne3A_91, %and3A_87, %broadcast_in_dim3A_93 : vector<16xi1>, vector<16xi32>
      %swap3A_95 = arith.index_cast %add3A_29 : i32 to index
      %swap3A_96 = arith.constant 48 : index
      %swap3A_97 = tpu.vector_load %arg6[%swap3A_95, %swap3A_96] {strides = array<i32>} : memref<125x80xi32, #tpu.memory_space<vmem>>, vector<16xi32>,
      tpu.vector_store %arg6[%swap3A_95, %swap3A_96], %select_n3A_94 {strides = array<i32>} : memref<125x80xi32, #tpu.memory_space<vmem>>, vector<16xi32>,
      %get3A_98 = arith.index_cast %add3A_29 : i32 to index
      %get3A_99 = arith.constant 64 : index
      %get3A_100 = tpu.vector_load %arg5[%get3A_98, %get3A_99] {strides = array<i32>} : memref<125x80xi32, #tpu.memory_space<vmem>>, vector<16xi32>,
      %shift_right_arithmetic3A_101 = arith.constant 14 : i32
      %shift_right_arithmetic3A_102 = vector.broadcast %shift_right_arithmetic3A_101 : i32 to vector<16xi32>
      %shift_right_arithmetic3A_103 = arith.shrsi %get3A_100, %shift_right_arithmetic3A_102 : vector<16xi32>
      %and3A_104 = arith.constant 16383 : i32
      %and3A_105 = vector.broadcast %and3A_104 : i32 to vector<16xi32>
      %and3A_106 = arith.andi %get3A_100, %and3A_105 : vector<16xi32>
      %swap3A_107 = arith.index_cast %add3A_29 : i32 to index
      %swap3A_108 = arith.constant 64 : index
      %swap3A_109 = tpu.vector_load %arg5[%swap3A_107, %swap3A_108] {strides = array<i32>} : memref<125x80xi32, #tpu.memory_space<vmem>>, vector<16xi32>,
      tpu.vector_store %arg5[%swap3A_107, %swap3A_108], %shift_right_arithmetic3A_103 {strides = array<i32>} : memref<125x80xi32, #tpu.memory_space<vmem>>, vector<16xi32>,
      %ne3A_110 = arith.cmpi ne, %shift_right_arithmetic3A_103, %and3A_106 : vector<16xi32>
      %jit3A_111 = arith.constant 10000 : i32
      %broadcast_in_dim3A_112 = vector.broadcast %jit3A_111 : i32 to vector<16xi32>
      %select_n3A_113 = arith.select %ne3A_110, %and3A_106, %broadcast_in_dim3A_112 : vector<16xi1>, vector<16xi32>
      %swap3A_114 = arith.index_cast %add3A_29 : i32 to index
      %swap3A_115 = arith.constant 64 : index
      %swap3A_116 = tpu.vector_load %arg6[%swap3A_114, %swap3A_115] {strides = array<i32>} : memref<125x80xi32, #tpu.memory_space<vmem>>, vector<16xi32>,
      tpu.vector_store %arg6[%swap3A_114, %swap3A_115], %select_n3A_113 {strides = array<i32>} : memref<125x80xi32, #tpu.memory_space<vmem>>, vector<16xi32>,
    }
    %scan3A_14 = arith.constant 125 : i32
    %barrier3A = arith.constant 0 : index
    tpu.barrier barrier_id(%barrier3A)
    %scan3A_15 = arith.constant 0 : i32
    %scan3A_16 = arith.constant 125 : i32
    %scan3A_17 = arith.addi %scan3A_15, %scan3A_16 : i32
    %scan3A_18 = arith.constant 1 : i32
    scf.for %scan3A_25 = %scan3A_15 to %scan3A_17 step %scan3A_18  : i32 {
      %mul3A_26 = arith.constant 1 : i32
      %mul3A_27 = arith.muli %scan3A_25, %mul3A_26 : i32
      %add3A_28 = arith.constant 0 : i32
      %add3A_29 = arith.addi %add3A_28, %mul3A_27 : i32
      %dma_start3A = arith.constant 0 : i32
      %dma_start3A_30 = tpu.memref_slice %arg5[%add3A_29, %dma_start3A] : memref<125x80xi32, #tpu.memory_space<vmem>> -> memref<1x80xi32, #tpu.memory_space<vmem>>
      %dma_start3A_31 = tpu.memref_squeeze %dma_start3A_30 : memref<1x80xi32, #tpu.memory_space<vmem>> -> memref<80xi32, #tpu.memory_space<vmem>>
      %dma_start3A_32 = arith.constant 0 : i32
      %dma_start3A_33 = arith.constant 0 : i32
      %dma_start3A_34 = tpu.memref_slice %arg3[%dma_start3A_32, %dma_start3A_33] : memref<10240x128xf32, #tpu.memory_space<hbm>> -> memref<10240x128xf32, #tpu.memory_space<hbm>>
      tpu.enqueue_indirect_dma source(%dma_start3A_34 : memref<10240x128xf32, #tpu.memory_space<hbm>>) target(%arg7 : memref<80x128xf32, #tpu.memory_space<vmem>>) offsets(%dma_start3A_31 : memref<80xi32, #tpu.memory_space<vmem>>) semaphore(%arg10 : memref<!tpu.dma_semaphore, #tpu.memory_space<semaphore_mem>>)
      %dma_wait3A = arith.constant 0 : i32
      %dma_wait3A_35 = tpu.memref_slice %arg5[%add3A_29, %dma_wait3A] : memref<125x80xi32, #tpu.memory_space<vmem>> -> memref<1x80xi32, #tpu.memory_space<vmem>>
      %dma_wait3A_36 = tpu.memref_squeeze %dma_wait3A_35 : memref<1x80xi32, #tpu.memory_space<vmem>> -> memref<80xi32, #tpu.memory_space<vmem>>
      %dma_wait3A_37 = arith.constant 0 : i32
      %dma_wait3A_38 = arith.constant 0 : i32
      %dma_wait3A_39 = tpu.memref_slice %arg3[%dma_wait3A_37, %dma_wait3A_38] : memref<10240x128xf32, #tpu.memory_space<hbm>> -> memref<10240x128xf32, #tpu.memory_space<hbm>>
      tpu.wait_indirect_dma semaphore(%arg10 : memref<!tpu.dma_semaphore, #tpu.memory_space<semaphore_mem>>) src(%dma_wait3A_39 : memref<10240x128xf32, #tpu.memory_space<hbm>>) dst(%arg7 : memref<80x128xf32, #tpu.memory_space<vmem>>)
      "tpu.region"() ({
        %run_scoped3A = tpu.sem_alloc : memref<!tpu.dma_semaphore, #tpu.memory_space<semaphore_mem>>
        %dma_start3A_40 = arith.constant 0 : i32
        %dma_start3A_41 = tpu.memref_slice %arg6[%add3A_29, %dma_start3A_40] : memref<125x80xi32, #tpu.memory_space<vmem>> -> memref<1x80xi32, #tpu.memory_space<vmem>>
        %dma_start3A_42 = tpu.memref_squeeze %dma_start3A_41 : memref<1x80xi32, #tpu.memory_space<vmem>> -> memref<80xi32, #tpu.memory_space<vmem>>
        %dma_start3A_43 = arith.constant 0 : i32
        %dma_start3A_44 = arith.constant 0 : i32
        %dma_start3A_45 = tpu.memref_slice %arg9[%dma_start3A_43, %dma_start3A_44] : memref<10240x128xf32, #tpu.memory_space<vmem_shared>> -> memref<10240x128xf32, #tpu.memory_space<vmem_shared>>
        tpu.enqueue_indirect_dma source(%arg7 : memref<80x128xf32, #tpu.memory_space<vmem>>) target(%dma_start3A_45 : memref<10240x128xf32, #tpu.memory_space<vmem_shared>>) offsets(%dma_start3A_42 : memref<80xi32, #tpu.memory_space<vmem>>) semaphore(%run_scoped3A : memref<!tpu.dma_semaphore, #tpu.memory_space<semaphore_mem>>) {add = true}
        %dma_wait3A_46 = arith.constant 0 : i32
        %dma_wait3A_47 = tpu.memref_slice %arg6[%add3A_29, %dma_wait3A_46] : memref<125x80xi32, #tpu.memory_space<vmem>> -> memref<1x80xi32, #tpu.memory_space<vmem>>
        %dma_wait3A_48 = tpu.memref_squeeze %dma_wait3A_47 : memref<1x80xi32, #tpu.memory_space<vmem>> -> memref<80xi32, #tpu.memory_space<vmem>>
        %dma_wait3A_49 = arith.constant 0 : i32
        %dma_wait3A_50 = arith.constant 0 : i32
        %dma_wait3A_51 = tpu.memref_slice %arg9[%dma_wait3A_49, %dma_wait3A_50] : memref<10240x128xf32, #tpu.memory_space<vmem_shared>> -> memref<10240x128xf32, #tpu.memory_space<vmem_shared>>
        tpu.wait_indirect_dma semaphore(%run_scoped3A : memref<!tpu.dma_semaphore, #tpu.memory_space<semaphore_mem>>) src(%arg7 : memref<80x128xf32, #tpu.memory_space<vmem>>) dst(%dma_wait3A_51 : memref<10240x128xf32, #tpu.memory_space<vmem_shared>>)
        tpu.yield
      }) : () -> ()
    }
    %scan3A_19 = arith.constant 125 : i32
    %barrier3A_20 = arith.constant 0 : index
    tpu.barrier barrier_id(%barrier3A_20)
    %mul3A_21 = arith.constant 640 : i32
    %mul3A_22 = arith.muli %arg1, %mul3A_21 : i32
    %mul3A_23 = arith.constant 640 : i32
    %mul3A_24 = arith.muli %arg1, %mul3A_23 : i32
    "tpu.region"() ({
      %run_scoped3A = tpu.sem_alloc : memref<!tpu.dma_semaphore, #tpu.memory_space<semaphore_mem>>
      %dma_start3A = arith.constant 0 : i32
      %dma_start3A_25 = tpu.memref_slice %arg4[%arg0, %mul3A_24, %dma_start3A] : memref<2x10240x128xf32, #tpu.memory_space<hbm>> -> memref<1x640x128xf32, #tpu.memory_space<hbm>>
      %dma_start3A_26 = tpu.memref_squeeze %dma_start3A_25 : memref<1x640x128xf32, #tpu.memory_space<hbm>> -> memref<640x128xf32, #tpu.memory_space<hbm>>
      %dma_start3A_27 = arith.constant 0 : i32
      %dma_start3A_28 = tpu.memref_slice %arg9[%mul3A_22, %dma_start3A_27] : memref<10240x128xf32, #tpu.memory_space<vmem_shared>> -> memref<640x128xf32, #tpu.memory_space<vmem_shared>>
      tpu.enqueue_dma source(%dma_start3A_28 : memref<640x128xf32, #tpu.memory_space<vmem_shared>>) target(%dma_start3A_26 : memref<640x128xf32, #tpu.memory_space<hbm>>) target_semaphore(%run_scoped3A : memref<!tpu.dma_semaphore, #tpu.memory_space<semaphore_mem>>)
      %dma_wait3A = arith.constant 0 : i32
      %dma_wait3A_29 = tpu.memref_slice %arg4[%arg0, %mul3A_24, %dma_wait3A] : memref<2x10240x128xf32, #tpu.memory_space<hbm>> -> memref<1x640x128xf32, #tpu.memory_space<hbm>>
      %dma_wait3A_30 = tpu.memref_squeeze %dma_wait3A_29 : memref<1x640x128xf32, #tpu.memory_space<hbm>> -> memref<640x128xf32, #tpu.memory_space<hbm>>
      %dma_wait3A_31 = arith.constant 0 : i32
      %dma_wait3A_32 = tpu.memref_slice %arg9[%mul3A_22, %dma_wait3A_31] : memref<10240x128xf32, #tpu.memory_space<vmem_shared>> -> memref<640x128xf32, #tpu.memory_space<vmem_shared>>
      tpu.wait_dma2 semaphore(%run_scoped3A : memref<!tpu.dma_semaphore, #tpu.memory_space<semaphore_mem>>) src(%dma_wait3A_32 : memref<640x128xf32, #tpu.memory_space<vmem_shared>>) dst(%dma_wait3A_30 : memref<640x128xf32, #tpu.memory_space<hbm>>)
      tpu.yield
    }) : () -> ()
    return
  }
}

#map = affine_map<(d0, d1) -> (0, 0, 0)>
#map1 = affine_map<(d0, d1) -> (0, 0)>
module attributes {stable_mosaic.version = 14 : i64} {
  func.func @_lhat(%arg0: i32, %arg1: i32, %arg2: memref<32x125x80xi32, #tpu.memory_space<hbm>>, %arg3: memref<10240x128xf32, #tpu.memory_space<hbm>>, %arg4: memref<2x10240x128xf32, #tpu.memory_space<hbm>>, %arg5: memref<125x80xi32, #tpu.memory_space<vmem>>, %arg6: memref<125x80xi32, #tpu.memory_space<vmem>>, %arg7: memref<80x128xf32, #tpu.memory_space<vmem>>, %arg8: memref<32x128xf32, #tpu.memory_space<vmem>>, %arg9: memref<10240x128xf32, #tpu.memory_space<vmem_shared>>, %arg10: memref<!tpu.dma_semaphore, #tpu.memory_space<semaphore_mem>>) attributes {dimension_semantics = [#tpu.dimension_semantics<core_parallel>, #tpu.dimension_semantics<subcore_parallel>], iteration_bounds = array<i64: 2, 16>, scalar_prefetch = 0 : i64, scratch_operands = 6 : i64, tpu.core_type = #tpu.core_type<sc_vector_subcore>, window_params = [{transform_indices = #map}, {transform_indices = #map1}, {transform_indices = #map}]} {
    %mul3A = arith.constant 2 : i32
    %mul3A_0 = arith.muli %arg1, %mul3A : i32
    %add3A = arith.addi %mul3A_0, %arg0 : i32
    "tpu.region"() ({
      %run_scoped3A = tpu.sem_alloc : memref<!tpu.dma_semaphore, #tpu.memory_space<semaphore_mem>>
      %dma_start3A = arith.constant 0 : i32
      %dma_start3A_25 = arith.constant 0 : i32
      %dma_start3A_26 = tpu.memref_slice %arg2[%add3A, %dma_start3A, %dma_start3A_25] : memref<32x125x80xi32, #tpu.memory_space<hbm>> -> memref<1x125x80xi32, #tpu.memory_space<hbm>>
      %dma_start3A_27 = tpu.memref_squeeze %dma_start3A_26 : memref<1x125x80xi32, #tpu.memory_space<hbm>> -> memref<125x80xi32, #tpu.memory_space<hbm>>
      %dma_start3A_28 = arith.constant 0 : i32
      %dma_start3A_29 = arith.constant 0 : i32
      %dma_start3A_30 = tpu.memref_slice %arg2[%add3A, %dma_start3A_28, %dma_start3A_29] : memref<32x125x80xi32, #tpu.memory_space<hbm>> -> memref<1x125x80xi32, #tpu.memory_space<hbm>>
      %dma_start3A_31 = tpu.memref_squeeze %dma_start3A_30 : memref<1x125x80xi32, #tpu.memory_space<hbm>> -> memref<125x80xi32, #tpu.memory_space<hbm>>
      tpu.enqueue_dma source(%dma_start3A_31 : memref<125x80xi32, #tpu.memory_space<hbm>>) target(%arg5 : memref<125x80xi32, #tpu.memory_space<vmem>>) target_semaphore(%run_scoped3A : memref<!tpu.dma_semaphore, #tpu.memory_space<semaphore_mem>>)
      %dma_wait3A = arith.constant 0 : i32
      %dma_wait3A_32 = arith.constant 0 : i32
      %dma_wait3A_33 = tpu.memref_slice %arg2[%add3A, %dma_wait3A, %dma_wait3A_32] : memref<32x125x80xi32, #tpu.memory_space<hbm>> -> memref<1x125x80xi32, #tpu.memory_space<hbm>>
      %dma_wait3A_34 = tpu.memref_squeeze %dma_wait3A_33 : memref<1x125x80xi32, #tpu.memory_space<hbm>> -> memref<125x80xi32, #tpu.memory_space<hbm>>
      %dma_wait3A_35 = arith.constant 0 : i32
      %dma_wait3A_36 = arith.constant 0 : i32
      %dma_wait3A_37 = tpu.memref_slice %arg2[%add3A, %dma_wait3A_35, %dma_wait3A_36] : memref<32x125x80xi32, #tpu.memory_space<hbm>> -> memref<1x125x80xi32, #tpu.memory_space<hbm>>
      %dma_wait3A_38 = tpu.memref_squeeze %dma_wait3A_37 : memref<1x125x80xi32, #tpu.memory_space<hbm>> -> memref<125x80xi32, #tpu.memory_space<hbm>>
      tpu.wait_dma2 semaphore(%run_scoped3A : memref<!tpu.dma_semaphore, #tpu.memory_space<semaphore_mem>>) src(%dma_wait3A_38 : memref<125x80xi32, #tpu.memory_space<hbm>>) dst(%arg5 : memref<125x80xi32, #tpu.memory_space<vmem>>)
      tpu.yield
    }) : () -> ()
    %scan3A = arith.constant 0 : i32
    %scan3A_1 = arith.constant 32 : i32
    %scan3A_2 = arith.addi %scan3A, %scan3A_1 : i32
    %scan3A_3 = arith.constant 1 : i32
    scf.for %scan3A_25 = %scan3A to %scan3A_2 step %scan3A_3  : i32 {
      %mul3A_26 = arith.constant 1 : i32
      %mul3A_27 = arith.muli %scan3A_25, %mul3A_26 : i32
      %add3A_28 = arith.constant 0 : i32
      %add3A_29 = arith.addi %add3A_28, %mul3A_27 : i32
      %broadcast_in_dim3A = arith.constant 0.000000e+00 : f32
      %broadcast_in_dim3A_30 = vector.broadcast %broadcast_in_dim3A : f32 to vector<16xf32>
      %swap3A = arith.index_cast %add3A_29 : i32 to index
      %swap3A_31 = arith.constant 0 : index
      %swap3A_32 = tpu.vector_load %arg8[%swap3A, %swap3A_31] {strides = array<i32>} : memref<32x128xf32, #tpu.memory_space<vmem>>, vector<16xf32>,
      tpu.vector_store %arg8[%swap3A, %swap3A_31], %broadcast_in_dim3A_30 {strides = array<i32>} : memref<32x128xf32, #tpu.memory_space<vmem>>, vector<16xf32>,
      %broadcast_in_dim3A_33 = arith.constant 0.000000e+00 : f32
      %broadcast_in_dim3A_34 = vector.broadcast %broadcast_in_dim3A_33 : f32 to vector<16xf32>
      %swap3A_35 = arith.index_cast %add3A_29 : i32 to index
      %swap3A_36 = arith.constant 16 : index
      %swap3A_37 = tpu.vector_load %arg8[%swap3A_35, %swap3A_36] {strides = array<i32>} : memref<32x128xf32, #tpu.memory_space<vmem>>, vector<16xf32>,
      tpu.vector_store %arg8[%swap3A_35, %swap3A_36], %broadcast_in_dim3A_34 {strides = array<i32>} : memref<32x128xf32, #tpu.memory_space<vmem>>, vector<16xf32>,
      %broadcast_in_dim3A_38 = arith.constant 0.000000e+00 : f32
      %broadcast_in_dim3A_39 = vector.broadcast %broadcast_in_dim3A_38 : f32 to vector<16xf32>
      %swap3A_40 = arith.index_cast %add3A_29 : i32 to index
      %swap3A_41 = arith.constant 32 : index
      %swap3A_42 = tpu.vector_load %arg8[%swap3A_40, %swap3A_41] {strides = array<i32>} : memref<32x128xf32, #tpu.memory_space<vmem>>, vector<16xf32>,
      tpu.vector_store %arg8[%swap3A_40, %swap3A_41], %broadcast_in_dim3A_39 {strides = array<i32>} : memref<32x128xf32, #tpu.memory_space<vmem>>, vector<16xf32>,
      %broadcast_in_dim3A_43 = arith.constant 0.000000e+00 : f32
      %broadcast_in_dim3A_44 = vector.broadcast %broadcast_in_dim3A_43 : f32 to vector<16xf32>
      %swap3A_45 = arith.index_cast %add3A_29 : i32 to index
      %swap3A_46 = arith.constant 48 : index
      %swap3A_47 = tpu.vector_load %arg8[%swap3A_45, %swap3A_46] {strides = array<i32>} : memref<32x128xf32, #tpu.memory_space<vmem>>, vector<16xf32>,
      tpu.vector_store %arg8[%swap3A_45, %swap3A_46], %broadcast_in_dim3A_44 {strides = array<i32>} : memref<32x128xf32, #tpu.memory_space<vmem>>, vector<16xf32>,
      %broadcast_in_dim3A_48 = arith.constant 0.000000e+00 : f32
      %broadcast_in_dim3A_49 = vector.broadcast %broadcast_in_dim3A_48 : f32 to vector<16xf32>
      %swap3A_50 = arith.index_cast %add3A_29 : i32 to index
      %swap3A_51 = arith.constant 64 : index
      %swap3A_52 = tpu.vector_load %arg8[%swap3A_50, %swap3A_51] {strides = array<i32>} : memref<32x128xf32, #tpu.memory_space<vmem>>, vector<16xf32>,
      tpu.vector_store %arg8[%swap3A_50, %swap3A_51], %broadcast_in_dim3A_49 {strides = array<i32>} : memref<32x128xf32, #tpu.memory_space<vmem>>, vector<16xf32>,
      %broadcast_in_dim3A_53 = arith.constant 0.000000e+00 : f32
      %broadcast_in_dim3A_54 = vector.broadcast %broadcast_in_dim3A_53 : f32 to vector<16xf32>
      %swap3A_55 = arith.index_cast %add3A_29 : i32 to index
      %swap3A_56 = arith.constant 80 : index
      %swap3A_57 = tpu.vector_load %arg8[%swap3A_55, %swap3A_56] {strides = array<i32>} : memref<32x128xf32, #tpu.memory_space<vmem>>, vector<16xf32>,
      tpu.vector_store %arg8[%swap3A_55, %swap3A_56], %broadcast_in_dim3A_54 {strides = array<i32>} : memref<32x128xf32, #tpu.memory_space<vmem>>, vector<16xf32>,
      %broadcast_in_dim3A_58 = arith.constant 0.000000e+00 : f32
      %broadcast_in_dim3A_59 = vector.broadcast %broadcast_in_dim3A_58 : f32 to vector<16xf32>
      %swap3A_60 = arith.index_cast %add3A_29 : i32 to index
      %swap3A_61 = arith.constant 96 : index
      %swap3A_62 = tpu.vector_load %arg8[%swap3A_60, %swap3A_61] {strides = array<i32>} : memref<32x128xf32, #tpu.memory_space<vmem>>, vector<16xf32>,
      tpu.vector_store %arg8[%swap3A_60, %swap3A_61], %broadcast_in_dim3A_59 {strides = array<i32>} : memref<32x128xf32, #tpu.memory_space<vmem>>, vector<16xf32>,
      %broadcast_in_dim3A_63 = arith.constant 0.000000e+00 : f32
      %broadcast_in_dim3A_64 = vector.broadcast %broadcast_in_dim3A_63 : f32 to vector<16xf32>
      %swap3A_65 = arith.index_cast %add3A_29 : i32 to index
      %swap3A_66 = arith.constant 112 : index
      %swap3A_67 = tpu.vector_load %arg8[%swap3A_65, %swap3A_66] {strides = array<i32>} : memref<32x128xf32, #tpu.memory_space<vmem>>, vector<16xf32>,
      tpu.vector_store %arg8[%swap3A_65, %swap3A_66], %broadcast_in_dim3A_64 {strides = array<i32>} : memref<32x128xf32, #tpu.memory_space<vmem>>, vector<16xf32>,
    }
    %scan3A_4 = arith.constant 32 : i32
    %scan3A_5 = arith.constant 0 : i32
    %scan3A_6 = arith.constant 20 : i32
    %scan3A_7 = arith.addi %scan3A_5, %scan3A_6 : i32
    %scan3A_8 = arith.constant 1 : i32
    scf.for %scan3A_25 = %scan3A_5 to %scan3A_7 step %scan3A_8  : i32 {
      %mul3A_26 = arith.constant 1 : i32
      %mul3A_27 = arith.muli %scan3A_25, %mul3A_26 : i32
      %add3A_28 = arith.constant 0 : i32
      %add3A_29 = arith.addi %add3A_28, %mul3A_27 : i32
      %mul3A_30 = arith.constant 640 : i32
      %mul3A_31 = arith.muli %arg1, %mul3A_30 : i32
      %mul3A_32 = arith.constant 32 : i32
      %mul3A_33 = arith.muli %add3A_29, %mul3A_32 : i32
      %add3A_34 = arith.addi %mul3A_31, %mul3A_33 : i32
      "tpu.region"() ({
        %run_scoped3A = tpu.sem_alloc : memref<!tpu.dma_semaphore, #tpu.memory_space<semaphore_mem>>
        %dma_start3A = arith.constant 0 : i32
        %dma_start3A_35 = tpu.memref_slice %arg9[%add3A_34, %dma_start3A] : memref<10240x128xf32, #tpu.memory_space<vmem_shared>> -> memref<32x128xf32, #tpu.memory_space<vmem_shared>>
        %dma_start3A_36 = arith.constant 0 : i32
        %dma_start3A_37 = tpu.memref_slice %arg9[%add3A_34, %dma_start3A_36] : memref<10240x128xf32, #tpu.memory_space<vmem_shared>> -> memref<32x128xf32, #tpu.memory_space<vmem_shared>>
        tpu.enqueue_dma source(%arg8 : memref<32x128xf32, #tpu.memory_space<vmem>>) target(%dma_start3A_37 : memref<32x128xf32, #tpu.memory_space<vmem_shared>>) target_semaphore(%run_scoped3A : memref<!tpu.dma_semaphore, #tpu.memory_space<semaphore_mem>>)
        %dma_wait3A = arith.constant 0 : i32
        %dma_wait3A_38 = tpu.memref_slice %arg9[%add3A_34, %dma_wait3A] : memref<10240x128xf32, #tpu.memory_space<vmem_shared>> -> memref<32x128xf32, #tpu.memory_space<vmem_shared>>
        %dma_wait3A_39 = arith.constant 0 : i32
        %dma_wait3A_40 = tpu.memref_slice %arg9[%add3A_34, %dma_wait3A_39] : memref<10240x128xf32, #tpu.memory_space<vmem_shared>> -> memref<32x128xf32, #tpu.memory_space<vmem_shared>>
        tpu.wait_dma2 semaphore(%run_scoped3A : memref<!tpu.dma_semaphore, #tpu.memory_space<semaphore_mem>>) src(%arg8 : memref<32x128xf32, #tpu.memory_space<vmem>>) dst(%dma_wait3A_40 : memref<32x128xf32, #tpu.memory_space<vmem_shared>>)
        tpu.yield
      }) : () -> ()
    }
    %scan3A_9 = arith.constant 20 : i32
    %scan3A_10 = arith.constant 0 : i32
    %scan3A_11 = arith.constant 125 : i32
    %scan3A_12 = arith.addi %scan3A_10, %scan3A_11 : i32
    %scan3A_13 = arith.constant 1 : i32
    scf.for %scan3A_25 = %scan3A_10 to %scan3A_12 step %scan3A_13  : i32 {
      %mul3A_26 = arith.constant 1 : i32
      %mul3A_27 = arith.muli %scan3A_25, %mul3A_26 : i32
      %add3A_28 = arith.constant 0 : i32
      %add3A_29 = arith.addi %add3A_28, %mul3A_27 : i32
      %get3A = arith.index_cast %add3A_29 : i32 to index
      %get3A_30 = arith.constant 0 : index
      %get3A_31 = tpu.vector_load %arg5[%get3A, %get3A_30] {strides = array<i32>} : memref<125x80xi32, #tpu.memory_space<vmem>>, vector<16xi32>,
      %shift_right_arithmetic3A = arith.constant 14 : i32
      %shift_right_arithmetic3A_32 = vector.broadcast %shift_right_arithmetic3A : i32 to vector<16xi32>
      %shift_right_arithmetic3A_33 = arith.shrsi %get3A_31, %shift_right_arithmetic3A_32 : vector<16xi32>
      %and3A = arith.constant 16383 : i32
      %and3A_34 = vector.broadcast %and3A : i32 to vector<16xi32>
      %and3A_35 = arith.andi %get3A_31, %and3A_34 : vector<16xi32>
      %swap3A = arith.index_cast %add3A_29 : i32 to index
      %swap3A_36 = arith.constant 0 : index
      %swap3A_37 = tpu.vector_load %arg5[%swap3A, %swap3A_36] {strides = array<i32>} : memref<125x80xi32, #tpu.memory_space<vmem>>, vector<16xi32>,
      tpu.vector_store %arg5[%swap3A, %swap3A_36], %shift_right_arithmetic3A_33 {strides = array<i32>} : memref<125x80xi32, #tpu.memory_space<vmem>>, vector<16xi32>,
      %ne3A = arith.cmpi ne, %shift_right_arithmetic3A_33, %and3A_35 : vector<16xi32>
      %jit3A = arith.constant 10000 : i32
      %broadcast_in_dim3A = vector.broadcast %jit3A : i32 to vector<16xi32>
      %select_n3A = arith.select %ne3A, %and3A_35, %broadcast_in_dim3A : vector<16xi1>, vector<16xi32>
      %swap3A_38 = arith.index_cast %add3A_29 : i32 to index
      %swap3A_39 = arith.constant 0 : index
      %swap3A_40 = tpu.vector_load %arg6[%swap3A_38, %swap3A_39] {strides = array<i32>} : memref<125x80xi32, #tpu.memory_space<vmem>>, vector<16xi32>,
      tpu.vector_store %arg6[%swap3A_38, %swap3A_39], %select_n3A {strides = array<i32>} : memref<125x80xi32, #tpu.memory_space<vmem>>, vector<16xi32>,
      %get3A_41 = arith.index_cast %add3A_29 : i32 to index
      %get3A_42 = arith.constant 16 : index
      %get3A_43 = tpu.vector_load %arg5[%get3A_41, %get3A_42] {strides = array<i32>} : memref<125x80xi32, #tpu.memory_space<vmem>>, vector<16xi32>,
      %shift_right_arithmetic3A_44 = arith.constant 14 : i32
      %shift_right_arithmetic3A_45 = vector.broadcast %shift_right_arithmetic3A_44 : i32 to vector<16xi32>
      %shift_right_arithmetic3A_46 = arith.shrsi %get3A_43, %shift_right_arithmetic3A_45 : vector<16xi32>
      %and3A_47 = arith.constant 16383 : i32
      %and3A_48 = vector.broadcast %and3A_47 : i32 to vector<16xi32>
      %and3A_49 = arith.andi %get3A_43, %and3A_48 : vector<16xi32>
      %swap3A_50 = arith.index_cast %add3A_29 : i32 to index
      %swap3A_51 = arith.constant 16 : index
      %swap3A_52 = tpu.vector_load %arg5[%swap3A_50, %swap3A_51] {strides = array<i32>} : memref<125x80xi32, #tpu.memory_space<vmem>>, vector<16xi32>,
      tpu.vector_store %arg5[%swap3A_50, %swap3A_51], %shift_right_arithmetic3A_46 {strides = array<i32>} : memref<125x80xi32, #tpu.memory_space<vmem>>, vector<16xi32>,
      %ne3A_53 = arith.cmpi ne, %shift_right_arithmetic3A_46, %and3A_49 : vector<16xi32>
      %jit3A_54 = arith.constant 10000 : i32
      %broadcast_in_dim3A_55 = vector.broadcast %jit3A_54 : i32 to vector<16xi32>
      %select_n3A_56 = arith.select %ne3A_53, %and3A_49, %broadcast_in_dim3A_55 : vector<16xi1>, vector<16xi32>
      %swap3A_57 = arith.index_cast %add3A_29 : i32 to index
      %swap3A_58 = arith.constant 16 : index
      %swap3A_59 = tpu.vector_load %arg6[%swap3A_57, %swap3A_58] {strides = array<i32>} : memref<125x80xi32, #tpu.memory_space<vmem>>, vector<16xi32>,
      tpu.vector_store %arg6[%swap3A_57, %swap3A_58], %select_n3A_56 {strides = array<i32>} : memref<125x80xi32, #tpu.memory_space<vmem>>, vector<16xi32>,
      %get3A_60 = arith.index_cast %add3A_29 : i32 to index
      %get3A_61 = arith.constant 32 : index
      %get3A_62 = tpu.vector_load %arg5[%get3A_60, %get3A_61] {strides = array<i32>} : memref<125x80xi32, #tpu.memory_space<vmem>>, vector<16xi32>,
      %shift_right_arithmetic3A_63 = arith.constant 14 : i32
      %shift_right_arithmetic3A_64 = vector.broadcast %shift_right_arithmetic3A_63 : i32 to vector<16xi32>
      %shift_right_arithmetic3A_65 = arith.shrsi %get3A_62, %shift_right_arithmetic3A_64 : vector<16xi32>
      %and3A_66 = arith.constant 16383 : i32
      %and3A_67 = vector.broadcast %and3A_66 : i32 to vector<16xi32>
      %and3A_68 = arith.andi %get3A_62, %and3A_67 : vector<16xi32>
      %swap3A_69 = arith.index_cast %add3A_29 : i32 to index
      %swap3A_70 = arith.constant 32 : index
      %swap3A_71 = tpu.vector_load %arg5[%swap3A_69, %swap3A_70] {strides = array<i32>} : memref<125x80xi32, #tpu.memory_space<vmem>>, vector<16xi32>,
      tpu.vector_store %arg5[%swap3A_69, %swap3A_70], %shift_right_arithmetic3A_65 {strides = array<i32>} : memref<125x80xi32, #tpu.memory_space<vmem>>, vector<16xi32>,
      %ne3A_72 = arith.cmpi ne, %shift_right_arithmetic3A_65, %and3A_68 : vector<16xi32>
      %jit3A_73 = arith.constant 10000 : i32
      %broadcast_in_dim3A_74 = vector.broadcast %jit3A_73 : i32 to vector<16xi32>
      %select_n3A_75 = arith.select %ne3A_72, %and3A_68, %broadcast_in_dim3A_74 : vector<16xi1>, vector<16xi32>
      %swap3A_76 = arith.index_cast %add3A_29 : i32 to index
      %swap3A_77 = arith.constant 32 : index
      %swap3A_78 = tpu.vector_load %arg6[%swap3A_76, %swap3A_77] {strides = array<i32>} : memref<125x80xi32, #tpu.memory_space<vmem>>, vector<16xi32>,
      tpu.vector_store %arg6[%swap3A_76, %swap3A_77], %select_n3A_75 {strides = array<i32>} : memref<125x80xi32, #tpu.memory_space<vmem>>, vector<16xi32>,
      %get3A_79 = arith.index_cast %add3A_29 : i32 to index
      %get3A_80 = arith.constant 48 : index
      %get3A_81 = tpu.vector_load %arg5[%get3A_79, %get3A_80] {strides = array<i32>} : memref<125x80xi32, #tpu.memory_space<vmem>>, vector<16xi32>,
      %shift_right_arithmetic3A_82 = arith.constant 14 : i32
      %shift_right_arithmetic3A_83 = vector.broadcast %shift_right_arithmetic3A_82 : i32 to vector<16xi32>
      %shift_right_arithmetic3A_84 = arith.shrsi %get3A_81, %shift_right_arithmetic3A_83 : vector<16xi32>
      %and3A_85 = arith.constant 16383 : i32
      %and3A_86 = vector.broadcast %and3A_85 : i32 to vector<16xi32>
      %and3A_87 = arith.andi %get3A_81, %and3A_86 : vector<16xi32>
      %swap3A_88 = arith.index_cast %add3A_29 : i32 to index
      %swap3A_89 = arith.constant 48 : index
      %swap3A_90 = tpu.vector_load %arg5[%swap3A_88, %swap3A_89] {strides = array<i32>} : memref<125x80xi32, #tpu.memory_space<vmem>>, vector<16xi32>,
      tpu.vector_store %arg5[%swap3A_88, %swap3A_89], %shift_right_arithmetic3A_84 {strides = array<i32>} : memref<125x80xi32, #tpu.memory_space<vmem>>, vector<16xi32>,
      %ne3A_91 = arith.cmpi ne, %shift_right_arithmetic3A_84, %and3A_87 : vector<16xi32>
      %jit3A_92 = arith.constant 10000 : i32
      %broadcast_in_dim3A_93 = vector.broadcast %jit3A_92 : i32 to vector<16xi32>
      %select_n3A_94 = arith.select %ne3A_91, %and3A_87, %broadcast_in_dim3A_93 : vector<16xi1>, vector<16xi32>
      %swap3A_95 = arith.index_cast %add3A_29 : i32 to index
      %swap3A_96 = arith.constant 48 : index
      %swap3A_97 = tpu.vector_load %arg6[%swap3A_95, %swap3A_96] {strides = array<i32>} : memref<125x80xi32, #tpu.memory_space<vmem>>, vector<16xi32>,
      tpu.vector_store %arg6[%swap3A_95, %swap3A_96], %select_n3A_94 {strides = array<i32>} : memref<125x80xi32, #tpu.memory_space<vmem>>, vector<16xi32>,
      %get3A_98 = arith.index_cast %add3A_29 : i32 to index
      %get3A_99 = arith.constant 64 : index
      %get3A_100 = tpu.vector_load %arg5[%get3A_98, %get3A_99] {strides = array<i32>} : memref<125x80xi32, #tpu.memory_space<vmem>>, vector<16xi32>,
      %shift_right_arithmetic3A_101 = arith.constant 14 : i32
      %shift_right_arithmetic3A_102 = vector.broadcast %shift_right_arithmetic3A_101 : i32 to vector<16xi32>
      %shift_right_arithmetic3A_103 = arith.shrsi %get3A_100, %shift_right_arithmetic3A_102 : vector<16xi32>
      %and3A_104 = arith.constant 16383 : i32
      %and3A_105 = vector.broadcast %and3A_104 : i32 to vector<16xi32>
      %and3A_106 = arith.andi %get3A_100, %and3A_105 : vector<16xi32>
      %swap3A_107 = arith.index_cast %add3A_29 : i32 to index
      %swap3A_108 = arith.constant 64 : index
      %swap3A_109 = tpu.vector_load %arg5[%swap3A_107, %swap3A_108] {strides = array<i32>} : memref<125x80xi32, #tpu.memory_space<vmem>>, vector<16xi32>,
      tpu.vector_store %arg5[%swap3A_107, %swap3A_108], %shift_right_arithmetic3A_103 {strides = array<i32>} : memref<125x80xi32, #tpu.memory_space<vmem>>, vector<16xi32>,
      %ne3A_110 = arith.cmpi ne, %shift_right_arithmetic3A_103, %and3A_106 : vector<16xi32>
      %jit3A_111 = arith.constant 10000 : i32
      %broadcast_in_dim3A_112 = vector.broadcast %jit3A_111 : i32 to vector<16xi32>
      %select_n3A_113 = arith.select %ne3A_110, %and3A_106, %broadcast_in_dim3A_112 : vector<16xi1>, vector<16xi32>
      %swap3A_114 = arith.index_cast %add3A_29 : i32 to index
      %swap3A_115 = arith.constant 64 : index
      %swap3A_116 = tpu.vector_load %arg6[%swap3A_114, %swap3A_115] {strides = array<i32>} : memref<125x80xi32, #tpu.memory_space<vmem>>, vector<16xi32>,
      tpu.vector_store %arg6[%swap3A_114, %swap3A_115], %select_n3A_113 {strides = array<i32>} : memref<125x80xi32, #tpu.memory_space<vmem>>, vector<16xi32>,
    }
    %scan3A_14 = arith.constant 125 : i32
    %barrier3A = arith.constant 0 : index
    tpu.barrier barrier_id(%barrier3A)
    %scan3A_15 = arith.constant 0 : i32
    %scan3A_16 = arith.constant 125 : i32
    %scan3A_17 = arith.addi %scan3A_15, %scan3A_16 : i32
    %scan3A_18 = arith.constant 1 : i32
    scf.for %scan3A_25 = %scan3A_15 to %scan3A_17 step %scan3A_18  : i32 {
      %mul3A_26 = arith.constant 1 : i32
      %mul3A_27 = arith.muli %scan3A_25, %mul3A_26 : i32
      %add3A_28 = arith.constant 0 : i32
      %add3A_29 = arith.addi %add3A_28, %mul3A_27 : i32
      %dma_start3A = arith.constant 0 : i32
      %dma_start3A_30 = tpu.memref_slice %arg5[%add3A_29, %dma_start3A] : memref<125x80xi32, #tpu.memory_space<vmem>> -> memref<1x80xi32, #tpu.memory_space<vmem>>
      %dma_start3A_31 = tpu.memref_squeeze %dma_start3A_30 : memref<1x80xi32, #tpu.memory_space<vmem>> -> memref<80xi32, #tpu.memory_space<vmem>>
      %dma_start3A_32 = arith.constant 0 : i32
      %dma_start3A_33 = arith.constant 0 : i32
      %dma_start3A_34 = tpu.memref_slice %arg3[%dma_start3A_32, %dma_start3A_33] : memref<10240x128xf32, #tpu.memory_space<hbm>> -> memref<10240x128xf32, #tpu.memory_space<hbm>>
      tpu.enqueue_indirect_dma source(%dma_start3A_34 : memref<10240x128xf32, #tpu.memory_space<hbm>>) target(%arg7 : memref<80x128xf32, #tpu.memory_space<vmem>>) offsets(%dma_start3A_31 : memref<80xi32, #tpu.memory_space<vmem>>) semaphore(%arg10 : memref<!tpu.dma_semaphore, #tpu.memory_space<semaphore_mem>>)
      %dma_wait3A = arith.constant 0 : i32
      %dma_wait3A_35 = tpu.memref_slice %arg5[%add3A_29, %dma_wait3A] : memref<125x80xi32, #tpu.memory_space<vmem>> -> memref<1x80xi32, #tpu.memory_space<vmem>>
      %dma_wait3A_36 = tpu.memref_squeeze %dma_wait3A_35 : memref<1x80xi32, #tpu.memory_space<vmem>> -> memref<80xi32, #tpu.memory_space<vmem>>
      %dma_wait3A_37 = arith.constant 0 : i32
      %dma_wait3A_38 = arith.constant 0 : i32
      %dma_wait3A_39 = tpu.memref_slice %arg3[%dma_wait3A_37, %dma_wait3A_38] : memref<10240x128xf32, #tpu.memory_space<hbm>> -> memref<10240x128xf32, #tpu.memory_space<hbm>>
      tpu.wait_indirect_dma semaphore(%arg10 : memref<!tpu.dma_semaphore, #tpu.memory_space<semaphore_mem>>) src(%dma_wait3A_39 : memref<10240x128xf32, #tpu.memory_space<hbm>>) dst(%arg7 : memref<80x128xf32, #tpu.memory_space<vmem>>)
      "tpu.region"() ({
        %run_scoped3A = tpu.sem_alloc : memref<!tpu.dma_semaphore, #tpu.memory_space<semaphore_mem>>
        %dma_start3A_40 = arith.constant 0 : i32
        %dma_start3A_41 = tpu.memref_slice %arg6[%add3A_29, %dma_start3A_40] : memref<125x80xi32, #tpu.memory_space<vmem>> -> memref<1x80xi32, #tpu.memory_space<vmem>>
        %dma_start3A_42 = tpu.memref_squeeze %dma_start3A_41 : memref<1x80xi32, #tpu.memory_space<vmem>> -> memref<80xi32, #tpu.memory_space<vmem>>
        %dma_start3A_43 = arith.constant 0 : i32
        %dma_start3A_44 = arith.constant 0 : i32
        %dma_start3A_45 = tpu.memref_slice %arg9[%dma_start3A_43, %dma_start3A_44] : memref<10240x128xf32, #tpu.memory_space<vmem_shared>> -> memref<10240x128xf32, #tpu.memory_space<vmem_shared>>
        tpu.enqueue_indirect_dma source(%arg7 : memref<80x128xf32, #tpu.memory_space<vmem>>) target(%dma_start3A_45 : memref<10240x128xf32, #tpu.memory_space<vmem_shared>>) offsets(%dma_start3A_42 : memref<80xi32, #tpu.memory_space<vmem>>) semaphore(%run_scoped3A : memref<!tpu.dma_semaphore, #tpu.memory_space<semaphore_mem>>) {add = true}
        %dma_wait3A_46 = arith.constant 0 : i32
        %dma_wait3A_47 = tpu.memref_slice %arg6[%add3A_29, %dma_wait3A_46] : memref<125x80xi32, #tpu.memory_space<vmem>> -> memref<1x80xi32, #tpu.memory_space<vmem>>
        %dma_wait3A_48 = tpu.memref_squeeze %dma_wait3A_47 : memref<1x80xi32, #tpu.memory_space<vmem>> -> memref<80xi32, #tpu.memory_space<vmem>>
        %dma_wait3A_49 = arith.constant 0 : i32
        %dma_wait3A_50 = arith.constant 0 : i32
        %dma_wait3A_51 = tpu.memref_slice %arg9[%dma_wait3A_49, %dma_wait3A_50] : memref<10240x128xf32, #tpu.memory_space<vmem_shared>> -> memref<10240x128xf32, #tpu.memory_space<vmem_shared>>
        tpu.wait_indirect_dma semaphore(%run_scoped3A : memref<!tpu.dma_semaphore, #tpu.memory_space<semaphore_mem>>) src(%arg7 : memref<80x128xf32, #tpu.memory_space<vmem>>) dst(%dma_wait3A_51 : memref<10240x128xf32, #tpu.memory_space<vmem_shared>>)
        tpu.yield
      }) : () -> ()
    }
    %scan3A_19 = arith.constant 125 : i32
    %barrier3A_20 = arith.constant 0 : index
    tpu.barrier barrier_id(%barrier3A_20)
    %mul3A_21 = arith.constant 640 : i32
    %mul3A_22 = arith.muli %arg1, %mul3A_21 : i32
    %mul3A_23 = arith.constant 640 : i32
    %mul3A_24 = arith.muli %arg1, %mul3A_23 : i32
    "tpu.region"() ({
      %run_scoped3A = tpu.sem_alloc : memref<!tpu.dma_semaphore, #tpu.memory_space<semaphore_mem>>
      %dma_start3A = arith.constant 0 : i32
      %dma_start3A_25 = tpu.memref_slice %arg4[%arg0, %mul3A_24, %dma_start3A] : memref<2x10240x128xf32, #tpu.memory_space<hbm>> -> memref<1x640x128xf32, #tpu.memory_space<hbm>>
      %dma_start3A_26 = tpu.memref_squeeze %dma_start3A_25 : memref<1x640x128xf32, #tpu.memory_space<hbm>> -> memref<640x128xf32, #tpu.memory_space<hbm>>
      %dma_start3A_27 = arith.constant 0 : i32
      %dma_start3A_28 = tpu.memref_slice %arg9[%mul3A_22, %dma_start3A_27] : memref<10240x128xf32, #tpu.memory_space<vmem_shared>> -> memref<640x128xf32, #tpu.memory_space<vmem_shared>>
      tpu.enqueue_dma source(%dma_start3A_28 : memref<640x128xf32, #tpu.memory_space<vmem_shared>>) target(%dma_start3A_26 : memref<640x128xf32, #tpu.memory_space<hbm>>) target_semaphore(%run_scoped3A : memref<!tpu.dma_semaphore, #tpu.memory_space<semaphore_mem>>)
      %dma_wait3A = arith.constant 0 : i32
      %dma_wait3A_29 = tpu.memref_slice %arg4[%arg0, %mul3A_24, %dma_wait3A] : memref<2x10240x128xf32, #tpu.memory_space<hbm>> -> memref<1x640x128xf32, #tpu.memory_space<hbm>>
      %dma_wait3A_30 = tpu.memref_squeeze %dma_wait3A_29 : memref<1x640x128xf32, #tpu.memory_space<hbm>> -> memref<640x128xf32, #tpu.memory_space<hbm>>
      %dma_wait3A_31 = arith.constant 0 : i32
      %dma_wait3A_32 = tpu.memref_slice %arg9[%mul3A_22, %dma_wait3A_31] : memref<10240x128xf32, #tpu.memory_space<vmem_shared>> -> memref<640x128xf32, #tpu.memory_space<vmem_shared>>
      tpu.wait_dma2 semaphore(%run_scoped3A : memref<!tpu.dma_semaphore, #tpu.memory_space<semaphore_mem>>) src(%dma_wait3A_32 : memref<640x128xf32, #tpu.memory_space<vmem_shared>>) dst(%dma_wait3A_30 : memref<640x128xf32, #tpu.memory_space<hbm>>)
      tpu.yield
    }) : () -> ()
    return
  }
}

#map = affine_map<(d0, d1) -> (0, 0, 0)>
#map1 = affine_map<(d0, d1) -> (0, 0)>
module attributes {stable_mosaic.version = 14 : i64} {
  func.func @_lhat(%arg0: i32, %arg1: i32, %arg2: memref<32x125x80xi32, #tpu.memory_space<hbm>>, %arg3: memref<10240x128xf32, #tpu.memory_space<hbm>>, %arg4: memref<2x10240x128xf32, #tpu.memory_space<hbm>>, %arg5: memref<125x80xi32, #tpu.memory_space<vmem>>, %arg6: memref<125x80xi32, #tpu.memory_space<vmem>>, %arg7: memref<80x128xf32, #tpu.memory_space<vmem>>, %arg8: memref<32x128xf32, #tpu.memory_space<vmem>>, %arg9: memref<10240x128xf32, #tpu.memory_space<vmem_shared>>, %arg10: memref<!tpu.dma_semaphore, #tpu.memory_space<semaphore_mem>>) attributes {dimension_semantics = [#tpu.dimension_semantics<core_parallel>, #tpu.dimension_semantics<subcore_parallel>], iteration_bounds = array<i64: 2, 16>, scalar_prefetch = 0 : i64, scratch_operands = 6 : i64, tpu.core_type = #tpu.core_type<sc_vector_subcore>, window_params = [{transform_indices = #map}, {transform_indices = #map1}, {transform_indices = #map}]} {
    %mul3A = arith.constant 2 : i32
    %mul3A_0 = arith.muli %arg1, %mul3A : i32
    %add3A = arith.addi %mul3A_0, %arg0 : i32
    "tpu.region"() ({
      %run_scoped3A = tpu.sem_alloc : memref<!tpu.dma_semaphore, #tpu.memory_space<semaphore_mem>>
      %dma_start3A = arith.constant 0 : i32
      %dma_start3A_25 = arith.constant 0 : i32
      %dma_start3A_26 = tpu.memref_slice %arg2[%add3A, %dma_start3A, %dma_start3A_25] : memref<32x125x80xi32, #tpu.memory_space<hbm>> -> memref<1x125x80xi32, #tpu.memory_space<hbm>>
      %dma_start3A_27 = tpu.memref_squeeze %dma_start3A_26 : memref<1x125x80xi32, #tpu.memory_space<hbm>> -> memref<125x80xi32, #tpu.memory_space<hbm>>
      %dma_start3A_28 = arith.constant 0 : i32
      %dma_start3A_29 = arith.constant 0 : i32
      %dma_start3A_30 = tpu.memref_slice %arg2[%add3A, %dma_start3A_28, %dma_start3A_29] : memref<32x125x80xi32, #tpu.memory_space<hbm>> -> memref<1x125x80xi32, #tpu.memory_space<hbm>>
      %dma_start3A_31 = tpu.memref_squeeze %dma_start3A_30 : memref<1x125x80xi32, #tpu.memory_space<hbm>> -> memref<125x80xi32, #tpu.memory_space<hbm>>
      tpu.enqueue_dma source(%dma_start3A_31 : memref<125x80xi32, #tpu.memory_space<hbm>>) target(%arg5 : memref<125x80xi32, #tpu.memory_space<vmem>>) target_semaphore(%run_scoped3A : memref<!tpu.dma_semaphore, #tpu.memory_space<semaphore_mem>>)
      %dma_wait3A = arith.constant 0 : i32
      %dma_wait3A_32 = arith.constant 0 : i32
      %dma_wait3A_33 = tpu.memref_slice %arg2[%add3A, %dma_wait3A, %dma_wait3A_32] : memref<32x125x80xi32, #tpu.memory_space<hbm>> -> memref<1x125x80xi32, #tpu.memory_space<hbm>>
      %dma_wait3A_34 = tpu.memref_squeeze %dma_wait3A_33 : memref<1x125x80xi32, #tpu.memory_space<hbm>> -> memref<125x80xi32, #tpu.memory_space<hbm>>
      %dma_wait3A_35 = arith.constant 0 : i32
      %dma_wait3A_36 = arith.constant 0 : i32
      %dma_wait3A_37 = tpu.memref_slice %arg2[%add3A, %dma_wait3A_35, %dma_wait3A_36] : memref<32x125x80xi32, #tpu.memory_space<hbm>> -> memref<1x125x80xi32, #tpu.memory_space<hbm>>
      %dma_wait3A_38 = tpu.memref_squeeze %dma_wait3A_37 : memref<1x125x80xi32, #tpu.memory_space<hbm>> -> memref<125x80xi32, #tpu.memory_space<hbm>>
      tpu.wait_dma2 semaphore(%run_scoped3A : memref<!tpu.dma_semaphore, #tpu.memory_space<semaphore_mem>>) src(%dma_wait3A_38 : memref<125x80xi32, #tpu.memory_space<hbm>>) dst(%arg5 : memref<125x80xi32, #tpu.memory_space<vmem>>)
      tpu.yield
    }) : () -> ()
    %scan3A = arith.constant 0 : i32
    %scan3A_1 = arith.constant 32 : i32
    %scan3A_2 = arith.addi %scan3A, %scan3A_1 : i32
    %scan3A_3 = arith.constant 1 : i32
    scf.for %scan3A_25 = %scan3A to %scan3A_2 step %scan3A_3  : i32 {
      %mul3A_26 = arith.constant 1 : i32
      %mul3A_27 = arith.muli %scan3A_25, %mul3A_26 : i32
      %add3A_28 = arith.constant 0 : i32
      %add3A_29 = arith.addi %add3A_28, %mul3A_27 : i32
      %broadcast_in_dim3A = arith.constant 0.000000e+00 : f32
      %broadcast_in_dim3A_30 = vector.broadcast %broadcast_in_dim3A : f32 to vector<16xf32>
      %swap3A = arith.index_cast %add3A_29 : i32 to index
      %swap3A_31 = arith.constant 0 : index
      %swap3A_32 = tpu.vector_load %arg8[%swap3A, %swap3A_31] {strides = array<i32>} : memref<32x128xf32, #tpu.memory_space<vmem>>, vector<16xf32>,
      tpu.vector_store %arg8[%swap3A, %swap3A_31], %broadcast_in_dim3A_30 {strides = array<i32>} : memref<32x128xf32, #tpu.memory_space<vmem>>, vector<16xf32>,
      %broadcast_in_dim3A_33 = arith.constant 0.000000e+00 : f32
      %broadcast_in_dim3A_34 = vector.broadcast %broadcast_in_dim3A_33 : f32 to vector<16xf32>
      %swap3A_35 = arith.index_cast %add3A_29 : i32 to index
      %swap3A_36 = arith.constant 16 : index
      %swap3A_37 = tpu.vector_load %arg8[%swap3A_35, %swap3A_36] {strides = array<i32>} : memref<32x128xf32, #tpu.memory_space<vmem>>, vector<16xf32>,
      tpu.vector_store %arg8[%swap3A_35, %swap3A_36], %broadcast_in_dim3A_34 {strides = array<i32>} : memref<32x128xf32, #tpu.memory_space<vmem>>, vector<16xf32>,
      %broadcast_in_dim3A_38 = arith.constant 0.000000e+00 : f32
      %broadcast_in_dim3A_39 = vector.broadcast %broadcast_in_dim3A_38 : f32 to vector<16xf32>
      %swap3A_40 = arith.index_cast %add3A_29 : i32 to index
      %swap3A_41 = arith.constant 32 : index
      %swap3A_42 = tpu.vector_load %arg8[%swap3A_40, %swap3A_41] {strides = array<i32>} : memref<32x128xf32, #tpu.memory_space<vmem>>, vector<16xf32>,
      tpu.vector_store %arg8[%swap3A_40, %swap3A_41], %broadcast_in_dim3A_39 {strides = array<i32>} : memref<32x128xf32, #tpu.memory_space<vmem>>, vector<16xf32>,
      %broadcast_in_dim3A_43 = arith.constant 0.000000e+00 : f32
      %broadcast_in_dim3A_44 = vector.broadcast %broadcast_in_dim3A_43 : f32 to vector<16xf32>
      %swap3A_45 = arith.index_cast %add3A_29 : i32 to index
      %swap3A_46 = arith.constant 48 : index
      %swap3A_47 = tpu.vector_load %arg8[%swap3A_45, %swap3A_46] {strides = array<i32>} : memref<32x128xf32, #tpu.memory_space<vmem>>, vector<16xf32>,
      tpu.vector_store %arg8[%swap3A_45, %swap3A_46], %broadcast_in_dim3A_44 {strides = array<i32>} : memref<32x128xf32, #tpu.memory_space<vmem>>, vector<16xf32>,
      %broadcast_in_dim3A_48 = arith.constant 0.000000e+00 : f32
      %broadcast_in_dim3A_49 = vector.broadcast %broadcast_in_dim3A_48 : f32 to vector<16xf32>
      %swap3A_50 = arith.index_cast %add3A_29 : i32 to index
      %swap3A_51 = arith.constant 64 : index
      %swap3A_52 = tpu.vector_load %arg8[%swap3A_50, %swap3A_51] {strides = array<i32>} : memref<32x128xf32, #tpu.memory_space<vmem>>, vector<16xf32>,
      tpu.vector_store %arg8[%swap3A_50, %swap3A_51], %broadcast_in_dim3A_49 {strides = array<i32>} : memref<32x128xf32, #tpu.memory_space<vmem>>, vector<16xf32>,
      %broadcast_in_dim3A_53 = arith.constant 0.000000e+00 : f32
      %broadcast_in_dim3A_54 = vector.broadcast %broadcast_in_dim3A_53 : f32 to vector<16xf32>
      %swap3A_55 = arith.index_cast %add3A_29 : i32 to index
      %swap3A_56 = arith.constant 80 : index
      %swap3A_57 = tpu.vector_load %arg8[%swap3A_55, %swap3A_56] {strides = array<i32>} : memref<32x128xf32, #tpu.memory_space<vmem>>, vector<16xf32>,
      tpu.vector_store %arg8[%swap3A_55, %swap3A_56], %broadcast_in_dim3A_54 {strides = array<i32>} : memref<32x128xf32, #tpu.memory_space<vmem>>, vector<16xf32>,
      %broadcast_in_dim3A_58 = arith.constant 0.000000e+00 : f32
      %broadcast_in_dim3A_59 = vector.broadcast %broadcast_in_dim3A_58 : f32 to vector<16xf32>
      %swap3A_60 = arith.index_cast %add3A_29 : i32 to index
      %swap3A_61 = arith.constant 96 : index
      %swap3A_62 = tpu.vector_load %arg8[%swap3A_60, %swap3A_61] {strides = array<i32>} : memref<32x128xf32, #tpu.memory_space<vmem>>, vector<16xf32>,
      tpu.vector_store %arg8[%swap3A_60, %swap3A_61], %broadcast_in_dim3A_59 {strides = array<i32>} : memref<32x128xf32, #tpu.memory_space<vmem>>, vector<16xf32>,
      %broadcast_in_dim3A_63 = arith.constant 0.000000e+00 : f32
      %broadcast_in_dim3A_64 = vector.broadcast %broadcast_in_dim3A_63 : f32 to vector<16xf32>
      %swap3A_65 = arith.index_cast %add3A_29 : i32 to index
      %swap3A_66 = arith.constant 112 : index
      %swap3A_67 = tpu.vector_load %arg8[%swap3A_65, %swap3A_66] {strides = array<i32>} : memref<32x128xf32, #tpu.memory_space<vmem>>, vector<16xf32>,
      tpu.vector_store %arg8[%swap3A_65, %swap3A_66], %broadcast_in_dim3A_64 {strides = array<i32>} : memref<32x128xf32, #tpu.memory_space<vmem>>, vector<16xf32>,
    }
    %scan3A_4 = arith.constant 32 : i32
    %scan3A_5 = arith.constant 0 : i32
    %scan3A_6 = arith.constant 20 : i32
    %scan3A_7 = arith.addi %scan3A_5, %scan3A_6 : i32
    %scan3A_8 = arith.constant 1 : i32
    scf.for %scan3A_25 = %scan3A_5 to %scan3A_7 step %scan3A_8  : i32 {
      %mul3A_26 = arith.constant 1 : i32
      %mul3A_27 = arith.muli %scan3A_25, %mul3A_26 : i32
      %add3A_28 = arith.constant 0 : i32
      %add3A_29 = arith.addi %add3A_28, %mul3A_27 : i32
      %mul3A_30 = arith.constant 640 : i32
      %mul3A_31 = arith.muli %arg1, %mul3A_30 : i32
      %mul3A_32 = arith.constant 32 : i32
      %mul3A_33 = arith.muli %add3A_29, %mul3A_32 : i32
      %add3A_34 = arith.addi %mul3A_31, %mul3A_33 : i32
      "tpu.region"() ({
        %run_scoped3A = tpu.sem_alloc : memref<!tpu.dma_semaphore, #tpu.memory_space<semaphore_mem>>
        %dma_start3A = arith.constant 0 : i32
        %dma_start3A_35 = tpu.memref_slice %arg9[%add3A_34, %dma_start3A] : memref<10240x128xf32, #tpu.memory_space<vmem_shared>> -> memref<32x128xf32, #tpu.memory_space<vmem_shared>>
        %dma_start3A_36 = arith.constant 0 : i32
        %dma_start3A_37 = tpu.memref_slice %arg9[%add3A_34, %dma_start3A_36] : memref<10240x128xf32, #tpu.memory_space<vmem_shared>> -> memref<32x128xf32, #tpu.memory_space<vmem_shared>>
        tpu.enqueue_dma source(%arg8 : memref<32x128xf32, #tpu.memory_space<vmem>>) target(%dma_start3A_37 : memref<32x128xf32, #tpu.memory_space<vmem_shared>>) target_semaphore(%run_scoped3A : memref<!tpu.dma_semaphore, #tpu.memory_space<semaphore_mem>>)
        %dma_wait3A = arith.constant 0 : i32
        %dma_wait3A_38 = tpu.memref_slice %arg9[%add3A_34, %dma_wait3A] : memref<10240x128xf32, #tpu.memory_space<vmem_shared>> -> memref<32x128xf32, #tpu.memory_space<vmem_shared>>
        %dma_wait3A_39 = arith.constant 0 : i32
        %dma_wait3A_40 = tpu.memref_slice %arg9[%add3A_34, %dma_wait3A_39] : memref<10240x128xf32, #tpu.memory_space<vmem_shared>> -> memref<32x128xf32, #tpu.memory_space<vmem_shared>>
        tpu.wait_dma2 semaphore(%run_scoped3A : memref<!tpu.dma_semaphore, #tpu.memory_space<semaphore_mem>>) src(%arg8 : memref<32x128xf32, #tpu.memory_space<vmem>>) dst(%dma_wait3A_40 : memref<32x128xf32, #tpu.memory_space<vmem_shared>>)
        tpu.yield
      }) : () -> ()
    }
    %scan3A_9 = arith.constant 20 : i32
    %scan3A_10 = arith.constant 0 : i32
    %scan3A_11 = arith.constant 125 : i32
    %scan3A_12 = arith.addi %scan3A_10, %scan3A_11 : i32
    %scan3A_13 = arith.constant 1 : i32
    scf.for %scan3A_25 = %scan3A_10 to %scan3A_12 step %scan3A_13  : i32 {
      %mul3A_26 = arith.constant 1 : i32
      %mul3A_27 = arith.muli %scan3A_25, %mul3A_26 : i32
      %add3A_28 = arith.constant 0 : i32
      %add3A_29 = arith.addi %add3A_28, %mul3A_27 : i32
      %get3A = arith.index_cast %add3A_29 : i32 to index
      %get3A_30 = arith.constant 0 : index
      %get3A_31 = tpu.vector_load %arg5[%get3A, %get3A_30] {strides = array<i32>} : memref<125x80xi32, #tpu.memory_space<vmem>>, vector<16xi32>,
      %shift_right_arithmetic3A = arith.constant 14 : i32
      %shift_right_arithmetic3A_32 = vector.broadcast %shift_right_arithmetic3A : i32 to vector<16xi32>
      %shift_right_arithmetic3A_33 = arith.shrsi %get3A_31, %shift_right_arithmetic3A_32 : vector<16xi32>
      %and3A = arith.constant 16383 : i32
      %and3A_34 = vector.broadcast %and3A : i32 to vector<16xi32>
      %and3A_35 = arith.andi %get3A_31, %and3A_34 : vector<16xi32>
      %swap3A = arith.index_cast %add3A_29 : i32 to index
      %swap3A_36 = arith.constant 0 : index
      %swap3A_37 = tpu.vector_load %arg5[%swap3A, %swap3A_36] {strides = array<i32>} : memref<125x80xi32, #tpu.memory_space<vmem>>, vector<16xi32>,
      tpu.vector_store %arg5[%swap3A, %swap3A_36], %shift_right_arithmetic3A_33 {strides = array<i32>} : memref<125x80xi32, #tpu.memory_space<vmem>>, vector<16xi32>,
      %ne3A = arith.cmpi ne, %shift_right_arithmetic3A_33, %and3A_35 : vector<16xi32>
      %jit3A = arith.constant 10000 : i32
      %broadcast_in_dim3A = vector.broadcast %jit3A : i32 to vector<16xi32>
      %select_n3A = arith.select %ne3A, %and3A_35, %broadcast_in_dim3A : vector<16xi1>, vector<16xi32>
      %swap3A_38 = arith.index_cast %add3A_29 : i32 to index
      %swap3A_39 = arith.constant 0 : index
      %swap3A_40 = tpu.vector_load %arg6[%swap3A_38, %swap3A_39] {strides = array<i32>} : memref<125x80xi32, #tpu.memory_space<vmem>>, vector<16xi32>,
      tpu.vector_store %arg6[%swap3A_38, %swap3A_39], %select_n3A {strides = array<i32>} : memref<125x80xi32, #tpu.memory_space<vmem>>, vector<16xi32>,
      %get3A_41 = arith.index_cast %add3A_29 : i32 to index
      %get3A_42 = arith.constant 16 : index
      %get3A_43 = tpu.vector_load %arg5[%get3A_41, %get3A_42] {strides = array<i32>} : memref<125x80xi32, #tpu.memory_space<vmem>>, vector<16xi32>,
      %shift_right_arithmetic3A_44 = arith.constant 14 : i32
      %shift_right_arithmetic3A_45 = vector.broadcast %shift_right_arithmetic3A_44 : i32 to vector<16xi32>
      %shift_right_arithmetic3A_46 = arith.shrsi %get3A_43, %shift_right_arithmetic3A_45 : vector<16xi32>
      %and3A_47 = arith.constant 16383 : i32
      %and3A_48 = vector.broadcast %and3A_47 : i32 to vector<16xi32>
      %and3A_49 = arith.andi %get3A_43, %and3A_48 : vector<16xi32>
      %swap3A_50 = arith.index_cast %add3A_29 : i32 to index
      %swap3A_51 = arith.constant 16 : index
      %swap3A_52 = tpu.vector_load %arg5[%swap3A_50, %swap3A_51] {strides = array<i32>} : memref<125x80xi32, #tpu.memory_space<vmem>>, vector<16xi32>,
      tpu.vector_store %arg5[%swap3A_50, %swap3A_51], %shift_right_arithmetic3A_46 {strides = array<i32>} : memref<125x80xi32, #tpu.memory_space<vmem>>, vector<16xi32>,
      %ne3A_53 = arith.cmpi ne, %shift_right_arithmetic3A_46, %and3A_49 : vector<16xi32>
      %jit3A_54 = arith.constant 10000 : i32
      %broadcast_in_dim3A_55 = vector.broadcast %jit3A_54 : i32 to vector<16xi32>
      %select_n3A_56 = arith.select %ne3A_53, %and3A_49, %broadcast_in_dim3A_55 : vector<16xi1>, vector<16xi32>
      %swap3A_57 = arith.index_cast %add3A_29 : i32 to index
      %swap3A_58 = arith.constant 16 : index
      %swap3A_59 = tpu.vector_load %arg6[%swap3A_57, %swap3A_58] {strides = array<i32>} : memref<125x80xi32, #tpu.memory_space<vmem>>, vector<16xi32>,
      tpu.vector_store %arg6[%swap3A_57, %swap3A_58], %select_n3A_56 {strides = array<i32>} : memref<125x80xi32, #tpu.memory_space<vmem>>, vector<16xi32>,
      %get3A_60 = arith.index_cast %add3A_29 : i32 to index
      %get3A_61 = arith.constant 32 : index
      %get3A_62 = tpu.vector_load %arg5[%get3A_60, %get3A_61] {strides = array<i32>} : memref<125x80xi32, #tpu.memory_space<vmem>>, vector<16xi32>,
      %shift_right_arithmetic3A_63 = arith.constant 14 : i32
      %shift_right_arithmetic3A_64 = vector.broadcast %shift_right_arithmetic3A_63 : i32 to vector<16xi32>
      %shift_right_arithmetic3A_65 = arith.shrsi %get3A_62, %shift_right_arithmetic3A_64 : vector<16xi32>
      %and3A_66 = arith.constant 16383 : i32
      %and3A_67 = vector.broadcast %and3A_66 : i32 to vector<16xi32>
      %and3A_68 = arith.andi %get3A_62, %and3A_67 : vector<16xi32>
      %swap3A_69 = arith.index_cast %add3A_29 : i32 to index
      %swap3A_70 = arith.constant 32 : index
      %swap3A_71 = tpu.vector_load %arg5[%swap3A_69, %swap3A_70] {strides = array<i32>} : memref<125x80xi32, #tpu.memory_space<vmem>>, vector<16xi32>,
      tpu.vector_store %arg5[%swap3A_69, %swap3A_70], %shift_right_arithmetic3A_65 {strides = array<i32>} : memref<125x80xi32, #tpu.memory_space<vmem>>, vector<16xi32>,
      %ne3A_72 = arith.cmpi ne, %shift_right_arithmetic3A_65, %and3A_68 : vector<16xi32>
      %jit3A_73 = arith.constant 10000 : i32
      %broadcast_in_dim3A_74 = vector.broadcast %jit3A_73 : i32 to vector<16xi32>
      %select_n3A_75 = arith.select %ne3A_72, %and3A_68, %broadcast_in_dim3A_74 : vector<16xi1>, vector<16xi32>
      %swap3A_76 = arith.index_cast %add3A_29 : i32 to index
      %swap3A_77 = arith.constant 32 : index
      %swap3A_78 = tpu.vector_load %arg6[%swap3A_76, %swap3A_77] {strides = array<i32>} : memref<125x80xi32, #tpu.memory_space<vmem>>, vector<16xi32>,
      tpu.vector_store %arg6[%swap3A_76, %swap3A_77], %select_n3A_75 {strides = array<i32>} : memref<125x80xi32, #tpu.memory_space<vmem>>, vector<16xi32>,
      %get3A_79 = arith.index_cast %add3A_29 : i32 to index
      %get3A_80 = arith.constant 48 : index
      %get3A_81 = tpu.vector_load %arg5[%get3A_79, %get3A_80] {strides = array<i32>} : memref<125x80xi32, #tpu.memory_space<vmem>>, vector<16xi32>,
      %shift_right_arithmetic3A_82 = arith.constant 14 : i32
      %shift_right_arithmetic3A_83 = vector.broadcast %shift_right_arithmetic3A_82 : i32 to vector<16xi32>
      %shift_right_arithmetic3A_84 = arith.shrsi %get3A_81, %shift_right_arithmetic3A_83 : vector<16xi32>
      %and3A_85 = arith.constant 16383 : i32
      %and3A_86 = vector.broadcast %and3A_85 : i32 to vector<16xi32>
      %and3A_87 = arith.andi %get3A_81, %and3A_86 : vector<16xi32>
      %swap3A_88 = arith.index_cast %add3A_29 : i32 to index
      %swap3A_89 = arith.constant 48 : index
      %swap3A_90 = tpu.vector_load %arg5[%swap3A_88, %swap3A_89] {strides = array<i32>} : memref<125x80xi32, #tpu.memory_space<vmem>>, vector<16xi32>,
      tpu.vector_store %arg5[%swap3A_88, %swap3A_89], %shift_right_arithmetic3A_84 {strides = array<i32>} : memref<125x80xi32, #tpu.memory_space<vmem>>, vector<16xi32>,
      %ne3A_91 = arith.cmpi ne, %shift_right_arithmetic3A_84, %and3A_87 : vector<16xi32>
      %jit3A_92 = arith.constant 10000 : i32
      %broadcast_in_dim3A_93 = vector.broadcast %jit3A_92 : i32 to vector<16xi32>
      %select_n3A_94 = arith.select %ne3A_91, %and3A_87, %broadcast_in_dim3A_93 : vector<16xi1>, vector<16xi32>
      %swap3A_95 = arith.index_cast %add3A_29 : i32 to index
      %swap3A_96 = arith.constant 48 : index
      %swap3A_97 = tpu.vector_load %arg6[%swap3A_95, %swap3A_96] {strides = array<i32>} : memref<125x80xi32, #tpu.memory_space<vmem>>, vector<16xi32>,
      tpu.vector_store %arg6[%swap3A_95, %swap3A_96], %select_n3A_94 {strides = array<i32>} : memref<125x80xi32, #tpu.memory_space<vmem>>, vector<16xi32>,
      %get3A_98 = arith.index_cast %add3A_29 : i32 to index
      %get3A_99 = arith.constant 64 : index
      %get3A_100 = tpu.vector_load %arg5[%get3A_98, %get3A_99] {strides = array<i32>} : memref<125x80xi32, #tpu.memory_space<vmem>>, vector<16xi32>,
      %shift_right_arithmetic3A_101 = arith.constant 14 : i32
      %shift_right_arithmetic3A_102 = vector.broadcast %shift_right_arithmetic3A_101 : i32 to vector<16xi32>
      %shift_right_arithmetic3A_103 = arith.shrsi %get3A_100, %shift_right_arithmetic3A_102 : vector<16xi32>
      %and3A_104 = arith.constant 16383 : i32
      %and3A_105 = vector.broadcast %and3A_104 : i32 to vector<16xi32>
      %and3A_106 = arith.andi %get3A_100, %and3A_105 : vector<16xi32>
      %swap3A_107 = arith.index_cast %add3A_29 : i32 to index
      %swap3A_108 = arith.constant 64 : index
      %swap3A_109 = tpu.vector_load %arg5[%swap3A_107, %swap3A_108] {strides = array<i32>} : memref<125x80xi32, #tpu.memory_space<vmem>>, vector<16xi32>,
      tpu.vector_store %arg5[%swap3A_107, %swap3A_108], %shift_right_arithmetic3A_103 {strides = array<i32>} : memref<125x80xi32, #tpu.memory_space<vmem>>, vector<16xi32>,
      %ne3A_110 = arith.cmpi ne, %shift_right_arithmetic3A_103, %and3A_106 : vector<16xi32>
      %jit3A_111 = arith.constant 10000 : i32
      %broadcast_in_dim3A_112 = vector.broadcast %jit3A_111 : i32 to vector<16xi32>
      %select_n3A_113 = arith.select %ne3A_110, %and3A_106, %broadcast_in_dim3A_112 : vector<16xi1>, vector<16xi32>
      %swap3A_114 = arith.index_cast %add3A_29 : i32 to index
      %swap3A_115 = arith.constant 64 : index
      %swap3A_116 = tpu.vector_load %arg6[%swap3A_114, %swap3A_115] {strides = array<i32>} : memref<125x80xi32, #tpu.memory_space<vmem>>, vector<16xi32>,
      tpu.vector_store %arg6[%swap3A_114, %swap3A_115], %select_n3A_113 {strides = array<i32>} : memref<125x80xi32, #tpu.memory_space<vmem>>, vector<16xi32>,
    }
    %scan3A_14 = arith.constant 125 : i32
    %barrier3A = arith.constant 0 : index
    tpu.barrier barrier_id(%barrier3A)
    %scan3A_15 = arith.constant 0 : i32
    %scan3A_16 = arith.constant 125 : i32
    %scan3A_17 = arith.addi %scan3A_15, %scan3A_16 : i32
    %scan3A_18 = arith.constant 1 : i32
    scf.for %scan3A_25 = %scan3A_15 to %scan3A_17 step %scan3A_18  : i32 {
      %mul3A_26 = arith.constant 1 : i32
      %mul3A_27 = arith.muli %scan3A_25, %mul3A_26 : i32
      %add3A_28 = arith.constant 0 : i32
      %add3A_29 = arith.addi %add3A_28, %mul3A_27 : i32
      %dma_start3A = arith.constant 0 : i32
      %dma_start3A_30 = tpu.memref_slice %arg5[%add3A_29, %dma_start3A] : memref<125x80xi32, #tpu.memory_space<vmem>> -> memref<1x80xi32, #tpu.memory_space<vmem>>
      %dma_start3A_31 = tpu.memref_squeeze %dma_start3A_30 : memref<1x80xi32, #tpu.memory_space<vmem>> -> memref<80xi32, #tpu.memory_space<vmem>>
      %dma_start3A_32 = arith.constant 0 : i32
      %dma_start3A_33 = arith.constant 0 : i32
      %dma_start3A_34 = tpu.memref_slice %arg3[%dma_start3A_32, %dma_start3A_33] : memref<10240x128xf32, #tpu.memory_space<hbm>> -> memref<10240x128xf32, #tpu.memory_space<hbm>>
      tpu.enqueue_indirect_dma source(%dma_start3A_34 : memref<10240x128xf32, #tpu.memory_space<hbm>>) target(%arg7 : memref<80x128xf32, #tpu.memory_space<vmem>>) offsets(%dma_start3A_31 : memref<80xi32, #tpu.memory_space<vmem>>) semaphore(%arg10 : memref<!tpu.dma_semaphore, #tpu.memory_space<semaphore_mem>>)
      %dma_wait3A = arith.constant 0 : i32
      %dma_wait3A_35 = tpu.memref_slice %arg5[%add3A_29, %dma_wait3A] : memref<125x80xi32, #tpu.memory_space<vmem>> -> memref<1x80xi32, #tpu.memory_space<vmem>>
      %dma_wait3A_36 = tpu.memref_squeeze %dma_wait3A_35 : memref<1x80xi32, #tpu.memory_space<vmem>> -> memref<80xi32, #tpu.memory_space<vmem>>
      %dma_wait3A_37 = arith.constant 0 : i32
      %dma_wait3A_38 = arith.constant 0 : i32
      %dma_wait3A_39 = tpu.memref_slice %arg3[%dma_wait3A_37, %dma_wait3A_38] : memref<10240x128xf32, #tpu.memory_space<hbm>> -> memref<10240x128xf32, #tpu.memory_space<hbm>>
      tpu.wait_indirect_dma semaphore(%arg10 : memref<!tpu.dma_semaphore, #tpu.memory_space<semaphore_mem>>) src(%dma_wait3A_39 : memref<10240x128xf32, #tpu.memory_space<hbm>>) dst(%arg7 : memref<80x128xf32, #tpu.memory_space<vmem>>)
      "tpu.region"() ({
        %run_scoped3A = tpu.sem_alloc : memref<!tpu.dma_semaphore, #tpu.memory_space<semaphore_mem>>
        %dma_start3A_40 = arith.constant 0 : i32
        %dma_start3A_41 = tpu.memref_slice %arg6[%add3A_29, %dma_start3A_40] : memref<125x80xi32, #tpu.memory_space<vmem>> -> memref<1x80xi32, #tpu.memory_space<vmem>>
        %dma_start3A_42 = tpu.memref_squeeze %dma_start3A_41 : memref<1x80xi32, #tpu.memory_space<vmem>> -> memref<80xi32, #tpu.memory_space<vmem>>
        %dma_start3A_43 = arith.constant 0 : i32
        %dma_start3A_44 = arith.constant 0 : i32
        %dma_start3A_45 = tpu.memref_slice %arg9[%dma_start3A_43, %dma_start3A_44] : memref<10240x128xf32, #tpu.memory_space<vmem_shared>> -> memref<10240x128xf32, #tpu.memory_space<vmem_shared>>
        tpu.enqueue_indirect_dma source(%arg7 : memref<80x128xf32, #tpu.memory_space<vmem>>) target(%dma_start3A_45 : memref<10240x128xf32, #tpu.memory_space<vmem_shared>>) offsets(%dma_start3A_42 : memref<80xi32, #tpu.memory_space<vmem>>) semaphore(%run_scoped3A : memref<!tpu.dma_semaphore, #tpu.memory_space<semaphore_mem>>) {add = true}
        %dma_wait3A_46 = arith.constant 0 : i32
        %dma_wait3A_47 = tpu.memref_slice %arg6[%add3A_29, %dma_wait3A_46] : memref<125x80xi32, #tpu.memory_space<vmem>> -> memref<1x80xi32, #tpu.memory_space<vmem>>
        %dma_wait3A_48 = tpu.memref_squeeze %dma_wait3A_47 : memref<1x80xi32, #tpu.memory_space<vmem>> -> memref<80xi32, #tpu.memory_space<vmem>>
        %dma_wait3A_49 = arith.constant 0 : i32
        %dma_wait3A_50 = arith.constant 0 : i32
        %dma_wait3A_51 = tpu.memref_slice %arg9[%dma_wait3A_49, %dma_wait3A_50] : memref<10240x128xf32, #tpu.memory_space<vmem_shared>> -> memref<10240x128xf32, #tpu.memory_space<vmem_shared>>
        tpu.wait_indirect_dma semaphore(%run_scoped3A : memref<!tpu.dma_semaphore, #tpu.memory_space<semaphore_mem>>) src(%arg7 : memref<80x128xf32, #tpu.memory_space<vmem>>) dst(%dma_wait3A_51 : memref<10240x128xf32, #tpu.memory_space<vmem_shared>>)
        tpu.yield
      }) : () -> ()
    }
    %scan3A_19 = arith.constant 125 : i32
    %barrier3A_20 = arith.constant 0 : index
    tpu.barrier barrier_id(%barrier3A_20)
    %mul3A_21 = arith.constant 640 : i32
    %mul3A_22 = arith.muli %arg1, %mul3A_21 : i32
    %mul3A_23 = arith.constant 640 : i32
    %mul3A_24 = arith.muli %arg1, %mul3A_23 : i32
    "tpu.region"() ({
      %run_scoped3A = tpu.sem_alloc : memref<!tpu.dma_semaphore, #tpu.memory_space<semaphore_mem>>
      %dma_start3A = arith.constant 0 : i32
      %dma_start3A_25 = tpu.memref_slice %arg4[%arg0, %mul3A_24, %dma_start3A] : memref<2x10240x128xf32, #tpu.memory_space<hbm>> -> memref<1x640x128xf32, #tpu.memory_space<hbm>>
      %dma_start3A_26 = tpu.memref_squeeze %dma_start3A_25 : memref<1x640x128xf32, #tpu.memory_space<hbm>> -> memref<640x128xf32, #tpu.memory_space<hbm>>
      %dma_start3A_27 = arith.constant 0 : i32
      %dma_start3A_28 = tpu.memref_slice %arg9[%mul3A_22, %dma_start3A_27] : memref<10240x128xf32, #tpu.memory_space<vmem_shared>> -> memref<640x128xf32, #tpu.memory_space<vmem_shared>>
      tpu.enqueue_dma source(%dma_start3A_28 : memref<640x128xf32, #tpu.memory_space<vmem_shared>>) target(%dma_start3A_26 : memref<640x128xf32, #tpu.memory_space<hbm>>) target_semaphore(%run_scoped3A : memref<!tpu.dma_semaphore, #tpu.memory_space<semaphore_mem>>)
      %dma_wait3A = arith.constant 0 : i32
      %dma_wait3A_29 = tpu.memref_slice %arg4[%arg0, %mul3A_24, %dma_wait3A] : memref<2x10240x128xf32, #tpu.memory_space<hbm>> -> memref<1x640x128xf32, #tpu.memory_space<hbm>>
      %dma_wait3A_30 = tpu.memref_squeeze %dma_wait3A_29 : memref<1x640x128xf32, #tpu.memory_space<hbm>> -> memref<640x128xf32, #tpu.memory_space<hbm>>
      %dma_wait3A_31 = arith.constant 0 : i32
      %dma_wait3A_32 = tpu.memref_slice %arg9[%mul3A_22, %dma_wait3A_31] : memref<10240x128xf32, #tpu.memory_space<vmem_shared>> -> memref<640x128xf32, #tpu.memory_space<vmem_shared>>
      tpu.wait_dma2 semaphore(%run_scoped3A : memref<!tpu.dma_semaphore, #tpu.memory_space<semaphore_mem>>) src(%dma_wait3A_32 : memref<640x128xf32, #tpu.memory_space<vmem_shared>>) dst(%dma_wait3A_30 : memref<640x128xf32, #tpu.memory_space<hbm>>)
      tpu.yield
    }) : () -> ()
    return
  }
}

#map = affine_map<(d0, d1) -> (0, 0, 0)>
#map1 = affine_map<(d0, d1) -> (0, 0)>
module attributes {stable_mosaic.version = 14 : i64} {
  func.func @_lhat(%arg0: i32, %arg1: i32, %arg2: memref<32x125x80xi32, #tpu.memory_space<hbm>>, %arg3: memref<10240x128xf32, #tpu.memory_space<hbm>>, %arg4: memref<2x10240x128xf32, #tpu.memory_space<hbm>>, %arg5: memref<125x80xi32, #tpu.memory_space<vmem>>, %arg6: memref<125x80xi32, #tpu.memory_space<vmem>>, %arg7: memref<80x128xf32, #tpu.memory_space<vmem>>, %arg8: memref<32x128xf32, #tpu.memory_space<vmem>>, %arg9: memref<10240x128xf32, #tpu.memory_space<vmem_shared>>, %arg10: memref<!tpu.dma_semaphore, #tpu.memory_space<semaphore_mem>>) attributes {dimension_semantics = [#tpu.dimension_semantics<core_parallel>, #tpu.dimension_semantics<subcore_parallel>], iteration_bounds = array<i64: 2, 16>, scalar_prefetch = 0 : i64, scratch_operands = 6 : i64, tpu.core_type = #tpu.core_type<sc_vector_subcore>, window_params = [{transform_indices = #map}, {transform_indices = #map1}, {transform_indices = #map}]} {
    %mul3A = arith.constant 2 : i32
    %mul3A_0 = arith.muli %arg1, %mul3A : i32
    %add3A = arith.addi %mul3A_0, %arg0 : i32
    "tpu.region"() ({
      %run_scoped3A = tpu.sem_alloc : memref<!tpu.dma_semaphore, #tpu.memory_space<semaphore_mem>>
      %dma_start3A = arith.constant 0 : i32
      %dma_start3A_25 = arith.constant 0 : i32
      %dma_start3A_26 = tpu.memref_slice %arg2[%add3A, %dma_start3A, %dma_start3A_25] : memref<32x125x80xi32, #tpu.memory_space<hbm>> -> memref<1x125x80xi32, #tpu.memory_space<hbm>>
      %dma_start3A_27 = tpu.memref_squeeze %dma_start3A_26 : memref<1x125x80xi32, #tpu.memory_space<hbm>> -> memref<125x80xi32, #tpu.memory_space<hbm>>
      %dma_start3A_28 = arith.constant 0 : i32
      %dma_start3A_29 = arith.constant 0 : i32
      %dma_start3A_30 = tpu.memref_slice %arg2[%add3A, %dma_start3A_28, %dma_start3A_29] : memref<32x125x80xi32, #tpu.memory_space<hbm>> -> memref<1x125x80xi32, #tpu.memory_space<hbm>>
      %dma_start3A_31 = tpu.memref_squeeze %dma_start3A_30 : memref<1x125x80xi32, #tpu.memory_space<hbm>> -> memref<125x80xi32, #tpu.memory_space<hbm>>
      tpu.enqueue_dma source(%dma_start3A_31 : memref<125x80xi32, #tpu.memory_space<hbm>>) target(%arg5 : memref<125x80xi32, #tpu.memory_space<vmem>>) target_semaphore(%run_scoped3A : memref<!tpu.dma_semaphore, #tpu.memory_space<semaphore_mem>>)
      %dma_wait3A = arith.constant 0 : i32
      %dma_wait3A_32 = arith.constant 0 : i32
      %dma_wait3A_33 = tpu.memref_slice %arg2[%add3A, %dma_wait3A, %dma_wait3A_32] : memref<32x125x80xi32, #tpu.memory_space<hbm>> -> memref<1x125x80xi32, #tpu.memory_space<hbm>>
      %dma_wait3A_34 = tpu.memref_squeeze %dma_wait3A_33 : memref<1x125x80xi32, #tpu.memory_space<hbm>> -> memref<125x80xi32, #tpu.memory_space<hbm>>
      %dma_wait3A_35 = arith.constant 0 : i32
      %dma_wait3A_36 = arith.constant 0 : i32
      %dma_wait3A_37 = tpu.memref_slice %arg2[%add3A, %dma_wait3A_35, %dma_wait3A_36] : memref<32x125x80xi32, #tpu.memory_space<hbm>> -> memref<1x125x80xi32, #tpu.memory_space<hbm>>
      %dma_wait3A_38 = tpu.memref_squeeze %dma_wait3A_37 : memref<1x125x80xi32, #tpu.memory_space<hbm>> -> memref<125x80xi32, #tpu.memory_space<hbm>>
      tpu.wait_dma2 semaphore(%run_scoped3A : memref<!tpu.dma_semaphore, #tpu.memory_space<semaphore_mem>>) src(%dma_wait3A_38 : memref<125x80xi32, #tpu.memory_space<hbm>>) dst(%arg5 : memref<125x80xi32, #tpu.memory_space<vmem>>)
      tpu.yield
    }) : () -> ()
    %scan3A = arith.constant 0 : i32
    %scan3A_1 = arith.constant 32 : i32
    %scan3A_2 = arith.addi %scan3A, %scan3A_1 : i32
    %scan3A_3 = arith.constant 1 : i32
    scf.for %scan3A_25 = %scan3A to %scan3A_2 step %scan3A_3  : i32 {
      %mul3A_26 = arith.constant 1 : i32
      %mul3A_27 = arith.muli %scan3A_25, %mul3A_26 : i32
      %add3A_28 = arith.constant 0 : i32
      %add3A_29 = arith.addi %add3A_28, %mul3A_27 : i32
      %broadcast_in_dim3A = arith.constant 0.000000e+00 : f32
      %broadcast_in_dim3A_30 = vector.broadcast %broadcast_in_dim3A : f32 to vector<16xf32>
      %swap3A = arith.index_cast %add3A_29 : i32 to index
      %swap3A_31 = arith.constant 0 : index
      %swap3A_32 = tpu.vector_load %arg8[%swap3A, %swap3A_31] {strides = array<i32>} : memref<32x128xf32, #tpu.memory_space<vmem>>, vector<16xf32>,
      tpu.vector_store %arg8[%swap3A, %swap3A_31], %broadcast_in_dim3A_30 {strides = array<i32>} : memref<32x128xf32, #tpu.memory_space<vmem>>, vector<16xf32>,
      %broadcast_in_dim3A_33 = arith.constant 0.000000e+00 : f32
      %broadcast_in_dim3A_34 = vector.broadcast %broadcast_in_dim3A_33 : f32 to vector<16xf32>
      %swap3A_35 = arith.index_cast %add3A_29 : i32 to index
      %swap3A_36 = arith.constant 16 : index
      %swap3A_37 = tpu.vector_load %arg8[%swap3A_35, %swap3A_36] {strides = array<i32>} : memref<32x128xf32, #tpu.memory_space<vmem>>, vector<16xf32>,
      tpu.vector_store %arg8[%swap3A_35, %swap3A_36], %broadcast_in_dim3A_34 {strides = array<i32>} : memref<32x128xf32, #tpu.memory_space<vmem>>, vector<16xf32>,
      %broadcast_in_dim3A_38 = arith.constant 0.000000e+00 : f32
      %broadcast_in_dim3A_39 = vector.broadcast %broadcast_in_dim3A_38 : f32 to vector<16xf32>
      %swap3A_40 = arith.index_cast %add3A_29 : i32 to index
      %swap3A_41 = arith.constant 32 : index
      %swap3A_42 = tpu.vector_load %arg8[%swap3A_40, %swap3A_41] {strides = array<i32>} : memref<32x128xf32, #tpu.memory_space<vmem>>, vector<16xf32>,
      tpu.vector_store %arg8[%swap3A_40, %swap3A_41], %broadcast_in_dim3A_39 {strides = array<i32>} : memref<32x128xf32, #tpu.memory_space<vmem>>, vector<16xf32>,
      %broadcast_in_dim3A_43 = arith.constant 0.000000e+00 : f32
      %broadcast_in_dim3A_44 = vector.broadcast %broadcast_in_dim3A_43 : f32 to vector<16xf32>
      %swap3A_45 = arith.index_cast %add3A_29 : i32 to index
      %swap3A_46 = arith.constant 48 : index
      %swap3A_47 = tpu.vector_load %arg8[%swap3A_45, %swap3A_46] {strides = array<i32>} : memref<32x128xf32, #tpu.memory_space<vmem>>, vector<16xf32>,
      tpu.vector_store %arg8[%swap3A_45, %swap3A_46], %broadcast_in_dim3A_44 {strides = array<i32>} : memref<32x128xf32, #tpu.memory_space<vmem>>, vector<16xf32>,
      %broadcast_in_dim3A_48 = arith.constant 0.000000e+00 : f32
      %broadcast_in_dim3A_49 = vector.broadcast %broadcast_in_dim3A_48 : f32 to vector<16xf32>
      %swap3A_50 = arith.index_cast %add3A_29 : i32 to index
      %swap3A_51 = arith.constant 64 : index
      %swap3A_52 = tpu.vector_load %arg8[%swap3A_50, %swap3A_51] {strides = array<i32>} : memref<32x128xf32, #tpu.memory_space<vmem>>, vector<16xf32>,
      tpu.vector_store %arg8[%swap3A_50, %swap3A_51], %broadcast_in_dim3A_49 {strides = array<i32>} : memref<32x128xf32, #tpu.memory_space<vmem>>, vector<16xf32>,
      %broadcast_in_dim3A_53 = arith.constant 0.000000e+00 : f32
      %broadcast_in_dim3A_54 = vector.broadcast %broadcast_in_dim3A_53 : f32 to vector<16xf32>
      %swap3A_55 = arith.index_cast %add3A_29 : i32 to index
      %swap3A_56 = arith.constant 80 : index
      %swap3A_57 = tpu.vector_load %arg8[%swap3A_55, %swap3A_56] {strides = array<i32>} : memref<32x128xf32, #tpu.memory_space<vmem>>, vector<16xf32>,
      tpu.vector_store %arg8[%swap3A_55, %swap3A_56], %broadcast_in_dim3A_54 {strides = array<i32>} : memref<32x128xf32, #tpu.memory_space<vmem>>, vector<16xf32>,
      %broadcast_in_dim3A_58 = arith.constant 0.000000e+00 : f32
      %broadcast_in_dim3A_59 = vector.broadcast %broadcast_in_dim3A_58 : f32 to vector<16xf32>
      %swap3A_60 = arith.index_cast %add3A_29 : i32 to index
      %swap3A_61 = arith.constant 96 : index
      %swap3A_62 = tpu.vector_load %arg8[%swap3A_60, %swap3A_61] {strides = array<i32>} : memref<32x128xf32, #tpu.memory_space<vmem>>, vector<16xf32>,
      tpu.vector_store %arg8[%swap3A_60, %swap3A_61], %broadcast_in_dim3A_59 {strides = array<i32>} : memref<32x128xf32, #tpu.memory_space<vmem>>, vector<16xf32>,
      %broadcast_in_dim3A_63 = arith.constant 0.000000e+00 : f32
      %broadcast_in_dim3A_64 = vector.broadcast %broadcast_in_dim3A_63 : f32 to vector<16xf32>
      %swap3A_65 = arith.index_cast %add3A_29 : i32 to index
      %swap3A_66 = arith.constant 112 : index
      %swap3A_67 = tpu.vector_load %arg8[%swap3A_65, %swap3A_66] {strides = array<i32>} : memref<32x128xf32, #tpu.memory_space<vmem>>, vector<16xf32>,
      tpu.vector_store %arg8[%swap3A_65, %swap3A_66], %broadcast_in_dim3A_64 {strides = array<i32>} : memref<32x128xf32, #tpu.memory_space<vmem>>, vector<16xf32>,
    }
    %scan3A_4 = arith.constant 32 : i32
    %scan3A_5 = arith.constant 0 : i32
    %scan3A_6 = arith.constant 20 : i32
    %scan3A_7 = arith.addi %scan3A_5, %scan3A_6 : i32
    %scan3A_8 = arith.constant 1 : i32
    scf.for %scan3A_25 = %scan3A_5 to %scan3A_7 step %scan3A_8  : i32 {
      %mul3A_26 = arith.constant 1 : i32
      %mul3A_27 = arith.muli %scan3A_25, %mul3A_26 : i32
      %add3A_28 = arith.constant 0 : i32
      %add3A_29 = arith.addi %add3A_28, %mul3A_27 : i32
      %mul3A_30 = arith.constant 640 : i32
      %mul3A_31 = arith.muli %arg1, %mul3A_30 : i32
      %mul3A_32 = arith.constant 32 : i32
      %mul3A_33 = arith.muli %add3A_29, %mul3A_32 : i32
      %add3A_34 = arith.addi %mul3A_31, %mul3A_33 : i32
      "tpu.region"() ({
        %run_scoped3A = tpu.sem_alloc : memref<!tpu.dma_semaphore, #tpu.memory_space<semaphore_mem>>
        %dma_start3A = arith.constant 0 : i32
        %dma_start3A_35 = tpu.memref_slice %arg9[%add3A_34, %dma_start3A] : memref<10240x128xf32, #tpu.memory_space<vmem_shared>> -> memref<32x128xf32, #tpu.memory_space<vmem_shared>>
        %dma_start3A_36 = arith.constant 0 : i32
        %dma_start3A_37 = tpu.memref_slice %arg9[%add3A_34, %dma_start3A_36] : memref<10240x128xf32, #tpu.memory_space<vmem_shared>> -> memref<32x128xf32, #tpu.memory_space<vmem_shared>>
        tpu.enqueue_dma source(%arg8 : memref<32x128xf32, #tpu.memory_space<vmem>>) target(%dma_start3A_37 : memref<32x128xf32, #tpu.memory_space<vmem_shared>>) target_semaphore(%run_scoped3A : memref<!tpu.dma_semaphore, #tpu.memory_space<semaphore_mem>>)
        %dma_wait3A = arith.constant 0 : i32
        %dma_wait3A_38 = tpu.memref_slice %arg9[%add3A_34, %dma_wait3A] : memref<10240x128xf32, #tpu.memory_space<vmem_shared>> -> memref<32x128xf32, #tpu.memory_space<vmem_shared>>
        %dma_wait3A_39 = arith.constant 0 : i32
        %dma_wait3A_40 = tpu.memref_slice %arg9[%add3A_34, %dma_wait3A_39] : memref<10240x128xf32, #tpu.memory_space<vmem_shared>> -> memref<32x128xf32, #tpu.memory_space<vmem_shared>>
        tpu.wait_dma2 semaphore(%run_scoped3A : memref<!tpu.dma_semaphore, #tpu.memory_space<semaphore_mem>>) src(%arg8 : memref<32x128xf32, #tpu.memory_space<vmem>>) dst(%dma_wait3A_40 : memref<32x128xf32, #tpu.memory_space<vmem_shared>>)
        tpu.yield
      }) : () -> ()
    }
    %scan3A_9 = arith.constant 20 : i32
    %scan3A_10 = arith.constant 0 : i32
    %scan3A_11 = arith.constant 125 : i32
    %scan3A_12 = arith.addi %scan3A_10, %scan3A_11 : i32
    %scan3A_13 = arith.constant 1 : i32
    scf.for %scan3A_25 = %scan3A_10 to %scan3A_12 step %scan3A_13  : i32 {
      %mul3A_26 = arith.constant 1 : i32
      %mul3A_27 = arith.muli %scan3A_25, %mul3A_26 : i32
      %add3A_28 = arith.constant 0 : i32
      %add3A_29 = arith.addi %add3A_28, %mul3A_27 : i32
      %get3A = arith.index_cast %add3A_29 : i32 to index
      %get3A_30 = arith.constant 0 : index
      %get3A_31 = tpu.vector_load %arg5[%get3A, %get3A_30] {strides = array<i32>} : memref<125x80xi32, #tpu.memory_space<vmem>>, vector<16xi32>,
      %shift_right_arithmetic3A = arith.constant 14 : i32
      %shift_right_arithmetic3A_32 = vector.broadcast %shift_right_arithmetic3A : i32 to vector<16xi32>
      %shift_right_arithmetic3A_33 = arith.shrsi %get3A_31, %shift_right_arithmetic3A_32 : vector<16xi32>
      %and3A = arith.constant 16383 : i32
      %and3A_34 = vector.broadcast %and3A : i32 to vector<16xi32>
      %and3A_35 = arith.andi %get3A_31, %and3A_34 : vector<16xi32>
      %swap3A = arith.index_cast %add3A_29 : i32 to index
      %swap3A_36 = arith.constant 0 : index
      %swap3A_37 = tpu.vector_load %arg5[%swap3A, %swap3A_36] {strides = array<i32>} : memref<125x80xi32, #tpu.memory_space<vmem>>, vector<16xi32>,
      tpu.vector_store %arg5[%swap3A, %swap3A_36], %shift_right_arithmetic3A_33 {strides = array<i32>} : memref<125x80xi32, #tpu.memory_space<vmem>>, vector<16xi32>,
      %ne3A = arith.cmpi ne, %shift_right_arithmetic3A_33, %and3A_35 : vector<16xi32>
      %jit3A = arith.constant 10000 : i32
      %broadcast_in_dim3A = vector.broadcast %jit3A : i32 to vector<16xi32>
      %select_n3A = arith.select %ne3A, %and3A_35, %broadcast_in_dim3A : vector<16xi1>, vector<16xi32>
      %swap3A_38 = arith.index_cast %add3A_29 : i32 to index
      %swap3A_39 = arith.constant 0 : index
      %swap3A_40 = tpu.vector_load %arg6[%swap3A_38, %swap3A_39] {strides = array<i32>} : memref<125x80xi32, #tpu.memory_space<vmem>>, vector<16xi32>,
      tpu.vector_store %arg6[%swap3A_38, %swap3A_39], %select_n3A {strides = array<i32>} : memref<125x80xi32, #tpu.memory_space<vmem>>, vector<16xi32>,
      %get3A_41 = arith.index_cast %add3A_29 : i32 to index
      %get3A_42 = arith.constant 16 : index
      %get3A_43 = tpu.vector_load %arg5[%get3A_41, %get3A_42] {strides = array<i32>} : memref<125x80xi32, #tpu.memory_space<vmem>>, vector<16xi32>,
      %shift_right_arithmetic3A_44 = arith.constant 14 : i32
      %shift_right_arithmetic3A_45 = vector.broadcast %shift_right_arithmetic3A_44 : i32 to vector<16xi32>
      %shift_right_arithmetic3A_46 = arith.shrsi %get3A_43, %shift_right_arithmetic3A_45 : vector<16xi32>
      %and3A_47 = arith.constant 16383 : i32
      %and3A_48 = vector.broadcast %and3A_47 : i32 to vector<16xi32>
      %and3A_49 = arith.andi %get3A_43, %and3A_48 : vector<16xi32>
      %swap3A_50 = arith.index_cast %add3A_29 : i32 to index
      %swap3A_51 = arith.constant 16 : index
      %swap3A_52 = tpu.vector_load %arg5[%swap3A_50, %swap3A_51] {strides = array<i32>} : memref<125x80xi32, #tpu.memory_space<vmem>>, vector<16xi32>,
      tpu.vector_store %arg5[%swap3A_50, %swap3A_51], %shift_right_arithmetic3A_46 {strides = array<i32>} : memref<125x80xi32, #tpu.memory_space<vmem>>, vector<16xi32>,
      %ne3A_53 = arith.cmpi ne, %shift_right_arithmetic3A_46, %and3A_49 : vector<16xi32>
      %jit3A_54 = arith.constant 10000 : i32
      %broadcast_in_dim3A_55 = vector.broadcast %jit3A_54 : i32 to vector<16xi32>
      %select_n3A_56 = arith.select %ne3A_53, %and3A_49, %broadcast_in_dim3A_55 : vector<16xi1>, vector<16xi32>
      %swap3A_57 = arith.index_cast %add3A_29 : i32 to index
      %swap3A_58 = arith.constant 16 : index
      %swap3A_59 = tpu.vector_load %arg6[%swap3A_57, %swap3A_58] {strides = array<i32>} : memref<125x80xi32, #tpu.memory_space<vmem>>, vector<16xi32>,
      tpu.vector_store %arg6[%swap3A_57, %swap3A_58], %select_n3A_56 {strides = array<i32>} : memref<125x80xi32, #tpu.memory_space<vmem>>, vector<16xi32>,
      %get3A_60 = arith.index_cast %add3A_29 : i32 to index
      %get3A_61 = arith.constant 32 : index
      %get3A_62 = tpu.vector_load %arg5[%get3A_60, %get3A_61] {strides = array<i32>} : memref<125x80xi32, #tpu.memory_space<vmem>>, vector<16xi32>,
      %shift_right_arithmetic3A_63 = arith.constant 14 : i32
      %shift_right_arithmetic3A_64 = vector.broadcast %shift_right_arithmetic3A_63 : i32 to vector<16xi32>
      %shift_right_arithmetic3A_65 = arith.shrsi %get3A_62, %shift_right_arithmetic3A_64 : vector<16xi32>
      %and3A_66 = arith.constant 16383 : i32
      %and3A_67 = vector.broadcast %and3A_66 : i32 to vector<16xi32>
      %and3A_68 = arith.andi %get3A_62, %and3A_67 : vector<16xi32>
      %swap3A_69 = arith.index_cast %add3A_29 : i32 to index
      %swap3A_70 = arith.constant 32 : index
      %swap3A_71 = tpu.vector_load %arg5[%swap3A_69, %swap3A_70] {strides = array<i32>} : memref<125x80xi32, #tpu.memory_space<vmem>>, vector<16xi32>,
      tpu.vector_store %arg5[%swap3A_69, %swap3A_70], %shift_right_arithmetic3A_65 {strides = array<i32>} : memref<125x80xi32, #tpu.memory_space<vmem>>, vector<16xi32>,
      %ne3A_72 = arith.cmpi ne, %shift_right_arithmetic3A_65, %and3A_68 : vector<16xi32>
      %jit3A_73 = arith.constant 10000 : i32
      %broadcast_in_dim3A_74 = vector.broadcast %jit3A_73 : i32 to vector<16xi32>
      %select_n3A_75 = arith.select %ne3A_72, %and3A_68, %broadcast_in_dim3A_74 : vector<16xi1>, vector<16xi32>
      %swap3A_76 = arith.index_cast %add3A_29 : i32 to index
      %swap3A_77 = arith.constant 32 : index
      %swap3A_78 = tpu.vector_load %arg6[%swap3A_76, %swap3A_77] {strides = array<i32>} : memref<125x80xi32, #tpu.memory_space<vmem>>, vector<16xi32>,
      tpu.vector_store %arg6[%swap3A_76, %swap3A_77], %select_n3A_75 {strides = array<i32>} : memref<125x80xi32, #tpu.memory_space<vmem>>, vector<16xi32>,
      %get3A_79 = arith.index_cast %add3A_29 : i32 to index
      %get3A_80 = arith.constant 48 : index
      %get3A_81 = tpu.vector_load %arg5[%get3A_79, %get3A_80] {strides = array<i32>} : memref<125x80xi32, #tpu.memory_space<vmem>>, vector<16xi32>,
      %shift_right_arithmetic3A_82 = arith.constant 14 : i32
      %shift_right_arithmetic3A_83 = vector.broadcast %shift_right_arithmetic3A_82 : i32 to vector<16xi32>
      %shift_right_arithmetic3A_84 = arith.shrsi %get3A_81, %shift_right_arithmetic3A_83 : vector<16xi32>
      %and3A_85 = arith.constant 16383 : i32
      %and3A_86 = vector.broadcast %and3A_85 : i32 to vector<16xi32>
      %and3A_87 = arith.andi %get3A_81, %and3A_86 : vector<16xi32>
      %swap3A_88 = arith.index_cast %add3A_29 : i32 to index
      %swap3A_89 = arith.constant 48 : index
      %swap3A_90 = tpu.vector_load %arg5[%swap3A_88, %swap3A_89] {strides = array<i32>} : memref<125x80xi32, #tpu.memory_space<vmem>>, vector<16xi32>,
      tpu.vector_store %arg5[%swap3A_88, %swap3A_89], %shift_right_arithmetic3A_84 {strides = array<i32>} : memref<125x80xi32, #tpu.memory_space<vmem>>, vector<16xi32>,
      %ne3A_91 = arith.cmpi ne, %shift_right_arithmetic3A_84, %and3A_87 : vector<16xi32>
      %jit3A_92 = arith.constant 10000 : i32
      %broadcast_in_dim3A_93 = vector.broadcast %jit3A_92 : i32 to vector<16xi32>
      %select_n3A_94 = arith.select %ne3A_91, %and3A_87, %broadcast_in_dim3A_93 : vector<16xi1>, vector<16xi32>
      %swap3A_95 = arith.index_cast %add3A_29 : i32 to index
      %swap3A_96 = arith.constant 48 : index
      %swap3A_97 = tpu.vector_load %arg6[%swap3A_95, %swap3A_96] {strides = array<i32>} : memref<125x80xi32, #tpu.memory_space<vmem>>, vector<16xi32>,
      tpu.vector_store %arg6[%swap3A_95, %swap3A_96], %select_n3A_94 {strides = array<i32>} : memref<125x80xi32, #tpu.memory_space<vmem>>, vector<16xi32>,
      %get3A_98 = arith.index_cast %add3A_29 : i32 to index
      %get3A_99 = arith.constant 64 : index
      %get3A_100 = tpu.vector_load %arg5[%get3A_98, %get3A_99] {strides = array<i32>} : memref<125x80xi32, #tpu.memory_space<vmem>>, vector<16xi32>,
      %shift_right_arithmetic3A_101 = arith.constant 14 : i32
      %shift_right_arithmetic3A_102 = vector.broadcast %shift_right_arithmetic3A_101 : i32 to vector<16xi32>
      %shift_right_arithmetic3A_103 = arith.shrsi %get3A_100, %shift_right_arithmetic3A_102 : vector<16xi32>
      %and3A_104 = arith.constant 16383 : i32
      %and3A_105 = vector.broadcast %and3A_104 : i32 to vector<16xi32>
      %and3A_106 = arith.andi %get3A_100, %and3A_105 : vector<16xi32>
      %swap3A_107 = arith.index_cast %add3A_29 : i32 to index
      %swap3A_108 = arith.constant 64 : index
      %swap3A_109 = tpu.vector_load %arg5[%swap3A_107, %swap3A_108] {strides = array<i32>} : memref<125x80xi32, #tpu.memory_space<vmem>>, vector<16xi32>,
      tpu.vector_store %arg5[%swap3A_107, %swap3A_108], %shift_right_arithmetic3A_103 {strides = array<i32>} : memref<125x80xi32, #tpu.memory_space<vmem>>, vector<16xi32>,
      %ne3A_110 = arith.cmpi ne, %shift_right_arithmetic3A_103, %and3A_106 : vector<16xi32>
      %jit3A_111 = arith.constant 10000 : i32
      %broadcast_in_dim3A_112 = vector.broadcast %jit3A_111 : i32 to vector<16xi32>
      %select_n3A_113 = arith.select %ne3A_110, %and3A_106, %broadcast_in_dim3A_112 : vector<16xi1>, vector<16xi32>
      %swap3A_114 = arith.index_cast %add3A_29 : i32 to index
      %swap3A_115 = arith.constant 64 : index
      %swap3A_116 = tpu.vector_load %arg6[%swap3A_114, %swap3A_115] {strides = array<i32>} : memref<125x80xi32, #tpu.memory_space<vmem>>, vector<16xi32>,
      tpu.vector_store %arg6[%swap3A_114, %swap3A_115], %select_n3A_113 {strides = array<i32>} : memref<125x80xi32, #tpu.memory_space<vmem>>, vector<16xi32>,
    }
    %scan3A_14 = arith.constant 125 : i32
    %barrier3A = arith.constant 0 : index
    tpu.barrier barrier_id(%barrier3A)
    %scan3A_15 = arith.constant 0 : i32
    %scan3A_16 = arith.constant 125 : i32
    %scan3A_17 = arith.addi %scan3A_15, %scan3A_16 : i32
    %scan3A_18 = arith.constant 1 : i32
    scf.for %scan3A_25 = %scan3A_15 to %scan3A_17 step %scan3A_18  : i32 {
      %mul3A_26 = arith.constant 1 : i32
      %mul3A_27 = arith.muli %scan3A_25, %mul3A_26 : i32
      %add3A_28 = arith.constant 0 : i32
      %add3A_29 = arith.addi %add3A_28, %mul3A_27 : i32
      %dma_start3A = arith.constant 0 : i32
      %dma_start3A_30 = tpu.memref_slice %arg5[%add3A_29, %dma_start3A] : memref<125x80xi32, #tpu.memory_space<vmem>> -> memref<1x80xi32, #tpu.memory_space<vmem>>
      %dma_start3A_31 = tpu.memref_squeeze %dma_start3A_30 : memref<1x80xi32, #tpu.memory_space<vmem>> -> memref<80xi32, #tpu.memory_space<vmem>>
      %dma_start3A_32 = arith.constant 0 : i32
      %dma_start3A_33 = arith.constant 0 : i32
      %dma_start3A_34 = tpu.memref_slice %arg3[%dma_start3A_32, %dma_start3A_33] : memref<10240x128xf32, #tpu.memory_space<hbm>> -> memref<10240x128xf32, #tpu.memory_space<hbm>>
      tpu.enqueue_indirect_dma source(%dma_start3A_34 : memref<10240x128xf32, #tpu.memory_space<hbm>>) target(%arg7 : memref<80x128xf32, #tpu.memory_space<vmem>>) offsets(%dma_start3A_31 : memref<80xi32, #tpu.memory_space<vmem>>) semaphore(%arg10 : memref<!tpu.dma_semaphore, #tpu.memory_space<semaphore_mem>>)
      %dma_wait3A = arith.constant 0 : i32
      %dma_wait3A_35 = tpu.memref_slice %arg5[%add3A_29, %dma_wait3A] : memref<125x80xi32, #tpu.memory_space<vmem>> -> memref<1x80xi32, #tpu.memory_space<vmem>>
      %dma_wait3A_36 = tpu.memref_squeeze %dma_wait3A_35 : memref<1x80xi32, #tpu.memory_space<vmem>> -> memref<80xi32, #tpu.memory_space<vmem>>
      %dma_wait3A_37 = arith.constant 0 : i32
      %dma_wait3A_38 = arith.constant 0 : i32
      %dma_wait3A_39 = tpu.memref_slice %arg3[%dma_wait3A_37, %dma_wait3A_38] : memref<10240x128xf32, #tpu.memory_space<hbm>> -> memref<10240x128xf32, #tpu.memory_space<hbm>>
      tpu.wait_indirect_dma semaphore(%arg10 : memref<!tpu.dma_semaphore, #tpu.memory_space<semaphore_mem>>) src(%dma_wait3A_39 : memref<10240x128xf32, #tpu.memory_space<hbm>>) dst(%arg7 : memref<80x128xf32, #tpu.memory_space<vmem>>)
      "tpu.region"() ({
        %run_scoped3A = tpu.sem_alloc : memref<!tpu.dma_semaphore, #tpu.memory_space<semaphore_mem>>
        %dma_start3A_40 = arith.constant 0 : i32
        %dma_start3A_41 = tpu.memref_slice %arg6[%add3A_29, %dma_start3A_40] : memref<125x80xi32, #tpu.memory_space<vmem>> -> memref<1x80xi32, #tpu.memory_space<vmem>>
        %dma_start3A_42 = tpu.memref_squeeze %dma_start3A_41 : memref<1x80xi32, #tpu.memory_space<vmem>> -> memref<80xi32, #tpu.memory_space<vmem>>
        %dma_start3A_43 = arith.constant 0 : i32
        %dma_start3A_44 = arith.constant 0 : i32
        %dma_start3A_45 = tpu.memref_slice %arg9[%dma_start3A_43, %dma_start3A_44] : memref<10240x128xf32, #tpu.memory_space<vmem_shared>> -> memref<10240x128xf32, #tpu.memory_space<vmem_shared>>
        tpu.enqueue_indirect_dma source(%arg7 : memref<80x128xf32, #tpu.memory_space<vmem>>) target(%dma_start3A_45 : memref<10240x128xf32, #tpu.memory_space<vmem_shared>>) offsets(%dma_start3A_42 : memref<80xi32, #tpu.memory_space<vmem>>) semaphore(%run_scoped3A : memref<!tpu.dma_semaphore, #tpu.memory_space<semaphore_mem>>) {add = true}
        %dma_wait3A_46 = arith.constant 0 : i32
        %dma_wait3A_47 = tpu.memref_slice %arg6[%add3A_29, %dma_wait3A_46] : memref<125x80xi32, #tpu.memory_space<vmem>> -> memref<1x80xi32, #tpu.memory_space<vmem>>
        %dma_wait3A_48 = tpu.memref_squeeze %dma_wait3A_47 : memref<1x80xi32, #tpu.memory_space<vmem>> -> memref<80xi32, #tpu.memory_space<vmem>>
        %dma_wait3A_49 = arith.constant 0 : i32
        %dma_wait3A_50 = arith.constant 0 : i32
        %dma_wait3A_51 = tpu.memref_slice %arg9[%dma_wait3A_49, %dma_wait3A_50] : memref<10240x128xf32, #tpu.memory_space<vmem_shared>> -> memref<10240x128xf32, #tpu.memory_space<vmem_shared>>
        tpu.wait_indirect_dma semaphore(%run_scoped3A : memref<!tpu.dma_semaphore, #tpu.memory_space<semaphore_mem>>) src(%arg7 : memref<80x128xf32, #tpu.memory_space<vmem>>) dst(%dma_wait3A_51 : memref<10240x128xf32, #tpu.memory_space<vmem_shared>>)
        tpu.yield
      }) : () -> ()
    }
    %scan3A_19 = arith.constant 125 : i32
    %barrier3A_20 = arith.constant 0 : index
    tpu.barrier barrier_id(%barrier3A_20)
    %mul3A_21 = arith.constant 640 : i32
    %mul3A_22 = arith.muli %arg1, %mul3A_21 : i32
    %mul3A_23 = arith.constant 640 : i32
    %mul3A_24 = arith.muli %arg1, %mul3A_23 : i32
    "tpu.region"() ({
      %run_scoped3A = tpu.sem_alloc : memref<!tpu.dma_semaphore, #tpu.memory_space<semaphore_mem>>
      %dma_start3A = arith.constant 0 : i32
      %dma_start3A_25 = tpu.memref_slice %arg4[%arg0, %mul3A_24, %dma_start3A] : memref<2x10240x128xf32, #tpu.memory_space<hbm>> -> memref<1x640x128xf32, #tpu.memory_space<hbm>>
      %dma_start3A_26 = tpu.memref_squeeze %dma_start3A_25 : memref<1x640x128xf32, #tpu.memory_space<hbm>> -> memref<640x128xf32, #tpu.memory_space<hbm>>
      %dma_start3A_27 = arith.constant 0 : i32
      %dma_start3A_28 = tpu.memref_slice %arg9[%mul3A_22, %dma_start3A_27] : memref<10240x128xf32, #tpu.memory_space<vmem_shared>> -> memref<640x128xf32, #tpu.memory_space<vmem_shared>>
      tpu.enqueue_dma source(%dma_start3A_28 : memref<640x128xf32, #tpu.memory_space<vmem_shared>>) target(%dma_start3A_26 : memref<640x128xf32, #tpu.memory_space<hbm>>) target_semaphore(%run_scoped3A : memref<!tpu.dma_semaphore, #tpu.memory_space<semaphore_mem>>)
      %dma_wait3A = arith.constant 0 : i32
      %dma_wait3A_29 = tpu.memref_slice %arg4[%arg0, %mul3A_24, %dma_wait3A] : memref<2x10240x128xf32, #tpu.memory_space<hbm>> -> memref<1x640x128xf32, #tpu.memory_space<hbm>>
      %dma_wait3A_30 = tpu.memref_squeeze %dma_wait3A_29 : memref<1x640x128xf32, #tpu.memory_space<hbm>> -> memref<640x128xf32, #tpu.memory_space<hbm>>
      %dma_wait3A_31 = arith.constant 0 : i32
      %dma_wait3A_32 = tpu.memref_slice %arg9[%mul3A_22, %dma_wait3A_31] : memref<10240x128xf32, #tpu.memory_space<vmem_shared>> -> memref<640x128xf32, #tpu.memory_space<vmem_shared>>
      tpu.wait_dma2 semaphore(%run_scoped3A : memref<!tpu.dma_semaphore, #tpu.memory_space<semaphore_mem>>) src(%dma_wait3A_32 : memref<640x128xf32, #tpu.memory_space<vmem_shared>>) dst(%dma_wait3A_30 : memref<640x128xf32, #tpu.memory_space<hbm>>)
      tpu.yield
    }) : () -> ()
    return
  }
}

#map = affine_map<(d0, d1) -> (0, 0, 0)>
#map1 = affine_map<(d0, d1) -> (0, 0)>
module attributes {stable_mosaic.version = 14 : i64} {
  func.func @_lhat(%arg0: i32, %arg1: i32, %arg2: memref<32x125x80xi32, #tpu.memory_space<hbm>>, %arg3: memref<10240x128xf32, #tpu.memory_space<hbm>>, %arg4: memref<2x10240x128xf32, #tpu.memory_space<hbm>>, %arg5: memref<125x80xi32, #tpu.memory_space<vmem>>, %arg6: memref<125x80xi32, #tpu.memory_space<vmem>>, %arg7: memref<80x128xf32, #tpu.memory_space<vmem>>, %arg8: memref<32x128xf32, #tpu.memory_space<vmem>>, %arg9: memref<10240x128xf32, #tpu.memory_space<vmem_shared>>, %arg10: memref<!tpu.dma_semaphore, #tpu.memory_space<semaphore_mem>>) attributes {dimension_semantics = [#tpu.dimension_semantics<core_parallel>, #tpu.dimension_semantics<subcore_parallel>], iteration_bounds = array<i64: 2, 16>, scalar_prefetch = 0 : i64, scratch_operands = 6 : i64, tpu.core_type = #tpu.core_type<sc_vector_subcore>, window_params = [{transform_indices = #map}, {transform_indices = #map1}, {transform_indices = #map}]} {
    %mul3A = arith.constant 2 : i32
    %mul3A_0 = arith.muli %arg1, %mul3A : i32
    %add3A = arith.addi %mul3A_0, %arg0 : i32
    "tpu.region"() ({
      %run_scoped3A = tpu.sem_alloc : memref<!tpu.dma_semaphore, #tpu.memory_space<semaphore_mem>>
      %dma_start3A = arith.constant 0 : i32
      %dma_start3A_25 = arith.constant 0 : i32
      %dma_start3A_26 = tpu.memref_slice %arg2[%add3A, %dma_start3A, %dma_start3A_25] : memref<32x125x80xi32, #tpu.memory_space<hbm>> -> memref<1x125x80xi32, #tpu.memory_space<hbm>>
      %dma_start3A_27 = tpu.memref_squeeze %dma_start3A_26 : memref<1x125x80xi32, #tpu.memory_space<hbm>> -> memref<125x80xi32, #tpu.memory_space<hbm>>
      %dma_start3A_28 = arith.constant 0 : i32
      %dma_start3A_29 = arith.constant 0 : i32
      %dma_start3A_30 = tpu.memref_slice %arg2[%add3A, %dma_start3A_28, %dma_start3A_29] : memref<32x125x80xi32, #tpu.memory_space<hbm>> -> memref<1x125x80xi32, #tpu.memory_space<hbm>>
      %dma_start3A_31 = tpu.memref_squeeze %dma_start3A_30 : memref<1x125x80xi32, #tpu.memory_space<hbm>> -> memref<125x80xi32, #tpu.memory_space<hbm>>
      tpu.enqueue_dma source(%dma_start3A_31 : memref<125x80xi32, #tpu.memory_space<hbm>>) target(%arg5 : memref<125x80xi32, #tpu.memory_space<vmem>>) target_semaphore(%run_scoped3A : memref<!tpu.dma_semaphore, #tpu.memory_space<semaphore_mem>>)
      %dma_wait3A = arith.constant 0 : i32
      %dma_wait3A_32 = arith.constant 0 : i32
      %dma_wait3A_33 = tpu.memref_slice %arg2[%add3A, %dma_wait3A, %dma_wait3A_32] : memref<32x125x80xi32, #tpu.memory_space<hbm>> -> memref<1x125x80xi32, #tpu.memory_space<hbm>>
      %dma_wait3A_34 = tpu.memref_squeeze %dma_wait3A_33 : memref<1x125x80xi32, #tpu.memory_space<hbm>> -> memref<125x80xi32, #tpu.memory_space<hbm>>
      %dma_wait3A_35 = arith.constant 0 : i32
      %dma_wait3A_36 = arith.constant 0 : i32
      %dma_wait3A_37 = tpu.memref_slice %arg2[%add3A, %dma_wait3A_35, %dma_wait3A_36] : memref<32x125x80xi32, #tpu.memory_space<hbm>> -> memref<1x125x80xi32, #tpu.memory_space<hbm>>
      %dma_wait3A_38 = tpu.memref_squeeze %dma_wait3A_37 : memref<1x125x80xi32, #tpu.memory_space<hbm>> -> memref<125x80xi32, #tpu.memory_space<hbm>>
      tpu.wait_dma2 semaphore(%run_scoped3A : memref<!tpu.dma_semaphore, #tpu.memory_space<semaphore_mem>>) src(%dma_wait3A_38 : memref<125x80xi32, #tpu.memory_space<hbm>>) dst(%arg5 : memref<125x80xi32, #tpu.memory_space<vmem>>)
      tpu.yield
    }) : () -> ()
    %scan3A = arith.constant 0 : i32
    %scan3A_1 = arith.constant 32 : i32
    %scan3A_2 = arith.addi %scan3A, %scan3A_1 : i32
    %scan3A_3 = arith.constant 1 : i32
    scf.for %scan3A_25 = %scan3A to %scan3A_2 step %scan3A_3  : i32 {
      %mul3A_26 = arith.constant 1 : i32
      %mul3A_27 = arith.muli %scan3A_25, %mul3A_26 : i32
      %add3A_28 = arith.constant 0 : i32
      %add3A_29 = arith.addi %add3A_28, %mul3A_27 : i32
      %broadcast_in_dim3A = arith.constant 0.000000e+00 : f32
      %broadcast_in_dim3A_30 = vector.broadcast %broadcast_in_dim3A : f32 to vector<16xf32>
      %swap3A = arith.index_cast %add3A_29 : i32 to index
      %swap3A_31 = arith.constant 0 : index
      %swap3A_32 = tpu.vector_load %arg8[%swap3A, %swap3A_31] {strides = array<i32>} : memref<32x128xf32, #tpu.memory_space<vmem>>, vector<16xf32>,
      tpu.vector_store %arg8[%swap3A, %swap3A_31], %broadcast_in_dim3A_30 {strides = array<i32>} : memref<32x128xf32, #tpu.memory_space<vmem>>, vector<16xf32>,
      %broadcast_in_dim3A_33 = arith.constant 0.000000e+00 : f32
      %broadcast_in_dim3A_34 = vector.broadcast %broadcast_in_dim3A_33 : f32 to vector<16xf32>
      %swap3A_35 = arith.index_cast %add3A_29 : i32 to index
      %swap3A_36 = arith.constant 16 : index
      %swap3A_37 = tpu.vector_load %arg8[%swap3A_35, %swap3A_36] {strides = array<i32>} : memref<32x128xf32, #tpu.memory_space<vmem>>, vector<16xf32>,
      tpu.vector_store %arg8[%swap3A_35, %swap3A_36], %broadcast_in_dim3A_34 {strides = array<i32>} : memref<32x128xf32, #tpu.memory_space<vmem>>, vector<16xf32>,
      %broadcast_in_dim3A_38 = arith.constant 0.000000e+00 : f32
      %broadcast_in_dim3A_39 = vector.broadcast %broadcast_in_dim3A_38 : f32 to vector<16xf32>
      %swap3A_40 = arith.index_cast %add3A_29 : i32 to index
      %swap3A_41 = arith.constant 32 : index
      %swap3A_42 = tpu.vector_load %arg8[%swap3A_40, %swap3A_41] {strides = array<i32>} : memref<32x128xf32, #tpu.memory_space<vmem>>, vector<16xf32>,
      tpu.vector_store %arg8[%swap3A_40, %swap3A_41], %broadcast_in_dim3A_39 {strides = array<i32>} : memref<32x128xf32, #tpu.memory_space<vmem>>, vector<16xf32>,
      %broadcast_in_dim3A_43 = arith.constant 0.000000e+00 : f32
      %broadcast_in_dim3A_44 = vector.broadcast %broadcast_in_dim3A_43 : f32 to vector<16xf32>
      %swap3A_45 = arith.index_cast %add3A_29 : i32 to index
      %swap3A_46 = arith.constant 48 : index
      %swap3A_47 = tpu.vector_load %arg8[%swap3A_45, %swap3A_46] {strides = array<i32>} : memref<32x128xf32, #tpu.memory_space<vmem>>, vector<16xf32>,
      tpu.vector_store %arg8[%swap3A_45, %swap3A_46], %broadcast_in_dim3A_44 {strides = array<i32>} : memref<32x128xf32, #tpu.memory_space<vmem>>, vector<16xf32>,
      %broadcast_in_dim3A_48 = arith.constant 0.000000e+00 : f32
      %broadcast_in_dim3A_49 = vector.broadcast %broadcast_in_dim3A_48 : f32 to vector<16xf32>
      %swap3A_50 = arith.index_cast %add3A_29 : i32 to index
      %swap3A_51 = arith.constant 64 : index
      %swap3A_52 = tpu.vector_load %arg8[%swap3A_50, %swap3A_51] {strides = array<i32>} : memref<32x128xf32, #tpu.memory_space<vmem>>, vector<16xf32>,
      tpu.vector_store %arg8[%swap3A_50, %swap3A_51], %broadcast_in_dim3A_49 {strides = array<i32>} : memref<32x128xf32, #tpu.memory_space<vmem>>, vector<16xf32>,
      %broadcast_in_dim3A_53 = arith.constant 0.000000e+00 : f32
      %broadcast_in_dim3A_54 = vector.broadcast %broadcast_in_dim3A_53 : f32 to vector<16xf32>
      %swap3A_55 = arith.index_cast %add3A_29 : i32 to index
      %swap3A_56 = arith.constant 80 : index
      %swap3A_57 = tpu.vector_load %arg8[%swap3A_55, %swap3A_56] {strides = array<i32>} : memref<32x128xf32, #tpu.memory_space<vmem>>, vector<16xf32>,
      tpu.vector_store %arg8[%swap3A_55, %swap3A_56], %broadcast_in_dim3A_54 {strides = array<i32>} : memref<32x128xf32, #tpu.memory_space<vmem>>, vector<16xf32>,
      %broadcast_in_dim3A_58 = arith.constant 0.000000e+00 : f32
      %broadcast_in_dim3A_59 = vector.broadcast %broadcast_in_dim3A_58 : f32 to vector<16xf32>
      %swap3A_60 = arith.index_cast %add3A_29 : i32 to index
      %swap3A_61 = arith.constant 96 : index
      %swap3A_62 = tpu.vector_load %arg8[%swap3A_60, %swap3A_61] {strides = array<i32>} : memref<32x128xf32, #tpu.memory_space<vmem>>, vector<16xf32>,
      tpu.vector_store %arg8[%swap3A_60, %swap3A_61], %broadcast_in_dim3A_59 {strides = array<i32>} : memref<32x128xf32, #tpu.memory_space<vmem>>, vector<16xf32>,
      %broadcast_in_dim3A_63 = arith.constant 0.000000e+00 : f32
      %broadcast_in_dim3A_64 = vector.broadcast %broadcast_in_dim3A_63 : f32 to vector<16xf32>
      %swap3A_65 = arith.index_cast %add3A_29 : i32 to index
      %swap3A_66 = arith.constant 112 : index
      %swap3A_67 = tpu.vector_load %arg8[%swap3A_65, %swap3A_66] {strides = array<i32>} : memref<32x128xf32, #tpu.memory_space<vmem>>, vector<16xf32>,
      tpu.vector_store %arg8[%swap3A_65, %swap3A_66], %broadcast_in_dim3A_64 {strides = array<i32>} : memref<32x128xf32, #tpu.memory_space<vmem>>, vector<16xf32>,
    }
    %scan3A_4 = arith.constant 32 : i32
    %scan3A_5 = arith.constant 0 : i32
    %scan3A_6 = arith.constant 20 : i32
    %scan3A_7 = arith.addi %scan3A_5, %scan3A_6 : i32
    %scan3A_8 = arith.constant 1 : i32
    scf.for %scan3A_25 = %scan3A_5 to %scan3A_7 step %scan3A_8  : i32 {
      %mul3A_26 = arith.constant 1 : i32
      %mul3A_27 = arith.muli %scan3A_25, %mul3A_26 : i32
      %add3A_28 = arith.constant 0 : i32
      %add3A_29 = arith.addi %add3A_28, %mul3A_27 : i32
      %mul3A_30 = arith.constant 640 : i32
      %mul3A_31 = arith.muli %arg1, %mul3A_30 : i32
      %mul3A_32 = arith.constant 32 : i32
      %mul3A_33 = arith.muli %add3A_29, %mul3A_32 : i32
      %add3A_34 = arith.addi %mul3A_31, %mul3A_33 : i32
      "tpu.region"() ({
        %run_scoped3A = tpu.sem_alloc : memref<!tpu.dma_semaphore, #tpu.memory_space<semaphore_mem>>
        %dma_start3A = arith.constant 0 : i32
        %dma_start3A_35 = tpu.memref_slice %arg9[%add3A_34, %dma_start3A] : memref<10240x128xf32, #tpu.memory_space<vmem_shared>> -> memref<32x128xf32, #tpu.memory_space<vmem_shared>>
        %dma_start3A_36 = arith.constant 0 : i32
        %dma_start3A_37 = tpu.memref_slice %arg9[%add3A_34, %dma_start3A_36] : memref<10240x128xf32, #tpu.memory_space<vmem_shared>> -> memref<32x128xf32, #tpu.memory_space<vmem_shared>>
        tpu.enqueue_dma source(%arg8 : memref<32x128xf32, #tpu.memory_space<vmem>>) target(%dma_start3A_37 : memref<32x128xf32, #tpu.memory_space<vmem_shared>>) target_semaphore(%run_scoped3A : memref<!tpu.dma_semaphore, #tpu.memory_space<semaphore_mem>>)
        %dma_wait3A = arith.constant 0 : i32
        %dma_wait3A_38 = tpu.memref_slice %arg9[%add3A_34, %dma_wait3A] : memref<10240x128xf32, #tpu.memory_space<vmem_shared>> -> memref<32x128xf32, #tpu.memory_space<vmem_shared>>
        %dma_wait3A_39 = arith.constant 0 : i32
        %dma_wait3A_40 = tpu.memref_slice %arg9[%add3A_34, %dma_wait3A_39] : memref<10240x128xf32, #tpu.memory_space<vmem_shared>> -> memref<32x128xf32, #tpu.memory_space<vmem_shared>>
        tpu.wait_dma2 semaphore(%run_scoped3A : memref<!tpu.dma_semaphore, #tpu.memory_space<semaphore_mem>>) src(%arg8 : memref<32x128xf32, #tpu.memory_space<vmem>>) dst(%dma_wait3A_40 : memref<32x128xf32, #tpu.memory_space<vmem_shared>>)
        tpu.yield
      }) : () -> ()
    }
    %scan3A_9 = arith.constant 20 : i32
    %scan3A_10 = arith.constant 0 : i32
    %scan3A_11 = arith.constant 125 : i32
    %scan3A_12 = arith.addi %scan3A_10, %scan3A_11 : i32
    %scan3A_13 = arith.constant 1 : i32
    scf.for %scan3A_25 = %scan3A_10 to %scan3A_12 step %scan3A_13  : i32 {
      %mul3A_26 = arith.constant 1 : i32
      %mul3A_27 = arith.muli %scan3A_25, %mul3A_26 : i32
      %add3A_28 = arith.constant 0 : i32
      %add3A_29 = arith.addi %add3A_28, %mul3A_27 : i32
      %get3A = arith.index_cast %add3A_29 : i32 to index
      %get3A_30 = arith.constant 0 : index
      %get3A_31 = tpu.vector_load %arg5[%get3A, %get3A_30] {strides = array<i32>} : memref<125x80xi32, #tpu.memory_space<vmem>>, vector<16xi32>,
      %shift_right_arithmetic3A = arith.constant 14 : i32
      %shift_right_arithmetic3A_32 = vector.broadcast %shift_right_arithmetic3A : i32 to vector<16xi32>
      %shift_right_arithmetic3A_33 = arith.shrsi %get3A_31, %shift_right_arithmetic3A_32 : vector<16xi32>
      %and3A = arith.constant 16383 : i32
      %and3A_34 = vector.broadcast %and3A : i32 to vector<16xi32>
      %and3A_35 = arith.andi %get3A_31, %and3A_34 : vector<16xi32>
      %swap3A = arith.index_cast %add3A_29 : i32 to index
      %swap3A_36 = arith.constant 0 : index
      %swap3A_37 = tpu.vector_load %arg5[%swap3A, %swap3A_36] {strides = array<i32>} : memref<125x80xi32, #tpu.memory_space<vmem>>, vector<16xi32>,
      tpu.vector_store %arg5[%swap3A, %swap3A_36], %shift_right_arithmetic3A_33 {strides = array<i32>} : memref<125x80xi32, #tpu.memory_space<vmem>>, vector<16xi32>,
      %ne3A = arith.cmpi ne, %shift_right_arithmetic3A_33, %and3A_35 : vector<16xi32>
      %jit3A = arith.constant 10000 : i32
      %broadcast_in_dim3A = vector.broadcast %jit3A : i32 to vector<16xi32>
      %select_n3A = arith.select %ne3A, %and3A_35, %broadcast_in_dim3A : vector<16xi1>, vector<16xi32>
      %swap3A_38 = arith.index_cast %add3A_29 : i32 to index
      %swap3A_39 = arith.constant 0 : index
      %swap3A_40 = tpu.vector_load %arg6[%swap3A_38, %swap3A_39] {strides = array<i32>} : memref<125x80xi32, #tpu.memory_space<vmem>>, vector<16xi32>,
      tpu.vector_store %arg6[%swap3A_38, %swap3A_39], %select_n3A {strides = array<i32>} : memref<125x80xi32, #tpu.memory_space<vmem>>, vector<16xi32>,
      %get3A_41 = arith.index_cast %add3A_29 : i32 to index
      %get3A_42 = arith.constant 16 : index
      %get3A_43 = tpu.vector_load %arg5[%get3A_41, %get3A_42] {strides = array<i32>} : memref<125x80xi32, #tpu.memory_space<vmem>>, vector<16xi32>,
      %shift_right_arithmetic3A_44 = arith.constant 14 : i32
      %shift_right_arithmetic3A_45 = vector.broadcast %shift_right_arithmetic3A_44 : i32 to vector<16xi32>
      %shift_right_arithmetic3A_46 = arith.shrsi %get3A_43, %shift_right_arithmetic3A_45 : vector<16xi32>
      %and3A_47 = arith.constant 16383 : i32
      %and3A_48 = vector.broadcast %and3A_47 : i32 to vector<16xi32>
      %and3A_49 = arith.andi %get3A_43, %and3A_48 : vector<16xi32>
      %swap3A_50 = arith.index_cast %add3A_29 : i32 to index
      %swap3A_51 = arith.constant 16 : index
      %swap3A_52 = tpu.vector_load %arg5[%swap3A_50, %swap3A_51] {strides = array<i32>} : memref<125x80xi32, #tpu.memory_space<vmem>>, vector<16xi32>,
      tpu.vector_store %arg5[%swap3A_50, %swap3A_51], %shift_right_arithmetic3A_46 {strides = array<i32>} : memref<125x80xi32, #tpu.memory_space<vmem>>, vector<16xi32>,
      %ne3A_53 = arith.cmpi ne, %shift_right_arithmetic3A_46, %and3A_49 : vector<16xi32>
      %jit3A_54 = arith.constant 10000 : i32
      %broadcast_in_dim3A_55 = vector.broadcast %jit3A_54 : i32 to vector<16xi32>
      %select_n3A_56 = arith.select %ne3A_53, %and3A_49, %broadcast_in_dim3A_55 : vector<16xi1>, vector<16xi32>
      %swap3A_57 = arith.index_cast %add3A_29 : i32 to index
      %swap3A_58 = arith.constant 16 : index
      %swap3A_59 = tpu.vector_load %arg6[%swap3A_57, %swap3A_58] {strides = array<i32>} : memref<125x80xi32, #tpu.memory_space<vmem>>, vector<16xi32>,
      tpu.vector_store %arg6[%swap3A_57, %swap3A_58], %select_n3A_56 {strides = array<i32>} : memref<125x80xi32, #tpu.memory_space<vmem>>, vector<16xi32>,
      %get3A_60 = arith.index_cast %add3A_29 : i32 to index
      %get3A_61 = arith.constant 32 : index
      %get3A_62 = tpu.vector_load %arg5[%get3A_60, %get3A_61] {strides = array<i32>} : memref<125x80xi32, #tpu.memory_space<vmem>>, vector<16xi32>,
      %shift_right_arithmetic3A_63 = arith.constant 14 : i32
      %shift_right_arithmetic3A_64 = vector.broadcast %shift_right_arithmetic3A_63 : i32 to vector<16xi32>
      %shift_right_arithmetic3A_65 = arith.shrsi %get3A_62, %shift_right_arithmetic3A_64 : vector<16xi32>
      %and3A_66 = arith.constant 16383 : i32
      %and3A_67 = vector.broadcast %and3A_66 : i32 to vector<16xi32>
      %and3A_68 = arith.andi %get3A_62, %and3A_67 : vector<16xi32>
      %swap3A_69 = arith.index_cast %add3A_29 : i32 to index
      %swap3A_70 = arith.constant 32 : index
      %swap3A_71 = tpu.vector_load %arg5[%swap3A_69, %swap3A_70] {strides = array<i32>} : memref<125x80xi32, #tpu.memory_space<vmem>>, vector<16xi32>,
      tpu.vector_store %arg5[%swap3A_69, %swap3A_70], %shift_right_arithmetic3A_65 {strides = array<i32>} : memref<125x80xi32, #tpu.memory_space<vmem>>, vector<16xi32>,
      %ne3A_72 = arith.cmpi ne, %shift_right_arithmetic3A_65, %and3A_68 : vector<16xi32>
      %jit3A_73 = arith.constant 10000 : i32
      %broadcast_in_dim3A_74 = vector.broadcast %jit3A_73 : i32 to vector<16xi32>
      %select_n3A_75 = arith.select %ne3A_72, %and3A_68, %broadcast_in_dim3A_74 : vector<16xi1>, vector<16xi32>
      %swap3A_76 = arith.index_cast %add3A_29 : i32 to index
      %swap3A_77 = arith.constant 32 : index
      %swap3A_78 = tpu.vector_load %arg6[%swap3A_76, %swap3A_77] {strides = array<i32>} : memref<125x80xi32, #tpu.memory_space<vmem>>, vector<16xi32>,
      tpu.vector_store %arg6[%swap3A_76, %swap3A_77], %select_n3A_75 {strides = array<i32>} : memref<125x80xi32, #tpu.memory_space<vmem>>, vector<16xi32>,
      %get3A_79 = arith.index_cast %add3A_29 : i32 to index
      %get3A_80 = arith.constant 48 : index
      %get3A_81 = tpu.vector_load %arg5[%get3A_79, %get3A_80] {strides = array<i32>} : memref<125x80xi32, #tpu.memory_space<vmem>>, vector<16xi32>,
      %shift_right_arithmetic3A_82 = arith.constant 14 : i32
      %shift_right_arithmetic3A_83 = vector.broadcast %shift_right_arithmetic3A_82 : i32 to vector<16xi32>
      %shift_right_arithmetic3A_84 = arith.shrsi %get3A_81, %shift_right_arithmetic3A_83 : vector<16xi32>
      %and3A_85 = arith.constant 16383 : i32
      %and3A_86 = vector.broadcast %and3A_85 : i32 to vector<16xi32>
      %and3A_87 = arith.andi %get3A_81, %and3A_86 : vector<16xi32>
      %swap3A_88 = arith.index_cast %add3A_29 : i32 to index
      %swap3A_89 = arith.constant 48 : index
      %swap3A_90 = tpu.vector_load %arg5[%swap3A_88, %swap3A_89] {strides = array<i32>} : memref<125x80xi32, #tpu.memory_space<vmem>>, vector<16xi32>,
      tpu.vector_store %arg5[%swap3A_88, %swap3A_89], %shift_right_arithmetic3A_84 {strides = array<i32>} : memref<125x80xi32, #tpu.memory_space<vmem>>, vector<16xi32>,
      %ne3A_91 = arith.cmpi ne, %shift_right_arithmetic3A_84, %and3A_87 : vector<16xi32>
      %jit3A_92 = arith.constant 10000 : i32
      %broadcast_in_dim3A_93 = vector.broadcast %jit3A_92 : i32 to vector<16xi32>
      %select_n3A_94 = arith.select %ne3A_91, %and3A_87, %broadcast_in_dim3A_93 : vector<16xi1>, vector<16xi32>
      %swap3A_95 = arith.index_cast %add3A_29 : i32 to index
      %swap3A_96 = arith.constant 48 : index
      %swap3A_97 = tpu.vector_load %arg6[%swap3A_95, %swap3A_96] {strides = array<i32>} : memref<125x80xi32, #tpu.memory_space<vmem>>, vector<16xi32>,
      tpu.vector_store %arg6[%swap3A_95, %swap3A_96], %select_n3A_94 {strides = array<i32>} : memref<125x80xi32, #tpu.memory_space<vmem>>, vector<16xi32>,
      %get3A_98 = arith.index_cast %add3A_29 : i32 to index
      %get3A_99 = arith.constant 64 : index
      %get3A_100 = tpu.vector_load %arg5[%get3A_98, %get3A_99] {strides = array<i32>} : memref<125x80xi32, #tpu.memory_space<vmem>>, vector<16xi32>,
      %shift_right_arithmetic3A_101 = arith.constant 14 : i32
      %shift_right_arithmetic3A_102 = vector.broadcast %shift_right_arithmetic3A_101 : i32 to vector<16xi32>
      %shift_right_arithmetic3A_103 = arith.shrsi %get3A_100, %shift_right_arithmetic3A_102 : vector<16xi32>
      %and3A_104 = arith.constant 16383 : i32
      %and3A_105 = vector.broadcast %and3A_104 : i32 to vector<16xi32>
      %and3A_106 = arith.andi %get3A_100, %and3A_105 : vector<16xi32>
      %swap3A_107 = arith.index_cast %add3A_29 : i32 to index
      %swap3A_108 = arith.constant 64 : index
      %swap3A_109 = tpu.vector_load %arg5[%swap3A_107, %swap3A_108] {strides = array<i32>} : memref<125x80xi32, #tpu.memory_space<vmem>>, vector<16xi32>,
      tpu.vector_store %arg5[%swap3A_107, %swap3A_108], %shift_right_arithmetic3A_103 {strides = array<i32>} : memref<125x80xi32, #tpu.memory_space<vmem>>, vector<16xi32>,
      %ne3A_110 = arith.cmpi ne, %shift_right_arithmetic3A_103, %and3A_106 : vector<16xi32>
      %jit3A_111 = arith.constant 10000 : i32
      %broadcast_in_dim3A_112 = vector.broadcast %jit3A_111 : i32 to vector<16xi32>
      %select_n3A_113 = arith.select %ne3A_110, %and3A_106, %broadcast_in_dim3A_112 : vector<16xi1>, vector<16xi32>
      %swap3A_114 = arith.index_cast %add3A_29 : i32 to index
      %swap3A_115 = arith.constant 64 : index
      %swap3A_116 = tpu.vector_load %arg6[%swap3A_114, %swap3A_115] {strides = array<i32>} : memref<125x80xi32, #tpu.memory_space<vmem>>, vector<16xi32>,
      tpu.vector_store %arg6[%swap3A_114, %swap3A_115], %select_n3A_113 {strides = array<i32>} : memref<125x80xi32, #tpu.memory_space<vmem>>, vector<16xi32>,
    }
    %scan3A_14 = arith.constant 125 : i32
    %barrier3A = arith.constant 0 : index
    tpu.barrier barrier_id(%barrier3A)
    %scan3A_15 = arith.constant 0 : i32
    %scan3A_16 = arith.constant 125 : i32
    %scan3A_17 = arith.addi %scan3A_15, %scan3A_16 : i32
    %scan3A_18 = arith.constant 1 : i32
    scf.for %scan3A_25 = %scan3A_15 to %scan3A_17 step %scan3A_18  : i32 {
      %mul3A_26 = arith.constant 1 : i32
      %mul3A_27 = arith.muli %scan3A_25, %mul3A_26 : i32
      %add3A_28 = arith.constant 0 : i32
      %add3A_29 = arith.addi %add3A_28, %mul3A_27 : i32
      %dma_start3A = arith.constant 0 : i32
      %dma_start3A_30 = tpu.memref_slice %arg5[%add3A_29, %dma_start3A] : memref<125x80xi32, #tpu.memory_space<vmem>> -> memref<1x80xi32, #tpu.memory_space<vmem>>
      %dma_start3A_31 = tpu.memref_squeeze %dma_start3A_30 : memref<1x80xi32, #tpu.memory_space<vmem>> -> memref<80xi32, #tpu.memory_space<vmem>>
      %dma_start3A_32 = arith.constant 0 : i32
      %dma_start3A_33 = arith.constant 0 : i32
      %dma_start3A_34 = tpu.memref_slice %arg3[%dma_start3A_32, %dma_start3A_33] : memref<10240x128xf32, #tpu.memory_space<hbm>> -> memref<10240x128xf32, #tpu.memory_space<hbm>>
      tpu.enqueue_indirect_dma source(%dma_start3A_34 : memref<10240x128xf32, #tpu.memory_space<hbm>>) target(%arg7 : memref<80x128xf32, #tpu.memory_space<vmem>>) offsets(%dma_start3A_31 : memref<80xi32, #tpu.memory_space<vmem>>) semaphore(%arg10 : memref<!tpu.dma_semaphore, #tpu.memory_space<semaphore_mem>>)
      %dma_wait3A = arith.constant 0 : i32
      %dma_wait3A_35 = tpu.memref_slice %arg5[%add3A_29, %dma_wait3A] : memref<125x80xi32, #tpu.memory_space<vmem>> -> memref<1x80xi32, #tpu.memory_space<vmem>>
      %dma_wait3A_36 = tpu.memref_squeeze %dma_wait3A_35 : memref<1x80xi32, #tpu.memory_space<vmem>> -> memref<80xi32, #tpu.memory_space<vmem>>
      %dma_wait3A_37 = arith.constant 0 : i32
      %dma_wait3A_38 = arith.constant 0 : i32
      %dma_wait3A_39 = tpu.memref_slice %arg3[%dma_wait3A_37, %dma_wait3A_38] : memref<10240x128xf32, #tpu.memory_space<hbm>> -> memref<10240x128xf32, #tpu.memory_space<hbm>>
      tpu.wait_indirect_dma semaphore(%arg10 : memref<!tpu.dma_semaphore, #tpu.memory_space<semaphore_mem>>) src(%dma_wait3A_39 : memref<10240x128xf32, #tpu.memory_space<hbm>>) dst(%arg7 : memref<80x128xf32, #tpu.memory_space<vmem>>)
      "tpu.region"() ({
        %run_scoped3A = tpu.sem_alloc : memref<!tpu.dma_semaphore, #tpu.memory_space<semaphore_mem>>
        %dma_start3A_40 = arith.constant 0 : i32
        %dma_start3A_41 = tpu.memref_slice %arg6[%add3A_29, %dma_start3A_40] : memref<125x80xi32, #tpu.memory_space<vmem>> -> memref<1x80xi32, #tpu.memory_space<vmem>>
        %dma_start3A_42 = tpu.memref_squeeze %dma_start3A_41 : memref<1x80xi32, #tpu.memory_space<vmem>> -> memref<80xi32, #tpu.memory_space<vmem>>
        %dma_start3A_43 = arith.constant 0 : i32
        %dma_start3A_44 = arith.constant 0 : i32
        %dma_start3A_45 = tpu.memref_slice %arg9[%dma_start3A_43, %dma_start3A_44] : memref<10240x128xf32, #tpu.memory_space<vmem_shared>> -> memref<10240x128xf32, #tpu.memory_space<vmem_shared>>
        tpu.enqueue_indirect_dma source(%arg7 : memref<80x128xf32, #tpu.memory_space<vmem>>) target(%dma_start3A_45 : memref<10240x128xf32, #tpu.memory_space<vmem_shared>>) offsets(%dma_start3A_42 : memref<80xi32, #tpu.memory_space<vmem>>) semaphore(%run_scoped3A : memref<!tpu.dma_semaphore, #tpu.memory_space<semaphore_mem>>) {add = true}
        %dma_wait3A_46 = arith.constant 0 : i32
        %dma_wait3A_47 = tpu.memref_slice %arg6[%add3A_29, %dma_wait3A_46] : memref<125x80xi32, #tpu.memory_space<vmem>> -> memref<1x80xi32, #tpu.memory_space<vmem>>
        %dma_wait3A_48 = tpu.memref_squeeze %dma_wait3A_47 : memref<1x80xi32, #tpu.memory_space<vmem>> -> memref<80xi32, #tpu.memory_space<vmem>>
        %dma_wait3A_49 = arith.constant 0 : i32
        %dma_wait3A_50 = arith.constant 0 : i32
        %dma_wait3A_51 = tpu.memref_slice %arg9[%dma_wait3A_49, %dma_wait3A_50] : memref<10240x128xf32, #tpu.memory_space<vmem_shared>> -> memref<10240x128xf32, #tpu.memory_space<vmem_shared>>
        tpu.wait_indirect_dma semaphore(%run_scoped3A : memref<!tpu.dma_semaphore, #tpu.memory_space<semaphore_mem>>) src(%arg7 : memref<80x128xf32, #tpu.memory_space<vmem>>) dst(%dma_wait3A_51 : memref<10240x128xf32, #tpu.memory_space<vmem_shared>>)
        tpu.yield
      }) : () -> ()
    }
    %scan3A_19 = arith.constant 125 : i32
    %barrier3A_20 = arith.constant 0 : index
    tpu.barrier barrier_id(%barrier3A_20)
    %mul3A_21 = arith.constant 640 : i32
    %mul3A_22 = arith.muli %arg1, %mul3A_21 : i32
    %mul3A_23 = arith.constant 640 : i32
    %mul3A_24 = arith.muli %arg1, %mul3A_23 : i32
    "tpu.region"() ({
      %run_scoped3A = tpu.sem_alloc : memref<!tpu.dma_semaphore, #tpu.memory_space<semaphore_mem>>
      %dma_start3A = arith.constant 0 : i32
      %dma_start3A_25 = tpu.memref_slice %arg4[%arg0, %mul3A_24, %dma_start3A] : memref<2x10240x128xf32, #tpu.memory_space<hbm>> -> memref<1x640x128xf32, #tpu.memory_space<hbm>>
      %dma_start3A_26 = tpu.memref_squeeze %dma_start3A_25 : memref<1x640x128xf32, #tpu.memory_space<hbm>> -> memref<640x128xf32, #tpu.memory_space<hbm>>
      %dma_start3A_27 = arith.constant 0 : i32
      %dma_start3A_28 = tpu.memref_slice %arg9[%mul3A_22, %dma_start3A_27] : memref<10240x128xf32, #tpu.memory_space<vmem_shared>> -> memref<640x128xf32, #tpu.memory_space<vmem_shared>>
      tpu.enqueue_dma source(%dma_start3A_28 : memref<640x128xf32, #tpu.memory_space<vmem_shared>>) target(%dma_start3A_26 : memref<640x128xf32, #tpu.memory_space<hbm>>) target_semaphore(%run_scoped3A : memref<!tpu.dma_semaphore, #tpu.memory_space<semaphore_mem>>)
      %dma_wait3A = arith.constant 0 : i32
      %dma_wait3A_29 = tpu.memref_slice %arg4[%arg0, %mul3A_24, %dma_wait3A] : memref<2x10240x128xf32, #tpu.memory_space<hbm>> -> memref<1x640x128xf32, #tpu.memory_space<hbm>>
      %dma_wait3A_30 = tpu.memref_squeeze %dma_wait3A_29 : memref<1x640x128xf32, #tpu.memory_space<hbm>> -> memref<640x128xf32, #tpu.memory_space<hbm>>
      %dma_wait3A_31 = arith.constant 0 : i32
      %dma_wait3A_32 = tpu.memref_slice %arg9[%mul3A_22, %dma_wait3A_31] : memref<10240x128xf32, #tpu.memory_space<vmem_shared>> -> memref<640x128xf32, #tpu.memory_space<vmem_shared>>
      tpu.wait_dma2 semaphore(%run_scoped3A : memref<!tpu.dma_semaphore, #tpu.memory_space<semaphore_mem>>) src(%dma_wait3A_32 : memref<640x128xf32, #tpu.memory_space<vmem_shared>>) dst(%dma_wait3A_30 : memref<640x128xf32, #tpu.memory_space<hbm>>)
      tpu.yield
    }) : () -> ()
    return
  }
}

#map = affine_map<(d0, d1) -> (0, 0, 0)>
#map1 = affine_map<(d0, d1) -> (0, 0)>
module attributes {stable_mosaic.version = 14 : i64} {
  func.func @_lhat(%arg0: i32, %arg1: i32, %arg2: memref<32x125x80xi32, #tpu.memory_space<hbm>>, %arg3: memref<10240x128xf32, #tpu.memory_space<hbm>>, %arg4: memref<2x10240x128xf32, #tpu.memory_space<hbm>>, %arg5: memref<125x80xi32, #tpu.memory_space<vmem>>, %arg6: memref<125x80xi32, #tpu.memory_space<vmem>>, %arg7: memref<80x128xf32, #tpu.memory_space<vmem>>, %arg8: memref<32x128xf32, #tpu.memory_space<vmem>>, %arg9: memref<10240x128xf32, #tpu.memory_space<vmem_shared>>, %arg10: memref<!tpu.dma_semaphore, #tpu.memory_space<semaphore_mem>>) attributes {dimension_semantics = [#tpu.dimension_semantics<core_parallel>, #tpu.dimension_semantics<subcore_parallel>], iteration_bounds = array<i64: 2, 16>, scalar_prefetch = 0 : i64, scratch_operands = 6 : i64, tpu.core_type = #tpu.core_type<sc_vector_subcore>, window_params = [{transform_indices = #map}, {transform_indices = #map1}, {transform_indices = #map}]} {
    %mul3A = arith.constant 2 : i32
    %mul3A_0 = arith.muli %arg1, %mul3A : i32
    %add3A = arith.addi %mul3A_0, %arg0 : i32
    "tpu.region"() ({
      %run_scoped3A = tpu.sem_alloc : memref<!tpu.dma_semaphore, #tpu.memory_space<semaphore_mem>>
      %dma_start3A = arith.constant 0 : i32
      %dma_start3A_25 = arith.constant 0 : i32
      %dma_start3A_26 = tpu.memref_slice %arg2[%add3A, %dma_start3A, %dma_start3A_25] : memref<32x125x80xi32, #tpu.memory_space<hbm>> -> memref<1x125x80xi32, #tpu.memory_space<hbm>>
      %dma_start3A_27 = tpu.memref_squeeze %dma_start3A_26 : memref<1x125x80xi32, #tpu.memory_space<hbm>> -> memref<125x80xi32, #tpu.memory_space<hbm>>
      %dma_start3A_28 = arith.constant 0 : i32
      %dma_start3A_29 = arith.constant 0 : i32
      %dma_start3A_30 = tpu.memref_slice %arg2[%add3A, %dma_start3A_28, %dma_start3A_29] : memref<32x125x80xi32, #tpu.memory_space<hbm>> -> memref<1x125x80xi32, #tpu.memory_space<hbm>>
      %dma_start3A_31 = tpu.memref_squeeze %dma_start3A_30 : memref<1x125x80xi32, #tpu.memory_space<hbm>> -> memref<125x80xi32, #tpu.memory_space<hbm>>
      tpu.enqueue_dma source(%dma_start3A_31 : memref<125x80xi32, #tpu.memory_space<hbm>>) target(%arg5 : memref<125x80xi32, #tpu.memory_space<vmem>>) target_semaphore(%run_scoped3A : memref<!tpu.dma_semaphore, #tpu.memory_space<semaphore_mem>>)
      %dma_wait3A = arith.constant 0 : i32
      %dma_wait3A_32 = arith.constant 0 : i32
      %dma_wait3A_33 = tpu.memref_slice %arg2[%add3A, %dma_wait3A, %dma_wait3A_32] : memref<32x125x80xi32, #tpu.memory_space<hbm>> -> memref<1x125x80xi32, #tpu.memory_space<hbm>>
      %dma_wait3A_34 = tpu.memref_squeeze %dma_wait3A_33 : memref<1x125x80xi32, #tpu.memory_space<hbm>> -> memref<125x80xi32, #tpu.memory_space<hbm>>
      %dma_wait3A_35 = arith.constant 0 : i32
      %dma_wait3A_36 = arith.constant 0 : i32
      %dma_wait3A_37 = tpu.memref_slice %arg2[%add3A, %dma_wait3A_35, %dma_wait3A_36] : memref<32x125x80xi32, #tpu.memory_space<hbm>> -> memref<1x125x80xi32, #tpu.memory_space<hbm>>
      %dma_wait3A_38 = tpu.memref_squeeze %dma_wait3A_37 : memref<1x125x80xi32, #tpu.memory_space<hbm>> -> memref<125x80xi32, #tpu.memory_space<hbm>>
      tpu.wait_dma2 semaphore(%run_scoped3A : memref<!tpu.dma_semaphore, #tpu.memory_space<semaphore_mem>>) src(%dma_wait3A_38 : memref<125x80xi32, #tpu.memory_space<hbm>>) dst(%arg5 : memref<125x80xi32, #tpu.memory_space<vmem>>)
      tpu.yield
    }) : () -> ()
    %scan3A = arith.constant 0 : i32
    %scan3A_1 = arith.constant 32 : i32
    %scan3A_2 = arith.addi %scan3A, %scan3A_1 : i32
    %scan3A_3 = arith.constant 1 : i32
    scf.for %scan3A_25 = %scan3A to %scan3A_2 step %scan3A_3  : i32 {
      %mul3A_26 = arith.constant 1 : i32
      %mul3A_27 = arith.muli %scan3A_25, %mul3A_26 : i32
      %add3A_28 = arith.constant 0 : i32
      %add3A_29 = arith.addi %add3A_28, %mul3A_27 : i32
      %broadcast_in_dim3A = arith.constant 0.000000e+00 : f32
      %broadcast_in_dim3A_30 = vector.broadcast %broadcast_in_dim3A : f32 to vector<16xf32>
      %swap3A = arith.index_cast %add3A_29 : i32 to index
      %swap3A_31 = arith.constant 0 : index
      %swap3A_32 = tpu.vector_load %arg8[%swap3A, %swap3A_31] {strides = array<i32>} : memref<32x128xf32, #tpu.memory_space<vmem>>, vector<16xf32>,
      tpu.vector_store %arg8[%swap3A, %swap3A_31], %broadcast_in_dim3A_30 {strides = array<i32>} : memref<32x128xf32, #tpu.memory_space<vmem>>, vector<16xf32>,
      %broadcast_in_dim3A_33 = arith.constant 0.000000e+00 : f32
      %broadcast_in_dim3A_34 = vector.broadcast %broadcast_in_dim3A_33 : f32 to vector<16xf32>
      %swap3A_35 = arith.index_cast %add3A_29 : i32 to index
      %swap3A_36 = arith.constant 16 : index
      %swap3A_37 = tpu.vector_load %arg8[%swap3A_35, %swap3A_36] {strides = array<i32>} : memref<32x128xf32, #tpu.memory_space<vmem>>, vector<16xf32>,
      tpu.vector_store %arg8[%swap3A_35, %swap3A_36], %broadcast_in_dim3A_34 {strides = array<i32>} : memref<32x128xf32, #tpu.memory_space<vmem>>, vector<16xf32>,
      %broadcast_in_dim3A_38 = arith.constant 0.000000e+00 : f32
      %broadcast_in_dim3A_39 = vector.broadcast %broadcast_in_dim3A_38 : f32 to vector<16xf32>
      %swap3A_40 = arith.index_cast %add3A_29 : i32 to index
      %swap3A_41 = arith.constant 32 : index
      %swap3A_42 = tpu.vector_load %arg8[%swap3A_40, %swap3A_41] {strides = array<i32>} : memref<32x128xf32, #tpu.memory_space<vmem>>, vector<16xf32>,
      tpu.vector_store %arg8[%swap3A_40, %swap3A_41], %broadcast_in_dim3A_39 {strides = array<i32>} : memref<32x128xf32, #tpu.memory_space<vmem>>, vector<16xf32>,
      %broadcast_in_dim3A_43 = arith.constant 0.000000e+00 : f32
      %broadcast_in_dim3A_44 = vector.broadcast %broadcast_in_dim3A_43 : f32 to vector<16xf32>
      %swap3A_45 = arith.index_cast %add3A_29 : i32 to index
      %swap3A_46 = arith.constant 48 : index
      %swap3A_47 = tpu.vector_load %arg8[%swap3A_45, %swap3A_46] {strides = array<i32>} : memref<32x128xf32, #tpu.memory_space<vmem>>, vector<16xf32>,
      tpu.vector_store %arg8[%swap3A_45, %swap3A_46], %broadcast_in_dim3A_44 {strides = array<i32>} : memref<32x128xf32, #tpu.memory_space<vmem>>, vector<16xf32>,
      %broadcast_in_dim3A_48 = arith.constant 0.000000e+00 : f32
      %broadcast_in_dim3A_49 = vector.broadcast %broadcast_in_dim3A_48 : f32 to vector<16xf32>
      %swap3A_50 = arith.index_cast %add3A_29 : i32 to index
      %swap3A_51 = arith.constant 64 : index
      %swap3A_52 = tpu.vector_load %arg8[%swap3A_50, %swap3A_51] {strides = array<i32>} : memref<32x128xf32, #tpu.memory_space<vmem>>, vector<16xf32>,
      tpu.vector_store %arg8[%swap3A_50, %swap3A_51], %broadcast_in_dim3A_49 {strides = array<i32>} : memref<32x128xf32, #tpu.memory_space<vmem>>, vector<16xf32>,
      %broadcast_in_dim3A_53 = arith.constant 0.000000e+00 : f32
      %broadcast_in_dim3A_54 = vector.broadcast %broadcast_in_dim3A_53 : f32 to vector<16xf32>
      %swap3A_55 = arith.index_cast %add3A_29 : i32 to index
      %swap3A_56 = arith.constant 80 : index
      %swap3A_57 = tpu.vector_load %arg8[%swap3A_55, %swap3A_56] {strides = array<i32>} : memref<32x128xf32, #tpu.memory_space<vmem>>, vector<16xf32>,
      tpu.vector_store %arg8[%swap3A_55, %swap3A_56], %broadcast_in_dim3A_54 {strides = array<i32>} : memref<32x128xf32, #tpu.memory_space<vmem>>, vector<16xf32>,
      %broadcast_in_dim3A_58 = arith.constant 0.000000e+00 : f32
      %broadcast_in_dim3A_59 = vector.broadcast %broadcast_in_dim3A_58 : f32 to vector<16xf32>
      %swap3A_60 = arith.index_cast %add3A_29 : i32 to index
      %swap3A_61 = arith.constant 96 : index
      %swap3A_62 = tpu.vector_load %arg8[%swap3A_60, %swap3A_61] {strides = array<i32>} : memref<32x128xf32, #tpu.memory_space<vmem>>, vector<16xf32>,
      tpu.vector_store %arg8[%swap3A_60, %swap3A_61], %broadcast_in_dim3A_59 {strides = array<i32>} : memref<32x128xf32, #tpu.memory_space<vmem>>, vector<16xf32>,
      %broadcast_in_dim3A_63 = arith.constant 0.000000e+00 : f32
      %broadcast_in_dim3A_64 = vector.broadcast %broadcast_in_dim3A_63 : f32 to vector<16xf32>
      %swap3A_65 = arith.index_cast %add3A_29 : i32 to index
      %swap3A_66 = arith.constant 112 : index
      %swap3A_67 = tpu.vector_load %arg8[%swap3A_65, %swap3A_66] {strides = array<i32>} : memref<32x128xf32, #tpu.memory_space<vmem>>, vector<16xf32>,
      tpu.vector_store %arg8[%swap3A_65, %swap3A_66], %broadcast_in_dim3A_64 {strides = array<i32>} : memref<32x128xf32, #tpu.memory_space<vmem>>, vector<16xf32>,
    }
    %scan3A_4 = arith.constant 32 : i32
    %scan3A_5 = arith.constant 0 : i32
    %scan3A_6 = arith.constant 20 : i32
    %scan3A_7 = arith.addi %scan3A_5, %scan3A_6 : i32
    %scan3A_8 = arith.constant 1 : i32
    scf.for %scan3A_25 = %scan3A_5 to %scan3A_7 step %scan3A_8  : i32 {
      %mul3A_26 = arith.constant 1 : i32
      %mul3A_27 = arith.muli %scan3A_25, %mul3A_26 : i32
      %add3A_28 = arith.constant 0 : i32
      %add3A_29 = arith.addi %add3A_28, %mul3A_27 : i32
      %mul3A_30 = arith.constant 640 : i32
      %mul3A_31 = arith.muli %arg1, %mul3A_30 : i32
      %mul3A_32 = arith.constant 32 : i32
      %mul3A_33 = arith.muli %add3A_29, %mul3A_32 : i32
      %add3A_34 = arith.addi %mul3A_31, %mul3A_33 : i32
      "tpu.region"() ({
        %run_scoped3A = tpu.sem_alloc : memref<!tpu.dma_semaphore, #tpu.memory_space<semaphore_mem>>
        %dma_start3A = arith.constant 0 : i32
        %dma_start3A_35 = tpu.memref_slice %arg9[%add3A_34, %dma_start3A] : memref<10240x128xf32, #tpu.memory_space<vmem_shared>> -> memref<32x128xf32, #tpu.memory_space<vmem_shared>>
        %dma_start3A_36 = arith.constant 0 : i32
        %dma_start3A_37 = tpu.memref_slice %arg9[%add3A_34, %dma_start3A_36] : memref<10240x128xf32, #tpu.memory_space<vmem_shared>> -> memref<32x128xf32, #tpu.memory_space<vmem_shared>>
        tpu.enqueue_dma source(%arg8 : memref<32x128xf32, #tpu.memory_space<vmem>>) target(%dma_start3A_37 : memref<32x128xf32, #tpu.memory_space<vmem_shared>>) target_semaphore(%run_scoped3A : memref<!tpu.dma_semaphore, #tpu.memory_space<semaphore_mem>>)
        %dma_wait3A = arith.constant 0 : i32
        %dma_wait3A_38 = tpu.memref_slice %arg9[%add3A_34, %dma_wait3A] : memref<10240x128xf32, #tpu.memory_space<vmem_shared>> -> memref<32x128xf32, #tpu.memory_space<vmem_shared>>
        %dma_wait3A_39 = arith.constant 0 : i32
        %dma_wait3A_40 = tpu.memref_slice %arg9[%add3A_34, %dma_wait3A_39] : memref<10240x128xf32, #tpu.memory_space<vmem_shared>> -> memref<32x128xf32, #tpu.memory_space<vmem_shared>>
        tpu.wait_dma2 semaphore(%run_scoped3A : memref<!tpu.dma_semaphore, #tpu.memory_space<semaphore_mem>>) src(%arg8 : memref<32x128xf32, #tpu.memory_space<vmem>>) dst(%dma_wait3A_40 : memref<32x128xf32, #tpu.memory_space<vmem_shared>>)
        tpu.yield
      }) : () -> ()
    }
    %scan3A_9 = arith.constant 20 : i32
    %scan3A_10 = arith.constant 0 : i32
    %scan3A_11 = arith.constant 125 : i32
    %scan3A_12 = arith.addi %scan3A_10, %scan3A_11 : i32
    %scan3A_13 = arith.constant 1 : i32
    scf.for %scan3A_25 = %scan3A_10 to %scan3A_12 step %scan3A_13  : i32 {
      %mul3A_26 = arith.constant 1 : i32
      %mul3A_27 = arith.muli %scan3A_25, %mul3A_26 : i32
      %add3A_28 = arith.constant 0 : i32
      %add3A_29 = arith.addi %add3A_28, %mul3A_27 : i32
      %get3A = arith.index_cast %add3A_29 : i32 to index
      %get3A_30 = arith.constant 0 : index
      %get3A_31 = tpu.vector_load %arg5[%get3A, %get3A_30] {strides = array<i32>} : memref<125x80xi32, #tpu.memory_space<vmem>>, vector<16xi32>,
      %shift_right_arithmetic3A = arith.constant 14 : i32
      %shift_right_arithmetic3A_32 = vector.broadcast %shift_right_arithmetic3A : i32 to vector<16xi32>
      %shift_right_arithmetic3A_33 = arith.shrsi %get3A_31, %shift_right_arithmetic3A_32 : vector<16xi32>
      %and3A = arith.constant 16383 : i32
      %and3A_34 = vector.broadcast %and3A : i32 to vector<16xi32>
      %and3A_35 = arith.andi %get3A_31, %and3A_34 : vector<16xi32>
      %swap3A = arith.index_cast %add3A_29 : i32 to index
      %swap3A_36 = arith.constant 0 : index
      %swap3A_37 = tpu.vector_load %arg5[%swap3A, %swap3A_36] {strides = array<i32>} : memref<125x80xi32, #tpu.memory_space<vmem>>, vector<16xi32>,
      tpu.vector_store %arg5[%swap3A, %swap3A_36], %shift_right_arithmetic3A_33 {strides = array<i32>} : memref<125x80xi32, #tpu.memory_space<vmem>>, vector<16xi32>,
      %ne3A = arith.cmpi ne, %shift_right_arithmetic3A_33, %and3A_35 : vector<16xi32>
      %jit3A = arith.constant 10000 : i32
      %broadcast_in_dim3A = vector.broadcast %jit3A : i32 to vector<16xi32>
      %select_n3A = arith.select %ne3A, %and3A_35, %broadcast_in_dim3A : vector<16xi1>, vector<16xi32>
      %swap3A_38 = arith.index_cast %add3A_29 : i32 to index
      %swap3A_39 = arith.constant 0 : index
      %swap3A_40 = tpu.vector_load %arg6[%swap3A_38, %swap3A_39] {strides = array<i32>} : memref<125x80xi32, #tpu.memory_space<vmem>>, vector<16xi32>,
      tpu.vector_store %arg6[%swap3A_38, %swap3A_39], %select_n3A {strides = array<i32>} : memref<125x80xi32, #tpu.memory_space<vmem>>, vector<16xi32>,
      %get3A_41 = arith.index_cast %add3A_29 : i32 to index
      %get3A_42 = arith.constant 16 : index
      %get3A_43 = tpu.vector_load %arg5[%get3A_41, %get3A_42] {strides = array<i32>} : memref<125x80xi32, #tpu.memory_space<vmem>>, vector<16xi32>,
      %shift_right_arithmetic3A_44 = arith.constant 14 : i32
      %shift_right_arithmetic3A_45 = vector.broadcast %shift_right_arithmetic3A_44 : i32 to vector<16xi32>
      %shift_right_arithmetic3A_46 = arith.shrsi %get3A_43, %shift_right_arithmetic3A_45 : vector<16xi32>
      %and3A_47 = arith.constant 16383 : i32
      %and3A_48 = vector.broadcast %and3A_47 : i32 to vector<16xi32>
      %and3A_49 = arith.andi %get3A_43, %and3A_48 : vector<16xi32>
      %swap3A_50 = arith.index_cast %add3A_29 : i32 to index
      %swap3A_51 = arith.constant 16 : index
      %swap3A_52 = tpu.vector_load %arg5[%swap3A_50, %swap3A_51] {strides = array<i32>} : memref<125x80xi32, #tpu.memory_space<vmem>>, vector<16xi32>,
      tpu.vector_store %arg5[%swap3A_50, %swap3A_51], %shift_right_arithmetic3A_46 {strides = array<i32>} : memref<125x80xi32, #tpu.memory_space<vmem>>, vector<16xi32>,
      %ne3A_53 = arith.cmpi ne, %shift_right_arithmetic3A_46, %and3A_49 : vector<16xi32>
      %jit3A_54 = arith.constant 10000 : i32
      %broadcast_in_dim3A_55 = vector.broadcast %jit3A_54 : i32 to vector<16xi32>
      %select_n3A_56 = arith.select %ne3A_53, %and3A_49, %broadcast_in_dim3A_55 : vector<16xi1>, vector<16xi32>
      %swap3A_57 = arith.index_cast %add3A_29 : i32 to index
      %swap3A_58 = arith.constant 16 : index
      %swap3A_59 = tpu.vector_load %arg6[%swap3A_57, %swap3A_58] {strides = array<i32>} : memref<125x80xi32, #tpu.memory_space<vmem>>, vector<16xi32>,
      tpu.vector_store %arg6[%swap3A_57, %swap3A_58], %select_n3A_56 {strides = array<i32>} : memref<125x80xi32, #tpu.memory_space<vmem>>, vector<16xi32>,
      %get3A_60 = arith.index_cast %add3A_29 : i32 to index
      %get3A_61 = arith.constant 32 : index
      %get3A_62 = tpu.vector_load %arg5[%get3A_60, %get3A_61] {strides = array<i32>} : memref<125x80xi32, #tpu.memory_space<vmem>>, vector<16xi32>,
      %shift_right_arithmetic3A_63 = arith.constant 14 : i32
      %shift_right_arithmetic3A_64 = vector.broadcast %shift_right_arithmetic3A_63 : i32 to vector<16xi32>
      %shift_right_arithmetic3A_65 = arith.shrsi %get3A_62, %shift_right_arithmetic3A_64 : vector<16xi32>
      %and3A_66 = arith.constant 16383 : i32
      %and3A_67 = vector.broadcast %and3A_66 : i32 to vector<16xi32>
      %and3A_68 = arith.andi %get3A_62, %and3A_67 : vector<16xi32>
      %swap3A_69 = arith.index_cast %add3A_29 : i32 to index
      %swap3A_70 = arith.constant 32 : index
      %swap3A_71 = tpu.vector_load %arg5[%swap3A_69, %swap3A_70] {strides = array<i32>} : memref<125x80xi32, #tpu.memory_space<vmem>>, vector<16xi32>,
      tpu.vector_store %arg5[%swap3A_69, %swap3A_70], %shift_right_arithmetic3A_65 {strides = array<i32>} : memref<125x80xi32, #tpu.memory_space<vmem>>, vector<16xi32>,
      %ne3A_72 = arith.cmpi ne, %shift_right_arithmetic3A_65, %and3A_68 : vector<16xi32>
      %jit3A_73 = arith.constant 10000 : i32
      %broadcast_in_dim3A_74 = vector.broadcast %jit3A_73 : i32 to vector<16xi32>
      %select_n3A_75 = arith.select %ne3A_72, %and3A_68, %broadcast_in_dim3A_74 : vector<16xi1>, vector<16xi32>
      %swap3A_76 = arith.index_cast %add3A_29 : i32 to index
      %swap3A_77 = arith.constant 32 : index
      %swap3A_78 = tpu.vector_load %arg6[%swap3A_76, %swap3A_77] {strides = array<i32>} : memref<125x80xi32, #tpu.memory_space<vmem>>, vector<16xi32>,
      tpu.vector_store %arg6[%swap3A_76, %swap3A_77], %select_n3A_75 {strides = array<i32>} : memref<125x80xi32, #tpu.memory_space<vmem>>, vector<16xi32>,
      %get3A_79 = arith.index_cast %add3A_29 : i32 to index
      %get3A_80 = arith.constant 48 : index
      %get3A_81 = tpu.vector_load %arg5[%get3A_79, %get3A_80] {strides = array<i32>} : memref<125x80xi32, #tpu.memory_space<vmem>>, vector<16xi32>,
      %shift_right_arithmetic3A_82 = arith.constant 14 : i32
      %shift_right_arithmetic3A_83 = vector.broadcast %shift_right_arithmetic3A_82 : i32 to vector<16xi32>
      %shift_right_arithmetic3A_84 = arith.shrsi %get3A_81, %shift_right_arithmetic3A_83 : vector<16xi32>
      %and3A_85 = arith.constant 16383 : i32
      %and3A_86 = vector.broadcast %and3A_85 : i32 to vector<16xi32>
      %and3A_87 = arith.andi %get3A_81, %and3A_86 : vector<16xi32>
      %swap3A_88 = arith.index_cast %add3A_29 : i32 to index
      %swap3A_89 = arith.constant 48 : index
      %swap3A_90 = tpu.vector_load %arg5[%swap3A_88, %swap3A_89] {strides = array<i32>} : memref<125x80xi32, #tpu.memory_space<vmem>>, vector<16xi32>,
      tpu.vector_store %arg5[%swap3A_88, %swap3A_89], %shift_right_arithmetic3A_84 {strides = array<i32>} : memref<125x80xi32, #tpu.memory_space<vmem>>, vector<16xi32>,
      %ne3A_91 = arith.cmpi ne, %shift_right_arithmetic3A_84, %and3A_87 : vector<16xi32>
      %jit3A_92 = arith.constant 10000 : i32
      %broadcast_in_dim3A_93 = vector.broadcast %jit3A_92 : i32 to vector<16xi32>
      %select_n3A_94 = arith.select %ne3A_91, %and3A_87, %broadcast_in_dim3A_93 : vector<16xi1>, vector<16xi32>
      %swap3A_95 = arith.index_cast %add3A_29 : i32 to index
      %swap3A_96 = arith.constant 48 : index
      %swap3A_97 = tpu.vector_load %arg6[%swap3A_95, %swap3A_96] {strides = array<i32>} : memref<125x80xi32, #tpu.memory_space<vmem>>, vector<16xi32>,
      tpu.vector_store %arg6[%swap3A_95, %swap3A_96], %select_n3A_94 {strides = array<i32>} : memref<125x80xi32, #tpu.memory_space<vmem>>, vector<16xi32>,
      %get3A_98 = arith.index_cast %add3A_29 : i32 to index
      %get3A_99 = arith.constant 64 : index
      %get3A_100 = tpu.vector_load %arg5[%get3A_98, %get3A_99] {strides = array<i32>} : memref<125x80xi32, #tpu.memory_space<vmem>>, vector<16xi32>,
      %shift_right_arithmetic3A_101 = arith.constant 14 : i32
      %shift_right_arithmetic3A_102 = vector.broadcast %shift_right_arithmetic3A_101 : i32 to vector<16xi32>
      %shift_right_arithmetic3A_103 = arith.shrsi %get3A_100, %shift_right_arithmetic3A_102 : vector<16xi32>
      %and3A_104 = arith.constant 16383 : i32
      %and3A_105 = vector.broadcast %and3A_104 : i32 to vector<16xi32>
      %and3A_106 = arith.andi %get3A_100, %and3A_105 : vector<16xi32>
      %swap3A_107 = arith.index_cast %add3A_29 : i32 to index
      %swap3A_108 = arith.constant 64 : index
      %swap3A_109 = tpu.vector_load %arg5[%swap3A_107, %swap3A_108] {strides = array<i32>} : memref<125x80xi32, #tpu.memory_space<vmem>>, vector<16xi32>,
      tpu.vector_store %arg5[%swap3A_107, %swap3A_108], %shift_right_arithmetic3A_103 {strides = array<i32>} : memref<125x80xi32, #tpu.memory_space<vmem>>, vector<16xi32>,
      %ne3A_110 = arith.cmpi ne, %shift_right_arithmetic3A_103, %and3A_106 : vector<16xi32>
      %jit3A_111 = arith.constant 10000 : i32
      %broadcast_in_dim3A_112 = vector.broadcast %jit3A_111 : i32 to vector<16xi32>
      %select_n3A_113 = arith.select %ne3A_110, %and3A_106, %broadcast_in_dim3A_112 : vector<16xi1>, vector<16xi32>
      %swap3A_114 = arith.index_cast %add3A_29 : i32 to index
      %swap3A_115 = arith.constant 64 : index
      %swap3A_116 = tpu.vector_load %arg6[%swap3A_114, %swap3A_115] {strides = array<i32>} : memref<125x80xi32, #tpu.memory_space<vmem>>, vector<16xi32>,
      tpu.vector_store %arg6[%swap3A_114, %swap3A_115], %select_n3A_113 {strides = array<i32>} : memref<125x80xi32, #tpu.memory_space<vmem>>, vector<16xi32>,
    }
    %scan3A_14 = arith.constant 125 : i32
    %barrier3A = arith.constant 0 : index
    tpu.barrier barrier_id(%barrier3A)
    %scan3A_15 = arith.constant 0 : i32
    %scan3A_16 = arith.constant 125 : i32
    %scan3A_17 = arith.addi %scan3A_15, %scan3A_16 : i32
    %scan3A_18 = arith.constant 1 : i32
    scf.for %scan3A_25 = %scan3A_15 to %scan3A_17 step %scan3A_18  : i32 {
      %mul3A_26 = arith.constant 1 : i32
      %mul3A_27 = arith.muli %scan3A_25, %mul3A_26 : i32
      %add3A_28 = arith.constant 0 : i32
      %add3A_29 = arith.addi %add3A_28, %mul3A_27 : i32
      %dma_start3A = arith.constant 0 : i32
      %dma_start3A_30 = tpu.memref_slice %arg5[%add3A_29, %dma_start3A] : memref<125x80xi32, #tpu.memory_space<vmem>> -> memref<1x80xi32, #tpu.memory_space<vmem>>
      %dma_start3A_31 = tpu.memref_squeeze %dma_start3A_30 : memref<1x80xi32, #tpu.memory_space<vmem>> -> memref<80xi32, #tpu.memory_space<vmem>>
      %dma_start3A_32 = arith.constant 0 : i32
      %dma_start3A_33 = arith.constant 0 : i32
      %dma_start3A_34 = tpu.memref_slice %arg3[%dma_start3A_32, %dma_start3A_33] : memref<10240x128xf32, #tpu.memory_space<hbm>> -> memref<10240x128xf32, #tpu.memory_space<hbm>>
      tpu.enqueue_indirect_dma source(%dma_start3A_34 : memref<10240x128xf32, #tpu.memory_space<hbm>>) target(%arg7 : memref<80x128xf32, #tpu.memory_space<vmem>>) offsets(%dma_start3A_31 : memref<80xi32, #tpu.memory_space<vmem>>) semaphore(%arg10 : memref<!tpu.dma_semaphore, #tpu.memory_space<semaphore_mem>>)
      %dma_wait3A = arith.constant 0 : i32
      %dma_wait3A_35 = tpu.memref_slice %arg5[%add3A_29, %dma_wait3A] : memref<125x80xi32, #tpu.memory_space<vmem>> -> memref<1x80xi32, #tpu.memory_space<vmem>>
      %dma_wait3A_36 = tpu.memref_squeeze %dma_wait3A_35 : memref<1x80xi32, #tpu.memory_space<vmem>> -> memref<80xi32, #tpu.memory_space<vmem>>
      %dma_wait3A_37 = arith.constant 0 : i32
      %dma_wait3A_38 = arith.constant 0 : i32
      %dma_wait3A_39 = tpu.memref_slice %arg3[%dma_wait3A_37, %dma_wait3A_38] : memref<10240x128xf32, #tpu.memory_space<hbm>> -> memref<10240x128xf32, #tpu.memory_space<hbm>>
      tpu.wait_indirect_dma semaphore(%arg10 : memref<!tpu.dma_semaphore, #tpu.memory_space<semaphore_mem>>) src(%dma_wait3A_39 : memref<10240x128xf32, #tpu.memory_space<hbm>>) dst(%arg7 : memref<80x128xf32, #tpu.memory_space<vmem>>)
      "tpu.region"() ({
        %run_scoped3A = tpu.sem_alloc : memref<!tpu.dma_semaphore, #tpu.memory_space<semaphore_mem>>
        %dma_start3A_40 = arith.constant 0 : i32
        %dma_start3A_41 = tpu.memref_slice %arg6[%add3A_29, %dma_start3A_40] : memref<125x80xi32, #tpu.memory_space<vmem>> -> memref<1x80xi32, #tpu.memory_space<vmem>>
        %dma_start3A_42 = tpu.memref_squeeze %dma_start3A_41 : memref<1x80xi32, #tpu.memory_space<vmem>> -> memref<80xi32, #tpu.memory_space<vmem>>
        %dma_start3A_43 = arith.constant 0 : i32
        %dma_start3A_44 = arith.constant 0 : i32
        %dma_start3A_45 = tpu.memref_slice %arg9[%dma_start3A_43, %dma_start3A_44] : memref<10240x128xf32, #tpu.memory_space<vmem_shared>> -> memref<10240x128xf32, #tpu.memory_space<vmem_shared>>
        tpu.enqueue_indirect_dma source(%arg7 : memref<80x128xf32, #tpu.memory_space<vmem>>) target(%dma_start3A_45 : memref<10240x128xf32, #tpu.memory_space<vmem_shared>>) offsets(%dma_start3A_42 : memref<80xi32, #tpu.memory_space<vmem>>) semaphore(%run_scoped3A : memref<!tpu.dma_semaphore, #tpu.memory_space<semaphore_mem>>) {add = true}
        %dma_wait3A_46 = arith.constant 0 : i32
        %dma_wait3A_47 = tpu.memref_slice %arg6[%add3A_29, %dma_wait3A_46] : memref<125x80xi32, #tpu.memory_space<vmem>> -> memref<1x80xi32, #tpu.memory_space<vmem>>
        %dma_wait3A_48 = tpu.memref_squeeze %dma_wait3A_47 : memref<1x80xi32, #tpu.memory_space<vmem>> -> memref<80xi32, #tpu.memory_space<vmem>>
        %dma_wait3A_49 = arith.constant 0 : i32
        %dma_wait3A_50 = arith.constant 0 : i32
        %dma_wait3A_51 = tpu.memref_slice %arg9[%dma_wait3A_49, %dma_wait3A_50] : memref<10240x128xf32, #tpu.memory_space<vmem_shared>> -> memref<10240x128xf32, #tpu.memory_space<vmem_shared>>
        tpu.wait_indirect_dma semaphore(%run_scoped3A : memref<!tpu.dma_semaphore, #tpu.memory_space<semaphore_mem>>) src(%arg7 : memref<80x128xf32, #tpu.memory_space<vmem>>) dst(%dma_wait3A_51 : memref<10240x128xf32, #tpu.memory_space<vmem_shared>>)
        tpu.yield
      }) : () -> ()
    }
    %scan3A_19 = arith.constant 125 : i32
    %barrier3A_20 = arith.constant 0 : index
    tpu.barrier barrier_id(%barrier3A_20)
    %mul3A_21 = arith.constant 640 : i32
    %mul3A_22 = arith.muli %arg1, %mul3A_21 : i32
    %mul3A_23 = arith.constant 640 : i32
    %mul3A_24 = arith.muli %arg1, %mul3A_23 : i32
    "tpu.region"() ({
      %run_scoped3A = tpu.sem_alloc : memref<!tpu.dma_semaphore, #tpu.memory_space<semaphore_mem>>
      %dma_start3A = arith.constant 0 : i32
      %dma_start3A_25 = tpu.memref_slice %arg4[%arg0, %mul3A_24, %dma_start3A] : memref<2x10240x128xf32, #tpu.memory_space<hbm>> -> memref<1x640x128xf32, #tpu.memory_space<hbm>>
      %dma_start3A_26 = tpu.memref_squeeze %dma_start3A_25 : memref<1x640x128xf32, #tpu.memory_space<hbm>> -> memref<640x128xf32, #tpu.memory_space<hbm>>
      %dma_start3A_27 = arith.constant 0 : i32
      %dma_start3A_28 = tpu.memref_slice %arg9[%mul3A_22, %dma_start3A_27] : memref<10240x128xf32, #tpu.memory_space<vmem_shared>> -> memref<640x128xf32, #tpu.memory_space<vmem_shared>>
      tpu.enqueue_dma source(%dma_start3A_28 : memref<640x128xf32, #tpu.memory_space<vmem_shared>>) target(%dma_start3A_26 : memref<640x128xf32, #tpu.memory_space<hbm>>) target_semaphore(%run_scoped3A : memref<!tpu.dma_semaphore, #tpu.memory_space<semaphore_mem>>)
      %dma_wait3A = arith.constant 0 : i32
      %dma_wait3A_29 = tpu.memref_slice %arg4[%arg0, %mul3A_24, %dma_wait3A] : memref<2x10240x128xf32, #tpu.memory_space<hbm>> -> memref<1x640x128xf32, #tpu.memory_space<hbm>>
      %dma_wait3A_30 = tpu.memref_squeeze %dma_wait3A_29 : memref<1x640x128xf32, #tpu.memory_space<hbm>> -> memref<640x128xf32, #tpu.memory_space<hbm>>
      %dma_wait3A_31 = arith.constant 0 : i32
      %dma_wait3A_32 = tpu.memref_slice %arg9[%mul3A_22, %dma_wait3A_31] : memref<10240x128xf32, #tpu.memory_space<vmem_shared>> -> memref<640x128xf32, #tpu.memory_space<vmem_shared>>
      tpu.wait_dma2 semaphore(%run_scoped3A : memref<!tpu.dma_semaphore, #tpu.memory_space<semaphore_mem>>) src(%dma_wait3A_32 : memref<640x128xf32, #tpu.memory_space<vmem_shared>>) dst(%dma_wait3A_30 : memref<640x128xf32, #tpu.memory_space<hbm>>)
      tpu.yield
    }) : () -> ()
    return
  }
}

module attributes {stable_mosaic.version = 14 : i64} {
  func.func @_dinv_body(%arg0: i32, %arg1: memref<32x1024xf32, #tpu.memory_space<vmem>>, %arg2: memref<1024x1xf32, #tpu.memory_space<vmem>>) attributes {dimension_semantics = [#tpu.dimension_semantics<arbitrary>], iteration_bounds = array<i64: 10>, scalar_prefetch = 0 : i64, scratch_operands = 0 : i64, tpu.core_type = #tpu.core_type<tc>, window_params = [{transform_indices = @transform_0, window_bounds = array<i64: 32, 1024>}, {transform_indices = @transform_1, window_bounds = array<i64: 1024, 1>}]} {
    %get3A = arith.constant 0 : index
    %get3A_0 = arith.constant 0 : index
    %get3A_1 = vector.load %arg1[%get3A, %get3A_0] : memref<32x1024xf32, #tpu.memory_space<vmem>>, vector<32x1024xf32>
    %reduce_sum3A = arith.constant dense<0.000000e+00> : vector<1024xf32>
    %reduce_sum3A_2 = vector.multi_reduction <add>, %get3A_1, %reduce_sum3A [0] : vector<32x1024xf32> to vector<1024xf32>
    %iota3A = tpu.iota {dimensions = array<i32: 1>} : vector<1x1024xi32>
    %iota3A_3 = vector.shape_cast %iota3A : vector<1x1024xi32> to vector<1024xi32>
    %mul3A = arith.constant 1024 : i32
    %mul3A_4 = arith.muli %arg0, %mul3A : i32
    %add3A = vector.broadcast %mul3A_4 : i32 to vector<1024xi32>
    %add3A_5 = arith.addi %iota3A_3, %add3A : vector<1024xi32>
    %gt3A = arith.constant 0.000000e+00 : f32
    %gt3A_6 = vector.broadcast %gt3A : f32 to vector<1024xf32>
    %gt3A_7 = arith.cmpf ogt, %reduce_sum3A_2, %gt3A_6 : vector<1024xf32>
    %lt3A = arith.constant 10000 : i32
    %lt3A_8 = vector.broadcast %lt3A : i32 to vector<1024xi32>
    %lt3A_9 = arith.cmpi slt, %add3A_5, %lt3A_8 : vector<1024xi32>
    %and3A = arith.andi %gt3A_7, %lt3A_9 : vector<1024xi1>
    %rsqrt3A = math.rsqrt %reduce_sum3A_2 : vector<1024xf32>
    %jit3A = arith.constant 0.000000e+00 : f32
    %broadcast_in_dim3A = vector.broadcast %jit3A : f32 to vector<1024xf32>
    %select_n3A = arith.select %and3A, %rsqrt3A, %broadcast_in_dim3A : vector<1024xi1>, vector<1024xf32>
    %broadcast_in_dim3A_10 = vector.shape_cast %select_n3A : vector<1024xf32> to vector<1024x1xf32>
    %swap3A = arith.constant 0 : index
    %swap3A_11 = arith.constant 0 : index
    %swap3A_12 = vector.load %arg2[%swap3A, %swap3A_11] : memref<1024x1xf32, #tpu.memory_space<vmem>>, vector<1024x1xf32>
    tpu.vector_store %arg2[%swap3A, %swap3A_11], %broadcast_in_dim3A_10 {strides = array<i32>} : memref<1024x1xf32, #tpu.memory_space<vmem>>, vector<1024x1xf32>,
    return
  }
  func.func @transform_0(%arg0: i32) -> (i32, i32) {
    %c0_i32 = arith.constant 0 : i32
    %c0_i32_0 = arith.constant 0 : i32
    return %c0_i32, %arg0 : i32, i32
  }
  func.func @transform_1(%arg0: i32) -> (i32, i32) {
    %c0_i32 = arith.constant 0 : i32
    %c0_i32_0 = arith.constant 0 : i32
    return %arg0, %c0_i32 : i32, i32
  }
}

module attributes {stable_mosaic.version = 14 : i64} {
  func.func @_start_body(%arg0: i32, %arg1: memref<1024x144xf32, #tpu.memory_space<vmem>>, %arg2: memref<144x512xf32, #tpu.memory_space<vmem>>, %arg3: memref<1024x1xf32, #tpu.memory_space<vmem>>, %arg4: memref<1024x512xf32, #tpu.memory_space<vmem>>, %arg5: memref<1024x128xf32, #tpu.memory_space<vmem>>) attributes {dimension_semantics = [#tpu.dimension_semantics<arbitrary>], iteration_bounds = array<i64: 10>, scalar_prefetch = 0 : i64, scratch_operands = 0 : i64, tpu.core_type = #tpu.core_type<tc>, window_params = [{transform_indices = @transform_0, window_bounds = array<i64: 1024, 144>}, {pipeline_mode = #tpu.pipeline_mode<synchronous>, transform_indices = @transform_1, window_bounds = array<i64: 144, 512>}, {transform_indices = @transform_2, window_bounds = array<i64: 1024, 1>}, {transform_indices = @transform_3, window_bounds = array<i64: 1024, 512>}, {transform_indices = @transform_4, window_bounds = array<i64: 1024, 128>}]} {
    %get3A = arith.constant 0 : index
    %get3A_0 = arith.constant 0 : index
    %get3A_1 = vector.load %arg1[%get3A, %get3A_0] : memref<1024x144xf32, #tpu.memory_space<vmem>>, vector<1024x144xf32>
    %get3A_2 = arith.constant 0 : index
    %get3A_3 = arith.constant 0 : index
    %get3A_4 = vector.load %arg2[%get3A_2, %get3A_3] : memref<144x512xf32, #tpu.memory_space<vmem>>, vector<144x512xf32>
    %dot_general3A = arith.constant dense<0.000000e+00> : vector<1024x512xf32>
    %dot_general3A_5 = tpu.matmul %get3A_1, %get3A_4, %dot_general3A {dimension_numbers = #tpu.dot_dimension_numbers<[1], [0], [0], [1], [0, 0, 1, 1], [], []>, transpose_lhs_hint = false} : vector<1024x144xf32>, vector<144x512xf32>, vector<1024x512xf32> -> vector<1024x512xf32>
    %swap3A = arith.constant 0 : index
    %swap3A_6 = arith.constant 0 : index
    %swap3A_7 = vector.load %arg4[%swap3A, %swap3A_6] : memref<1024x512xf32, #tpu.memory_space<vmem>>, vector<1024x512xf32>
    tpu.vector_store %arg4[%swap3A, %swap3A_6], %dot_general3A_5 {strides = array<i32>} : memref<1024x512xf32, #tpu.memory_space<vmem>>, vector<1024x512xf32>,
    %slice3A = vector.extract_strided_slice %dot_general3A_5 {offsets = [0, 384], sizes = [1024, 128], strides = [1, 1]} : vector<1024x512xf32> to vector<1024x128xf32>
    %get3A_8 = arith.constant 0 : index
    %get3A_9 = arith.constant 0 : index
    %get3A_10 = vector.load %arg3[%get3A_8, %get3A_9] : memref<1024x1xf32, #tpu.memory_space<vmem>>, vector<1024x1xf32>
    %mul3A = vector.broadcast %get3A_10 : vector<1024x1xf32> to vector<1024x128xf32>
    %mul3A_11 = arith.mulf %slice3A, %mul3A : vector<1024x128xf32>
    %swap3A_12 = arith.constant 0 : index
    %swap3A_13 = arith.constant 0 : index
    %swap3A_14 = vector.load %arg5[%swap3A_12, %swap3A_13] : memref<1024x128xf32, #tpu.memory_space<vmem>>, vector<1024x128xf32>
    tpu.vector_store %arg5[%swap3A_12, %swap3A_13], %mul3A_11 {strides = array<i32>} : memref<1024x128xf32, #tpu.memory_space<vmem>>, vector<1024x128xf32>,
    return
  }
  func.func @transform_0(%arg0: i32) -> (i32, i32) {
    %c0_i32 = arith.constant 0 : i32
    %c0_i32_0 = arith.constant 0 : i32
    return %arg0, %c0_i32 : i32, i32
  }
  func.func @transform_1(%arg0: i32) -> (i32, i32) {
    %c0_i32 = arith.constant 0 : i32
    %c0_i32_0 = arith.constant 0 : i32
    %c0_i32_1 = arith.constant 0 : i32
    return %c0_i32, %c0_i32_0 : i32, i32
  }
  func.func @transform_2(%arg0: i32) -> (i32, i32) {
    %c0_i32 = arith.constant 0 : i32
    %c0_i32_0 = arith.constant 0 : i32
    return %arg0, %c0_i32 : i32, i32
  }
  func.func @transform_3(%arg0: i32) -> (i32, i32) {
    %c0_i32 = arith.constant 0 : i32
    %c0_i32_0 = arith.constant 0 : i32
    return %arg0, %c0_i32 : i32, i32
  }
  func.func @transform_4(%arg0: i32) -> (i32, i32) {
    %c0_i32 = arith.constant 0 : i32
    %c0_i32_0 = arith.constant 0 : i32
    return %arg0, %c0_i32 : i32, i32
  }
}

module attributes {stable_mosaic.version = 14 : i64} {
  func.func @_s1_body(%arg0: i32, %arg1: memref<2x1024x128xf32, #tpu.memory_space<vmem>>, %arg2: memref<1024x1xf32, #tpu.memory_space<vmem>>, %arg3: memref<1024x128xf32, #tpu.memory_space<vmem>>, %arg4: memref<1024x128xf32, #tpu.memory_space<vmem>>, %arg5: memref<1024x128xf32, #tpu.memory_space<vmem>>) attributes {dimension_semantics = [#tpu.dimension_semantics<arbitrary>], iteration_bounds = array<i64: 10>, scalar_prefetch = 0 : i64, scratch_operands = 0 : i64, tpu.core_type = #tpu.core_type<tc>, window_params = [{transform_indices = @transform_0, window_bounds = array<i64: 2, 1024, 128>}, {transform_indices = @transform_1, window_bounds = array<i64: 1024, 1>}, {transform_indices = @transform_2, window_bounds = array<i64: 1024, 128>}, {transform_indices = @transform_3, window_bounds = array<i64: 1024, 128>}, {transform_indices = @transform_4, window_bounds = array<i64: 1024, 128>}]} {
    %get3A = arith.constant 0 : index
    %get3A_0 = arith.constant 0 : index
    %get3A_1 = vector.load %arg2[%get3A, %get3A_0] : memref<1024x1xf32, #tpu.memory_space<vmem>>, vector<1024x1xf32>
    %get3A_2 = arith.constant 0 : index
    %get3A_3 = arith.constant 0 : index
    %get3A_4 = vector.load %arg3[%get3A_2, %get3A_3] : memref<1024x128xf32, #tpu.memory_space<vmem>>, vector<1024x128xf32>
    %get3A_5 = arith.constant 0 : index
    %get3A_6 = arith.constant 0 : index
    %get3A_7 = arith.constant 0 : index
    %get3A_8 = vector.load %arg1[%get3A_5, %get3A_6, %get3A_7] : memref<2x1024x128xf32, #tpu.memory_space<vmem>>, vector<1x1024x128xf32>
    %get3A_9 = vector.shape_cast %get3A_8 : vector<1x1024x128xf32> to vector<1024x128xf32>
    %get3A_10 = arith.constant 1 : index
    %get3A_11 = arith.constant 0 : index
    %get3A_12 = arith.constant 0 : index
    %get3A_13 = vector.load %arg1[%get3A_10, %get3A_11, %get3A_12] : memref<2x1024x128xf32, #tpu.memory_space<vmem>>, vector<1x1024x128xf32>
    %get3A_14 = vector.shape_cast %get3A_13 : vector<1x1024x128xf32> to vector<1024x128xf32>
    %add3A = arith.addf %get3A_9, %get3A_14 : vector<1024x128xf32>
    %mul3A = arith.constant 2.000000e+00 : f32
    %mul3A_15 = vector.broadcast %mul3A : f32 to vector<1024x128xf32>
    %mul3A_16 = arith.mulf %mul3A_15, %add3A : vector<1024x128xf32>
    %mul3A_17 = vector.broadcast %get3A_1 : vector<1024x1xf32> to vector<1024x128xf32>
    %mul3A_18 = arith.mulf %mul3A_16, %mul3A_17 : vector<1024x128xf32>
    %sub3A = arith.subf %get3A_4, %mul3A_18 : vector<1024x128xf32>
    %swap3A = arith.constant 0 : index
    %swap3A_19 = arith.constant 0 : index
    %swap3A_20 = vector.load %arg4[%swap3A, %swap3A_19] : memref<1024x128xf32, #tpu.memory_space<vmem>>, vector<1024x128xf32>
    tpu.vector_store %arg4[%swap3A, %swap3A_19], %sub3A {strides = array<i32>} : memref<1024x128xf32, #tpu.memory_space<vmem>>, vector<1024x128xf32>,
    %mul3A_21 = vector.broadcast %get3A_1 : vector<1024x1xf32> to vector<1024x128xf32>
    %mul3A_22 = arith.mulf %sub3A, %mul3A_21 : vector<1024x128xf32>
    %swap3A_23 = arith.constant 0 : index
    %swap3A_24 = arith.constant 0 : index
    %swap3A_25 = vector.load %arg5[%swap3A_23, %swap3A_24] : memref<1024x128xf32, #tpu.memory_space<vmem>>, vector<1024x128xf32>
    tpu.vector_store %arg5[%swap3A_23, %swap3A_24], %mul3A_22 {strides = array<i32>} : memref<1024x128xf32, #tpu.memory_space<vmem>>, vector<1024x128xf32>,
    return
  }
  func.func @transform_0(%arg0: i32) -> (i32, i32, i32) {
    %c0_i32 = arith.constant 0 : i32
    %c0_i32_0 = arith.constant 0 : i32
    %c0_i32_1 = arith.constant 0 : i32
    return %c0_i32, %arg0, %c0_i32_0 : i32, i32, i32
  }
  func.func @transform_1(%arg0: i32) -> (i32, i32) {
    %c0_i32 = arith.constant 0 : i32
    %c0_i32_0 = arith.constant 0 : i32
    return %arg0, %c0_i32 : i32, i32
  }
  func.func @transform_2(%arg0: i32) -> (i32, i32) {
    %c2_i32 = arith.constant 2 : i32
    %c0_i32 = arith.constant 0 : i32
    return %arg0, %c2_i32 : i32, i32
  }
  func.func @transform_3(%arg0: i32) -> (i32, i32) {
    %c0_i32 = arith.constant 0 : i32
    %c0_i32_0 = arith.constant 0 : i32
    return %arg0, %c0_i32 : i32, i32
  }
  func.func @transform_4(%arg0: i32) -> (i32, i32) {
    %c0_i32 = arith.constant 0 : i32
    %c0_i32_0 = arith.constant 0 : i32
    return %arg0, %c0_i32 : i32, i32
  }
}

module attributes {stable_mosaic.version = 14 : i64} {
  func.func @_s2_body(%arg0: i32, %arg1: memref<2x1024x128xf32, #tpu.memory_space<vmem>>, %arg2: memref<1024x1xf32, #tpu.memory_space<vmem>>, %arg3: memref<1024x128xf32, #tpu.memory_space<vmem>>, %arg4: memref<1024x128xf32, #tpu.memory_space<vmem>>, %arg5: memref<1024x128xf32, #tpu.memory_space<vmem>>) attributes {dimension_semantics = [#tpu.dimension_semantics<arbitrary>], iteration_bounds = array<i64: 10>, scalar_prefetch = 0 : i64, scratch_operands = 0 : i64, tpu.core_type = #tpu.core_type<tc>, window_params = [{transform_indices = @transform_0, window_bounds = array<i64: 2, 1024, 128>}, {transform_indices = @transform_1, window_bounds = array<i64: 1024, 1>}, {transform_indices = @transform_2, window_bounds = array<i64: 1024, 128>}, {transform_indices = @transform_3, window_bounds = array<i64: 1024, 128>}, {transform_indices = @transform_4, window_bounds = array<i64: 1024, 128>}]} {
    %get3A = arith.constant 0 : index
    %get3A_0 = arith.constant 0 : index
    %get3A_1 = vector.load %arg2[%get3A, %get3A_0] : memref<1024x1xf32, #tpu.memory_space<vmem>>, vector<1024x1xf32>
    %get3A_2 = arith.constant 0 : index
    %get3A_3 = arith.constant 0 : index
    %get3A_4 = vector.load %arg3[%get3A_2, %get3A_3] : memref<1024x128xf32, #tpu.memory_space<vmem>>, vector<1024x128xf32>
    %get3A_5 = arith.constant 0 : index
    %get3A_6 = arith.constant 0 : index
    %get3A_7 = arith.constant 0 : index
    %get3A_8 = vector.load %arg1[%get3A_5, %get3A_6, %get3A_7] : memref<2x1024x128xf32, #tpu.memory_space<vmem>>, vector<1x1024x128xf32>
    %get3A_9 = vector.shape_cast %get3A_8 : vector<1x1024x128xf32> to vector<1024x128xf32>
    %get3A_10 = arith.constant 1 : index
    %get3A_11 = arith.constant 0 : index
    %get3A_12 = arith.constant 0 : index
    %get3A_13 = vector.load %arg1[%get3A_10, %get3A_11, %get3A_12] : memref<2x1024x128xf32, #tpu.memory_space<vmem>>, vector<1x1024x128xf32>
    %get3A_14 = vector.shape_cast %get3A_13 : vector<1x1024x128xf32> to vector<1024x128xf32>
    %add3A = arith.addf %get3A_9, %get3A_14 : vector<1024x128xf32>
    %mul3A = arith.constant 2.000000e+00 : f32
    %mul3A_15 = vector.broadcast %mul3A : f32 to vector<1024x128xf32>
    %mul3A_16 = arith.mulf %mul3A_15, %add3A : vector<1024x128xf32>
    %mul3A_17 = vector.broadcast %get3A_1 : vector<1024x1xf32> to vector<1024x128xf32>
    %mul3A_18 = arith.mulf %mul3A_16, %mul3A_17 : vector<1024x128xf32>
    %sub3A = arith.subf %get3A_4, %mul3A_18 : vector<1024x128xf32>
    %get3A_19 = arith.constant 0 : index
    %get3A_20 = arith.constant 0 : index
    %get3A_21 = vector.load %arg4[%get3A_19, %get3A_20] : memref<1024x128xf32, #tpu.memory_space<vmem>>, vector<1024x128xf32>
    %sub3A_22 = arith.subf %sub3A, %get3A_21 : vector<1024x128xf32>
    %mul3A_23 = vector.broadcast %get3A_1 : vector<1024x1xf32> to vector<1024x128xf32>
    %mul3A_24 = arith.mulf %sub3A_22, %mul3A_23 : vector<1024x128xf32>
    %swap3A = arith.constant 0 : index
    %swap3A_25 = arith.constant 0 : index
    %swap3A_26 = vector.load %arg5[%swap3A, %swap3A_25] : memref<1024x128xf32, #tpu.memory_space<vmem>>, vector<1024x128xf32>
    tpu.vector_store %arg5[%swap3A, %swap3A_25], %mul3A_24 {strides = array<i32>} : memref<1024x128xf32, #tpu.memory_space<vmem>>, vector<1024x128xf32>,
    return
  }
  func.func @transform_0(%arg0: i32) -> (i32, i32, i32) {
    %c0_i32 = arith.constant 0 : i32
    %c0_i32_0 = arith.constant 0 : i32
    %c0_i32_1 = arith.constant 0 : i32
    return %c0_i32, %arg0, %c0_i32_0 : i32, i32, i32
  }
  func.func @transform_1(%arg0: i32) -> (i32, i32) {
    %c0_i32 = arith.constant 0 : i32
    %c0_i32_0 = arith.constant 0 : i32
    return %arg0, %c0_i32 : i32, i32
  }
  func.func @transform_2(%arg0: i32) -> (i32, i32) {
    %c1_i32 = arith.constant 1 : i32
    %c0_i32 = arith.constant 0 : i32
    return %arg0, %c1_i32 : i32, i32
  }
  func.func @transform_3(%arg0: i32) -> (i32, i32) {
    %c3_i32 = arith.constant 3 : i32
    %c0_i32 = arith.constant 0 : i32
    return %arg0, %c3_i32 : i32, i32
  }
  func.func @transform_4(%arg0: i32) -> (i32, i32) {
    %c0_i32 = arith.constant 0 : i32
    %c0_i32_0 = arith.constant 0 : i32
    return %arg0, %c0_i32 : i32, i32
  }
}

module attributes {stable_mosaic.version = 14 : i64} {
  func.func @_end_body(%arg0: i32, %arg1: memref<2x1024x128xf32, #tpu.memory_space<vmem>>, %arg2: memref<1024x1xf32, #tpu.memory_space<vmem>>, %arg3: memref<1024x128xf32, #tpu.memory_space<vmem>>, %arg4: memref<1024x128xf32, #tpu.memory_space<vmem>>, %arg5: memref<1x128xf32, #tpu.memory_space<vmem>>, %arg6: memref<1024x128xf32, #tpu.memory_space<vmem>>) attributes {dimension_semantics = [#tpu.dimension_semantics<arbitrary>], iteration_bounds = array<i64: 10>, scalar_prefetch = 0 : i64, scratch_operands = 0 : i64, tpu.core_type = #tpu.core_type<tc>, window_params = [{transform_indices = @transform_0, window_bounds = array<i64: 2, 1024, 128>}, {transform_indices = @transform_1, window_bounds = array<i64: 1024, 1>}, {transform_indices = @transform_2, window_bounds = array<i64: 1024, 128>}, {transform_indices = @transform_3, window_bounds = array<i64: 1024, 128>}, {pipeline_mode = #tpu.pipeline_mode<synchronous>, transform_indices = @transform_4, window_bounds = array<i64: 1, 128>}, {transform_indices = @transform_5, window_bounds = array<i64: 1024, 128>}]} {
    %get3A = arith.constant 0 : index
    %get3A_0 = arith.constant 0 : index
    %get3A_1 = vector.load %arg3[%get3A, %get3A_0] : memref<1024x128xf32, #tpu.memory_space<vmem>>, vector<1024x128xf32>
    %get3A_2 = arith.constant 0 : index
    %get3A_3 = arith.constant 0 : index
    %get3A_4 = arith.constant 0 : index
    %get3A_5 = vector.load %arg1[%get3A_2, %get3A_3, %get3A_4] : memref<2x1024x128xf32, #tpu.memory_space<vmem>>, vector<1x1024x128xf32>
    %get3A_6 = vector.shape_cast %get3A_5 : vector<1x1024x128xf32> to vector<1024x128xf32>
    %get3A_7 = arith.constant 1 : index
    %get3A_8 = arith.constant 0 : index
    %get3A_9 = arith.constant 0 : index
    %get3A_10 = vector.load %arg1[%get3A_7, %get3A_8, %get3A_9] : memref<2x1024x128xf32, #tpu.memory_space<vmem>>, vector<1x1024x128xf32>
    %get3A_11 = vector.shape_cast %get3A_10 : vector<1x1024x128xf32> to vector<1024x128xf32>
    %add3A = arith.addf %get3A_6, %get3A_11 : vector<1024x128xf32>
    %get3A_12 = arith.constant 0 : index
    %get3A_13 = arith.constant 0 : index
    %get3A_14 = vector.load %arg2[%get3A_12, %get3A_13] : memref<1024x1xf32, #tpu.memory_space<vmem>>, vector<1024x1xf32>
    %mul3A = vector.broadcast %get3A_14 : vector<1024x1xf32> to vector<1024x128xf32>
    %mul3A_15 = arith.mulf %add3A, %mul3A : vector<1024x128xf32>
    %sub3A = arith.subf %get3A_1, %mul3A_15 : vector<1024x128xf32>
    %get3A_16 = arith.constant 0 : index
    %get3A_17 = arith.constant 0 : index
    %get3A_18 = vector.load %arg4[%get3A_16, %get3A_17] : memref<1024x128xf32, #tpu.memory_space<vmem>>, vector<1024x128xf32>
    %sub3A_19 = arith.subf %sub3A, %get3A_18 : vector<1024x128xf32>
    %get3A_20 = arith.constant 0 : index
    %get3A_21 = arith.constant 0 : index
    %get3A_22 = vector.load %arg5[%get3A_20, %get3A_21] : memref<1x128xf32, #tpu.memory_space<vmem>>, vector<1x128xf32>
    %add3A_23 = vector.broadcast %get3A_22 : vector<1x128xf32> to vector<1024x128xf32>
    %add3A_24 = arith.addf %sub3A_19, %add3A_23 : vector<1024x128xf32>
    %max3A = arith.constant 0.000000e+00 : f32
    %max3A_25 = vector.broadcast %max3A : f32 to vector<1024x128xf32>
    %max3A_26 = arith.maximumf %add3A_24, %max3A_25 : vector<1024x128xf32>
    %swap3A = arith.constant 0 : index
    %swap3A_27 = arith.constant 0 : index
    %swap3A_28 = vector.load %arg6[%swap3A, %swap3A_27] : memref<1024x128xf32, #tpu.memory_space<vmem>>, vector<1024x128xf32>
    tpu.vector_store %arg6[%swap3A, %swap3A_27], %max3A_26 {strides = array<i32>} : memref<1024x128xf32, #tpu.memory_space<vmem>>, vector<1024x128xf32>,
    return
  }
  func.func @transform_0(%arg0: i32) -> (i32, i32, i32) {
    %c0_i32 = arith.constant 0 : i32
    %c0_i32_0 = arith.constant 0 : i32
    %c0_i32_1 = arith.constant 0 : i32
    return %c0_i32, %arg0, %c0_i32_0 : i32, i32, i32
  }
  func.func @transform_1(%arg0: i32) -> (i32, i32) {
    %c0_i32 = arith.constant 0 : i32
    %c0_i32_0 = arith.constant 0 : i32
    return %arg0, %c0_i32 : i32, i32
  }
  func.func @transform_2(%arg0: i32) -> (i32, i32) {
    %c0_i32 = arith.constant 0 : i32
    %c0_i32_0 = arith.constant 0 : i32
    return %arg0, %c0_i32 : i32, i32
  }
  func.func @transform_3(%arg0: i32) -> (i32, i32) {
    %c0_i32 = arith.constant 0 : i32
    %c0_i32_0 = arith.constant 0 : i32
    return %arg0, %c0_i32 : i32, i32
  }
  func.func @transform_4(%arg0: i32) -> (i32, i32) {
    %c0_i32 = arith.constant 0 : i32
    %c0_i32_0 = arith.constant 0 : i32
    %c0_i32_1 = arith.constant 0 : i32
    return %c0_i32, %c0_i32_0 : i32, i32
  }
  func.func @transform_5(%arg0: i32) -> (i32, i32) {
    %c0_i32 = arith.constant 0 : i32
    %c0_i32_0 = arith.constant 0 : i32
    return %arg0, %c0_i32 : i32, i32
  }
}

module attributes {stable_mosaic.version = 14 : i64} {
  func.func @_start_body(%arg0: i32, %arg1: memref<1024x128xf32, #tpu.memory_space<vmem>>, %arg2: memref<128x512xf32, #tpu.memory_space<vmem>>, %arg3: memref<1024x1xf32, #tpu.memory_space<vmem>>, %arg4: memref<1024x512xf32, #tpu.memory_space<vmem>>, %arg5: memref<1024x128xf32, #tpu.memory_space<vmem>>) attributes {dimension_semantics = [#tpu.dimension_semantics<arbitrary>], iteration_bounds = array<i64: 10>, scalar_prefetch = 0 : i64, scratch_operands = 0 : i64, tpu.core_type = #tpu.core_type<tc>, window_params = [{transform_indices = @transform_0, window_bounds = array<i64: 1024, 128>}, {pipeline_mode = #tpu.pipeline_mode<synchronous>, transform_indices = @transform_1, window_bounds = array<i64: 128, 512>}, {transform_indices = @transform_2, window_bounds = array<i64: 1024, 1>}, {transform_indices = @transform_3, window_bounds = array<i64: 1024, 512>}, {transform_indices = @transform_4, window_bounds = array<i64: 1024, 128>}]} {
    %get3A = arith.constant 0 : index
    %get3A_0 = arith.constant 0 : index
    %get3A_1 = vector.load %arg1[%get3A, %get3A_0] : memref<1024x128xf32, #tpu.memory_space<vmem>>, vector<1024x128xf32>
    %get3A_2 = arith.constant 0 : index
    %get3A_3 = arith.constant 0 : index
    %get3A_4 = vector.load %arg2[%get3A_2, %get3A_3] : memref<128x512xf32, #tpu.memory_space<vmem>>, vector<128x512xf32>
    %dot_general3A = arith.constant dense<0.000000e+00> : vector<1024x512xf32>
    %dot_general3A_5 = tpu.matmul %get3A_1, %get3A_4, %dot_general3A {dimension_numbers = #tpu.dot_dimension_numbers<[1], [0], [0], [1], [0, 0, 1, 1], [], []>, transpose_lhs_hint = false} : vector<1024x128xf32>, vector<128x512xf32>, vector<1024x512xf32> -> vector<1024x512xf32>
    %swap3A = arith.constant 0 : index
    %swap3A_6 = arith.constant 0 : index
    %swap3A_7 = vector.load %arg4[%swap3A, %swap3A_6] : memref<1024x512xf32, #tpu.memory_space<vmem>>, vector<1024x512xf32>
    tpu.vector_store %arg4[%swap3A, %swap3A_6], %dot_general3A_5 {strides = array<i32>} : memref<1024x512xf32, #tpu.memory_space<vmem>>, vector<1024x512xf32>,
    %slice3A = vector.extract_strided_slice %dot_general3A_5 {offsets = [0, 384], sizes = [1024, 128], strides = [1, 1]} : vector<1024x512xf32> to vector<1024x128xf32>
    %get3A_8 = arith.constant 0 : index
    %get3A_9 = arith.constant 0 : index
    %get3A_10 = vector.load %arg3[%get3A_8, %get3A_9] : memref<1024x1xf32, #tpu.memory_space<vmem>>, vector<1024x1xf32>
    %mul3A = vector.broadcast %get3A_10 : vector<1024x1xf32> to vector<1024x128xf32>
    %mul3A_11 = arith.mulf %slice3A, %mul3A : vector<1024x128xf32>
    %swap3A_12 = arith.constant 0 : index
    %swap3A_13 = arith.constant 0 : index
    %swap3A_14 = vector.load %arg5[%swap3A_12, %swap3A_13] : memref<1024x128xf32, #tpu.memory_space<vmem>>, vector<1024x128xf32>
    tpu.vector_store %arg5[%swap3A_12, %swap3A_13], %mul3A_11 {strides = array<i32>} : memref<1024x128xf32, #tpu.memory_space<vmem>>, vector<1024x128xf32>,
    return
  }
  func.func @transform_0(%arg0: i32) -> (i32, i32) {
    %c0_i32 = arith.constant 0 : i32
    %c0_i32_0 = arith.constant 0 : i32
    return %arg0, %c0_i32 : i32, i32
  }
  func.func @transform_1(%arg0: i32) -> (i32, i32) {
    %c0_i32 = arith.constant 0 : i32
    %c0_i32_0 = arith.constant 0 : i32
    %c0_i32_1 = arith.constant 0 : i32
    return %c0_i32, %c0_i32_0 : i32, i32
  }
  func.func @transform_2(%arg0: i32) -> (i32, i32) {
    %c0_i32 = arith.constant 0 : i32
    %c0_i32_0 = arith.constant 0 : i32
    return %arg0, %c0_i32 : i32, i32
  }
  func.func @transform_3(%arg0: i32) -> (i32, i32) {
    %c0_i32 = arith.constant 0 : i32
    %c0_i32_0 = arith.constant 0 : i32
    return %arg0, %c0_i32 : i32, i32
  }
  func.func @transform_4(%arg0: i32) -> (i32, i32) {
    %c0_i32 = arith.constant 0 : i32
    %c0_i32_0 = arith.constant 0 : i32
    return %arg0, %c0_i32 : i32, i32
  }
}

module attributes {stable_mosaic.version = 14 : i64} {
  func.func @_pool_body(%arg0: memref<10000x128xf32, #tpu.memory_space<vmem>>, %arg1: memref<128x64xf32, #tpu.memory_space<vmem>>, %arg2: memref<1x64xf32, #tpu.memory_space<vmem>>, %arg3: memref<128x64xf32, #tpu.memory_space<vmem>>, %arg4: memref<1x64xf32, #tpu.memory_space<vmem>>, %arg5: memref<1x64xf32, #tpu.memory_space<vmem>>, %arg6: memref<1x64xf32, #tpu.memory_space<vmem>>) attributes {dimension_semantics = [], scalar_prefetch = 0 : i64, scratch_operands = 0 : i64, tpu.core_type = #tpu.core_type<tc>} {
    %get3A = arith.constant 0 : index
    %get3A_0 = arith.constant 0 : index
    %get3A_1 = vector.load %arg0[%get3A, %get3A_0] : memref<10000x128xf32, #tpu.memory_space<vmem>>, vector<10000x128xf32>
    %reduce_sum3A = arith.constant dense<0.000000e+00> : vector<128xf32>
    %reduce_sum3A_2 = vector.multi_reduction <add>, %get3A_1, %reduce_sum3A [0] : vector<10000x128xf32> to vector<128xf32>
    %broadcast_in_dim3A = vector.shape_cast %reduce_sum3A_2 : vector<128xf32> to vector<1x128xf32>
    %mul3A = arith.constant 9.99999974E-5 : f32
    %mul3A_3 = vector.broadcast %mul3A : f32 to vector<1x128xf32>
    %mul3A_4 = arith.mulf %broadcast_in_dim3A, %mul3A_3 : vector<1x128xf32>
    %get3A_5 = arith.constant 0 : index
    %get3A_6 = arith.constant 0 : index
    %get3A_7 = vector.load %arg1[%get3A_5, %get3A_6] : memref<128x64xf32, #tpu.memory_space<vmem>>, vector<128x64xf32>
    %dot_general3A = arith.constant dense<0.000000e+00> : vector<1x64xf32>
    %dot_general3A_8 = tpu.matmul %mul3A_4, %get3A_7, %dot_general3A {dimension_numbers = #tpu.dot_dimension_numbers<[1], [0], [0], [1], [0, 0, 1, 1], [], []>, transpose_lhs_hint = false} : vector<1x128xf32>, vector<128x64xf32>, vector<1x64xf32> -> vector<1x64xf32>
    %get3A_9 = arith.constant 0 : index
    %get3A_10 = arith.constant 0 : index
    %get3A_11 = vector.load %arg2[%get3A_9, %get3A_10] : memref<1x64xf32, #tpu.memory_space<vmem>>, vector<1x64xf32>
    %add3A = arith.addf %dot_general3A_8, %get3A_11 : vector<1x64xf32>
    %swap3A = arith.constant 0 : index
    %swap3A_12 = arith.constant 0 : index
    %swap3A_13 = vector.load %arg5[%swap3A, %swap3A_12] : memref<1x64xf32, #tpu.memory_space<vmem>>, vector<1x64xf32>
    tpu.vector_store %arg5[%swap3A, %swap3A_12], %add3A {strides = array<i32>} : memref<1x64xf32, #tpu.memory_space<vmem>>, vector<1x64xf32>,
    %get3A_14 = arith.constant 0 : index
    %get3A_15 = arith.constant 0 : index
    %get3A_16 = vector.load %arg3[%get3A_14, %get3A_15] : memref<128x64xf32, #tpu.memory_space<vmem>>, vector<128x64xf32>
    %dot_general3A_17 = arith.constant dense<0.000000e+00> : vector<1x64xf32>
    %dot_general3A_18 = tpu.matmul %mul3A_4, %get3A_16, %dot_general3A_17 {dimension_numbers = #tpu.dot_dimension_numbers<[1], [0], [0], [1], [0, 0, 1, 1], [], []>, transpose_lhs_hint = false} : vector<1x128xf32>, vector<128x64xf32>, vector<1x64xf32> -> vector<1x64xf32>
    %get3A_19 = arith.constant 0 : index
    %get3A_20 = arith.constant 0 : index
    %get3A_21 = vector.load %arg4[%get3A_19, %get3A_20] : memref<1x64xf32, #tpu.memory_space<vmem>>, vector<1x64xf32>
    %add3A_22 = arith.addf %dot_general3A_18, %get3A_21 : vector<1x64xf32>
    %swap3A_23 = arith.constant 0 : index
    %swap3A_24 = arith.constant 0 : index
    %swap3A_25 = vector.load %arg6[%swap3A_23, %swap3A_24] : memref<1x64xf32, #tpu.memory_space<vmem>>, vector<1x64xf32>
    tpu.vector_store %arg6[%swap3A_23, %swap3A_24], %add3A_22 {strides = array<i32>} : memref<1x64xf32, #tpu.memory_space<vmem>>, vector<1x64xf32>,
    return
  }
}

</mosaic_0001>

<sc_bundles>
// kernel: kernel.19.cloned.1.call-start
scs
__scs_entry_jumppad:
0x0: {  	(pc) =	sbr.rel $0x88, $3  }
0x1: {  	(tag) =	ssettag $0x0;
	lr =	simm.s32 $0x1  }
0x2: {  	[smem:$0x3F96] =	sst lr;
	_ =	strace $0xD0000000  }
0x3: {  	_ = 	snop  }
0x4: {  	_ = 	snop  }
0x5: {  	_ = 	snop  }
0x6: {  	_ = 	snop  }
0x7: {  	_ = 	snop  }
__scs_overlays_trampoline_lowered:
0x8: {  	[smem:$0x3FA5] =	sst s0  }
0x9: {  	[smem:$0x3FA6] =	sst s1  }
0xa: {  	[smem:$0x3FA7] =	sst s2  }
0xb: {  	[smem:$0x3FA8] =	sst s3  }
0xc: {  	[smem:$0x3FA9] =	sst s4  }
0xd: {  	[smem:$0x3FAA] =	sst s5  }
0xe: {  	[smem:$0x3FAB] =	sst s6  }
0xf: {  	[smem:$0x3FAC] =	sst s7  }
0x10: {  	[smem:$0x3FAD] =	sst s8  }
0x11: {  	[smem:$0x3FAE] =	sst s9;
	s0 =	simm.s32 @!p0 $0x0  }
0x12: {  	s1 =	sld [smem:$0x3F94];
	s0 =	simm.s32 @p0 $0x1  }
0x13: {  	[smem:$0x3FAF] =	sst s0;
	s0 =	simm.s32 @!p1 $0x0  }
0x14: {  	s2 =	sld [smem:$0x3F93];
	s0 =	simm.s32 @p1 $0x1  }
0x15: {  	[smem:$0x3FB0] =	sst s0;
	s0 =	simm.s32 @!p2 $0x0  }
0x16: {  	s3 =	sld [smem:$0x3FDB];
	s0 =	simm.s32 @p2 $0x1  }
0x17: {  	s4 =	simm.s32 $0x1BF5;
	[smem:$0x3FB2] =	sst s0  }
0x18: {  	s0 =	sld [smem:$0x3F95];
	_ =	swait.ge [sflag:s4], $0x0  }
0x19: {  	s7 =	sld [smem:$0x3F96]  }
0x1a: {  	s8 =	sadd.s32 $0xFFFFE003, lr  }
0x1b: {  	s9 =	sadd.s32 $0xFFFFFEF7, lr;
	s5 =	simm.s32 $0xFFFFFFFF;
	p2 =	slt.u32 s8, $0xFFFFF086  }
0x1c: {  	p1 =	slt.u32 s9, $0xF7A;
	s5 =	simm.s32 @!p2 $0x0  }
0x1d: {  	s5 =	simm.s32 @p1 $0x1;
	p0 =	seq.s32 s7, s2  }
0x1e: {  	s7 =	smul.u32 @!p0 $0xF7A, s2;
	p2 =	seq.s32 @!p0 s5, $0x0  }
0x1f: {  	s9 =	smul.u32 $0xF7A, s1;
	s8 =	simm.s32 @!p0 $0x1BF5;
	p2 =	por !p2, p0  }
0x20: {  	[sflag:s8] =	ssyncset.s32 @!p0 $0xFFFFF086;
	s6 =	sadd.s32 @!p0 s3, s7;
	s7 =	simm.s32 @!p0 $0x108  }
0x21: {  	s3 =	sadd.s32 s3, s9;
	s6 =	sadd.s32 @!p0 $0x88, s6;
	s7 =	simm.s32 @p2 $0x1082  }
0x22: {  	[simem:s7], [sflag:s8] =	dma.local @!p0 [hbm:s6], $0xF7A  }
0x23: {  	s9 =	sor.u32 $0xD0000000, s2;
	s6 =	simm.s32 $0x108;
	_ =	swait.ge @!p0 [sflag:s8], $0x0  }
0x24: {  	s3 =	sadd.s32 $0x88, s3;
	s6 =	simm.s32 @!p1 $0x1082;
	[sflag:s4] =	ssyncset.s32 $0xFFFFF086  }
0x25: {  	[simem:s6], [sflag:s4] =	dma.local [hbm:s3], $0xF7A  }
0x26: {  	[smem:$0x3F96] =	sst s1;
	(tag) =	ssettag s2;
	_ =	strace s9  }
0x27: {  	s1 =	sld [smem:$0x3FA6]  }
0x28: {  	s2 =	sld [smem:$0x3FA7]  }
0x29: {  	s4 =	sld [smem:$0x3FA9]  }
0x2a: {  	p0 =	seq.s32 s5, $0x0;
	s5 =	sld [smem:$0x3FAA]  }
0x2b: {  	s6 =	sld [smem:$0x3FAB]  }
0x2c: {  	s7 =	sld [smem:$0x3FAC]  }
0x2d: {  	s3 =	simm.s32 $0x108;
	s8 =	sld [smem:$0x3FAD]  }
0x2e: {  	s3 =	simm.s32 @!p0 $0x1082;
	s9 =	sld [smem:$0x3FAE]  }
0x2f: {  	lr =	sadd.s32 s0, s3;
	s0 =	sld [smem:$0x3FA5]  }
0x30: {  	s3 =	sld [smem:$0x3FA8]  }
0x31: {  	[smem:$0x3FB1] =	sst s10  }
0x32: {  	s10 =	sld [smem:$0x3FAF];
	_ =	sdelay $0x3  }
0x33: {  	p0 =	seq.s32 s10, $0x1;
	s10 =	sld [smem:$0x3FB1];
	_ =	sdelay $0x3  }
0x34: {  	[smem:$0x3FB1] =	sst s10  }
0x35: {  	s10 =	sld [smem:$0x3FB0];
	_ =	sdelay $0x3  }
0x36: {  	p1 =	seq.s32 s10, $0x1;
	s10 =	sld [smem:$0x3FB1];
	_ =	sdelay $0x3  }
0x37: {  	[smem:$0x3FB1] =	sst s10  }
0x38: {  	s10 =	sld [smem:$0x3FB2]  }
0x39: {  	_ = 	snop;
	(pc) =	sbr.ind lr, $3  }
0x3a: {  	_ = 	snop  }
0x3b: {  	_ = 	snop  }
0x3c: {  	p2 =	seq.s32 s10, $0x1;
	s10 =	sld [smem:$0x3FB1]  }
0x3d: {  	_ =	shalt  }
0x3e: {  	_ =	shalt  }
0x3f: {  	_ =	shalt  }
0x40: {  	_ =	shalt  }
0x41: {  	_ =	shalt  }
0x42: {  	_ =	shalt  }
0x43: {  	_ =	shalt  }
0x44: {  	_ =	shalt  }
0x45: {  	_ =	shalt  }
0x46: {  	_ =	shalt  }
0x47: {  	_ =	shalt  }
0x48: {  	_ =	shalt  }
0x49: {  	_ =	shalt  }
0x4a: {  	_ =	shalt  }
0x4b: {  	_ =	shalt  }
0x4c: {  	_ =	shalt  }
0x4d: {  	_ =	shalt  }
0x4e: {  	_ =	shalt  }
0x4f: {  	_ =	shalt  }
0x50: {  	_ =	shalt  }
0x51: {  	_ =	shalt  }
0x52: {  	_ =	shalt  }
0x53: {  	_ =	shalt  }
0x54: {  	_ =	shalt  }
0x55: {  	_ =	shalt  }
0x56: {  	_ =	shalt  }
0x57: {  	_ =	shalt  }
0x58: {  	_ =	shalt  }
0x59: {  	_ =	shalt  }
0x5a: {  	_ =	shalt  }
0x5b: {  	_ =	shalt  }
0x5c: {  	_ =	shalt  }
0x5d: {  	_ =	shalt  }
0x5e: {  	_ =	shalt  }
0x5f: {  	_ =	shalt  }
0x60: {  	_ =	shalt  }
0x61: {  	_ =	shalt  }
0x62: {  	_ =	shalt  }
0x63: {  	_ =	shalt  }
0x64: {  	_ =	shalt  }
0x65: {  	_ =	shalt  }
0x66: {  	_ =	shalt  }
0x67: {  	_ =	shalt  }
0x68: {  	_ =	shalt  }
0x69: {  	_ =	shalt  }
0x6a: {  	_ =	shalt  }
0x6b: {  	_ =	shalt  }
0x6c: {  	_ =	shalt  }
0x6d: {  	_ =	shalt  }
0x6e: {  	_ =	shalt  }
0x6f: {  	_ =	shalt  }
0x70: {  	_ =	shalt  }
0x71: {  	_ =	shalt  }
0x72: {  	_ =	shalt  }
0x73: {  	_ =	shalt  }
0x74: {  	_ =	shalt  }
0x75: {  	_ =	shalt  }
0x76: {  	_ =	shalt  }
0x77: {  	_ =	shalt  }
0x78: {  	_ =	shalt  }
0x79: {  	_ =	shalt  }
0x7a: {  	_ =	shalt  }
0x7b: {  	_ =	shalt  }
0x7c: {  	_ =	shalt  }
0x7d: {  	_ =	shalt  }
0x7e: {  	_ =	shalt  }
0x7f: {  	_ =	shalt  }
0x80: {  	_ =	shalt  }
0x81: {  	_ =	shalt  }
0x82: {  	_ =	shalt  }
0x83: {  	_ =	shalt  }
0x84: {  	_ =	shalt  }
0x85: {  	_ =	shalt  }
0x86: {  	_ =	shalt  }
0x87: {  	_ =	shalt  }
.Lfunc_end0:
.L_simem_size_0:
called_computation_lowered:
.L_overlay_start_0:
0x88: {  	s2 =	sld [smem:$0x3FD9]  }
0x89: {  	s3 =	sld [smem:$0x3FFE];
	_ =	sdelay $0x1  }
0x8a: {  	s1 =	srdreg.scid  }
0x8b: {  	s0 =	sand.u32 $0x1, s1  }
0x8c: {  	s16 =	sshll.u32 s0, $0xA;
	s2 =	sadd.s32 s3, s2  }
0x8d: {  	s2 =	sadd.s32 s2, s16  }
0x8e: {  	[smem:$0x3FBD] =	sst s2  }
0x8f: {  	_ = 	snop  }
0x90: {  	(tm) =	ssettm $0x1  }
0x91: {  	s17 =	sld [smem:$0x3FFB];
	_ =	sdelay $0x3  }
0x92: {  	_ =	strace s17  }
0x93: {  	s2 =	sld [smem:$0x3FFC];
	_ =	sdelay $0x3  }
0x94: {  	_ =	strace s2  }
0x95: {  	s2 =	sld [smem:$0x3FFD];
	_ =	sdelay $0x3  }
0x96: {  	_ =	strace s2  }
0x97: {  	_ =	strace $0x8FFFFFFF  }
0x98: {  	s18 =	sld [smem:$0x3FDB];
	_ =	sdelay $0x1  }
0x99: {  	s19 =	simm.s32 $_scs_section_size  }
0x9a: {  	s4 =	simm.s32 $_size__tile_overlayer_lowered;
	s5 =	simm.s32 $_tile_overlayer_lowered  }
0x9b: {  	s22 =	simm.s32 $0x1BFF;
	s21 =	sshll.u32 s5, $0x1;
	s2 =	sadd.s32 s19, s18  }
0x9c: {  	s6 =	simm.s32 $0x0;
	s20 =	sshll.u32 s4, $0x1;
	s4 =	sadd.s32 s21, s2  }
0x9d: {  	[timem:s6], [sflag:s22] =	dma.local [hbm:s4], s20  }
0x9e: {  	_ =	swait.ge [sflag:s22], s20  }
0x9f: {  	s3 =	ssub.s32 $0x0, s20;
	[sflag:s22] =	ssyncset.done $0x0  }
0xa0: {  	[sflag:s22] =	ssyncadd.s32 s3;
	_ =	sdelay $0x1  }
0xa1: {  	s23 =	simm.s32 $0x1B8B  }
0xa2: {  	_ =	swait.ge [sflag:s23], $0x1  }
0xa3: {  	[sflag:s23] =	ssyncset.done $0x0  }
0xa4: {  	s25 =	simm.s32 $0x1B8E;
	s24 =	sld [smem:$0x3FFE];
	[sflag:s23] =	ssyncadd.s32 $0xFFFFFFFF  }
0xa5: {  	s26 =	simm.s32 $execute0_lowered;
	[smem:$0x3FD2] =	sst s25  }
0xa6: {  	s4 =	sshll.u32 s26, $0x1;
	_ =	strace $0x80000046;
	[dreg:$0x1] =	wrdreg $0xFFFFFFFF  }
0xa7: {  	s28 =	simm.s32 $_size_execute0_lowered;
	s2 =	sadd.s32 s2, s4;
	[dreg:$0x0] =	wrdreg $0x0  }
0xa8: {  	s4 =	sshll.u32 s28, $0x1;
	[dreg:$0x2] =	wrdreg s2  }
0xa9: {  	[dreg:$0x3] =	wrdreg s4  }
0xaa: {  	[dreg:$0x4] =	wrdreg $0xC0  }
0xab: {  	_ =	task [dreg:s6], $0x5FFFF  }
0xac: {  	[dreg:$0x1] =	wrdreg $0xFFFFFFFF  }
0xad: {  	[dreg:$0x0] =	wrdreg $0x60  }
0xae: {  	[dreg:$0x2] =	wrdreg s24  }
0xaf: {  	[dreg:$0x3] =	wrdreg $0x9  }
0xb0: {  	_ =	task.clear_ibuf [dreg:s6], $0x4FFFF;
	_ =	strace $0x90000046  }
0xb1: {  	s29 =	simm.s32 $0x9;
	_ =	strace $0x80000048  }
0xb2: {  	_ =	swait.ge [sflag:s29], $0x1  }
0xb3: {  	[sflag:s29] =	ssyncadd.s32 $0xFFFFFFFF  }
0xb4: {  	_ =	strace $0x90000048  }
0xb5: {  	_ =	sfence  }
0xb6: {  	s30 =	sld [smem:$0x0];
	_ =	sdelay $0x2  }
0xb7: {  	s31 =	sshll.u32 s1, $0xD;
	s1 =	sshrl.u32 s1, $0x2  }
0xb8: {  	s3 =	sand.u32 $0x4000, s31;
	s1 =	sadd.s32 s1, s30  }
0xb9: {  	s0 =	sor.u32 s3, s0;
	s1 =	sshll.u32 s1, $0x11  }
0xba: {  	s0 =	sor.u32 s1, s0  }
0xbb: {  	s0 =	sadd.s32 $0x8F2B, s0  }
0xbc: {  	[sflag:s0] =	ssyncadd.remote.s32 $0x1  }
0xbd: {  	_ =	sfence.sel $0xFFFF  }
0xbe: {  	[dreg:$0x0] =	wrdreg $0xFFFFFFFF;
	(pc) =	sbr.abs _section_cstart, $3  }
0xbf: {  	[dreg:$0x1] =	wrdreg $0xFFFFFFFF  }
0xc0: {  	_ =	task.clear_ibuf [dreg:s6], $0x2FFFF;
	_ =	strace $0x9FFFFFFF  }
0xc1: {  	(tm) =	ssettm $0x7FFFFFFF  }
tec
execute0_lowered:
.L_overlay_start_1:
0x0: {  	(tag) =	ssettag $0x1  }
0x1: {  	s1 =	srdreg.scid  }
0x2: {  	s0 =	stileid.u32;
	s3 =	rddreg [dreg:$0x0]  }
0x3: {  	s8 =	simm.s32 $0x80;
	s9 =	simm.s32 $0x400;
	s10 =	simm.s32 $0x0  }
0x4: {  	s4 =	sand.u32 $0x1, s1;
	s2 =	sshll.u32 s0, $0x1;
	s1 =	rddreg [dreg:$0x1]  }
0x5: {  	s6 =	sshrl.u32 s0, $0x2;
	s5 =	sor.u32 s4, s2;
	s2 =	simm.s32 $0x0  }
0x6: {  	s6 =	smul.u32 $0x14000, s6;
	s4 =	ssub.s32 $0x2, s4;
	s7 =	sshll.u32 s5, $0x7  }
0x7: {  	[smem:$0x7FF] =	sst s2;
	s5 =	sshll.u32 s5, $0xB;
	s7 =	sand.u32 $0x380, s7  }
0x8: {  	s30 =	sshrl.u32 s4, $0x1;
	_ =	strace $0x80000047;
	s6 =	sor.u32 s6, s7  }
0x9: {  	s5 =	sadd.s32 s5, s3;
	s31 =	ssub.s32 s4, s30;
	s6 =	sshrl.u32 s6, $0x3  }
0xa: {  	s7 =	simm.s32 $0x4000;
	s6 =	sadd.s32 s6, s3;
	s3 =	sadd.s32 $0x4E00, s5  }
0xb: {  	v0 =	vimm.f32 $0.0e+00;
	v1 =	vimm.f32 $1.000000000e+00;
	s5 =	smax.u32 s31, $0x1;
	s4 =	sadd.s32 $0x14E00, s6;
	s6 =	simm.s32 $0x1  }
.LBB2_1:
0xc: {  	[tilespmem:s2], [sflag:$0x1] =	stream.linear.gather [hbm4b:s3+s2], $0x3E80, $0x38;
	[tilespmem:$0x6800] =	vst v63  }
0xd: {  	_ =	swait.ge [sflag:s6], $0x3E80  }
0xe: {  	[sflag:s6] =	ssyncset.done $0x0  }
0xf: {  	s11 =	simm.s32 $0x0;
	[sflag:s6] =	ssyncadd.s32 $0xFFFFC180  }
.LBB2_2:
0x10: {  	p0 =	sne.s32 s11, $0x9FC0  }
.Ltmp0:
0x11: {  	_ = 	snop;
	(pc) =	sbr.rel @p0 .LBB2_2-.Ltmp0, $3  }
0x12: {  	_ =	sdelay $0x1  }
0x13: {  	s12 =	sshra.s32 s11, $0x2  }
0x14: {  	s11 =	sadd.s32 $0x40, s11;
	[tilespmem:s12+$0x4000] =	vst v0  }
0x15: {  	s11 =	simm.s32 $0x0  }
.LBB2_4:
0x16: {  	s12 =	sshra.s32 s11, $0x2  }
0x17: {  	v2 =	vld [tilespmem:s12+$0x0];
	_ =	sdelay $0x4  }
0x18: {  	v3 =	vshra.s32 v2, $0xE;
	v2 =	vand.u32 $0x3FFF, v2  }
0x19: {  	vm0 =	veq.s32 v3, v2  }
0x1a: {  	v2 =	vsel vm0, $0x2710, v3;
	_ =	sdelay $0x4  }
0x1b: {  	[tilespmem:v2+s7+$0x0] =	vst.idx.add.f32.msk $0xffff, v1  }
0x1c: {  	v2 =	vld [tilespmem:s12+$0x10];
	_ =	sdelay $0x4  }
0x1d: {  	v3 =	vshra.s32 v2, $0xE;
	v2 =	vand.u32 $0x3FFF, v2  }
0x1e: {  	vm12 =	veq.s32 v3, v2  }
0x1f: {  	v2 =	vsel vm12, $0x2710, v3;
	_ =	sdelay $0x4  }
0x20: {  	[tilespmem:v2+s7+$0x0] =	vst.idx.add.f32.msk $0xffff, v1  }
0x21: {  	v2 =	vld [tilespmem:s12+$0x20];
	_ =	sdelay $0x4  }
0x22: {  	v3 =	vshra.s32 v2, $0xE;
	v2 =	vand.u32 $0x3FFF, v2  }
0x23: {  	vm13 =	veq.s32 v3, v2  }
0x24: {  	v2 =	vsel vm13, $0x2710, v3;
	_ =	sdelay $0x4  }
0x25: {  	[tilespmem:v2+s7+$0x0] =	vst.idx.add.f32.msk $0xffff, v1  }
0x26: {  	v2 =	vld [tilespmem:s12+$0x30];
	_ =	sdelay $0x4  }
0x27: {  	v3 =	vshra.s32 v2, $0xE;
	v2 =	vand.u32 $0x3FFF, v2  }
0x28: {  	vm14 =	veq.s32 v3, v2  }
0x29: {  	v2 =	vsel vm14, $0x2710, v3;
	_ =	sdelay $0x4  }
0x2a: {  	[tilespmem:v2+s7+$0x0] =	vst.idx.add.f32.msk $0xffff, v1  }
0x2b: {  	v2 =	vld [tilespmem:s12+$0x40];
	_ =	sdelay $0x4  }
0x2c: {  	v3 =	vshra.s32 v2, $0xE;
	v2 =	vand.u32 $0x3FFF, v2  }
0x2d: {  	vm15 =	veq.s32 v3, v2  }
0x2e: {  	p0 =	sne.s32 s11, $0xF800;
	v2 =	vsel vm15, $0x2710, v3  }
.Ltmp1:
0x2f: {  	_ = 	snop;
	(pc) =	sbr.rel @p0 .LBB2_4-.Ltmp1, $2  }
0x30: {  	_ =	sdelay $0x2  }
0x31: {  	s11 =	sadd.s32 $0x200, s11;
	[tilespmem:v2+s7+$0x0] =	vst.idx.add.f32.msk $0xffff, v1  }
0x32: {  	s10 =	sadd.s32 $0x1, s10  }
0x33: {  	p0 =	sne.s32 s10, s5  }
.Ltmp2:
0x34: {  	_ = 	snop;
	(pc) =	sbr.rel @p0 .LBB2_1-.Ltmp2, $4  }
0x35: {  	[hbm4b:s4+s8] =	stream.strided.scatter [tilespmem:s7], [sflag:$0x1], $0x2800, s9, s8, $0x38;
	[tilespmem:$0x6800] =	vst v63  }
0x36: {  	_ =	swait.ge [sflag:s6], $0x2800  }
0x37: {  	[sflag:s6] =	ssyncset.done $0x0  }
0x38: {  	[sflag:s6] =	ssyncadd.s32 $0xFFFFD800  }
0x39: {  	_ =	sfence.sel $0x180000  }
0x3a: {  	[bflag:$0x0] =	sbarrier.arrive $0xFFFF  }
0x3b: {  	p0 =	sne.s32 s0, $0x0;
	_ =	strace $0x90000047  }
0x3c: {  	s0 =	sadd.s32 @!p0 $0x100000, s1;
	[bflag:$0x2] =	sbarrier.arrive $0xFFFF  }
0x3d: {  	[sflag:s0] =	ssyncadd.tile.s32 @!p0 $0x1;
	_ =	shalt  }
.Lfunc_end2:
_tile_overlayer_lowered:
.L_overlay_start_2:
0x3e: {  	(tag) =	ssettag $0x2  }
0x3f: {  	s0 =	rddreg [dreg:$0x0];
	s2 =	stileid.u32  }
0x40: {  	s1 =	rddreg [dreg:$0x1];
	p0 =	sne.s32 s2, $0x0  }
0x41: {  	s3 =	rddreg [dreg:$0x2];
	[bflag:$0x3] =	sbarrier.arrive $0xFFFF;
	s2 =	simm.s32 @!p0 $0x1C01  }
0x42: {  	[timem:s3], [sflag:s2] =	dma.local @!p0 [hbm:s0], s1  }
0x43: {  	s0 =	simm.s32 @!p0 $0x1  }
0x44: {  	_ =	swait.ge @!p0 [sflag:s0], s1  }
0x45: {  	s1 =	ssub.s32 @!p0 $0x0, s1;
	[sflag:s0] =	ssyncset.done @!p0 $0x0  }
0x46: {  	[sflag:s0] =	ssyncadd.s32 @!p0 s1  }
0x47: {  	[bflag:$0x3] =	sbarrier.arrive $0xFFFF  }
0x48: {  	_ =	shalt  }

// kernel: kernel.22.cloned.1.call-start
scs
__scs_entry_jumppad:
0x0: {  	(pc) =	sbr.rel $0x88, $3  }
0x1: {  	(tag) =	ssettag $0x0;
	lr =	simm.s32 $0x1  }
0x2: {  	[smem:$0x3F96] =	sst lr;
	_ =	strace $0xD0000000  }
0x3: {  	_ = 	snop  }
0x4: {  	_ = 	snop  }
0x5: {  	_ = 	snop  }
0x6: {  	_ = 	snop  }
0x7: {  	_ = 	snop  }
__scs_overlays_trampoline_lowered:
0x8: {  	[smem:$0x3FA5] =	sst s0  }
0x9: {  	[smem:$0x3FA6] =	sst s1  }
0xa: {  	[smem:$0x3FA7] =	sst s2  }
0xb: {  	[smem:$0x3FA8] =	sst s3  }
0xc: {  	[smem:$0x3FA9] =	sst s4  }
0xd: {  	[smem:$0x3FAA] =	sst s5  }
0xe: {  	[smem:$0x3FAB] =	sst s6  }
0xf: {  	[smem:$0x3FAC] =	sst s7  }
0x10: {  	[smem:$0x3FAD] =	sst s8  }
0x11: {  	[smem:$0x3FAE] =	sst s9;
	s0 =	simm.s32 @!p0 $0x0  }
0x12: {  	s1 =	sld [smem:$0x3F94];
	s0 =	simm.s32 @p0 $0x1  }
0x13: {  	[smem:$0x3FAF] =	sst s0;
	s0 =	simm.s32 @!p1 $0x0  }
0x14: {  	s2 =	sld [smem:$0x3F93];
	s0 =	simm.s32 @p1 $0x1  }
0x15: {  	[smem:$0x3FB0] =	sst s0;
	s0 =	simm.s32 @!p2 $0x0  }
0x16: {  	s3 =	sld [smem:$0x3FDB];
	s0 =	simm.s32 @p2 $0x1  }
0x17: {  	s4 =	simm.s32 $0x1BF5;
	[smem:$0x3FB2] =	sst s0  }
0x18: {  	s0 =	sld [smem:$0x3F95];
	_ =	swait.ge [sflag:s4], $0x0  }
0x19: {  	s7 =	sld [smem:$0x3F96]  }
0x1a: {  	s8 =	sadd.s32 $0xFFFFE003, lr  }
0x1b: {  	s9 =	sadd.s32 $0xFFFFFEF7, lr;
	s5 =	simm.s32 $0xFFFFFFFF;
	p2 =	slt.u32 s8, $0xFFFFF086  }
0x1c: {  	p1 =	slt.u32 s9, $0xF7A;
	s5 =	simm.s32 @!p2 $0x0  }
0x1d: {  	s5 =	simm.s32 @p1 $0x1;
	p0 =	seq.s32 s7, s2  }
0x1e: {  	s7 =	smul.u32 @!p0 $0xF7A, s2;
	p2 =	seq.s32 @!p0 s5, $0x0  }
0x1f: {  	s9 =	smul.u32 $0xF7A, s1;
	s8 =	simm.s32 @!p0 $0x1BF5;
	p2 =	por !p2, p0  }
0x20: {  	[sflag:s8] =	ssyncset.s32 @!p0 $0xFFFFF086;
	s6 =	sadd.s32 @!p0 s3, s7;
	s7 =	simm.s32 @!p0 $0x108  }
0x21: {  	s3 =	sadd.s32 s3, s9;
	s6 =	sadd.s32 @!p0 $0x88, s6;
	s7 =	simm.s32 @p2 $0x1082  }
0x22: {  	[simem:s7], [sflag:s8] =	dma.local @!p0 [hbm:s6], $0xF7A  }
0x23: {  	s9 =	sor.u32 $0xD0000000, s2;
	s6 =	simm.s32 $0x108;
	_ =	swait.ge @!p0 [sflag:s8], $0x0  }
0x24: {  	s3 =	sadd.s32 $0x88, s3;
	s6 =	simm.s32 @!p1 $0x1082;
	[sflag:s4] =	ssyncset.s32 $0xFFFFF086  }
0x25: {  	[simem:s6], [sflag:s4] =	dma.local [hbm:s3], $0xF7A  }
0x26: {  	[smem:$0x3F96] =	sst s1;
	(tag) =	ssettag s2;
	_ =	strace s9  }
0x27: {  	s1 =	sld [smem:$0x3FA6]  }
0x28: {  	s2 =	sld [smem:$0x3FA7]  }
0x29: {  	s4 =	sld [smem:$0x3FA9]  }
0x2a: {  	p0 =	seq.s32 s5, $0x0;
	s5 =	sld [smem:$0x3FAA]  }
0x2b: {  	s6 =	sld [smem:$0x3FAB]  }
0x2c: {  	s7 =	sld [smem:$0x3FAC]  }
0x2d: {  	s3 =	simm.s32 $0x108;
	s8 =	sld [smem:$0x3FAD]  }
0x2e: {  	s3 =	simm.s32 @!p0 $0x1082;
	s9 =	sld [smem:$0x3FAE]  }
0x2f: {  	lr =	sadd.s32 s0, s3;
	s0 =	sld [smem:$0x3FA5]  }
0x30: {  	s3 =	sld [smem:$0x3FA8]  }
0x31: {  	[smem:$0x3FB1] =	sst s10  }
0x32: {  	s10 =	sld [smem:$0x3FAF];
	_ =	sdelay $0x3  }
0x33: {  	p0 =	seq.s32 s10, $0x1;
	s10 =	sld [smem:$0x3FB1];
	_ =	sdelay $0x3  }
0x34: {  	[smem:$0x3FB1] =	sst s10  }
0x35: {  	s10 =	sld [smem:$0x3FB0];
	_ =	sdelay $0x3  }
0x36: {  	p1 =	seq.s32 s10, $0x1;
	s10 =	sld [smem:$0x3FB1];
	_ =	sdelay $0x3  }
0x37: {  	[smem:$0x3FB1] =	sst s10  }
0x38: {  	s10 =	sld [smem:$0x3FB2]  }
0x39: {  	_ = 	snop;
	(pc) =	sbr.ind lr, $3  }
0x3a: {  	_ = 	snop  }
0x3b: {  	_ = 	snop  }
0x3c: {  	p2 =	seq.s32 s10, $0x1;
	s10 =	sld [smem:$0x3FB1]  }
0x3d: {  	_ =	shalt  }
0x3e: {  	_ =	shalt  }
0x3f: {  	_ =	shalt  }
0x40: {  	_ =	shalt  }
0x41: {  	_ =	shalt  }
0x42: {  	_ =	shalt  }
0x43: {  	_ =	shalt  }
0x44: {  	_ =	shalt  }
0x45: {  	_ =	shalt  }
0x46: {  	_ =	shalt  }
0x47: {  	_ =	shalt  }
0x48: {  	_ =	shalt  }
0x49: {  	_ =	shalt  }
0x4a: {  	_ =	shalt  }
0x4b: {  	_ =	shalt  }
0x4c: {  	_ =	shalt  }
0x4d: {  	_ =	shalt  }
0x4e: {  	_ =	shalt  }
0x4f: {  	_ =	shalt  }
0x50: {  	_ =	shalt  }
0x51: {  	_ =	shalt  }
0x52: {  	_ =	shalt  }
0x53: {  	_ =	shalt  }
0x54: {  	_ =	shalt  }
0x55: {  	_ =	shalt  }
0x56: {  	_ =	shalt  }
0x57: {  	_ =	shalt  }
0x58: {  	_ =	shalt  }
0x59: {  	_ =	shalt  }
0x5a: {  	_ =	shalt  }
0x5b: {  	_ =	shalt  }
0x5c: {  	_ =	shalt  }
0x5d: {  	_ =	shalt  }
0x5e: {  	_ =	shalt  }
0x5f: {  	_ =	shalt  }
0x60: {  	_ =	shalt  }
0x61: {  	_ =	shalt  }
0x62: {  	_ =	shalt  }
0x63: {  	_ =	shalt  }
0x64: {  	_ =	shalt  }
0x65: {  	_ =	shalt  }
0x66: {  	_ =	shalt  }
0x67: {  	_ =	shalt  }
0x68: {  	_ =	shalt  }
0x69: {  	_ =	shalt  }
0x6a: {  	_ =	shalt  }
0x6b: {  	_ =	shalt  }
0x6c: {  	_ =	shalt  }
0x6d: {  	_ =	shalt  }
0x6e: {  	_ =	shalt  }
0x6f: {  	_ =	shalt  }
0x70: {  	_ =	shalt  }
0x71: {  	_ =	shalt  }
0x72: {  	_ =	shalt  }
0x73: {  	_ =	shalt  }
0x74: {  	_ =	shalt  }
0x75: {  	_ =	shalt  }
0x76: {  	_ =	shalt  }
0x77: {  	_ =	shalt  }
0x78: {  	_ =	shalt  }
0x79: {  	_ =	shalt  }
0x7a: {  	_ =	shalt  }
0x7b: {  	_ =	shalt  }
0x7c: {  	_ =	shalt  }
0x7d: {  	_ =	shalt  }
0x7e: {  	_ =	shalt  }
0x7f: {  	_ =	shalt  }
0x80: {  	_ =	shalt  }
0x81: {  	_ =	shalt  }
0x82: {  	_ =	shalt  }
0x83: {  	_ =	shalt  }
0x84: {  	_ =	shalt  }
0x85: {  	_ =	shalt  }
0x86: {  	_ =	shalt  }
0x87: {  	_ =	shalt  }
.Lfunc_end0:
.L_simem_size_0:
called_computation.1_lowered:
.L_overlay_start_0:
0x88: {  	s2 =	sld [smem:$0x3FD9]  }
0x89: {  	s3 =	sld [smem:$0x3FFE];
	_ =	sdelay $0x1  }
0x8a: {  	s1 =	srdreg.scid  }
0x8b: {  	s0 =	sand.u32 $0x1, s1  }
0x8c: {  	s16 =	sshll.u32 s0, $0xA;
	s2 =	sadd.s32 s3, s2  }
0x8d: {  	s2 =	sadd.s32 s2, s16  }
0x8e: {  	[smem:$0x3FBD] =	sst s2  }
0x8f: {  	_ = 	snop  }
0x90: {  	(tm) =	ssettm $0x1  }
0x91: {  	s17 =	sld [smem:$0x3FFB];
	_ =	sdelay $0x3  }
0x92: {  	_ =	strace s17  }
0x93: {  	s2 =	sld [smem:$0x3FFC];
	_ =	sdelay $0x3  }
0x94: {  	_ =	strace s2  }
0x95: {  	s2 =	sld [smem:$0x3FFD];
	_ =	sdelay $0x3  }
0x96: {  	_ =	strace s2  }
0x97: {  	_ =	strace $0x8FFFFFFF  }
0x98: {  	s18 =	sld [smem:$0x3FDB];
	_ =	sdelay $0x1  }
0x99: {  	s19 =	simm.s32 $_scs_section_size  }
0x9a: {  	s4 =	simm.s32 $_size__tile_overlayer_lowered;
	s5 =	simm.s32 $_tile_overlayer_lowered  }
0x9b: {  	s22 =	simm.s32 $0x1BFF;
	s21 =	sshll.u32 s5, $0x1;
	s2 =	sadd.s32 s19, s18  }
0x9c: {  	s6 =	simm.s32 $0x0;
	s20 =	sshll.u32 s4, $0x1;
	s4 =	sadd.s32 s21, s2  }
0x9d: {  	[timem:s6], [sflag:s22] =	dma.local [hbm:s4], s20  }
0x9e: {  	_ =	swait.ge [sflag:s22], s20  }
0x9f: {  	s3 =	ssub.s32 $0x0, s20;
	[sflag:s22] =	ssyncset.done $0x0  }
0xa0: {  	[sflag:s22] =	ssyncadd.s32 s3;
	_ =	sdelay $0x1  }
0xa1: {  	s23 =	simm.s32 $0x1B8B  }
0xa2: {  	_ =	swait.ge [sflag:s23], $0x1  }
0xa3: {  	[sflag:s23] =	ssyncset.done $0x0  }
0xa4: {  	s25 =	simm.s32 $0x1B8E;
	s24 =	sld [smem:$0x3FFE];
	[sflag:s23] =	ssyncadd.s32 $0xFFFFFFFF  }
0xa5: {  	s26 =	simm.s32 $execute0_lowered;
	[smem:$0x3FD2] =	sst s25  }
0xa6: {  	s4 =	sshll.u32 s26, $0x1;
	_ =	strace $0x80000049;
	[dreg:$0x1] =	wrdreg $0xFFFFFFFF  }
0xa7: {  	s28 =	simm.s32 $_size_execute0_lowered;
	s2 =	sadd.s32 s2, s4;
	[dreg:$0x0] =	wrdreg $0x0  }
0xa8: {  	s4 =	sshll.u32 s28, $0x1;
	[dreg:$0x2] =	wrdreg s2  }
0xa9: {  	[dreg:$0x3] =	wrdreg s4  }
0xaa: {  	[dreg:$0x4] =	wrdreg $0xC0  }
0xab: {  	_ =	task [dreg:s6], $0x5FFFF  }
0xac: {  	[dreg:$0x1] =	wrdreg $0xFFFFFFFF  }
0xad: {  	[dreg:$0x0] =	wrdreg $0x60  }
0xae: {  	[dreg:$0x2] =	wrdreg s24  }
0xaf: {  	[dreg:$0x3] =	wrdreg $0xB8000  }
0xb0: {  	[dreg:$0x4] =	wrdreg $0x9  }
0xb1: {  	_ =	task.clear_ibuf [dreg:s6], $0x5FFFF;
	_ =	strace $0x90000049  }
0xb2: {  	s29 =	simm.s32 $0x9;
	_ =	strace $0x8000004B  }
0xb3: {  	_ =	swait.ge [sflag:s29], $0x1  }
0xb4: {  	[sflag:s29] =	ssyncadd.s32 $0xFFFFFFFF  }
0xb5: {  	_ =	strace $0x9000004B  }
0xb6: {  	_ =	sfence  }
0xb7: {  	s30 =	sld [smem:$0x0];
	_ =	sdelay $0x2  }
0xb8: {  	s31 =	sshll.u32 s1, $0xD;
	s1 =	sshrl.u32 s1, $0x2  }
0xb9: {  	s3 =	sand.u32 $0x4000, s31;
	s1 =	sadd.s32 s1, s30  }
0xba: {  	s0 =	sor.u32 s3, s0;
	s1 =	sshll.u32 s1, $0x11  }
0xbb: {  	s0 =	sor.u32 s1, s0  }
0xbc: {  	s0 =	sadd.s32 $0x8F2B, s0  }
0xbd: {  	[sflag:s0] =	ssyncadd.remote.s32 $0x1  }
0xbe: {  	_ =	sfence.sel $0xFFFF  }
0xbf: {  	[dreg:$0x0] =	wrdreg $0xFFFFFFFF;
	(pc) =	sbr.abs _section_cstart, $3  }
0xc0: {  	[dreg:$0x1] =	wrdreg $0xFFFFFFFF  }
0xc1: {  	_ =	task.clear_ibuf [dreg:s6], $0x2FFFF;
	_ =	strace $0x9FFFFFFF  }
0xc2: {  	(tm) =	ssettm $0x7FFFFFFF  }
0xc3: {  	_ =	shalt  }
tec
execute0_lowered:
.L_overlay_start_1:
0x0: {  	(tag) =	ssettag $0x1  }
0x1: {  	s0 =	rddreg [dreg:$0x0];
	s1 =	srdreg.scid  }
0x2: {  	s2 =	rddreg [dreg:$0x1];
	s7 =	stileid.u32;
	s5 =	simm.s32 $0x0  }
0x3: {  	s29 =	simm.s32 $0x2;
	s30 =	simm.s32 $0xA800;
	s4 =	smul.u32 $0x14000, s7  }
0x4: {  	s31 =	simm.s32 $0x50;
	s1 =	sand.u32 $0x1, s1;
	s6 =	smul.u32 $0x50000, s7  }
0x5: {  	[smem:$0x7FF] =	sst s5;
	s22 =	sshll.u32 s7, $0xC;
	s3 =	smul.u32 $0x140000, s1  }
0x6: {  	s21 =	sshll.u32 s1, $0xB;
	_ =	strace $0x8000004A;
	s1 =	ssub.s32 $0x2, s1  }
0x7: {  	s5 =	sadd.s32 s21, s0;
	s23 =	sshrl.u32 s1, $0x1;
	s24 =	sshrl.u32 s6, $0x2  }
0x8: {  	s3 =	sadd.s32 s4, s3;
	s4 =	sadd.s32 $0xB4E00, s0;
	s1 =	ssub.s32 s1, s23  }
0x9: {  	s6 =	sadd.s32 s24, s2;
	s3 =	sshrl.u32 s3, $0x3;
	s25 =	smax.u32 s1, $0x1  }
0xa: {  	s26 =	sadd.s32 $0x1000, s6;
	s10 =	sadd.s32 $0x2000, s6;
	s11 =	sadd.s32 $0x3000, s6  }
0xb: {  	s12 =	sadd.s32 $0x4000, s6;
	s13 =	sadd.s32 $0x5000, s6;
	s14 =	sadd.s32 $0x6000, s6  }
0xc: {  	s15 =	sadd.s32 $0x7000, s6;
	s16 =	sadd.s32 $0x8000, s6;
	s17 =	sadd.s32 $0x9000, s6  }
0xd: {  	s18 =	sadd.s32 $0xA000, s6;
	s19 =	sadd.s32 $0xB000, s6;
	s20 =	sadd.s32 $0xC000, s6  }
0xe: {  	s21 =	sadd.s32 $0xD000, s6;
	s23 =	sadd.s32 $0xF000, s6;
	s24 =	sadd.s32 $0x10000, s6  }
0xf: {  	s28 =	sadd.s32 $0x13000, s6;
	s1 =	simm.s32 $0x0;
	[dreg:$0x5] =	wrdreg s25  }
0x10: {  	s0 =	sadd.s32 s3, s0;
	s3 =	sadd.s32 s22, s5;
	[dreg:$0x6] =	wrdreg s26  }
0x11: {  	s22 =	sadd.s32 $0xE000, s6;
	s25 =	sadd.s32 $0x11000, s6;
	s3 =	sadd.s32 $0x4E00, s3  }
0x12: {  	s26 =	sadd.s32 $0x12000, s6;
	s0 =	sadd.s32 $0xDCE00, s0;
	[dreg:$0x3] =	wrdreg s3  }
0x13: {  	v0 =	vimm.f32 $0.0e+00;
	[dreg:$0x4] =	wrdreg s0;
	s0 =	simm.s32 $0x8000;
	s3 =	simm.s32 $0x1  }
.LBB2_1:
0x14: {  	s5 =	simm.s32 $0x0;
	s7 =	rddreg [dreg:$0x3]  }
0x15: {  	[tilespmem:s5], [sflag:$0x2] =	stream.linear.gather [hbm4b:s7+s5], $0x3E80, $0x38;
	[tilespmem:$0x1F800] =	vst v63  }
0x16: {  	_ =	swait.ge [sflag:s29], $0x3E80  }
0x17: {  	[sflag:s29] =	ssyncset.done $0x0  }
0x18: {  	s5 =	simm.s32 $0x0;
	s7 =	simm.s32 $0x200;
	[sflag:s29] =	ssyncadd.s32 $0xFFFFC180  }
.LBB2_2:
0x19: {  	p0 =	sne.s32 s7, $0x3E00;
	[tilespmem:s5+$0xA870] =	vst v0  }
0x1a: {  	[tilespmem:s5+$0xA800] =	vst v0  }
0x1b: {  	[tilespmem:s5+$0xA810] =	vst v0  }
.Ltmp0:
0x1c: {  	[tilespmem:s5+$0xA820] =	vst v0;
	(pc) =	sbr.rel @p0 .LBB2_2-.Ltmp0, $4  }
0x1d: {  	[tilespmem:s5+$0xA830] =	vst v0  }
0x1e: {  	[tilespmem:s5+$0xA840] =	vst v0  }
0x1f: {  	[tilespmem:s5+$0xA850] =	vst v0  }
0x20: {  	[tilespmem:s5+$0xA860] =	vst v0;
	s5 =	sshra.s32 s7, $0x2;
	s7 =	sadd.s32 $0x200, s7  }
0x21: {  	[tilespmem:s5+$0xA870] =	vst v0  }
0x22: {  	[tilespmem:s5+$0xA800] =	vst v0  }
0x23: {  	[tilespmem:s5+$0xA810] =	vst v0  }
0x24: {  	[tilespmem:s5+$0xA820] =	vst v0  }
0x25: {  	[tilespmem:s5+$0xA830] =	vst v0  }
0x26: {  	[tilespmem:s5+$0xA840] =	vst v0  }
0x27: {  	[tilespmem:s5+$0xA850] =	vst v0  }
0x28: {  	[tilespmem:s5+$0xA860] =	vst v0  }
0x29: {  	[spmem:s6] =	stream.linear.scatter [tilespmem:s30], [sflag:$0x2], $0x1000, $0x38;
	[tilespmem:$0x1F800] =	vst v63  }
0x2a: {  	_ =	swait.ge [sflag:s29], $0x1000  }
0x2b: {  	[sflag:s29] =	ssyncset.done $0x0  }
0x2c: {  	s9 =	rddreg [dreg:$0x6];
	[sflag:s29] =	ssyncadd.s32 $0xFFFFF000  }
0x2d: {  	[spmem:s9] =	stream.linear.scatter [tilespmem:s30], [sflag:$0x2], $0x1000, $0x38;
	[tilespmem:$0x1F800] =	vst v63  }
0x2e: {  	_ =	swait.ge [sflag:s29], $0x1000  }
0x2f: {  	[sflag:s29] =	ssyncset.done $0x0  }
0x30: {  	[sflag:s29] =	ssyncadd.s32 $0xFFFFF000  }
0x31: {  	[spmem:s10] =	stream.linear.scatter [tilespmem:s30], [sflag:$0x2], $0x1000, $0x38;
	[tilespmem:$0x1F800] =	vst v63  }
0x32: {  	_ =	swait.ge [sflag:s29], $0x1000  }
0x33: {  	[sflag:s29] =	ssyncset.done $0x0  }
0x34: {  	[sflag:s29] =	ssyncadd.s32 $0xFFFFF000  }
0x35: {  	[spmem:s11] =	stream.linear.scatter [tilespmem:s30], [sflag:$0x2], $0x1000, $0x38;
	[tilespmem:$0x1F800] =	vst v63  }
0x36: {  	_ =	swait.ge [sflag:s29], $0x1000  }
0x37: {  	[sflag:s29] =	ssyncset.done $0x0  }
0x38: {  	[sflag:s29] =	ssyncadd.s32 $0xFFFFF000  }
0x39: {  	[spmem:s12] =	stream.linear.scatter [tilespmem:s30], [sflag:$0x2], $0x1000, $0x38;
	[tilespmem:$0x1F800] =	vst v63  }
0x3a: {  	_ =	swait.ge [sflag:s29], $0x1000  }
0x3b: {  	[sflag:s29] =	ssyncset.done $0x0  }
0x3c: {  	[sflag:s29] =	ssyncadd.s32 $0xFFFFF000  }
0x3d: {  	[spmem:s13] =	stream.linear.scatter [tilespmem:s30], [sflag:$0x2], $0x1000, $0x38;
	[tilespmem:$0x1F800] =	vst v63  }
0x3e: {  	_ =	swait.ge [sflag:s29], $0x1000  }
0x3f: {  	[sflag:s29] =	ssyncset.done $0x0  }
0x40: {  	[sflag:s29] =	ssyncadd.s32 $0xFFFFF000  }
0x41: {  	[spmem:s14] =	stream.linear.scatter [tilespmem:s30], [sflag:$0x2], $0x1000, $0x38;
	[tilespmem:$0x1F800] =	vst v63  }
0x42: {  	_ =	swait.ge [sflag:s29], $0x1000  }
0x43: {  	[sflag:s29] =	ssyncset.done $0x0  }
0x44: {  	[sflag:s29] =	ssyncadd.s32 $0xFFFFF000  }
0x45: {  	[spmem:s15] =	stream.linear.scatter [tilespmem:s30], [sflag:$0x2], $0x1000, $0x38;
	[tilespmem:$0x1F800] =	vst v63  }
0x46: {  	_ =	swait.ge [sflag:s29], $0x1000  }
0x47: {  	[sflag:s29] =	ssyncset.done $0x0  }
0x48: {  	[sflag:s29] =	ssyncadd.s32 $0xFFFFF000  }
0x49: {  	[spmem:s16] =	stream.linear.scatter [tilespmem:s30], [sflag:$0x2], $0x1000, $0x38;
	[tilespmem:$0x1F800] =	vst v63  }
0x4a: {  	_ =	swait.ge [sflag:s29], $0x1000  }
0x4b: {  	[sflag:s29] =	ssyncset.done $0x0  }
0x4c: {  	[sflag:s29] =	ssyncadd.s32 $0xFFFFF000  }
0x4d: {  	[spmem:s17] =	stream.linear.scatter [tilespmem:s30], [sflag:$0x2], $0x1000, $0x38;
	[tilespmem:$0x1F800] =	vst v63  }
0x4e: {  	_ =	swait.ge [sflag:s29], $0x1000  }
0x4f: {  	[sflag:s29] =	ssyncset.done $0x0  }
0x50: {  	[sflag:s29] =	ssyncadd.s32 $0xFFFFF000  }
0x51: {  	[spmem:s18] =	stream.linear.scatter [tilespmem:s30], [sflag:$0x2], $0x1000, $0x38;
	[tilespmem:$0x1F800] =	vst v63  }
0x52: {  	_ =	swait.ge [sflag:s29], $0x1000  }
0x53: {  	[sflag:s29] =	ssyncset.done $0x0  }
0x54: {  	[sflag:s29] =	ssyncadd.s32 $0xFFFFF000  }
0x55: {  	[spmem:s19] =	stream.linear.scatter [tilespmem:s30], [sflag:$0x2], $0x1000, $0x38;
	[tilespmem:$0x1F800] =	vst v63  }
0x56: {  	_ =	swait.ge [sflag:s29], $0x1000  }
0x57: {  	[sflag:s29] =	ssyncset.done $0x0  }
0x58: {  	[sflag:s29] =	ssyncadd.s32 $0xFFFFF000  }
0x59: {  	[spmem:s20] =	stream.linear.scatter [tilespmem:s30], [sflag:$0x2], $0x1000, $0x38;
	[tilespmem:$0x1F800] =	vst v63  }
0x5a: {  	_ =	swait.ge [sflag:s29], $0x1000  }
0x5b: {  	[sflag:s29] =	ssyncset.done $0x0  }
0x5c: {  	[sflag:s29] =	ssyncadd.s32 $0xFFFFF000  }
0x5d: {  	[spmem:s21] =	stream.linear.scatter [tilespmem:s30], [sflag:$0x2], $0x1000, $0x38;
	[tilespmem:$0x1F800] =	vst v63  }
0x5e: {  	_ =	swait.ge [sflag:s29], $0x1000  }
0x5f: {  	[sflag:s29] =	ssyncset.done $0x0  }
0x60: {  	[sflag:s29] =	ssyncadd.s32 $0xFFFFF000  }
0x61: {  	[spmem:s22] =	stream.linear.scatter [tilespmem:s30], [sflag:$0x2], $0x1000, $0x38;
	[tilespmem:$0x1F800] =	vst v63  }
0x62: {  	_ =	swait.ge [sflag:s29], $0x1000  }
0x63: {  	[sflag:s29] =	ssyncset.done $0x0  }
0x64: {  	[sflag:s29] =	ssyncadd.s32 $0xFFFFF000  }
0x65: {  	[spmem:s23] =	stream.linear.scatter [tilespmem:s30], [sflag:$0x2], $0x1000, $0x38;
	[tilespmem:$0x1F800] =	vst v63  }
0x66: {  	_ =	swait.ge [sflag:s29], $0x1000  }
0x67: {  	[sflag:s29] =	ssyncset.done $0x0  }
0x68: {  	[sflag:s29] =	ssyncadd.s32 $0xFFFFF000  }
0x69: {  	[spmem:s24] =	stream.linear.scatter [tilespmem:s30], [sflag:$0x2], $0x1000, $0x38;
	[tilespmem:$0x1F800] =	vst v63  }
0x6a: {  	_ =	swait.ge [sflag:s29], $0x1000  }
0x6b: {  	[sflag:s29] =	ssyncset.done $0x0  }
0x6c: {  	[sflag:s29] =	ssyncadd.s32 $0xFFFFF000  }
0x6d: {  	[spmem:s25] =	stream.linear.scatter [tilespmem:s30], [sflag:$0x2], $0x1000, $0x38;
	[tilespmem:$0x1F800] =	vst v63  }
0x6e: {  	_ =	swait.ge [sflag:s29], $0x1000  }
0x6f: {  	[sflag:s29] =	ssyncset.done $0x0  }
0x70: {  	[sflag:s29] =	ssyncadd.s32 $0xFFFFF000  }
0x71: {  	[spmem:s26] =	stream.linear.scatter [tilespmem:s30], [sflag:$0x2], $0x1000, $0x38;
	[tilespmem:$0x1F800] =	vst v63  }
0x72: {  	_ =	swait.ge [sflag:s29], $0x1000  }
0x73: {  	[sflag:s29] =	ssyncset.done $0x0  }
0x74: {  	[sflag:s29] =	ssyncadd.s32 $0xFFFFF000  }
0x75: {  	[spmem:s28] =	stream.linear.scatter [tilespmem:s30], [sflag:$0x2], $0x1000, $0x38;
	[tilespmem:$0x1F800] =	vst v63  }
0x76: {  	_ =	swait.ge [sflag:s29], $0x1000  }
0x77: {  	[sflag:s29] =	ssyncset.done $0x0  }
0x78: {  	s5 =	simm.s32 $0x0;
	[sflag:s29] =	ssyncadd.s32 $0xFFFFF000  }
0x79: {  	v1 =	vld [tilespmem:s5+$0x0]  }
0x7a: {  	v2 =	vld [tilespmem:s5+$0x10]  }
0x7b: {  	v3 =	vld [tilespmem:s5+$0x20]  }
0x7c: {  	v4 =	vld [tilespmem:s5+$0x30]  }
0x7d: {  	v5 =	vld [tilespmem:s5+$0x40];
	_ =	sdelay $0x1  }
0x7e: {  	v6 =	vshra.s32 v1, $0xE;
	v7 =	vshra.s32 v2, $0xE  }
0x7f: {  	v8 =	vshra.s32 v3, $0xE;
	v9 =	vand.u32 $0x3FFF, v1;
	v2 =	vand.u32 $0x3FFF, v2;
	[tilespmem:s5+$0x0] =	vst v6  }
0x80: {  	v10 =	vshra.s32 v4, $0xE;
	v4 =	vand.u32 $0x3FFF, v4;
	[tilespmem:s5+$0x10] =	vst v7;
	vm0 =	veq.s32 v6, v9  }
0x81: {  	[tilespmem:s5+$0x20] =	vst v8;
	vm1 =	veq.s32 v7, v2;
	v6 =	vand.u32 $0x3FFF, v3;
	v7 =	vshra.s32 v5, $0xE  }
0x82: {  	s7 =	simm.s32 $0x80;
	[tilespmem:s5+$0x30] =	vst v10;
	vm3 =	veq.s32 v10, v4;
	vm2 =	veq.s32 v8, v6;
	v8 =	vand.u32 $0x3FFF, v5  }
0x83: {  	v1 =	vld [tilespmem:s7+$0x0];
	[tilespmem:s5+$0x40] =	vst v7;
	v5 =	vsel vm0, $0x2710, v9;
	v3 =	vsel vm1, $0x2710, v2;
	vm15 =	veq.s32 v7, v8  }
0x84: {  	s8 =	simm.s32 $0x400;
	v2 =	vld [tilespmem:s7+$0x10];
	[tilespmem:s5+$0x4000] =	vst v5;
	v6 =	vsel vm2, $0x2710, v6;
	v5 =	vsel vm3, $0x2710, v4;
	v4 =	vsel vm15, $0x2710, v8  }
.LBB2_4:
0x85: {  	p0 =	sne.s32 s8, $0xF800;
	v7 =	vld [tilespmem:s7+$0x20];
	[tilespmem:s5+$0x4010] =	vst v3  }
0x86: {  	v3 =	vld [tilespmem:s7+$0x30];
	[tilespmem:s5+$0x4020] =	vst v6  }
0x87: {  	v6 =	vld [tilespmem:s7+$0x40];
	[tilespmem:s5+$0x4030] =	vst v5  }
0x88: {  	v5 =	vshra.s32 v1, $0xE;
	v8 =	vand.u32 $0x3FFF, v1;
	[tilespmem:s5+$0x4040] =	vst v4;
	s5 =	smov.u32 s7  }
0x89: {  	[tilespmem:s5+$0x0] =	vst v5;
	vm0 =	veq.s32 v5, v8;
	v1 =	vshra.s32 v2, $0xE;
	v2 =	vand.u32 $0x3FFF, v2  }
.Ltmp1:
0x8a: {  	[tilespmem:s5+$0x10] =	vst v1;
	vm1 =	veq.s32 v1, v2;
	v1 =	vshra.s32 v7, $0xE;
	v4 =	vand.u32 $0x3FFF, v7;
	(pc) =	sbr.rel @p0 .LBB2_4-.Ltmp1, $4  }
0x8b: {  	[tilespmem:s5+$0x20] =	vst v1;
	vm2 =	veq.s32 v1, v4;
	v1 =	vshra.s32 v3, $0xE;
	v5 =	vand.u32 $0x3FFF, v3  }
0x8c: {  	s7 =	sshra.s32 s8, $0x2;
	[tilespmem:s5+$0x30] =	vst v1;
	vm3 =	veq.s32 v1, v5;
	v7 =	vshra.s32 v6, $0xE;
	v9 =	vand.u32 $0x3FFF, v6  }
0x8d: {  	v3 =	vsel vm1, $0x2710, v2;
	v6 =	vsel vm0, $0x2710, v8;
	v1 =	vld [tilespmem:s7+$0x0];
	[tilespmem:s5+$0x40] =	vst v7;
	vm0 =	veq.s32 v7, v9  }
0x8e: {  	s8 =	sadd.s32 $0x200, s8;
	v5 =	vsel vm3, $0x2710, v5;
	v2 =	vld [tilespmem:s7+$0x10];
	[tilespmem:s5+$0x4000] =	vst v6;
	v6 =	vsel vm2, $0x2710, v4;
	v4 =	vsel vm0, $0x2710, v9  }
0x8f: {  	v7 =	vld [tilespmem:s7+$0x20];
	[tilespmem:s5+$0x4010] =	vst v3  }
0x90: {  	v3 =	vld [tilespmem:s7+$0x30];
	[tilespmem:s5+$0x4020] =	vst v6  }
0x91: {  	v6 =	vld [tilespmem:s7+$0x40];
	[tilespmem:s5+$0x4030] =	vst v5  }
0x92: {  	[tilespmem:s5+$0x4040] =	vst v4;
	v60 =	vshra.s32 v1, $0xE  }
0x93: {  	v1 =	vand.u32 $0x3FFF, v1;
	[tilespmem:s7+$0x0] =	vst v60;
	v61 =	vshra.s32 v2, $0xE  }
0x94: {  	vm0 =	veq.s32 v60, v1;
	[tilespmem:s7+$0x10] =	vst v61;
	v8 =	vshra.s32 v7, $0xE  }
0x95: {  	v2 =	vand.u32 $0x3FFF, v2;
	v1 =	vsel vm0, $0x2710, v1;
	[tilespmem:s7+$0x20] =	vst v8  }
0x96: {  	vm1 =	veq.s32 v61, v2;
	v9 =	vshra.s32 v3, $0xE;
	[tilespmem:s7+$0x4000] =	vst v1  }
0x97: {  	v63 =	vand.u32 $0x3FFF, v7;
	v2 =	vsel vm1, $0x2710, v2;
	[tilespmem:s7+$0x30] =	vst v9  }
0x98: {  	vm13 =	veq.s32 v8, v63;
	v3 =	vand.u32 $0x3FFF, v3;
	v62 =	vshra.s32 v6, $0xE;
	[tilespmem:s7+$0x4010] =	vst v2  }
0x99: {  	vm14 =	veq.s32 v9, v3;
	v1 =	vand.u32 $0x3FFF, v6;
	v4 =	vsel vm13, $0x2710, v63;
	[tilespmem:s7+$0x40] =	vst v62  }
0x9a: {  	vm15 =	veq.s32 v62, v1;
	v2 =	vsel vm14, $0x2710, v3;
	[tilespmem:s7+$0x4020] =	vst v4  }
0x9b: {  	v1 =	vsel vm15, $0x2710, v1;
	[tilespmem:s7+$0x4030] =	vst v2  }
0x9c: {  	[tilespmem:s7+$0x4040] =	vst v1  }
0x9d: {  	s8 =	simm.s32 $0x0;
	[bflag:$0x0] =	sbarrier.arrive $0xFFFF  }
0x9e: {  	[tilespmem:s0], [sflag:$0x1] =	stream.indirect.gather [hbm4b:s4+s31], $0x80, s8, s31, $0xb8;
	[tilespmem:$0x1F800] =	vst v63  }
0x9f: {  	_ =	swait.ge [sflag:s3], $0x2800  }
0xa0: {  	[sflag:s3] =	ssyncset.done $0x0  }
0xa1: {  	s9 =	simm.s32 $0x4000;
	[sflag:s3] =	ssyncadd.s32 $0xFFFFD800  }
0xa2: {  	[spmem:s2] =	stream.indirect.scatter.add.f32 [tilespmem:s0], [sflag:$0x2], $0x80, s9, s31, $0xb8;
	[tilespmem:$0x1F800] =	vst v63  }
0xa3: {  	_ =	swait.ge [sflag:s29], $0x2800  }
0xa4: {  	s5 =	simm.s32 $0x200;
	s7 =	simm.s32 $0x400;
	[sflag:s29] =	ssyncset.done $0x0  }
.LBB2_6:
0xa5: {  	s8 =	sshra.s32 s5, $0x2  }
0xa6: {  	[sflag:s29] =	ssyncadd.s32 $0xFFFFD800;
	s5 =	smov.u32 s7;
	s9 =	sadd.s32 $0x200, s7  }
0xa7: {  	[tilespmem:s0], [sflag:$0x1] =	stream.indirect.gather [hbm4b:s4+s31], $0x80, s8, s31, $0xb8;
	[tilespmem:$0x1F800] =	vst v63  }
0xa8: {  	p0 =	sne.s32 s7, $0xF800;
	_ =	swait.ge [sflag:s3], $0x2800  }
.Ltmp2:
0xa9: {  	[sflag:s3] =	ssyncset.done $0x0;
	(pc) =	sbr.rel @p0 .LBB2_6-.Ltmp2, $4  }
0xaa: {  	s7 =	sadd.s32 $0x4000, s8;
	[sflag:s3] =	ssyncadd.s32 $0xFFFFD800  }
0xab: {  	[spmem:s2] =	stream.indirect.scatter.add.f32 [tilespmem:s0], [sflag:$0x2], $0x80, s7, s31, $0xb8;
	[tilespmem:$0x1F800] =	vst v63  }
0xac: {  	_ =	swait.ge [sflag:s29], $0x2800  }
0xad: {  	s7 =	smov.u32 s9;
	[sflag:s29] =	ssyncset.done $0x0  }
0xae: {  	s5 =	sshra.s32 s5, $0x2;
	[sflag:s29] =	ssyncadd.s32 $0xFFFFD800  }
0xaf: {  	[tilespmem:s0], [sflag:$0x1] =	stream.indirect.gather [hbm4b:s4+s31], $0x80, s5, s31, $0xb8;
	[tilespmem:$0x1F800] =	vst v63  }
0xb0: {  	_ =	swait.ge [sflag:s3], $0x2800  }
0xb1: {  	[sflag:s3] =	ssyncset.done $0x0  }
0xb2: {  	s5 =	sadd.s32 $0x4000, s5;
	[sflag:s3] =	ssyncadd.s32 $0xFFFFD800  }
0xb3: {  	[spmem:s2] =	stream.indirect.scatter.add.f32 [tilespmem:s0], [sflag:$0x2], $0x80, s5, s31, $0xb8;
	[tilespmem:$0x1F800] =	vst v63  }
0xb4: {  	_ =	swait.ge [sflag:s29], $0x2800  }
0xb5: {  	[sflag:s29] =	ssyncset.done $0x0  }
0xb6: {  	s8 =	stileid.u32;
	[sflag:s29] =	ssyncadd.s32 $0xFFFFD800  }
0xb7: {  	s5 =	sshll.u32 s8, $0x6;
	[bflag:$0x0] =	sbarrier.arrive $0xFFFF  }
0xb8: {  	s7 =	sshrl.u32 s6, $0x3;
	s5 =	sor.u32 $0x1C02, s5;
	s8 =	rddreg [dreg:$0x4]  }
0xb9: {  	[hbm:s8], [sflag:s5] =	dma.local [spmem:s7], $0x2800  }
0xba: {  	_ =	swait.ge [sflag:s29], $0x2800  }
0xbb: {  	s1 =	sadd.s32 $0x1, s1;
	s9 =	rddreg [dreg:$0x5]  }
0xbc: {  	p0 =	sne.s32 s1, s9  }
.Ltmp3:
0xbd: {  	_ = 	snop;
	(pc) =	sbr.rel @p0 .LBB2_1-.Ltmp3, $3  }
0xbe: {  	_ =	sdelay $0x1  }
0xbf: {  	[sflag:s29] =	ssyncset.done $0x0  }
0xc0: {  	[sflag:s29] =	ssyncadd.s32 $0xFFFFD800  }
0xc1: {  	_ =	sfence.sel $0x180000  }
0xc2: {  	[bflag:$0x0] =	sbarrier.arrive $0xFFFF  }
0xc3: {  	_ =	strace $0x9000004A  }
0xc4: {  	s0 =	stileid.u32;
	[bflag:$0x2] =	sbarrier.arrive $0xFFFF  }
0xc5: {  	p0 =	sne.s32 s0, $0x0;
	s0 =	rddreg [dreg:$0x2]  }
0xc6: {  	s0 =	sadd.s32 @!p0 $0x100000, s0  }
0xc7: {  	[sflag:s0] =	ssyncadd.tile.s32 @!p0 $0x1;
	_ =	shalt  }
.Lfunc_end2:
_tile_overlayer_lowered:
.L_overlay_start_2:
0xc8: {  	(tag) =	ssettag $0x2  }
0xc9: {  	s0 =	rddreg [dreg:$0x0];
	s2 =	stileid.u32  }
0xca: {  	s1 =	rddreg [dreg:$0x1];
	p0 =	sne.s32 s2, $0x0  }
0xcb: {  	s3 =	rddreg [dreg:$0x2];
	[bflag:$0x3] =	sbarrier.arrive $0xFFFF;
	s2 =	simm.s32 @!p0 $0x1C02  }
0xcc: {  	[timem:s3], [sflag:s2] =	dma.local @!p0 [hbm:s0], s1  }
0xcd: {  	s0 =	simm.s32 @!p0 $0x2  }
0xce: {  	_ =	swait.ge @!p0 [sflag:s0], s1  }
0xcf: {  	s1 =	ssub.s32 @!p0 $0x0, s1;
	[sflag:s0] =	ssyncset.done @!p0 $0x0  }
0xd0: {  	[sflag:s0] =	ssyncadd.s32 @!p0 s1  }
0xd1: {  	[bflag:$0x3] =	sbarrier.arrive $0xFFFF  }
0xd2: {  	_ =	shalt  }

// kernel: kernel.25.cloned.1.call-start
scs
__scs_entry_jumppad:
0x0: {  	(pc) =	sbr.rel $0x88, $3  }
0x1: {  	(tag) =	ssettag $0x0;
	lr =	simm.s32 $0x1  }
0x2: {  	[smem:$0x3F96] =	sst lr;
	_ =	strace $0xD0000000  }
0x3: {  	_ = 	snop  }
0x4: {  	_ = 	snop  }
0x5: {  	_ = 	snop  }
0x6: {  	_ = 	snop  }
0x7: {  	_ = 	snop  }
__scs_overlays_trampoline_lowered:
0x8: {  	[smem:$0x3FA5] =	sst s0  }
0x9: {  	[smem:$0x3FA6] =	sst s1  }
0xa: {  	[smem:$0x3FA7] =	sst s2  }
0xb: {  	[smem:$0x3FA8] =	sst s3  }
0xc: {  	[smem:$0x3FA9] =	sst s4  }
0xd: {  	[smem:$0x3FAA] =	sst s5  }
0xe: {  	[smem:$0x3FAB] =	sst s6  }
0xf: {  	[smem:$0x3FAC] =	sst s7  }
0x10: {  	[smem:$0x3FAD] =	sst s8  }
0x11: {  	[smem:$0x3FAE] =	sst s9;
	s0 =	simm.s32 @!p0 $0x0  }
0x12: {  	s1 =	sld [smem:$0x3F94];
	s0 =	simm.s32 @p0 $0x1  }
0x13: {  	[smem:$0x3FAF] =	sst s0;
	s0 =	simm.s32 @!p1 $0x0  }
0x14: {  	s2 =	sld [smem:$0x3F93];
	s0 =	simm.s32 @p1 $0x1  }
0x15: {  	[smem:$0x3FB0] =	sst s0;
	s0 =	simm.s32 @!p2 $0x0  }
0x16: {  	s3 =	sld [smem:$0x3FDB];
	s0 =	simm.s32 @p2 $0x1  }
0x17: {  	s4 =	simm.s32 $0x1BF5;
	[smem:$0x3FB2] =	sst s0  }
0x18: {  	s0 =	sld [smem:$0x3F95];
	_ =	swait.ge [sflag:s4], $0x0  }
0x19: {  	s7 =	sld [smem:$0x3F96]  }
0x1a: {  	s8 =	sadd.s32 $0xFFFFE003, lr  }
0x1b: {  	s9 =	sadd.s32 $0xFFFFFEF7, lr;
	s5 =	simm.s32 $0xFFFFFFFF;
	p2 =	slt.u32 s8, $0xFFFFF086  }
0x1c: {  	p1 =	slt.u32 s9, $0xF7A;
	s5 =	simm.s32 @!p2 $0x0  }
0x1d: {  	s5 =	simm.s32 @p1 $0x1;
	p0 =	seq.s32 s7, s2  }
0x1e: {  	s7 =	smul.u32 @!p0 $0xF7A, s2;
	p2 =	seq.s32 @!p0 s5, $0x0  }
0x1f: {  	s9 =	smul.u32 $0xF7A, s1;
	s8 =	simm.s32 @!p0 $0x1BF5;
	p2 =	por !p2, p0  }
0x20: {  	[sflag:s8] =	ssyncset.s32 @!p0 $0xFFFFF086;
	s6 =	sadd.s32 @!p0 s3, s7;
	s7 =	simm.s32 @!p0 $0x108  }
0x21: {  	s3 =	sadd.s32 s3, s9;
	s6 =	sadd.s32 @!p0 $0x88, s6;
	s7 =	simm.s32 @p2 $0x1082  }
0x22: {  	[simem:s7], [sflag:s8] =	dma.local @!p0 [hbm:s6], $0xF7A  }
0x23: {  	s9 =	sor.u32 $0xD0000000, s2;
	s6 =	simm.s32 $0x108;
	_ =	swait.ge @!p0 [sflag:s8], $0x0  }
0x24: {  	s3 =	sadd.s32 $0x88, s3;
	s6 =	simm.s32 @!p1 $0x1082;
	[sflag:s4] =	ssyncset.s32 $0xFFFFF086  }
0x25: {  	[simem:s6], [sflag:s4] =	dma.local [hbm:s3], $0xF7A  }
0x26: {  	[smem:$0x3F96] =	sst s1;
	(tag) =	ssettag s2;
	_ =	strace s9  }
0x27: {  	s1 =	sld [smem:$0x3FA6]  }
0x28: {  	s2 =	sld [smem:$0x3FA7]  }
0x29: {  	s4 =	sld [smem:$0x3FA9]  }
0x2a: {  	p0 =	seq.s32 s5, $0x0;
	s5 =	sld [smem:$0x3FAA]  }
0x2b: {  	s6 =	sld [smem:$0x3FAB]  }
0x2c: {  	s7 =	sld [smem:$0x3FAC]  }
0x2d: {  	s3 =	simm.s32 $0x108;
	s8 =	sld [smem:$0x3FAD]  }
0x2e: {  	s3 =	simm.s32 @!p0 $0x1082;
	s9 =	sld [smem:$0x3FAE]  }
0x2f: {  	lr =	sadd.s32 s0, s3;
	s0 =	sld [smem:$0x3FA5]  }
0x30: {  	s3 =	sld [smem:$0x3FA8]  }
0x31: {  	[smem:$0x3FB1] =	sst s10  }
0x32: {  	s10 =	sld [smem:$0x3FAF];
	_ =	sdelay $0x3  }
0x33: {  	p0 =	seq.s32 s10, $0x1;
	s10 =	sld [smem:$0x3FB1];
	_ =	sdelay $0x3  }
0x34: {  	[smem:$0x3FB1] =	sst s10  }
0x35: {  	s10 =	sld [smem:$0x3FB0];
	_ =	sdelay $0x3  }
0x36: {  	p1 =	seq.s32 s10, $0x1;
	s10 =	sld [smem:$0x3FB1];
	_ =	sdelay $0x3  }
0x37: {  	[smem:$0x3FB1] =	sst s10  }
0x38: {  	s10 =	sld [smem:$0x3FB2]  }
0x39: {  	_ = 	snop;
	(pc) =	sbr.ind lr, $3  }
0x3a: {  	_ = 	snop  }
0x3b: {  	_ = 	snop  }
0x3c: {  	p2 =	seq.s32 s10, $0x1;
	s10 =	sld [smem:$0x3FB1]  }
0x3d: {  	_ =	shalt  }
0x3e: {  	_ =	shalt  }
0x3f: {  	_ =	shalt  }
0x40: {  	_ =	shalt  }
0x41: {  	_ =	shalt  }
0x42: {  	_ =	shalt  }
0x43: {  	_ =	shalt  }
0x44: {  	_ =	shalt  }
0x45: {  	_ =	shalt  }
0x46: {  	_ =	shalt  }
0x47: {  	_ =	shalt  }
0x48: {  	_ =	shalt  }
0x49: {  	_ =	shalt  }
0x4a: {  	_ =	shalt  }
0x4b: {  	_ =	shalt  }
0x4c: {  	_ =	shalt  }
0x4d: {  	_ =	shalt  }
0x4e: {  	_ =	shalt  }
0x4f: {  	_ =	shalt  }
0x50: {  	_ =	shalt  }
0x51: {  	_ =	shalt  }
0x52: {  	_ =	shalt  }
0x53: {  	_ =	shalt  }
0x54: {  	_ =	shalt  }
0x55: {  	_ =	shalt  }
0x56: {  	_ =	shalt  }
0x57: {  	_ =	shalt  }
0x58: {  	_ =	shalt  }
0x59: {  	_ =	shalt  }
0x5a: {  	_ =	shalt  }
0x5b: {  	_ =	shalt  }
0x5c: {  	_ =	shalt  }
0x5d: {  	_ =	shalt  }
0x5e: {  	_ =	shalt  }
0x5f: {  	_ =	shalt  }
0x60: {  	_ =	shalt  }
0x61: {  	_ =	shalt  }
0x62: {  	_ =	shalt  }
0x63: {  	_ =	shalt  }
0x64: {  	_ =	shalt  }
0x65: {  	_ =	shalt  }
0x66: {  	_ =	shalt  }
0x67: {  	_ =	shalt  }
0x68: {  	_ =	shalt  }
0x69: {  	_ =	shalt  }
0x6a: {  	_ =	shalt  }
0x6b: {  	_ =	shalt  }
0x6c: {  	_ =	shalt  }
0x6d: {  	_ =	shalt  }
0x6e: {  	_ =	shalt  }
0x6f: {  	_ =	shalt  }
0x70: {  	_ =	shalt  }
0x71: {  	_ =	shalt  }
0x72: {  	_ =	shalt  }
0x73: {  	_ =	shalt  }
0x74: {  	_ =	shalt  }
0x75: {  	_ =	shalt  }
0x76: {  	_ =	shalt  }
0x77: {  	_ =	shalt  }
0x78: {  	_ =	shalt  }
0x79: {  	_ =	shalt  }
0x7a: {  	_ =	shalt  }
0x7b: {  	_ =	shalt  }
0x7c: {  	_ =	shalt  }
0x7d: {  	_ =	shalt  }
0x7e: {  	_ =	shalt  }
0x7f: {  	_ =	shalt  }
0x80: {  	_ =	shalt  }
0x81: {  	_ =	shalt  }
0x82: {  	_ =	shalt  }
0x83: {  	_ =	shalt  }
0x84: {  	_ =	shalt  }
0x85: {  	_ =	shalt  }
0x86: {  	_ =	shalt  }
0x87: {  	_ =	shalt  }
.Lfunc_end0:
.L_simem_size_0:
called_computation.2_lowered:
.L_overlay_start_0:
0x88: {  	s2 =	sld [smem:$0x3FD9]  }
0x89: {  	s3 =	sld [smem:$0x3FFE];
	_ =	sdelay $0x1  }
0x8a: {  	s1 =	srdreg.scid  }
0x8b: {  	s0 =	sand.u32 $0x1, s1  }
0x8c: {  	s16 =	sshll.u32 s0, $0xA;
	s2 =	sadd.s32 s3, s2  }
0x8d: {  	s2 =	sadd.s32 s2, s16  }
0x8e: {  	[smem:$0x3FBD] =	sst s2  }
0x8f: {  	_ = 	snop  }
0x90: {  	(tm) =	ssettm $0x1  }
0x91: {  	s17 =	sld [smem:$0x3FFB];
	_ =	sdelay $0x3  }
0x92: {  	_ =	strace s17  }
0x93: {  	s2 =	sld [smem:$0x3FFC];
	_ =	sdelay $0x3  }
0x94: {  	_ =	strace s2  }
0x95: {  	s2 =	sld [smem:$0x3FFD];
	_ =	sdelay $0x3  }
0x96: {  	_ =	strace s2  }
0x97: {  	_ =	strace $0x8FFFFFFF  }
0x98: {  	s18 =	sld [smem:$0x3FDB];
	_ =	sdelay $0x1  }
0x99: {  	s19 =	simm.s32 $_scs_section_size  }
0x9a: {  	s4 =	simm.s32 $_size__tile_overlayer_lowered;
	s5 =	simm.s32 $_tile_overlayer_lowered  }
0x9b: {  	s22 =	simm.s32 $0x1BFF;
	s21 =	sshll.u32 s5, $0x1;
	s2 =	sadd.s32 s19, s18  }
0x9c: {  	s6 =	simm.s32 $0x0;
	s20 =	sshll.u32 s4, $0x1;
	s4 =	sadd.s32 s21, s2  }
0x9d: {  	[timem:s6], [sflag:s22] =	dma.local [hbm:s4], s20  }
0x9e: {  	_ =	swait.ge [sflag:s22], s20  }
0x9f: {  	s3 =	ssub.s32 $0x0, s20;
	[sflag:s22] =	ssyncset.done $0x0  }
0xa0: {  	[sflag:s22] =	ssyncadd.s32 s3;
	_ =	sdelay $0x1  }
0xa1: {  	s23 =	simm.s32 $0x1B8B  }
0xa2: {  	_ =	swait.ge [sflag:s23], $0x1  }
0xa3: {  	[sflag:s23] =	ssyncset.done $0x0  }
0xa4: {  	s25 =	simm.s32 $0x1B8E;
	s24 =	sld [smem:$0x3FFE];
	[sflag:s23] =	ssyncadd.s32 $0xFFFFFFFF  }
0xa5: {  	s26 =	simm.s32 $execute0_lowered;
	[smem:$0x3FD2] =	sst s25  }
0xa6: {  	s4 =	sshll.u32 s26, $0x1;
	_ =	strace $0x8000004C;
	[dreg:$0x1] =	wrdreg $0xFFFFFFFF  }
0xa7: {  	s28 =	simm.s32 $_size_execute0_lowered;
	s2 =	sadd.s32 s2, s4;
	[dreg:$0x0] =	wrdreg $0x0  }
0xa8: {  	s4 =	sshll.u32 s28, $0x1;
	[dreg:$0x2] =	wrdreg s2  }
0xa9: {  	[dreg:$0x3] =	wrdreg s4  }
0xaa: {  	[dreg:$0x4] =	wrdreg $0xC0  }
0xab: {  	_ =	task [dreg:s6], $0x5FFFF  }
0xac: {  	[dreg:$0x1] =	wrdreg $0xFFFFFFFF  }
0xad: {  	[dreg:$0x0] =	wrdreg $0x60  }
0xae: {  	[dreg:$0x2] =	wrdreg s24  }
0xaf: {  	[dreg:$0x3] =	wrdreg $0xB8000  }
0xb0: {  	[dreg:$0x4] =	wrdreg $0x9  }
0xb1: {  	_ =	task.clear_ibuf [dreg:s6], $0x5FFFF;
	_ =	strace $0x9000004C  }
0xb2: {  	s29 =	simm.s32 $0x9;
	_ =	strace $0x8000004E  }
0xb3: {  	_ =	swait.ge [sflag:s29], $0x1  }
0xb4: {  	[sflag:s29] =	ssyncadd.s32 $0xFFFFFFFF  }
0xb5: {  	_ =	strace $0x9000004E  }
0xb6: {  	_ =	sfence  }
0xb7: {  	s30 =	sld [smem:$0x0];
	_ =	sdelay $0x2  }
0xb8: {  	s31 =	sshll.u32 s1, $0xD;
	s1 =	sshrl.u32 s1, $0x2  }
0xb9: {  	s3 =	sand.u32 $0x4000, s31;
	s1 =	sadd.s32 s1, s30  }
0xba: {  	s0 =	sor.u32 s3, s0;
	s1 =	sshll.u32 s1, $0x11  }
0xbb: {  	s0 =	sor.u32 s1, s0  }
0xbc: {  	s0 =	sadd.s32 $0x8F2B, s0  }
0xbd: {  	[sflag:s0] =	ssyncadd.remote.s32 $0x1  }
0xbe: {  	_ =	sfence.sel $0xFFFF  }
0xbf: {  	[dreg:$0x0] =	wrdreg $0xFFFFFFFF;
	(pc) =	sbr.abs _section_cstart, $3  }
0xc0: {  	[dreg:$0x1] =	wrdreg $0xFFFFFFFF  }
0xc1: {  	_ =	task.clear_ibuf [dreg:s6], $0x2FFFF;
	_ =	strace $0x9FFFFFFF  }
0xc2: {  	(tm) =	ssettm $0x7FFFFFFF  }
0xc3: {  	_ =	shalt  }
tec
execute0_lowered:
.L_overlay_start_1:
0x0: {  	(tag) =	ssettag $0x1  }
0x1: {  	s0 =	rddreg [dreg:$0x0];
	s1 =	srdreg.scid  }
0x2: {  	s2 =	rddreg [dreg:$0x1];
	s7 =	stileid.u32;
	s5 =	simm.s32 $0x0  }
0x3: {  	s29 =	simm.s32 $0x2;
	s30 =	simm.s32 $0xA800;
	s4 =	smul.u32 $0x14000, s7  }
0x4: {  	s31 =	simm.s32 $0x50;
	s1 =	sand.u32 $0x1, s1;
	s6 =	smul.u32 $0x50000, s7  }
0x5: {  	[smem:$0x7FF] =	sst s5;
	s22 =	sshll.u32 s7, $0xC;
	s3 =	smul.u32 $0x140000, s1  }
0x6: {  	s21 =	sshll.u32 s1, $0xB;
	_ =	strace $0x8000004D;
	s1 =	ssub.s32 $0x2, s1  }
0x7: {  	s5 =	sadd.s32 s21, s0;
	s23 =	sshrl.u32 s1, $0x1;
	s24 =	sshrl.u32 s6, $0x2  }
0x8: {  	s3 =	sadd.s32 s4, s3;
	s4 =	sadd.s32 $0xB4E00, s0;
	s1 =	ssub.s32 s1, s23  }
0x9: {  	s6 =	sadd.s32 s24, s2;
	s3 =	sshrl.u32 s3, $0x3;
	s25 =	smax.u32 s1, $0x1  }
0xa: {  	s26 =	sadd.s32 $0x1000, s6;
	s10 =	sadd.s32 $0x2000, s6;
	s11 =	sadd.s32 $0x3000, s6  }
0xb: {  	s12 =	sadd.s32 $0x4000, s6;
	s13 =	sadd.s32 $0x5000, s6;
	s14 =	sadd.s32 $0x6000, s6  }
0xc: {  	s15 =	sadd.s32 $0x7000, s6;
	s16 =	sadd.s32 $0x8000, s6;
	s17 =	sadd.s32 $0x9000, s6  }
0xd: {  	s18 =	sadd.s32 $0xA000, s6;
	s19 =	sadd.s32 $0xB000, s6;
	s20 =	sadd.s32 $0xC000, s6  }
0xe: {  	s21 =	sadd.s32 $0xD000, s6;
	s23 =	sadd.s32 $0xF000, s6;
	s24 =	sadd.s32 $0x10000, s6  }
0xf: {  	s28 =	sadd.s32 $0x13000, s6;
	s1 =	simm.s32 $0x0;
	[dreg:$0x5] =	wrdreg s25  }
0x10: {  	s0 =	sadd.s32 s3, s0;
	s3 =	sadd.s32 s22, s5;
	[dreg:$0x6] =	wrdreg s26  }
0x11: {  	s22 =	sadd.s32 $0xE000, s6;
	s25 =	sadd.s32 $0x11000, s6;
	s3 =	sadd.s32 $0x4E00, s3  }
0x12: {  	s26 =	sadd.s32 $0x12000, s6;
	s0 =	sadd.s32 $0xDCE00, s0;
	[dreg:$0x3] =	wrdreg s3  }
0x13: {  	v0 =	vimm.f32 $0.0e+00;
	[dreg:$0x4] =	wrdreg s0;
	s0 =	simm.s32 $0x8000;
	s3 =	simm.s32 $0x1  }
.LBB2_1:
0x14: {  	s5 =	simm.s32 $0x0;
	s7 =	rddreg [dreg:$0x3]  }
0x15: {  	[tilespmem:s5], [sflag:$0x2] =	stream.linear.gather [hbm4b:s7+s5], $0x3E80, $0x38;
	[tilespmem:$0x1F800] =	vst v63  }
0x16: {  	_ =	swait.ge [sflag:s29], $0x3E80  }
0x17: {  	[sflag:s29] =	ssyncset.done $0x0  }
0x18: {  	s5 =	simm.s32 $0x0;
	s7 =	simm.s32 $0x200;
	[sflag:s29] =	ssyncadd.s32 $0xFFFFC180  }
.LBB2_2:
0x19: {  	p0 =	sne.s32 s7, $0x3E00;
	[tilespmem:s5+$0xA870] =	vst v0  }
0x1a: {  	[tilespmem:s5+$0xA800] =	vst v0  }
0x1b: {  	[tilespmem:s5+$0xA810] =	vst v0  }
.Ltmp0:
0x1c: {  	[tilespmem:s5+$0xA820] =	vst v0;
	(pc) =	sbr.rel @p0 .LBB2_2-.Ltmp0, $4  }
0x1d: {  	[tilespmem:s5+$0xA830] =	vst v0  }
0x1e: {  	[tilespmem:s5+$0xA840] =	vst v0  }
0x1f: {  	[tilespmem:s5+$0xA850] =	vst v0  }
0x20: {  	[tilespmem:s5+$0xA860] =	vst v0;
	s5 =	sshra.s32 s7, $0x2;
	s7 =	sadd.s32 $0x200, s7  }
0x21: {  	[tilespmem:s5+$0xA870] =	vst v0  }
0x22: {  	[tilespmem:s5+$0xA800] =	vst v0  }
0x23: {  	[tilespmem:s5+$0xA810] =	vst v0  }
0x24: {  	[tilespmem:s5+$0xA820] =	vst v0  }
0x25: {  	[tilespmem:s5+$0xA830] =	vst v0  }
0x26: {  	[tilespmem:s5+$0xA840] =	vst v0  }
0x27: {  	[tilespmem:s5+$0xA850] =	vst v0  }
0x28: {  	[tilespmem:s5+$0xA860] =	vst v0  }
0x29: {  	[spmem:s6] =	stream.linear.scatter [tilespmem:s30], [sflag:$0x2], $0x1000, $0x38;
	[tilespmem:$0x1F800] =	vst v63  }
0x2a: {  	_ =	swait.ge [sflag:s29], $0x1000  }
0x2b: {  	[sflag:s29] =	ssyncset.done $0x0  }
0x2c: {  	s9 =	rddreg [dreg:$0x6];
	[sflag:s29] =	ssyncadd.s32 $0xFFFFF000  }
0x2d: {  	[spmem:s9] =	stream.linear.scatter [tilespmem:s30], [sflag:$0x2], $0x1000, $0x38;
	[tilespmem:$0x1F800] =	vst v63  }
0x2e: {  	_ =	swait.ge [sflag:s29], $0x1000  }
0x2f: {  	[sflag:s29] =	ssyncset.done $0x0  }
0x30: {  	[sflag:s29] =	ssyncadd.s32 $0xFFFFF000  }
0x31: {  	[spmem:s10] =	stream.linear.scatter [tilespmem:s30], [sflag:$0x2], $0x1000, $0x38;
	[tilespmem:$0x1F800] =	vst v63  }
0x32: {  	_ =	swait.ge [sflag:s29], $0x1000  }
0x33: {  	[sflag:s29] =	ssyncset.done $0x0  }
0x34: {  	[sflag:s29] =	ssyncadd.s32 $0xFFFFF000  }
0x35: {  	[spmem:s11] =	stream.linear.scatter [tilespmem:s30], [sflag:$0x2], $0x1000, $0x38;
	[tilespmem:$0x1F800] =	vst v63  }
0x36: {  	_ =	swait.ge [sflag:s29], $0x1000  }
0x37: {  	[sflag:s29] =	ssyncset.done $0x0  }
0x38: {  	[sflag:s29] =	ssyncadd.s32 $0xFFFFF000  }
0x39: {  	[spmem:s12] =	stream.linear.scatter [tilespmem:s30], [sflag:$0x2], $0x1000, $0x38;
	[tilespmem:$0x1F800] =	vst v63  }
0x3a: {  	_ =	swait.ge [sflag:s29], $0x1000  }
0x3b: {  	[sflag:s29] =	ssyncset.done $0x0  }
0x3c: {  	[sflag:s29] =	ssyncadd.s32 $0xFFFFF000  }
0x3d: {  	[spmem:s13] =	stream.linear.scatter [tilespmem:s30], [sflag:$0x2], $0x1000, $0x38;
	[tilespmem:$0x1F800] =	vst v63  }
0x3e: {  	_ =	swait.ge [sflag:s29], $0x1000  }
0x3f: {  	[sflag:s29] =	ssyncset.done $0x0  }
0x40: {  	[sflag:s29] =	ssyncadd.s32 $0xFFFFF000  }
0x41: {  	[spmem:s14] =	stream.linear.scatter [tilespmem:s30], [sflag:$0x2], $0x1000, $0x38;
	[tilespmem:$0x1F800] =	vst v63  }
0x42: {  	_ =	swait.ge [sflag:s29], $0x1000  }
0x43: {  	[sflag:s29] =	ssyncset.done $0x0  }
0x44: {  	[sflag:s29] =	ssyncadd.s32 $0xFFFFF000  }
0x45: {  	[spmem:s15] =	stream.linear.scatter [tilespmem:s30], [sflag:$0x2], $0x1000, $0x38;
	[tilespmem:$0x1F800] =	vst v63  }
0x46: {  	_ =	swait.ge [sflag:s29], $0x1000  }
0x47: {  	[sflag:s29] =	ssyncset.done $0x0  }
0x48: {  	[sflag:s29] =	ssyncadd.s32 $0xFFFFF000  }
0x49: {  	[spmem:s16] =	stream.linear.scatter [tilespmem:s30], [sflag:$0x2], $0x1000, $0x38;
	[tilespmem:$0x1F800] =	vst v63  }
0x4a: {  	_ =	swait.ge [sflag:s29], $0x1000  }
0x4b: {  	[sflag:s29] =	ssyncset.done $0x0  }
0x4c: {  	[sflag:s29] =	ssyncadd.s32 $0xFFFFF000  }
0x4d: {  	[spmem:s17] =	stream.linear.scatter [tilespmem:s30], [sflag:$0x2], $0x1000, $0x38;
	[tilespmem:$0x1F800] =	vst v63  }
0x4e: {  	_ =	swait.ge [sflag:s29], $0x1000  }
0x4f: {  	[sflag:s29] =	ssyncset.done $0x0  }
0x50: {  	[sflag:s29] =	ssyncadd.s32 $0xFFFFF000  }
0x51: {  	[spmem:s18] =	stream.linear.scatter [tilespmem:s30], [sflag:$0x2], $0x1000, $0x38;
	[tilespmem:$0x1F800] =	vst v63  }
0x52: {  	_ =	swait.ge [sflag:s29], $0x1000  }
0x53: {  	[sflag:s29] =	ssyncset.done $0x0  }
0x54: {  	[sflag:s29] =	ssyncadd.s32 $0xFFFFF000  }
0x55: {  	[spmem:s19] =	stream.linear.scatter [tilespmem:s30], [sflag:$0x2], $0x1000, $0x38;
	[tilespmem:$0x1F800] =	vst v63  }
0x56: {  	_ =	swait.ge [sflag:s29], $0x1000  }
0x57: {  	[sflag:s29] =	ssyncset.done $0x0  }
0x58: {  	[sflag:s29] =	ssyncadd.s32 $0xFFFFF000  }
0x59: {  	[spmem:s20] =	stream.linear.scatter [tilespmem:s30], [sflag:$0x2], $0x1000, $0x38;
	[tilespmem:$0x1F800] =	vst v63  }
0x5a: {  	_ =	swait.ge [sflag:s29], $0x1000  }
0x5b: {  	[sflag:s29] =	ssyncset.done $0x0  }
0x5c: {  	[sflag:s29] =	ssyncadd.s32 $0xFFFFF000  }
0x5d: {  	[spmem:s21] =	stream.linear.scatter [tilespmem:s30], [sflag:$0x2], $0x1000, $0x38;
	[tilespmem:$0x1F800] =	vst v63  }
0x5e: {  	_ =	swait.ge [sflag:s29], $0x1000  }
0x5f: {  	[sflag:s29] =	ssyncset.done $0x0  }
0x60: {  	[sflag:s29] =	ssyncadd.s32 $0xFFFFF000  }
0x61: {  	[spmem:s22] =	stream.linear.scatter [tilespmem:s30], [sflag:$0x2], $0x1000, $0x38;
	[tilespmem:$0x1F800] =	vst v63  }
0x62: {  	_ =	swait.ge [sflag:s29], $0x1000  }
0x63: {  	[sflag:s29] =	ssyncset.done $0x0  }
0x64: {  	[sflag:s29] =	ssyncadd.s32 $0xFFFFF000  }
0x65: {  	[spmem:s23] =	stream.linear.scatter [tilespmem:s30], [sflag:$0x2], $0x1000, $0x38;
	[tilespmem:$0x1F800] =	vst v63  }
0x66: {  	_ =	swait.ge [sflag:s29], $0x1000  }
0x67: {  	[sflag:s29] =	ssyncset.done $0x0  }
0x68: {  	[sflag:s29] =	ssyncadd.s32 $0xFFFFF000  }
0x69: {  	[spmem:s24] =	stream.linear.scatter [tilespmem:s30], [sflag:$0x2], $0x1000, $0x38;
	[tilespmem:$0x1F800] =	vst v63  }
0x6a: {  	_ =	swait.ge [sflag:s29], $0x1000  }
0x6b: {  	[sflag:s29] =	ssyncset.done $0x0  }
0x6c: {  	[sflag:s29] =	ssyncadd.s32 $0xFFFFF000  }
0x6d: {  	[spmem:s25] =	stream.linear.scatter [tilespmem:s30], [sflag:$0x2], $0x1000, $0x38;
	[tilespmem:$0x1F800] =	vst v63  }
0x6e: {  	_ =	swait.ge [sflag:s29], $0x1000  }
0x6f: {  	[sflag:s29] =	ssyncset.done $0x0  }
0x70: {  	[sflag:s29] =	ssyncadd.s32 $0xFFFFF000  }
0x71: {  	[spmem:s26] =	stream.linear.scatter [tilespmem:s30], [sflag:$0x2], $0x1000, $0x38;
	[tilespmem:$0x1F800] =	vst v63  }
0x72: {  	_ =	swait.ge [sflag:s29], $0x1000  }
0x73: {  	[sflag:s29] =	ssyncset.done $0x0  }
0x74: {  	[sflag:s29] =	ssyncadd.s32 $0xFFFFF000  }
0x75: {  	[spmem:s28] =	stream.linear.scatter [tilespmem:s30], [sflag:$0x2], $0x1000, $0x38;
	[tilespmem:$0x1F800] =	vst v63  }
0x76: {  	_ =	swait.ge [sflag:s29], $0x1000  }
0x77: {  	[sflag:s29] =	ssyncset.done $0x0  }
0x78: {  	s5 =	simm.s32 $0x0;
	[sflag:s29] =	ssyncadd.s32 $0xFFFFF000  }
0x79: {  	v1 =	vld [tilespmem:s5+$0x0]  }
0x7a: {  	v2 =	vld [tilespmem:s5+$0x10]  }
0x7b: {  	v3 =	vld [tilespmem:s5+$0x20]  }
0x7c: {  	v4 =	vld [tilespmem:s5+$0x30]  }
0x7d: {  	v5 =	vld [tilespmem:s5+$0x40];
	_ =	sdelay $0x1  }
0x7e: {  	v6 =	vshra.s32 v1, $0xE;
	v7 =	vshra.s32 v2, $0xE  }
0x7f: {  	v8 =	vshra.s32 v3, $0xE;
	v9 =	vand.u32 $0x3FFF, v1;
	v2 =	vand.u32 $0x3FFF, v2;
	[tilespmem:s5+$0x0] =	vst v6  }
0x80: {  	v10 =	vshra.s32 v4, $0xE;
	v4 =	vand.u32 $0x3FFF, v4;
	[tilespmem:s5+$0x10] =	vst v7;
	vm0 =	veq.s32 v6, v9  }
0x81: {  	[tilespmem:s5+$0x20] =	vst v8;
	vm1 =	veq.s32 v7, v2;
	v6 =	vand.u32 $0x3FFF, v3;
	v7 =	vshra.s32 v5, $0xE  }
0x82: {  	s7 =	simm.s32 $0x80;
	[tilespmem:s5+$0x30] =	vst v10;
	vm3 =	veq.s32 v10, v4;
	vm2 =	veq.s32 v8, v6;
	v8 =	vand.u32 $0x3FFF, v5  }
0x83: {  	v1 =	vld [tilespmem:s7+$0x0];
	[tilespmem:s5+$0x40] =	vst v7;
	v5 =	vsel vm0, $0x2710, v9;
	v3 =	vsel vm1, $0x2710, v2;
	vm15 =	veq.s32 v7, v8  }
0x84: {  	s8 =	simm.s32 $0x400;
	v2 =	vld [tilespmem:s7+$0x10];
	[tilespmem:s5+$0x4000] =	vst v5;
	v6 =	vsel vm2, $0x2710, v6;
	v5 =	vsel vm3, $0x2710, v4;
	v4 =	vsel vm15, $0x2710, v8  }
.LBB2_4:
0x85: {  	p0 =	sne.s32 s8, $0xF800;
	v7 =	vld [tilespmem:s7+$0x20];
	[tilespmem:s5+$0x4010] =	vst v3  }
0x86: {  	v3 =	vld [tilespmem:s7+$0x30];
	[tilespmem:s5+$0x4020] =	vst v6  }
0x87: {  	v6 =	vld [tilespmem:s7+$0x40];
	[tilespmem:s5+$0x4030] =	vst v5  }
0x88: {  	v5 =	vshra.s32 v1, $0xE;
	v8 =	vand.u32 $0x3FFF, v1;
	[tilespmem:s5+$0x4040] =	vst v4;
	s5 =	smov.u32 s7  }
0x89: {  	[tilespmem:s5+$0x0] =	vst v5;
	vm0 =	veq.s32 v5, v8;
	v1 =	vshra.s32 v2, $0xE;
	v2 =	vand.u32 $0x3FFF, v2  }
.Ltmp1:
0x8a: {  	[tilespmem:s5+$0x10] =	vst v1;
	vm1 =	veq.s32 v1, v2;
	v1 =	vshra.s32 v7, $0xE;
	v4 =	vand.u32 $0x3FFF, v7;
	(pc) =	sbr.rel @p0 .LBB2_4-.Ltmp1, $4  }
0x8b: {  	[tilespmem:s5+$0x20] =	vst v1;
	vm2 =	veq.s32 v1, v4;
	v1 =	vshra.s32 v3, $0xE;
	v5 =	vand.u32 $0x3FFF, v3  }
0x8c: {  	s7 =	sshra.s32 s8, $0x2;
	[tilespmem:s5+$0x30] =	vst v1;
	vm3 =	veq.s32 v1, v5;
	v7 =	vshra.s32 v6, $0xE;
	v9 =	vand.u32 $0x3FFF, v6  }
0x8d: {  	v3 =	vsel vm1, $0x2710, v2;
	v6 =	vsel vm0, $0x2710, v8;
	v1 =	vld [tilespmem:s7+$0x0];
	[tilespmem:s5+$0x40] =	vst v7;
	vm0 =	veq.s32 v7, v9  }
0x8e: {  	s8 =	sadd.s32 $0x200, s8;
	v5 =	vsel vm3, $0x2710, v5;
	v2 =	vld [tilespmem:s7+$0x10];
	[tilespmem:s5+$0x4000] =	vst v6;
	v6 =	vsel vm2, $0x2710, v4;
	v4 =	vsel vm0, $0x2710, v9  }
0x8f: {  	v7 =	vld [tilespmem:s7+$0x20];
	[tilespmem:s5+$0x4010] =	vst v3  }
0x90: {  	v3 =	vld [tilespmem:s7+$0x30];
	[tilespmem:s5+$0x4020] =	vst v6  }
0x91: {  	v6 =	vld [tilespmem:s7+$0x40];
	[tilespmem:s5+$0x4030] =	vst v5  }
0x92: {  	[tilespmem:s5+$0x4040] =	vst v4;
	v60 =	vshra.s32 v1, $0xE  }
0x93: {  	v1 =	vand.u32 $0x3FFF, v1;
	[tilespmem:s7+$0x0] =	vst v60;
	v61 =	vshra.s32 v2, $0xE  }
0x94: {  	vm0 =	veq.s32 v60, v1;
	[tilespmem:s7+$0x10] =	vst v61;
	v8 =	vshra.s32 v7, $0xE  }
0x95: {  	v2 =	vand.u32 $0x3FFF, v2;
	v1 =	vsel vm0, $0x2710, v1;
	[tilespmem:s7+$0x20] =	vst v8  }
0x96: {  	vm1 =	veq.s32 v61, v2;
	v9 =	vshra.s32 v3, $0xE;
	[tilespmem:s7+$0x4000] =	vst v1  }
0x97: {  	v63 =	vand.u32 $0x3FFF, v7;
	v2 =	vsel vm1, $0x2710, v2;
	[tilespmem:s7+$0x30] =	vst v9  }
0x98: {  	vm13 =	veq.s32 v8, v63;
	v3 =	vand.u32 $0x3FFF, v3;
	v62 =	vshra.s32 v6, $0xE;
	[tilespmem:s7+$0x4010] =	vst v2  }
0x99: {  	vm14 =	veq.s32 v9, v3;
	v1 =	vand.u32 $0x3FFF, v6;
	v4 =	vsel vm13, $0x2710, v63;
	[tilespmem:s7+$0x40] =	vst v62  }
0x9a: {  	vm15 =	veq.s32 v62, v1;
	v2 =	vsel vm14, $0x2710, v3;
	[tilespmem:s7+$0x4020] =	vst v4  }
0x9b: {  	v1 =	vsel vm15, $0x2710, v1;
	[tilespmem:s7+$0x4030] =	vst v2  }
0x9c: {  	[tilespmem:s7+$0x4040] =	vst v1  }
0x9d: {  	s8 =	simm.s32 $0x0;
	[bflag:$0x0] =	sbarrier.arrive $0xFFFF  }
0x9e: {  	[tilespmem:s0], [sflag:$0x1] =	stream.indirect.gather [hbm4b:s4+s31], $0x80, s8, s31, $0xb8;
	[tilespmem:$0x1F800] =	vst v63  }
0x9f: {  	_ =	swait.ge [sflag:s3], $0x2800  }
0xa0: {  	[sflag:s3] =	ssyncset.done $0x0  }
0xa1: {  	s9 =	simm.s32 $0x4000;
	[sflag:s3] =	ssyncadd.s32 $0xFFFFD800  }
0xa2: {  	[spmem:s2] =	stream.indirect.scatter.add.f32 [tilespmem:s0], [sflag:$0x2], $0x80, s9, s31, $0xb8;
	[tilespmem:$0x1F800] =	vst v63  }
0xa3: {  	_ =	swait.ge [sflag:s29], $0x2800  }
0xa4: {  	s5 =	simm.s32 $0x200;
	s7 =	simm.s32 $0x400;
	[sflag:s29] =	ssyncset.done $0x0  }
.LBB2_6:
0xa5: {  	s8 =	sshra.s32 s5, $0x2  }
0xa6: {  	[sflag:s29] =	ssyncadd.s32 $0xFFFFD800;
	s5 =	smov.u32 s7;
	s9 =	sadd.s32 $0x200, s7  }
0xa7: {  	[tilespmem:s0], [sflag:$0x1] =	stream.indirect.gather [hbm4b:s4+s31], $0x80, s8, s31, $0xb8;
	[tilespmem:$0x1F800] =	vst v63  }
0xa8: {  	p0 =	sne.s32 s7, $0xF800;
	_ =	swait.ge [sflag:s3], $0x2800  }
.Ltmp2:
0xa9: {  	[sflag:s3] =	ssyncset.done $0x0;
	(pc) =	sbr.rel @p0 .LBB2_6-.Ltmp2, $4  }
0xaa: {  	s7 =	sadd.s32 $0x4000, s8;
	[sflag:s3] =	ssyncadd.s32 $0xFFFFD800  }
0xab: {  	[spmem:s2] =	stream.indirect.scatter.add.f32 [tilespmem:s0], [sflag:$0x2], $0x80, s7, s31, $0xb8;
	[tilespmem:$0x1F800] =	vst v63  }
0xac: {  	_ =	swait.ge [sflag:s29], $0x2800  }
0xad: {  	s7 =	smov.u32 s9;
	[sflag:s29] =	ssyncset.done $0x0  }
0xae: {  	s5 =	sshra.s32 s5, $0x2;
	[sflag:s29] =	ssyncadd.s32 $0xFFFFD800  }
0xaf: {  	[tilespmem:s0], [sflag:$0x1] =	stream.indirect.gather [hbm4b:s4+s31], $0x80, s5, s31, $0xb8;
	[tilespmem:$0x1F800] =	vst v63  }
0xb0: {  	_ =	swait.ge [sflag:s3], $0x2800  }
0xb1: {  	[sflag:s3] =	ssyncset.done $0x0  }
0xb2: {  	s5 =	sadd.s32 $0x4000, s5;
	[sflag:s3] =	ssyncadd.s32 $0xFFFFD800  }
0xb3: {  	[spmem:s2] =	stream.indirect.scatter.add.f32 [tilespmem:s0], [sflag:$0x2], $0x80, s5, s31, $0xb8;
	[tilespmem:$0x1F800] =	vst v63  }
0xb4: {  	_ =	swait.ge [sflag:s29], $0x2800  }
0xb5: {  	[sflag:s29] =	ssyncset.done $0x0  }
0xb6: {  	s8 =	stileid.u32;
	[sflag:s29] =	ssyncadd.s32 $0xFFFFD800  }
0xb7: {  	s5 =	sshll.u32 s8, $0x6;
	[bflag:$0x0] =	sbarrier.arrive $0xFFFF  }
0xb8: {  	s7 =	sshrl.u32 s6, $0x3;
	s5 =	sor.u32 $0x1C02, s5;
	s8 =	rddreg [dreg:$0x4]  }
0xb9: {  	[hbm:s8], [sflag:s5] =	dma.local [spmem:s7], $0x2800  }
0xba: {  	_ =	swait.ge [sflag:s29], $0x2800  }
0xbb: {  	s1 =	sadd.s32 $0x1, s1;
	s9 =	rddreg [dreg:$0x5]  }
0xbc: {  	p0 =	sne.s32 s1, s9  }
.Ltmp3:
0xbd: {  	_ = 	snop;
	(pc) =	sbr.rel @p0 .LBB2_1-.Ltmp3, $3  }
0xbe: {  	_ =	sdelay $0x1  }
0xbf: {  	[sflag:s29] =	ssyncset.done $0x0  }
0xc0: {  	[sflag:s29] =	ssyncadd.s32 $0xFFFFD800  }
0xc1: {  	_ =	sfence.sel $0x180000  }
0xc2: {  	[bflag:$0x0] =	sbarrier.arrive $0xFFFF  }
0xc3: {  	_ =	strace $0x9000004D  }
0xc4: {  	s0 =	stileid.u32;
	[bflag:$0x2] =	sbarrier.arrive $0xFFFF  }
0xc5: {  	p0 =	sne.s32 s0, $0x0;
	s0 =	rddreg [dreg:$0x2]  }
0xc6: {  	s0 =	sadd.s32 @!p0 $0x100000, s0  }
0xc7: {  	[sflag:s0] =	ssyncadd.tile.s32 @!p0 $0x1;
	_ =	shalt  }
.Lfunc_end2:
_tile_overlayer_lowered:
.L_overlay_start_2:
0xc8: {  	(tag) =	ssettag $0x2  }
0xc9: {  	s0 =	rddreg [dreg:$0x0];
	s2 =	stileid.u32  }
0xca: {  	s1 =	rddreg [dreg:$0x1];
	p0 =	sne.s32 s2, $0x0  }
0xcb: {  	s3 =	rddreg [dreg:$0x2];
	[bflag:$0x3] =	sbarrier.arrive $0xFFFF;
	s2 =	simm.s32 @!p0 $0x1C02  }
0xcc: {  	[timem:s3], [sflag:s2] =	dma.local @!p0 [hbm:s0], s1  }
0xcd: {  	s0 =	simm.s32 @!p0 $0x2  }
0xce: {  	_ =	swait.ge @!p0 [sflag:s0], s1  }
0xcf: {  	s1 =	ssub.s32 @!p0 $0x0, s1;
	[sflag:s0] =	ssyncset.done @!p0 $0x0  }
0xd0: {  	[sflag:s0] =	ssyncadd.s32 @!p0 s1  }
0xd1: {  	[bflag:$0x3] =	sbarrier.arrive $0xFFFF  }
0xd2: {  	_ =	shalt  }

// kernel: kernel.28.cloned.1.call-start
scs
__scs_entry_jumppad:
0x0: {  	(pc) =	sbr.rel $0x88, $3  }
0x1: {  	(tag) =	ssettag $0x0;
	lr =	simm.s32 $0x1  }
0x2: {  	[smem:$0x3F96] =	sst lr;
	_ =	strace $0xD0000000  }
0x3: {  	_ = 	snop  }
0x4: {  	_ = 	snop  }
0x5: {  	_ = 	snop  }
0x6: {  	_ = 	snop  }
0x7: {  	_ = 	snop  }
__scs_overlays_trampoline_lowered:
0x8: {  	[smem:$0x3FA5] =	sst s0  }
0x9: {  	[smem:$0x3FA6] =	sst s1  }
0xa: {  	[smem:$0x3FA7] =	sst s2  }
0xb: {  	[smem:$0x3FA8] =	sst s3  }
0xc: {  	[smem:$0x3FA9] =	sst s4  }
0xd: {  	[smem:$0x3FAA] =	sst s5  }
0xe: {  	[smem:$0x3FAB] =	sst s6  }
0xf: {  	[smem:$0x3FAC] =	sst s7  }
0x10: {  	[smem:$0x3FAD] =	sst s8  }
0x11: {  	[smem:$0x3FAE] =	sst s9;
	s0 =	simm.s32 @!p0 $0x0  }
0x12: {  	s1 =	sld [smem:$0x3F94];
	s0 =	simm.s32 @p0 $0x1  }
0x13: {  	[smem:$0x3FAF] =	sst s0;
	s0 =	simm.s32 @!p1 $0x0  }
0x14: {  	s2 =	sld [smem:$0x3F93];
	s0 =	simm.s32 @p1 $0x1  }
0x15: {  	[smem:$0x3FB0] =	sst s0;
	s0 =	simm.s32 @!p2 $0x0  }
0x16: {  	s3 =	sld [smem:$0x3FDB];
	s0 =	simm.s32 @p2 $0x1  }
0x17: {  	s4 =	simm.s32 $0x1BF5;
	[smem:$0x3FB2] =	sst s0  }
0x18: {  	s0 =	sld [smem:$0x3F95];
	_ =	swait.ge [sflag:s4], $0x0  }
0x19: {  	s7 =	sld [smem:$0x3F96]  }
0x1a: {  	s8 =	sadd.s32 $0xFFFFE003, lr  }
0x1b: {  	s9 =	sadd.s32 $0xFFFFFEF7, lr;
	s5 =	simm.s32 $0xFFFFFFFF;
	p2 =	slt.u32 s8, $0xFFFFF086  }
0x1c: {  	p1 =	slt.u32 s9, $0xF7A;
	s5 =	simm.s32 @!p2 $0x0  }
0x1d: {  	s5 =	simm.s32 @p1 $0x1;
	p0 =	seq.s32 s7, s2  }
0x1e: {  	s7 =	smul.u32 @!p0 $0xF7A, s2;
	p2 =	seq.s32 @!p0 s5, $0x0  }
0x1f: {  	s9 =	smul.u32 $0xF7A, s1;
	s8 =	simm.s32 @!p0 $0x1BF5;
	p2 =	por !p2, p0  }
0x20: {  	[sflag:s8] =	ssyncset.s32 @!p0 $0xFFFFF086;
	s6 =	sadd.s32 @!p0 s3, s7;
	s7 =	simm.s32 @!p0 $0x108  }
0x21: {  	s3 =	sadd.s32 s3, s9;
	s6 =	sadd.s32 @!p0 $0x88, s6;
	s7 =	simm.s32 @p2 $0x1082  }
0x22: {  	[simem:s7], [sflag:s8] =	dma.local @!p0 [hbm:s6], $0xF7A  }
0x23: {  	s9 =	sor.u32 $0xD0000000, s2;
	s6 =	simm.s32 $0x108;
	_ =	swait.ge @!p0 [sflag:s8], $0x0  }
0x24: {  	s3 =	sadd.s32 $0x88, s3;
	s6 =	simm.s32 @!p1 $0x1082;
	[sflag:s4] =	ssyncset.s32 $0xFFFFF086  }
0x25: {  	[simem:s6], [sflag:s4] =	dma.local [hbm:s3], $0xF7A  }
0x26: {  	[smem:$0x3F96] =	sst s1;
	(tag) =	ssettag s2;
	_ =	strace s9  }
0x27: {  	s1 =	sld [smem:$0x3FA6]  }
0x28: {  	s2 =	sld [smem:$0x3FA7]  }
0x29: {  	s4 =	sld [smem:$0x3FA9]  }
0x2a: {  	p0 =	seq.s32 s5, $0x0;
	s5 =	sld [smem:$0x3FAA]  }
0x2b: {  	s6 =	sld [smem:$0x3FAB]  }
0x2c: {  	s7 =	sld [smem:$0x3FAC]  }
0x2d: {  	s3 =	simm.s32 $0x108;
	s8 =	sld [smem:$0x3FAD]  }
0x2e: {  	s3 =	simm.s32 @!p0 $0x1082;
	s9 =	sld [smem:$0x3FAE]  }
0x2f: {  	lr =	sadd.s32 s0, s3;
	s0 =	sld [smem:$0x3FA5]  }
0x30: {  	s3 =	sld [smem:$0x3FA8]  }
0x31: {  	[smem:$0x3FB1] =	sst s10  }
0x32: {  	s10 =	sld [smem:$0x3FAF];
	_ =	sdelay $0x3  }
0x33: {  	p0 =	seq.s32 s10, $0x1;
	s10 =	sld [smem:$0x3FB1];
	_ =	sdelay $0x3  }
0x34: {  	[smem:$0x3FB1] =	sst s10  }
0x35: {  	s10 =	sld [smem:$0x3FB0];
	_ =	sdelay $0x3  }
0x36: {  	p1 =	seq.s32 s10, $0x1;
	s10 =	sld [smem:$0x3FB1];
	_ =	sdelay $0x3  }
0x37: {  	[smem:$0x3FB1] =	sst s10  }
0x38: {  	s10 =	sld [smem:$0x3FB2]  }
0x39: {  	_ = 	snop;
	(pc) =	sbr.ind lr, $3  }
0x3a: {  	_ = 	snop  }
0x3b: {  	_ = 	snop  }
0x3c: {  	p2 =	seq.s32 s10, $0x1;
	s10 =	sld [smem:$0x3FB1]  }
0x3d: {  	_ =	shalt  }
0x3e: {  	_ =	shalt  }
0x3f: {  	_ =	shalt  }
0x40: {  	_ =	shalt  }
0x41: {  	_ =	shalt  }
0x42: {  	_ =	shalt  }
0x43: {  	_ =	shalt  }
0x44: {  	_ =	shalt  }
0x45: {  	_ =	shalt  }
0x46: {  	_ =	shalt  }
0x47: {  	_ =	shalt  }
0x48: {  	_ =	shalt  }
0x49: {  	_ =	shalt  }
0x4a: {  	_ =	shalt  }
0x4b: {  	_ =	shalt  }
0x4c: {  	_ =	shalt  }
0x4d: {  	_ =	shalt  }
0x4e: {  	_ =	shalt  }
0x4f: {  	_ =	shalt  }
0x50: {  	_ =	shalt  }
0x51: {  	_ =	shalt  }
0x52: {  	_ =	shalt  }
0x53: {  	_ =	shalt  }
0x54: {  	_ =	shalt  }
0x55: {  	_ =	shalt  }
0x56: {  	_ =	shalt  }
0x57: {  	_ =	shalt  }
0x58: {  	_ =	shalt  }
0x59: {  	_ =	shalt  }
0x5a: {  	_ =	shalt  }
0x5b: {  	_ =	shalt  }
0x5c: {  	_ =	shalt  }
0x5d: {  	_ =	shalt  }
0x5e: {  	_ =	shalt  }
0x5f: {  	_ =	shalt  }
0x60: {  	_ =	shalt  }
0x61: {  	_ =	shalt  }
0x62: {  	_ =	shalt  }
0x63: {  	_ =	shalt  }
0x64: {  	_ =	shalt  }
0x65: {  	_ =	shalt  }
0x66: {  	_ =	shalt  }
0x67: {  	_ =	shalt  }
0x68: {  	_ =	shalt  }
0x69: {  	_ =	shalt  }
0x6a: {  	_ =	shalt  }
0x6b: {  	_ =	shalt  }
0x6c: {  	_ =	shalt  }
0x6d: {  	_ =	shalt  }
0x6e: {  	_ =	shalt  }
0x6f: {  	_ =	shalt  }
0x70: {  	_ =	shalt  }
0x71: {  	_ =	shalt  }
0x72: {  	_ =	shalt  }
0x73: {  	_ =	shalt  }
0x74: {  	_ =	shalt  }
0x75: {  	_ =	shalt  }
0x76: {  	_ =	shalt  }
0x77: {  	_ =	shalt  }
0x78: {  	_ =	shalt  }
0x79: {  	_ =	shalt  }
0x7a: {  	_ =	shalt  }
0x7b: {  	_ =	shalt  }
0x7c: {  	_ =	shalt  }
0x7d: {  	_ =	shalt  }
0x7e: {  	_ =	shalt  }
0x7f: {  	_ =	shalt  }
0x80: {  	_ =	shalt  }
0x81: {  	_ =	shalt  }
0x82: {  	_ =	shalt  }
0x83: {  	_ =	shalt  }
0x84: {  	_ =	shalt  }
0x85: {  	_ =	shalt  }
0x86: {  	_ =	shalt  }
0x87: {  	_ =	shalt  }
.Lfunc_end0:
.L_simem_size_0:
called_computation.3_lowered:
.L_overlay_start_0:
0x88: {  	s2 =	sld [smem:$0x3FD9]  }
0x89: {  	s3 =	sld [smem:$0x3FFE];
	_ =	sdelay $0x1  }
0x8a: {  	s1 =	srdreg.scid  }
0x8b: {  	s0 =	sand.u32 $0x1, s1  }
0x8c: {  	s16 =	sshll.u32 s0, $0xA;
	s2 =	sadd.s32 s3, s2  }
0x8d: {  	s2 =	sadd.s32 s2, s16  }
0x8e: {  	[smem:$0x3FBD] =	sst s2  }
0x8f: {  	_ = 	snop  }
0x90: {  	(tm) =	ssettm $0x1  }
0x91: {  	s17 =	sld [smem:$0x3FFB];
	_ =	sdelay $0x3  }
0x92: {  	_ =	strace s17  }
0x93: {  	s2 =	sld [smem:$0x3FFC];
	_ =	sdelay $0x3  }
0x94: {  	_ =	strace s2  }
0x95: {  	s2 =	sld [smem:$0x3FFD];
	_ =	sdelay $0x3  }
0x96: {  	_ =	strace s2  }
0x97: {  	_ =	strace $0x8FFFFFFF  }
0x98: {  	s18 =	sld [smem:$0x3FDB];
	_ =	sdelay $0x1  }
0x99: {  	s19 =	simm.s32 $_scs_section_size  }
0x9a: {  	s4 =	simm.s32 $_size__tile_overlayer_lowered;
	s5 =	simm.s32 $_tile_overlayer_lowered  }
0x9b: {  	s22 =	simm.s32 $0x1BFF;
	s21 =	sshll.u32 s5, $0x1;
	s2 =	sadd.s32 s19, s18  }
0x9c: {  	s6 =	simm.s32 $0x0;
	s20 =	sshll.u32 s4, $0x1;
	s4 =	sadd.s32 s21, s2  }
0x9d: {  	[timem:s6], [sflag:s22] =	dma.local [hbm:s4], s20  }
0x9e: {  	_ =	swait.ge [sflag:s22], s20  }
0x9f: {  	s3 =	ssub.s32 $0x0, s20;
	[sflag:s22] =	ssyncset.done $0x0  }
0xa0: {  	[sflag:s22] =	ssyncadd.s32 s3;
	_ =	sdelay $0x1  }
0xa1: {  	s23 =	simm.s32 $0x1B8B  }
0xa2: {  	_ =	swait.ge [sflag:s23], $0x1  }
0xa3: {  	[sflag:s23] =	ssyncset.done $0x0  }
0xa4: {  	s25 =	simm.s32 $0x1B8E;
	s24 =	sld [smem:$0x3FFE];
	[sflag:s23] =	ssyncadd.s32 $0xFFFFFFFF  }
0xa5: {  	s26 =	simm.s32 $execute0_lowered;
	[smem:$0x3FD2] =	sst s25  }
0xa6: {  	s4 =	sshll.u32 s26, $0x1;
	_ =	strace $0x8000004F;
	[dreg:$0x1] =	wrdreg $0xFFFFFFFF  }
0xa7: {  	s28 =	simm.s32 $_size_execute0_lowered;
	s2 =	sadd.s32 s2, s4;
	[dreg:$0x0] =	wrdreg $0x0  }
0xa8: {  	s4 =	sshll.u32 s28, $0x1;
	[dreg:$0x2] =	wrdreg s2  }
0xa9: {  	[dreg:$0x3] =	wrdreg s4  }
0xaa: {  	[dreg:$0x4] =	wrdreg $0xC0  }
0xab: {  	_ =	task [dreg:s6], $0x5FFFF  }
0xac: {  	[dreg:$0x1] =	wrdreg $0xFFFFFFFF  }
0xad: {  	[dreg:$0x0] =	wrdreg $0x60  }
0xae: {  	[dreg:$0x2] =	wrdreg s24  }
0xaf: {  	[dreg:$0x3] =	wrdreg $0xB8000  }
0xb0: {  	[dreg:$0x4] =	wrdreg $0x9  }
0xb1: {  	_ =	task.clear_ibuf [dreg:s6], $0x5FFFF;
	_ =	strace $0x9000004F  }
0xb2: {  	s29 =	simm.s32 $0x9;
	_ =	strace $0x80000051  }
0xb3: {  	_ =	swait.ge [sflag:s29], $0x1  }
0xb4: {  	[sflag:s29] =	ssyncadd.s32 $0xFFFFFFFF  }
0xb5: {  	_ =	strace $0x90000051  }
0xb6: {  	_ =	sfence  }
0xb7: {  	s30 =	sld [smem:$0x0];
	_ =	sdelay $0x2  }
0xb8: {  	s31 =	sshll.u32 s1, $0xD;
	s1 =	sshrl.u32 s1, $0x2  }
0xb9: {  	s3 =	sand.u32 $0x4000, s31;
	s1 =	sadd.s32 s1, s30  }
0xba: {  	s0 =	sor.u32 s3, s0;
	s1 =	sshll.u32 s1, $0x11  }
0xbb: {  	s0 =	sor.u32 s1, s0  }
0xbc: {  	s0 =	sadd.s32 $0x8F2B, s0  }
0xbd: {  	[sflag:s0] =	ssyncadd.remote.s32 $0x1  }
0xbe: {  	_ =	sfence.sel $0xFFFF  }
0xbf: {  	[dreg:$0x0] =	wrdreg $0xFFFFFFFF;
	(pc) =	sbr.abs _section_cstart, $3  }
0xc0: {  	[dreg:$0x1] =	wrdreg $0xFFFFFFFF  }
0xc1: {  	_ =	task.clear_ibuf [dreg:s6], $0x2FFFF;
	_ =	strace $0x9FFFFFFF  }
0xc2: {  	(tm) =	ssettm $0x7FFFFFFF  }
0xc3: {  	_ =	shalt  }
tec
execute0_lowered:
.L_overlay_start_1:
0x0: {  	(tag) =	ssettag $0x1  }
0x1: {  	s0 =	rddreg [dreg:$0x0];
	s1 =	srdreg.scid  }
0x2: {  	s2 =	rddreg [dreg:$0x1];
	s7 =	stileid.u32;
	s5 =	simm.s32 $0x0  }
0x3: {  	s29 =	simm.s32 $0x2;
	s30 =	simm.s32 $0xA800;
	s4 =	smul.u32 $0x14000, s7  }
0x4: {  	s31 =	simm.s32 $0x50;
	s1 =	sand.u32 $0x1, s1;
	s6 =	smul.u32 $0x50000, s7  }
0x5: {  	[smem:$0x7FF] =	sst s5;
	s22 =	sshll.u32 s7, $0xC;
	s3 =	smul.u32 $0x140000, s1  }
0x6: {  	s21 =	sshll.u32 s1, $0xB;
	_ =	strace $0x80000050;
	s1 =	ssub.s32 $0x2, s1  }
0x7: {  	s5 =	sadd.s32 s21, s0;
	s23 =	sshrl.u32 s1, $0x1;
	s24 =	sshrl.u32 s6, $0x2  }
0x8: {  	s3 =	sadd.s32 s4, s3;
	s4 =	sadd.s32 $0xB4E00, s0;
	s1 =	ssub.s32 s1, s23  }
0x9: {  	s6 =	sadd.s32 s24, s2;
	s3 =	sshrl.u32 s3, $0x3;
	s25 =	smax.u32 s1, $0x1  }
0xa: {  	s26 =	sadd.s32 $0x1000, s6;
	s10 =	sadd.s32 $0x2000, s6;
	s11 =	sadd.s32 $0x3000, s6  }
0xb: {  	s12 =	sadd.s32 $0x4000, s6;
	s13 =	sadd.s32 $0x5000, s6;
	s14 =	sadd.s32 $0x6000, s6  }
0xc: {  	s15 =	sadd.s32 $0x7000, s6;
	s16 =	sadd.s32 $0x8000, s6;
	s17 =	sadd.s32 $0x9000, s6  }
0xd: {  	s18 =	sadd.s32 $0xA000, s6;
	s19 =	sadd.s32 $0xB000, s6;
	s20 =	sadd.s32 $0xC000, s6  }
0xe: {  	s21 =	sadd.s32 $0xD000, s6;
	s23 =	sadd.s32 $0xF000, s6;
	s24 =	sadd.s32 $0x10000, s6  }
0xf: {  	s28 =	sadd.s32 $0x13000, s6;
	s1 =	simm.s32 $0x0;
	[dreg:$0x5] =	wrdreg s25  }
0x10: {  	s0 =	sadd.s32 s3, s0;
	s3 =	sadd.s32 s22, s5;
	[dreg:$0x6] =	wrdreg s26  }
0x11: {  	s22 =	sadd.s32 $0xE000, s6;
	s25 =	sadd.s32 $0x11000, s6;
	s3 =	sadd.s32 $0x4E00, s3  }
0x12: {  	s26 =	sadd.s32 $0x12000, s6;
	s0 =	sadd.s32 $0xDCE00, s0;
	[dreg:$0x3] =	wrdreg s3  }
0x13: {  	v0 =	vimm.f32 $0.0e+00;
	[dreg:$0x4] =	wrdreg s0;
	s0 =	simm.s32 $0x8000;
	s3 =	simm.s32 $0x1  }
.LBB2_1:
0x14: {  	s5 =	simm.s32 $0x0;
	s7 =	rddreg [dreg:$0x3]  }
0x15: {  	[tilespmem:s5], [sflag:$0x2] =	stream.linear.gather [hbm4b:s7+s5], $0x3E80, $0x38;
	[tilespmem:$0x1F800] =	vst v63  }
0x16: {  	_ =	swait.ge [sflag:s29], $0x3E80  }
0x17: {  	[sflag:s29] =	ssyncset.done $0x0  }
0x18: {  	s5 =	simm.s32 $0x0;
	s7 =	simm.s32 $0x200;
	[sflag:s29] =	ssyncadd.s32 $0xFFFFC180  }
.LBB2_2:
0x19: {  	p0 =	sne.s32 s7, $0x3E00;
	[tilespmem:s5+$0xA870] =	vst v0  }
0x1a: {  	[tilespmem:s5+$0xA800] =	vst v0  }
0x1b: {  	[tilespmem:s5+$0xA810] =	vst v0  }
.Ltmp0:
0x1c: {  	[tilespmem:s5+$0xA820] =	vst v0;
	(pc) =	sbr.rel @p0 .LBB2_2-.Ltmp0, $4  }
0x1d: {  	[tilespmem:s5+$0xA830] =	vst v0  }
0x1e: {  	[tilespmem:s5+$0xA840] =	vst v0  }
0x1f: {  	[tilespmem:s5+$0xA850] =	vst v0  }
0x20: {  	[tilespmem:s5+$0xA860] =	vst v0;
	s5 =	sshra.s32 s7, $0x2;
	s7 =	sadd.s32 $0x200, s7  }
0x21: {  	[tilespmem:s5+$0xA870] =	vst v0  }
0x22: {  	[tilespmem:s5+$0xA800] =	vst v0  }
0x23: {  	[tilespmem:s5+$0xA810] =	vst v0  }
0x24: {  	[tilespmem:s5+$0xA820] =	vst v0  }
0x25: {  	[tilespmem:s5+$0xA830] =	vst v0  }
0x26: {  	[tilespmem:s5+$0xA840] =	vst v0  }
0x27: {  	[tilespmem:s5+$0xA850] =	vst v0  }
0x28: {  	[tilespmem:s5+$0xA860] =	vst v0  }
0x29: {  	[spmem:s6] =	stream.linear.scatter [tilespmem:s30], [sflag:$0x2], $0x1000, $0x38;
	[tilespmem:$0x1F800] =	vst v63  }
0x2a: {  	_ =	swait.ge [sflag:s29], $0x1000  }
0x2b: {  	[sflag:s29] =	ssyncset.done $0x0  }
0x2c: {  	s9 =	rddreg [dreg:$0x6];
	[sflag:s29] =	ssyncadd.s32 $0xFFFFF000  }
0x2d: {  	[spmem:s9] =	stream.linear.scatter [tilespmem:s30], [sflag:$0x2], $0x1000, $0x38;
	[tilespmem:$0x1F800] =	vst v63  }
0x2e: {  	_ =	swait.ge [sflag:s29], $0x1000  }
0x2f: {  	[sflag:s29] =	ssyncset.done $0x0  }
0x30: {  	[sflag:s29] =	ssyncadd.s32 $0xFFFFF000  }
0x31: {  	[spmem:s10] =	stream.linear.scatter [tilespmem:s30], [sflag:$0x2], $0x1000, $0x38;
	[tilespmem:$0x1F800] =	vst v63  }
0x32: {  	_ =	swait.ge [sflag:s29], $0x1000  }
0x33: {  	[sflag:s29] =	ssyncset.done $0x0  }
0x34: {  	[sflag:s29] =	ssyncadd.s32 $0xFFFFF000  }
0x35: {  	[spmem:s11] =	stream.linear.scatter [tilespmem:s30], [sflag:$0x2], $0x1000, $0x38;
	[tilespmem:$0x1F800] =	vst v63  }
0x36: {  	_ =	swait.ge [sflag:s29], $0x1000  }
0x37: {  	[sflag:s29] =	ssyncset.done $0x0  }
0x38: {  	[sflag:s29] =	ssyncadd.s32 $0xFFFFF000  }
0x39: {  	[spmem:s12] =	stream.linear.scatter [tilespmem:s30], [sflag:$0x2], $0x1000, $0x38;
	[tilespmem:$0x1F800] =	vst v63  }
0x3a: {  	_ =	swait.ge [sflag:s29], $0x1000  }
0x3b: {  	[sflag:s29] =	ssyncset.done $0x0  }
0x3c: {  	[sflag:s29] =	ssyncadd.s32 $0xFFFFF000  }
0x3d: {  	[spmem:s13] =	stream.linear.scatter [tilespmem:s30], [sflag:$0x2], $0x1000, $0x38;
	[tilespmem:$0x1F800] =	vst v63  }
0x3e: {  	_ =	swait.ge [sflag:s29], $0x1000  }
0x3f: {  	[sflag:s29] =	ssyncset.done $0x0  }
0x40: {  	[sflag:s29] =	ssyncadd.s32 $0xFFFFF000  }
0x41: {  	[spmem:s14] =	stream.linear.scatter [tilespmem:s30], [sflag:$0x2], $0x1000, $0x38;
	[tilespmem:$0x1F800] =	vst v63  }
0x42: {  	_ =	swait.ge [sflag:s29], $0x1000  }
0x43: {  	[sflag:s29] =	ssyncset.done $0x0  }
0x44: {  	[sflag:s29] =	ssyncadd.s32 $0xFFFFF000  }
0x45: {  	[spmem:s15] =	stream.linear.scatter [tilespmem:s30], [sflag:$0x2], $0x1000, $0x38;
	[tilespmem:$0x1F800] =	vst v63  }
0x46: {  	_ =	swait.ge [sflag:s29], $0x1000  }
0x47: {  	[sflag:s29] =	ssyncset.done $0x0  }
0x48: {  	[sflag:s29] =	ssyncadd.s32 $0xFFFFF000  }
0x49: {  	[spmem:s16] =	stream.linear.scatter [tilespmem:s30], [sflag:$0x2], $0x1000, $0x38;
	[tilespmem:$0x1F800] =	vst v63  }
0x4a: {  	_ =	swait.ge [sflag:s29], $0x1000  }
0x4b: {  	[sflag:s29] =	ssyncset.done $0x0  }
0x4c: {  	[sflag:s29] =	ssyncadd.s32 $0xFFFFF000  }
0x4d: {  	[spmem:s17] =	stream.linear.scatter [tilespmem:s30], [sflag:$0x2], $0x1000, $0x38;
	[tilespmem:$0x1F800] =	vst v63  }
0x4e: {  	_ =	swait.ge [sflag:s29], $0x1000  }
0x4f: {  	[sflag:s29] =	ssyncset.done $0x0  }
0x50: {  	[sflag:s29] =	ssyncadd.s32 $0xFFFFF000  }
0x51: {  	[spmem:s18] =	stream.linear.scatter [tilespmem:s30], [sflag:$0x2], $0x1000, $0x38;
	[tilespmem:$0x1F800] =	vst v63  }
0x52: {  	_ =	swait.ge [sflag:s29], $0x1000  }
0x53: {  	[sflag:s29] =	ssyncset.done $0x0  }
0x54: {  	[sflag:s29] =	ssyncadd.s32 $0xFFFFF000  }
0x55: {  	[spmem:s19] =	stream.linear.scatter [tilespmem:s30], [sflag:$0x2], $0x1000, $0x38;
	[tilespmem:$0x1F800] =	vst v63  }
0x56: {  	_ =	swait.ge [sflag:s29], $0x1000  }
0x57: {  	[sflag:s29] =	ssyncset.done $0x0  }
0x58: {  	[sflag:s29] =	ssyncadd.s32 $0xFFFFF000  }
0x59: {  	[spmem:s20] =	stream.linear.scatter [tilespmem:s30], [sflag:$0x2], $0x1000, $0x38;
	[tilespmem:$0x1F800] =	vst v63  }
0x5a: {  	_ =	swait.ge [sflag:s29], $0x1000  }
0x5b: {  	[sflag:s29] =	ssyncset.done $0x0  }
0x5c: {  	[sflag:s29] =	ssyncadd.s32 $0xFFFFF000  }
0x5d: {  	[spmem:s21] =	stream.linear.scatter [tilespmem:s30], [sflag:$0x2], $0x1000, $0x38;
	[tilespmem:$0x1F800] =	vst v63  }
0x5e: {  	_ =	swait.ge [sflag:s29], $0x1000  }
0x5f: {  	[sflag:s29] =	ssyncset.done $0x0  }
0x60: {  	[sflag:s29] =	ssyncadd.s32 $0xFFFFF000  }
0x61: {  	[spmem:s22] =	stream.linear.scatter [tilespmem:s30], [sflag:$0x2], $0x1000, $0x38;
	[tilespmem:$0x1F800] =	vst v63  }
0x62: {  	_ =	swait.ge [sflag:s29], $0x1000  }
0x63: {  	[sflag:s29] =	ssyncset.done $0x0  }
0x64: {  	[sflag:s29] =	ssyncadd.s32 $0xFFFFF000  }
0x65: {  	[spmem:s23] =	stream.linear.scatter [tilespmem:s30], [sflag:$0x2], $0x1000, $0x38;
	[tilespmem:$0x1F800] =	vst v63  }
0x66: {  	_ =	swait.ge [sflag:s29], $0x1000  }
0x67: {  	[sflag:s29] =	ssyncset.done $0x0  }
0x68: {  	[sflag:s29] =	ssyncadd.s32 $0xFFFFF000  }
0x69: {  	[spmem:s24] =	stream.linear.scatter [tilespmem:s30], [sflag:$0x2], $0x1000, $0x38;
	[tilespmem:$0x1F800] =	vst v63  }
0x6a: {  	_ =	swait.ge [sflag:s29], $0x1000  }
0x6b: {  	[sflag:s29] =	ssyncset.done $0x0  }
0x6c: {  	[sflag:s29] =	ssyncadd.s32 $0xFFFFF000  }
0x6d: {  	[spmem:s25] =	stream.linear.scatter [tilespmem:s30], [sflag:$0x2], $0x1000, $0x38;
	[tilespmem:$0x1F800] =	vst v63  }
0x6e: {  	_ =	swait.ge [sflag:s29], $0x1000  }
0x6f: {  	[sflag:s29] =	ssyncset.done $0x0  }
0x70: {  	[sflag:s29] =	ssyncadd.s32 $0xFFFFF000  }
0x71: {  	[spmem:s26] =	stream.linear.scatter [tilespmem:s30], [sflag:$0x2], $0x1000, $0x38;
	[tilespmem:$0x1F800] =	vst v63  }
0x72: {  	_ =	swait.ge [sflag:s29], $0x1000  }
0x73: {  	[sflag:s29] =	ssyncset.done $0x0  }
0x74: {  	[sflag:s29] =	ssyncadd.s32 $0xFFFFF000  }
0x75: {  	[spmem:s28] =	stream.linear.scatter [tilespmem:s30], [sflag:$0x2], $0x1000, $0x38;
	[tilespmem:$0x1F800] =	vst v63  }
0x76: {  	_ =	swait.ge [sflag:s29], $0x1000  }
0x77: {  	[sflag:s29] =	ssyncset.done $0x0  }
0x78: {  	s5 =	simm.s32 $0x0;
	[sflag:s29] =	ssyncadd.s32 $0xFFFFF000  }
0x79: {  	v1 =	vld [tilespmem:s5+$0x0]  }
0x7a: {  	v2 =	vld [tilespmem:s5+$0x10]  }
0x7b: {  	v3 =	vld [tilespmem:s5+$0x20]  }
0x7c: {  	v4 =	vld [tilespmem:s5+$0x30]  }
0x7d: {  	v5 =	vld [tilespmem:s5+$0x40];
	_ =	sdelay $0x1  }
0x7e: {  	v6 =	vshra.s32 v1, $0xE;
	v7 =	vshra.s32 v2, $0xE  }
0x7f: {  	v8 =	vshra.s32 v3, $0xE;
	v9 =	vand.u32 $0x3FFF, v1;
	v2 =	vand.u32 $0x3FFF, v2;
	[tilespmem:s5+$0x0] =	vst v6  }
0x80: {  	v10 =	vshra.s32 v4, $0xE;
	v4 =	vand.u32 $0x3FFF, v4;
	[tilespmem:s5+$0x10] =	vst v7;
	vm0 =	veq.s32 v6, v9  }
0x81: {  	[tilespmem:s5+$0x20] =	vst v8;
	vm1 =	veq.s32 v7, v2;
	v6 =	vand.u32 $0x3FFF, v3;
	v7 =	vshra.s32 v5, $0xE  }
0x82: {  	s7 =	simm.s32 $0x80;
	[tilespmem:s5+$0x30] =	vst v10;
	vm3 =	veq.s32 v10, v4;
	vm2 =	veq.s32 v8, v6;
	v8 =	vand.u32 $0x3FFF, v5  }
0x83: {  	v1 =	vld [tilespmem:s7+$0x0];
	[tilespmem:s5+$0x40] =	vst v7;
	v5 =	vsel vm0, $0x2710, v9;
	v3 =	vsel vm1, $0x2710, v2;
	vm15 =	veq.s32 v7, v8  }
0x84: {  	s8 =	simm.s32 $0x400;
	v2 =	vld [tilespmem:s7+$0x10];
	[tilespmem:s5+$0x4000] =	vst v5;
	v6 =	vsel vm2, $0x2710, v6;
	v5 =	vsel vm3, $0x2710, v4;
	v4 =	vsel vm15, $0x2710, v8  }
.LBB2_4:
0x85: {  	p0 =	sne.s32 s8, $0xF800;
	v7 =	vld [tilespmem:s7+$0x20];
	[tilespmem:s5+$0x4010] =	vst v3  }
0x86: {  	v3 =	vld [tilespmem:s7+$0x30];
	[tilespmem:s5+$0x4020] =	vst v6  }
0x87: {  	v6 =	vld [tilespmem:s7+$0x40];
	[tilespmem:s5+$0x4030] =	vst v5  }
0x88: {  	v5 =	vshra.s32 v1, $0xE;
	v8 =	vand.u32 $0x3FFF, v1;
	[tilespmem:s5+$0x4040] =	vst v4;
	s5 =	smov.u32 s7  }
0x89: {  	[tilespmem:s5+$0x0] =	vst v5;
	vm0 =	veq.s32 v5, v8;
	v1 =	vshra.s32 v2, $0xE;
	v2 =	vand.u32 $0x3FFF, v2  }
.Ltmp1:
0x8a: {  	[tilespmem:s5+$0x10] =	vst v1;
	vm1 =	veq.s32 v1, v2;
	v1 =	vshra.s32 v7, $0xE;
	v4 =	vand.u32 $0x3FFF, v7;
	(pc) =	sbr.rel @p0 .LBB2_4-.Ltmp1, $4  }
0x8b: {  	[tilespmem:s5+$0x20] =	vst v1;
	vm2 =	veq.s32 v1, v4;
	v1 =	vshra.s32 v3, $0xE;
	v5 =	vand.u32 $0x3FFF, v3  }
0x8c: {  	s7 =	sshra.s32 s8, $0x2;
	[tilespmem:s5+$0x30] =	vst v1;
	vm3 =	veq.s32 v1, v5;
	v7 =	vshra.s32 v6, $0xE;
	v9 =	vand.u32 $0x3FFF, v6  }
0x8d: {  	v3 =	vsel vm1, $0x2710, v2;
	v6 =	vsel vm0, $0x2710, v8;
	v1 =	vld [tilespmem:s7+$0x0];
	[tilespmem:s5+$0x40] =	vst v7;
	vm0 =	veq.s32 v7, v9  }
0x8e: {  	s8 =	sadd.s32 $0x200, s8;
	v5 =	vsel vm3, $0x2710, v5;
	v2 =	vld [tilespmem:s7+$0x10];
	[tilespmem:s5+$0x4000] =	vst v6;
	v6 =	vsel vm2, $0x2710, v4;
	v4 =	vsel vm0, $0x2710, v9  }
0x8f: {  	v7 =	vld [tilespmem:s7+$0x20];
	[tilespmem:s5+$0x4010] =	vst v3  }
0x90: {  	v3 =	vld [tilespmem:s7+$0x30];
	[tilespmem:s5+$0x4020] =	vst v6  }
0x91: {  	v6 =	vld [tilespmem:s7+$0x40];
	[tilespmem:s5+$0x4030] =	vst v5  }
0x92: {  	[tilespmem:s5+$0x4040] =	vst v4;
	v60 =	vshra.s32 v1, $0xE  }
0x93: {  	v1 =	vand.u32 $0x3FFF, v1;
	[tilespmem:s7+$0x0] =	vst v60;
	v61 =	vshra.s32 v2, $0xE  }
0x94: {  	vm0 =	veq.s32 v60, v1;
	[tilespmem:s7+$0x10] =	vst v61;
	v8 =	vshra.s32 v7, $0xE  }
0x95: {  	v2 =	vand.u32 $0x3FFF, v2;
	v1 =	vsel vm0, $0x2710, v1;
	[tilespmem:s7+$0x20] =	vst v8  }
0x96: {  	vm1 =	veq.s32 v61, v2;
	v9 =	vshra.s32 v3, $0xE;
	[tilespmem:s7+$0x4000] =	vst v1  }
0x97: {  	v63 =	vand.u32 $0x3FFF, v7;
	v2 =	vsel vm1, $0x2710, v2;
	[tilespmem:s7+$0x30] =	vst v9  }
0x98: {  	vm13 =	veq.s32 v8, v63;
	v3 =	vand.u32 $0x3FFF, v3;
	v62 =	vshra.s32 v6, $0xE;
	[tilespmem:s7+$0x4010] =	vst v2  }
0x99: {  	vm14 =	veq.s32 v9, v3;
	v1 =	vand.u32 $0x3FFF, v6;
	v4 =	vsel vm13, $0x2710, v63;
	[tilespmem:s7+$0x40] =	vst v62  }
0x9a: {  	vm15 =	veq.s32 v62, v1;
	v2 =	vsel vm14, $0x2710, v3;
	[tilespmem:s7+$0x4020] =	vst v4  }
0x9b: {  	v1 =	vsel vm15, $0x2710, v1;
	[tilespmem:s7+$0x4030] =	vst v2  }
0x9c: {  	[tilespmem:s7+$0x4040] =	vst v1  }
0x9d: {  	s8 =	simm.s32 $0x0;
	[bflag:$0x0] =	sbarrier.arrive $0xFFFF  }
0x9e: {  	[tilespmem:s0], [sflag:$0x1] =	stream.indirect.gather [hbm4b:s4+s31], $0x80, s8, s31, $0xb8;
	[tilespmem:$0x1F800] =	vst v63  }
0x9f: {  	_ =	swait.ge [sflag:s3], $0x2800  }
0xa0: {  	[sflag:s3] =	ssyncset.done $0x0  }
0xa1: {  	s9 =	simm.s32 $0x4000;
	[sflag:s3] =	ssyncadd.s32 $0xFFFFD800  }
0xa2: {  	[spmem:s2] =	stream.indirect.scatter.add.f32 [tilespmem:s0], [sflag:$0x2], $0x80, s9, s31, $0xb8;
	[tilespmem:$0x1F800] =	vst v63  }
0xa3: {  	_ =	swait.ge [sflag:s29], $0x2800  }
0xa4: {  	s5 =	simm.s32 $0x200;
	s7 =	simm.s32 $0x400;
	[sflag:s29] =	ssyncset.done $0x0  }
.LBB2_6:
0xa5: {  	s8 =	sshra.s32 s5, $0x2  }
0xa6: {  	[sflag:s29] =	ssyncadd.s32 $0xFFFFD800;
	s5 =	smov.u32 s7;
	s9 =	sadd.s32 $0x200, s7  }
0xa7: {  	[tilespmem:s0], [sflag:$0x1] =	stream.indirect.gather [hbm4b:s4+s31], $0x80, s8, s31, $0xb8;
	[tilespmem:$0x1F800] =	vst v63  }
0xa8: {  	p0 =	sne.s32 s7, $0xF800;
	_ =	swait.ge [sflag:s3], $0x2800  }
.Ltmp2:
0xa9: {  	[sflag:s3] =	ssyncset.done $0x0;
	(pc) =	sbr.rel @p0 .LBB2_6-.Ltmp2, $4  }
0xaa: {  	s7 =	sadd.s32 $0x4000, s8;
	[sflag:s3] =	ssyncadd.s32 $0xFFFFD800  }
0xab: {  	[spmem:s2] =	stream.indirect.scatter.add.f32 [tilespmem:s0], [sflag:$0x2], $0x80, s7, s31, $0xb8;
	[tilespmem:$0x1F800] =	vst v63  }
0xac: {  	_ =	swait.ge [sflag:s29], $0x2800  }
0xad: {  	s7 =	smov.u32 s9;
	[sflag:s29] =	ssyncset.done $0x0  }
0xae: {  	s5 =	sshra.s32 s5, $0x2;
	[sflag:s29] =	ssyncadd.s32 $0xFFFFD800  }
0xaf: {  	[tilespmem:s0], [sflag:$0x1] =	stream.indirect.gather [hbm4b:s4+s31], $0x80, s5, s31, $0xb8;
	[tilespmem:$0x1F800] =	vst v63  }
0xb0: {  	_ =	swait.ge [sflag:s3], $0x2800  }
0xb1: {  	[sflag:s3] =	ssyncset.done $0x0  }
0xb2: {  	s5 =	sadd.s32 $0x4000, s5;
	[sflag:s3] =	ssyncadd.s32 $0xFFFFD800  }
0xb3: {  	[spmem:s2] =	stream.indirect.scatter.add.f32 [tilespmem:s0], [sflag:$0x2], $0x80, s5, s31, $0xb8;
	[tilespmem:$0x1F800] =	vst v63  }
0xb4: {  	_ =	swait.ge [sflag:s29], $0x2800  }
0xb5: {  	[sflag:s29] =	ssyncset.done $0x0  }
0xb6: {  	s8 =	stileid.u32;
	[sflag:s29] =	ssyncadd.s32 $0xFFFFD800  }
0xb7: {  	s5 =	sshll.u32 s8, $0x6;
	[bflag:$0x0] =	sbarrier.arrive $0xFFFF  }
0xb8: {  	s7 =	sshrl.u32 s6, $0x3;
	s5 =	sor.u32 $0x1C02, s5;
	s8 =	rddreg [dreg:$0x4]  }
0xb9: {  	[hbm:s8], [sflag:s5] =	dma.local [spmem:s7], $0x2800  }
0xba: {  	_ =	swait.ge [sflag:s29], $0x2800  }
0xbb: {  	s1 =	sadd.s32 $0x1, s1;
	s9 =	rddreg [dreg:$0x5]  }
0xbc: {  	p0 =	sne.s32 s1, s9  }
.Ltmp3:
0xbd: {  	_ = 	snop;
	(pc) =	sbr.rel @p0 .LBB2_1-.Ltmp3, $3  }
0xbe: {  	_ =	sdelay $0x1  }
0xbf: {  	[sflag:s29] =	ssyncset.done $0x0  }
0xc0: {  	[sflag:s29] =	ssyncadd.s32 $0xFFFFD800  }
0xc1: {  	_ =	sfence.sel $0x180000  }
0xc2: {  	[bflag:$0x0] =	sbarrier.arrive $0xFFFF  }
0xc3: {  	_ =	strace $0x90000050  }
0xc4: {  	s0 =	stileid.u32;
	[bflag:$0x2] =	sbarrier.arrive $0xFFFF  }
0xc5: {  	p0 =	sne.s32 s0, $0x0;
	s0 =	rddreg [dreg:$0x2]  }
0xc6: {  	s0 =	sadd.s32 @!p0 $0x100000, s0  }
0xc7: {  	[sflag:s0] =	ssyncadd.tile.s32 @!p0 $0x1;
	_ =	shalt  }
.Lfunc_end2:
_tile_overlayer_lowered:
.L_overlay_start_2:
0xc8: {  	(tag) =	ssettag $0x2  }
0xc9: {  	s0 =	rddreg [dreg:$0x0];
	s2 =	stileid.u32  }
0xca: {  	s1 =	rddreg [dreg:$0x1];
	p0 =	sne.s32 s2, $0x0  }
0xcb: {  	s3 =	rddreg [dreg:$0x2];
	[bflag:$0x3] =	sbarrier.arrive $0xFFFF;
	s2 =	simm.s32 @!p0 $0x1C02  }
0xcc: {  	[timem:s3], [sflag:s2] =	dma.local @!p0 [hbm:s0], s1  }
0xcd: {  	s0 =	simm.s32 @!p0 $0x2  }
0xce: {  	_ =	swait.ge @!p0 [sflag:s0], s1  }
0xcf: {  	s1 =	ssub.s32 @!p0 $0x0, s1;
	[sflag:s0] =	ssyncset.done @!p0 $0x0  }
0xd0: {  	[sflag:s0] =	ssyncadd.s32 @!p0 s1  }
0xd1: {  	[bflag:$0x3] =	sbarrier.arrive $0xFFFF  }
0xd2: {  	_ =	shalt  }

// kernel: kernel.31.cloned.1.call-start
scs
__scs_entry_jumppad:
0x0: {  	(pc) =	sbr.rel $0x88, $3  }
0x1: {  	(tag) =	ssettag $0x0;
	lr =	simm.s32 $0x1  }
0x2: {  	[smem:$0x3F96] =	sst lr;
	_ =	strace $0xD0000000  }
0x3: {  	_ = 	snop  }
0x4: {  	_ = 	snop  }
0x5: {  	_ = 	snop  }
0x6: {  	_ = 	snop  }
0x7: {  	_ = 	snop  }
__scs_overlays_trampoline_lowered:
0x8: {  	[smem:$0x3FA5] =	sst s0  }
0x9: {  	[smem:$0x3FA6] =	sst s1  }
0xa: {  	[smem:$0x3FA7] =	sst s2  }
0xb: {  	[smem:$0x3FA8] =	sst s3  }
0xc: {  	[smem:$0x3FA9] =	sst s4  }
0xd: {  	[smem:$0x3FAA] =	sst s5  }
0xe: {  	[smem:$0x3FAB] =	sst s6  }
0xf: {  	[smem:$0x3FAC] =	sst s7  }
0x10: {  	[smem:$0x3FAD] =	sst s8  }
0x11: {  	[smem:$0x3FAE] =	sst s9;
	s0 =	simm.s32 @!p0 $0x0  }
0x12: {  	s1 =	sld [smem:$0x3F94];
	s0 =	simm.s32 @p0 $0x1  }
0x13: {  	[smem:$0x3FAF] =	sst s0;
	s0 =	simm.s32 @!p1 $0x0  }
0x14: {  	s2 =	sld [smem:$0x3F93];
	s0 =	simm.s32 @p1 $0x1  }
0x15: {  	[smem:$0x3FB0] =	sst s0;
	s0 =	simm.s32 @!p2 $0x0  }
0x16: {  	s3 =	sld [smem:$0x3FDB];
	s0 =	simm.s32 @p2 $0x1  }
0x17: {  	s4 =	simm.s32 $0x1BF5;
	[smem:$0x3FB2] =	sst s0  }
0x18: {  	s0 =	sld [smem:$0x3F95];
	_ =	swait.ge [sflag:s4], $0x0  }
0x19: {  	s7 =	sld [smem:$0x3F96]  }
0x1a: {  	s8 =	sadd.s32 $0xFFFFE003, lr  }
0x1b: {  	s9 =	sadd.s32 $0xFFFFFEF7, lr;
	s5 =	simm.s32 $0xFFFFFFFF;
	p2 =	slt.u32 s8, $0xFFFFF086  }
0x1c: {  	p1 =	slt.u32 s9, $0xF7A;
	s5 =	simm.s32 @!p2 $0x0  }
0x1d: {  	s5 =	simm.s32 @p1 $0x1;
	p0 =	seq.s32 s7, s2  }
0x1e: {  	s7 =	smul.u32 @!p0 $0xF7A, s2;
	p2 =	seq.s32 @!p0 s5, $0x0  }
0x1f: {  	s9 =	smul.u32 $0xF7A, s1;
	s8 =	simm.s32 @!p0 $0x1BF5;
	p2 =	por !p2, p0  }
0x20: {  	[sflag:s8] =	ssyncset.s32 @!p0 $0xFFFFF086;
	s6 =	sadd.s32 @!p0 s3, s7;
	s7 =	simm.s32 @!p0 $0x108  }
0x21: {  	s3 =	sadd.s32 s3, s9;
	s6 =	sadd.s32 @!p0 $0x88, s6;
	s7 =	simm.s32 @p2 $0x1082  }
0x22: {  	[simem:s7], [sflag:s8] =	dma.local @!p0 [hbm:s6], $0xF7A  }
0x23: {  	s9 =	sor.u32 $0xD0000000, s2;
	s6 =	simm.s32 $0x108;
	_ =	swait.ge @!p0 [sflag:s8], $0x0  }
0x24: {  	s3 =	sadd.s32 $0x88, s3;
	s6 =	simm.s32 @!p1 $0x1082;
	[sflag:s4] =	ssyncset.s32 $0xFFFFF086  }
0x25: {  	[simem:s6], [sflag:s4] =	dma.local [hbm:s3], $0xF7A  }
0x26: {  	[smem:$0x3F96] =	sst s1;
	(tag) =	ssettag s2;
	_ =	strace s9  }
0x27: {  	s1 =	sld [smem:$0x3FA6]  }
0x28: {  	s2 =	sld [smem:$0x3FA7]  }
0x29: {  	s4 =	sld [smem:$0x3FA9]  }
0x2a: {  	p0 =	seq.s32 s5, $0x0;
	s5 =	sld [smem:$0x3FAA]  }
0x2b: {  	s6 =	sld [smem:$0x3FAB]  }
0x2c: {  	s7 =	sld [smem:$0x3FAC]  }
0x2d: {  	s3 =	simm.s32 $0x108;
	s8 =	sld [smem:$0x3FAD]  }
0x2e: {  	s3 =	simm.s32 @!p0 $0x1082;
	s9 =	sld [smem:$0x3FAE]  }
0x2f: {  	lr =	sadd.s32 s0, s3;
	s0 =	sld [smem:$0x3FA5]  }
0x30: {  	s3 =	sld [smem:$0x3FA8]  }
0x31: {  	[smem:$0x3FB1] =	sst s10  }
0x32: {  	s10 =	sld [smem:$0x3FAF];
	_ =	sdelay $0x3  }
0x33: {  	p0 =	seq.s32 s10, $0x1;
	s10 =	sld [smem:$0x3FB1];
	_ =	sdelay $0x3  }
0x34: {  	[smem:$0x3FB1] =	sst s10  }
0x35: {  	s10 =	sld [smem:$0x3FB0];
	_ =	sdelay $0x3  }
0x36: {  	p1 =	seq.s32 s10, $0x1;
	s10 =	sld [smem:$0x3FB1];
	_ =	sdelay $0x3  }
0x37: {  	[smem:$0x3FB1] =	sst s10  }
0x38: {  	s10 =	sld [smem:$0x3FB2]  }
0x39: {  	_ = 	snop;
	(pc) =	sbr.ind lr, $3  }
0x3a: {  	_ = 	snop  }
0x3b: {  	_ = 	snop  }
0x3c: {  	p2 =	seq.s32 s10, $0x1;
	s10 =	sld [smem:$0x3FB1]  }
0x3d: {  	_ =	shalt  }
0x3e: {  	_ =	shalt  }
0x3f: {  	_ =	shalt  }
0x40: {  	_ =	shalt  }
0x41: {  	_ =	shalt  }
0x42: {  	_ =	shalt  }
0x43: {  	_ =	shalt  }
0x44: {  	_ =	shalt  }
0x45: {  	_ =	shalt  }
0x46: {  	_ =	shalt  }
0x47: {  	_ =	shalt  }
0x48: {  	_ =	shalt  }
0x49: {  	_ =	shalt  }
0x4a: {  	_ =	shalt  }
0x4b: {  	_ =	shalt  }
0x4c: {  	_ =	shalt  }
0x4d: {  	_ =	shalt  }
0x4e: {  	_ =	shalt  }
0x4f: {  	_ =	shalt  }
0x50: {  	_ =	shalt  }
0x51: {  	_ =	shalt  }
0x52: {  	_ =	shalt  }
0x53: {  	_ =	shalt  }
0x54: {  	_ =	shalt  }
0x55: {  	_ =	shalt  }
0x56: {  	_ =	shalt  }
0x57: {  	_ =	shalt  }
0x58: {  	_ =	shalt  }
0x59: {  	_ =	shalt  }
0x5a: {  	_ =	shalt  }
0x5b: {  	_ =	shalt  }
0x5c: {  	_ =	shalt  }
0x5d: {  	_ =	shalt  }
0x5e: {  	_ =	shalt  }
0x5f: {  	_ =	shalt  }
0x60: {  	_ =	shalt  }
0x61: {  	_ =	shalt  }
0x62: {  	_ =	shalt  }
0x63: {  	_ =	shalt  }
0x64: {  	_ =	shalt  }
0x65: {  	_ =	shalt  }
0x66: {  	_ =	shalt  }
0x67: {  	_ =	shalt  }
0x68: {  	_ =	shalt  }
0x69: {  	_ =	shalt  }
0x6a: {  	_ =	shalt  }
0x6b: {  	_ =	shalt  }
0x6c: {  	_ =	shalt  }
0x6d: {  	_ =	shalt  }
0x6e: {  	_ =	shalt  }
0x6f: {  	_ =	shalt  }
0x70: {  	_ =	shalt  }
0x71: {  	_ =	shalt  }
0x72: {  	_ =	shalt  }
0x73: {  	_ =	shalt  }
0x74: {  	_ =	shalt  }
0x75: {  	_ =	shalt  }
0x76: {  	_ =	shalt  }
0x77: {  	_ =	shalt  }
0x78: {  	_ =	shalt  }
0x79: {  	_ =	shalt  }
0x7a: {  	_ =	shalt  }
0x7b: {  	_ =	shalt  }
0x7c: {  	_ =	shalt  }
0x7d: {  	_ =	shalt  }
0x7e: {  	_ =	shalt  }
0x7f: {  	_ =	shalt  }
0x80: {  	_ =	shalt  }
0x81: {  	_ =	shalt  }
0x82: {  	_ =	shalt  }
0x83: {  	_ =	shalt  }
0x84: {  	_ =	shalt  }
0x85: {  	_ =	shalt  }
0x86: {  	_ =	shalt  }
0x87: {  	_ =	shalt  }
.Lfunc_end0:
.L_simem_size_0:
called_computation.4_lowered:
.L_overlay_start_0:
0x88: {  	s2 =	sld [smem:$0x3FD9]  }
0x89: {  	s3 =	sld [smem:$0x3FFE];
	_ =	sdelay $0x1  }
0x8a: {  	s1 =	srdreg.scid  }
0x8b: {  	s0 =	sand.u32 $0x1, s1  }
0x8c: {  	s16 =	sshll.u32 s0, $0xA;
	s2 =	sadd.s32 s3, s2  }
0x8d: {  	s2 =	sadd.s32 s2, s16  }
0x8e: {  	[smem:$0x3FBD] =	sst s2  }
0x8f: {  	_ = 	snop  }
0x90: {  	(tm) =	ssettm $0x1  }
0x91: {  	s17 =	sld [smem:$0x3FFB];
	_ =	sdelay $0x3  }
0x92: {  	_ =	strace s17  }
0x93: {  	s2 =	sld [smem:$0x3FFC];
	_ =	sdelay $0x3  }
0x94: {  	_ =	strace s2  }
0x95: {  	s2 =	sld [smem:$0x3FFD];
	_ =	sdelay $0x3  }
0x96: {  	_ =	strace s2  }
0x97: {  	_ =	strace $0x8FFFFFFF  }
0x98: {  	s18 =	sld [smem:$0x3FDB];
	_ =	sdelay $0x1  }
0x99: {  	s19 =	simm.s32 $_scs_section_size  }
0x9a: {  	s4 =	simm.s32 $_size__tile_overlayer_lowered;
	s5 =	simm.s32 $_tile_overlayer_lowered  }
0x9b: {  	s22 =	simm.s32 $0x1BFF;
	s21 =	sshll.u32 s5, $0x1;
	s2 =	sadd.s32 s19, s18  }
0x9c: {  	s6 =	simm.s32 $0x0;
	s20 =	sshll.u32 s4, $0x1;
	s4 =	sadd.s32 s21, s2  }
0x9d: {  	[timem:s6], [sflag:s22] =	dma.local [hbm:s4], s20  }
0x9e: {  	_ =	swait.ge [sflag:s22], s20  }
0x9f: {  	s3 =	ssub.s32 $0x0, s20;
	[sflag:s22] =	ssyncset.done $0x0  }
0xa0: {  	[sflag:s22] =	ssyncadd.s32 s3;
	_ =	sdelay $0x1  }
0xa1: {  	s23 =	simm.s32 $0x1B8B  }
0xa2: {  	_ =	swait.ge [sflag:s23], $0x1  }
0xa3: {  	[sflag:s23] =	ssyncset.done $0x0  }
0xa4: {  	s25 =	simm.s32 $0x1B8E;
	s24 =	sld [smem:$0x3FFE];
	[sflag:s23] =	ssyncadd.s32 $0xFFFFFFFF  }
0xa5: {  	s26 =	simm.s32 $execute0_lowered;
	[smem:$0x3FD2] =	sst s25  }
0xa6: {  	s4 =	sshll.u32 s26, $0x1;
	_ =	strace $0x80000052;
	[dreg:$0x1] =	wrdreg $0xFFFFFFFF  }
0xa7: {  	s28 =	simm.s32 $_size_execute0_lowered;
	s2 =	sadd.s32 s2, s4;
	[dreg:$0x0] =	wrdreg $0x0  }
0xa8: {  	s4 =	sshll.u32 s28, $0x1;
	[dreg:$0x2] =	wrdreg s2  }
0xa9: {  	[dreg:$0x3] =	wrdreg s4  }
0xaa: {  	[dreg:$0x4] =	wrdreg $0xC0  }
0xab: {  	_ =	task [dreg:s6], $0x5FFFF  }
0xac: {  	[dreg:$0x1] =	wrdreg $0xFFFFFFFF  }
0xad: {  	[dreg:$0x0] =	wrdreg $0x60  }
0xae: {  	[dreg:$0x2] =	wrdreg s24  }
0xaf: {  	[dreg:$0x3] =	wrdreg $0xB8000  }
0xb0: {  	[dreg:$0x4] =	wrdreg $0x9  }
0xb1: {  	_ =	task.clear_ibuf [dreg:s6], $0x5FFFF;
	_ =	strace $0x90000052  }
0xb2: {  	s29 =	simm.s32 $0x9;
	_ =	strace $0x80000054  }
0xb3: {  	_ =	swait.ge [sflag:s29], $0x1  }
0xb4: {  	[sflag:s29] =	ssyncadd.s32 $0xFFFFFFFF  }
0xb5: {  	_ =	strace $0x90000054  }
0xb6: {  	_ =	sfence  }
0xb7: {  	s30 =	sld [smem:$0x0];
	_ =	sdelay $0x2  }
0xb8: {  	s31 =	sshll.u32 s1, $0xD;
	s1 =	sshrl.u32 s1, $0x2  }
0xb9: {  	s3 =	sand.u32 $0x4000, s31;
	s1 =	sadd.s32 s1, s30  }
0xba: {  	s0 =	sor.u32 s3, s0;
	s1 =	sshll.u32 s1, $0x11  }
0xbb: {  	s0 =	sor.u32 s1, s0  }
0xbc: {  	s0 =	sadd.s32 $0x8F2B, s0  }
0xbd: {  	[sflag:s0] =	ssyncadd.remote.s32 $0x1  }
0xbe: {  	_ =	sfence.sel $0xFFFF  }
0xbf: {  	[dreg:$0x0] =	wrdreg $0xFFFFFFFF;
	(pc) =	sbr.abs _section_cstart, $3  }
0xc0: {  	[dreg:$0x1] =	wrdreg $0xFFFFFFFF  }
0xc1: {  	_ =	task.clear_ibuf [dreg:s6], $0x2FFFF;
	_ =	strace $0x9FFFFFFF  }
0xc2: {  	(tm) =	ssettm $0x7FFFFFFF  }
0xc3: {  	_ =	shalt  }
tec
execute0_lowered:
.L_overlay_start_1:
0x0: {  	(tag) =	ssettag $0x1  }
0x1: {  	s0 =	rddreg [dreg:$0x0];
	s1 =	srdreg.scid  }
0x2: {  	s2 =	rddreg [dreg:$0x1];
	s7 =	stileid.u32;
	s5 =	simm.s32 $0x0  }
0x3: {  	s29 =	simm.s32 $0x2;
	s30 =	simm.s32 $0xA800;
	s4 =	smul.u32 $0x14000, s7  }
0x4: {  	s31 =	simm.s32 $0x50;
	s1 =	sand.u32 $0x1, s1;
	s6 =	smul.u32 $0x50000, s7  }
0x5: {  	[smem:$0x7FF] =	sst s5;
	s22 =	sshll.u32 s7, $0xC;
	s3 =	smul.u32 $0x140000, s1  }
0x6: {  	s21 =	sshll.u32 s1, $0xB;
	_ =	strace $0x80000053;
	s1 =	ssub.s32 $0x2, s1  }
0x7: {  	s5 =	sadd.s32 s21, s0;
	s23 =	sshrl.u32 s1, $0x1;
	s24 =	sshrl.u32 s6, $0x2  }
0x8: {  	s3 =	sadd.s32 s4, s3;
	s4 =	sadd.s32 $0xB4E00, s0;
	s1 =	ssub.s32 s1, s23  }
0x9: {  	s6 =	sadd.s32 s24, s2;
	s3 =	sshrl.u32 s3, $0x3;
	s25 =	smax.u32 s1, $0x1  }
0xa: {  	s26 =	sadd.s32 $0x1000, s6;
	s10 =	sadd.s32 $0x2000, s6;
	s11 =	sadd.s32 $0x3000, s6  }
0xb: {  	s12 =	sadd.s32 $0x4000, s6;
	s13 =	sadd.s32 $0x5000, s6;
	s14 =	sadd.s32 $0x6000, s6  }
0xc: {  	s15 =	sadd.s32 $0x7000, s6;
	s16 =	sadd.s32 $0x8000, s6;
	s17 =	sadd.s32 $0x9000, s6  }
0xd: {  	s18 =	sadd.s32 $0xA000, s6;
	s19 =	sadd.s32 $0xB000, s6;
	s20 =	sadd.s32 $0xC000, s6  }
0xe: {  	s21 =	sadd.s32 $0xD000, s6;
	s23 =	sadd.s32 $0xF000, s6;
	s24 =	sadd.s32 $0x10000, s6  }
0xf: {  	s28 =	sadd.s32 $0x13000, s6;
	s1 =	simm.s32 $0x0;
	[dreg:$0x5] =	wrdreg s25  }
0x10: {  	s0 =	sadd.s32 s3, s0;
	s3 =	sadd.s32 s22, s5;
	[dreg:$0x6] =	wrdreg s26  }
0x11: {  	s22 =	sadd.s32 $0xE000, s6;
	s25 =	sadd.s32 $0x11000, s6;
	s3 =	sadd.s32 $0x4E00, s3  }
0x12: {  	s26 =	sadd.s32 $0x12000, s6;
	s0 =	sadd.s32 $0xDCE00, s0;
	[dreg:$0x3] =	wrdreg s3  }
0x13: {  	v0 =	vimm.f32 $0.0e+00;
	[dreg:$0x4] =	wrdreg s0;
	s0 =	simm.s32 $0x8000;
	s3 =	simm.s32 $0x1  }
.LBB2_1:
0x14: {  	s5 =	simm.s32 $0x0;
	s7 =	rddreg [dreg:$0x3]  }
0x15: {  	[tilespmem:s5], [sflag:$0x2] =	stream.linear.gather [hbm4b:s7+s5], $0x3E80, $0x38;
	[tilespmem:$0x1F800] =	vst v63  }
0x16: {  	_ =	swait.ge [sflag:s29], $0x3E80  }
0x17: {  	[sflag:s29] =	ssyncset.done $0x0  }
0x18: {  	s5 =	simm.s32 $0x0;
	s7 =	simm.s32 $0x200;
	[sflag:s29] =	ssyncadd.s32 $0xFFFFC180  }
.LBB2_2:
0x19: {  	p0 =	sne.s32 s7, $0x3E00;
	[tilespmem:s5+$0xA870] =	vst v0  }
0x1a: {  	[tilespmem:s5+$0xA800] =	vst v0  }
0x1b: {  	[tilespmem:s5+$0xA810] =	vst v0  }
.Ltmp0:
0x1c: {  	[tilespmem:s5+$0xA820] =	vst v0;
	(pc) =	sbr.rel @p0 .LBB2_2-.Ltmp0, $4  }
0x1d: {  	[tilespmem:s5+$0xA830] =	vst v0  }
0x1e: {  	[tilespmem:s5+$0xA840] =	vst v0  }
0x1f: {  	[tilespmem:s5+$0xA850] =	vst v0  }
0x20: {  	[tilespmem:s5+$0xA860] =	vst v0;
	s5 =	sshra.s32 s7, $0x2;
	s7 =	sadd.s32 $0x200, s7  }
0x21: {  	[tilespmem:s5+$0xA870] =	vst v0  }
0x22: {  	[tilespmem:s5+$0xA800] =	vst v0  }
0x23: {  	[tilespmem:s5+$0xA810] =	vst v0  }
0x24: {  	[tilespmem:s5+$0xA820] =	vst v0  }
0x25: {  	[tilespmem:s5+$0xA830] =	vst v0  }
0x26: {  	[tilespmem:s5+$0xA840] =	vst v0  }
0x27: {  	[tilespmem:s5+$0xA850] =	vst v0  }
0x28: {  	[tilespmem:s5+$0xA860] =	vst v0  }
0x29: {  	[spmem:s6] =	stream.linear.scatter [tilespmem:s30], [sflag:$0x2], $0x1000, $0x38;
	[tilespmem:$0x1F800] =	vst v63  }
0x2a: {  	_ =	swait.ge [sflag:s29], $0x1000  }
0x2b: {  	[sflag:s29] =	ssyncset.done $0x0  }
0x2c: {  	s9 =	rddreg [dreg:$0x6];
	[sflag:s29] =	ssyncadd.s32 $0xFFFFF000  }
0x2d: {  	[spmem:s9] =	stream.linear.scatter [tilespmem:s30], [sflag:$0x2], $0x1000, $0x38;
	[tilespmem:$0x1F800] =	vst v63  }
0x2e: {  	_ =	swait.ge [sflag:s29], $0x1000  }
0x2f: {  	[sflag:s29] =	ssyncset.done $0x0  }
0x30: {  	[sflag:s29] =	ssyncadd.s32 $0xFFFFF000  }
0x31: {  	[spmem:s10] =	stream.linear.scatter [tilespmem:s30], [sflag:$0x2], $0x1000, $0x38;
	[tilespmem:$0x1F800] =	vst v63  }
0x32: {  	_ =	swait.ge [sflag:s29], $0x1000  }
0x33: {  	[sflag:s29] =	ssyncset.done $0x0  }
0x34: {  	[sflag:s29] =	ssyncadd.s32 $0xFFFFF000  }
0x35: {  	[spmem:s11] =	stream.linear.scatter [tilespmem:s30], [sflag:$0x2], $0x1000, $0x38;
	[tilespmem:$0x1F800] =	vst v63  }
0x36: {  	_ =	swait.ge [sflag:s29], $0x1000  }
0x37: {  	[sflag:s29] =	ssyncset.done $0x0  }
0x38: {  	[sflag:s29] =	ssyncadd.s32 $0xFFFFF000  }
0x39: {  	[spmem:s12] =	stream.linear.scatter [tilespmem:s30], [sflag:$0x2], $0x1000, $0x38;
	[tilespmem:$0x1F800] =	vst v63  }
0x3a: {  	_ =	swait.ge [sflag:s29], $0x1000  }
0x3b: {  	[sflag:s29] =	ssyncset.done $0x0  }
0x3c: {  	[sflag:s29] =	ssyncadd.s32 $0xFFFFF000  }
0x3d: {  	[spmem:s13] =	stream.linear.scatter [tilespmem:s30], [sflag:$0x2], $0x1000, $0x38;
	[tilespmem:$0x1F800] =	vst v63  }
0x3e: {  	_ =	swait.ge [sflag:s29], $0x1000  }
0x3f: {  	[sflag:s29] =	ssyncset.done $0x0  }
0x40: {  	[sflag:s29] =	ssyncadd.s32 $0xFFFFF000  }
0x41: {  	[spmem:s14] =	stream.linear.scatter [tilespmem:s30], [sflag:$0x2], $0x1000, $0x38;
	[tilespmem:$0x1F800] =	vst v63  }
0x42: {  	_ =	swait.ge [sflag:s29], $0x1000  }
0x43: {  	[sflag:s29] =	ssyncset.done $0x0  }
0x44: {  	[sflag:s29] =	ssyncadd.s32 $0xFFFFF000  }
0x45: {  	[spmem:s15] =	stream.linear.scatter [tilespmem:s30], [sflag:$0x2], $0x1000, $0x38;
	[tilespmem:$0x1F800] =	vst v63  }
0x46: {  	_ =	swait.ge [sflag:s29], $0x1000  }
0x47: {  	[sflag:s29] =	ssyncset.done $0x0  }
0x48: {  	[sflag:s29] =	ssyncadd.s32 $0xFFFFF000  }
0x49: {  	[spmem:s16] =	stream.linear.scatter [tilespmem:s30], [sflag:$0x2], $0x1000, $0x38;
	[tilespmem:$0x1F800] =	vst v63  }
0x4a: {  	_ =	swait.ge [sflag:s29], $0x1000  }
0x4b: {  	[sflag:s29] =	ssyncset.done $0x0  }
0x4c: {  	[sflag:s29] =	ssyncadd.s32 $0xFFFFF000  }
0x4d: {  	[spmem:s17] =	stream.linear.scatter [tilespmem:s30], [sflag:$0x2], $0x1000, $0x38;
	[tilespmem:$0x1F800] =	vst v63  }
0x4e: {  	_ =	swait.ge [sflag:s29], $0x1000  }
0x4f: {  	[sflag:s29] =	ssyncset.done $0x0  }
0x50: {  	[sflag:s29] =	ssyncadd.s32 $0xFFFFF000  }
0x51: {  	[spmem:s18] =	stream.linear.scatter [tilespmem:s30], [sflag:$0x2], $0x1000, $0x38;
	[tilespmem:$0x1F800] =	vst v63  }
0x52: {  	_ =	swait.ge [sflag:s29], $0x1000  }
0x53: {  	[sflag:s29] =	ssyncset.done $0x0  }
0x54: {  	[sflag:s29] =	ssyncadd.s32 $0xFFFFF000  }
0x55: {  	[spmem:s19] =	stream.linear.scatter [tilespmem:s30], [sflag:$0x2], $0x1000, $0x38;
	[tilespmem:$0x1F800] =	vst v63  }
0x56: {  	_ =	swait.ge [sflag:s29], $0x1000  }
0x57: {  	[sflag:s29] =	ssyncset.done $0x0  }
0x58: {  	[sflag:s29] =	ssyncadd.s32 $0xFFFFF000  }
0x59: {  	[spmem:s20] =	stream.linear.scatter [tilespmem:s30], [sflag:$0x2], $0x1000, $0x38;
	[tilespmem:$0x1F800] =	vst v63  }
0x5a: {  	_ =	swait.ge [sflag:s29], $0x1000  }
0x5b: {  	[sflag:s29] =	ssyncset.done $0x0  }
0x5c: {  	[sflag:s29] =	ssyncadd.s32 $0xFFFFF000  }
0x5d: {  	[spmem:s21] =	stream.linear.scatter [tilespmem:s30], [sflag:$0x2], $0x1000, $0x38;
	[tilespmem:$0x1F800] =	vst v63  }
0x5e: {  	_ =	swait.ge [sflag:s29], $0x1000  }
0x5f: {  	[sflag:s29] =	ssyncset.done $0x0  }
0x60: {  	[sflag:s29] =	ssyncadd.s32 $0xFFFFF000  }
0x61: {  	[spmem:s22] =	stream.linear.scatter [tilespmem:s30], [sflag:$0x2], $0x1000, $0x38;
	[tilespmem:$0x1F800] =	vst v63  }
0x62: {  	_ =	swait.ge [sflag:s29], $0x1000  }
0x63: {  	[sflag:s29] =	ssyncset.done $0x0  }
0x64: {  	[sflag:s29] =	ssyncadd.s32 $0xFFFFF000  }
0x65: {  	[spmem:s23] =	stream.linear.scatter [tilespmem:s30], [sflag:$0x2], $0x1000, $0x38;
	[tilespmem:$0x1F800] =	vst v63  }
0x66: {  	_ =	swait.ge [sflag:s29], $0x1000  }
0x67: {  	[sflag:s29] =	ssyncset.done $0x0  }
0x68: {  	[sflag:s29] =	ssyncadd.s32 $0xFFFFF000  }
0x69: {  	[spmem:s24] =	stream.linear.scatter [tilespmem:s30], [sflag:$0x2], $0x1000, $0x38;
	[tilespmem:$0x1F800] =	vst v63  }
0x6a: {  	_ =	swait.ge [sflag:s29], $0x1000  }
0x6b: {  	[sflag:s29] =	ssyncset.done $0x0  }
0x6c: {  	[sflag:s29] =	ssyncadd.s32 $0xFFFFF000  }
0x6d: {  	[spmem:s25] =	stream.linear.scatter [tilespmem:s30], [sflag:$0x2], $0x1000, $0x38;
	[tilespmem:$0x1F800] =	vst v63  }
0x6e: {  	_ =	swait.ge [sflag:s29], $0x1000  }
0x6f: {  	[sflag:s29] =	ssyncset.done $0x0  }
0x70: {  	[sflag:s29] =	ssyncadd.s32 $0xFFFFF000  }
0x71: {  	[spmem:s26] =	stream.linear.scatter [tilespmem:s30], [sflag:$0x2], $0x1000, $0x38;
	[tilespmem:$0x1F800] =	vst v63  }
0x72: {  	_ =	swait.ge [sflag:s29], $0x1000  }
0x73: {  	[sflag:s29] =	ssyncset.done $0x0  }
0x74: {  	[sflag:s29] =	ssyncadd.s32 $0xFFFFF000  }
0x75: {  	[spmem:s28] =	stream.linear.scatter [tilespmem:s30], [sflag:$0x2], $0x1000, $0x38;
	[tilespmem:$0x1F800] =	vst v63  }
0x76: {  	_ =	swait.ge [sflag:s29], $0x1000  }
0x77: {  	[sflag:s29] =	ssyncset.done $0x0  }
0x78: {  	s5 =	simm.s32 $0x0;
	[sflag:s29] =	ssyncadd.s32 $0xFFFFF000  }
0x79: {  	v1 =	vld [tilespmem:s5+$0x0]  }
0x7a: {  	v2 =	vld [tilespmem:s5+$0x10]  }
0x7b: {  	v3 =	vld [tilespmem:s5+$0x20]  }
0x7c: {  	v4 =	vld [tilespmem:s5+$0x30]  }
0x7d: {  	v5 =	vld [tilespmem:s5+$0x40];
	_ =	sdelay $0x1  }
0x7e: {  	v6 =	vshra.s32 v1, $0xE;
	v7 =	vshra.s32 v2, $0xE  }
0x7f: {  	v8 =	vshra.s32 v3, $0xE;
	v9 =	vand.u32 $0x3FFF, v1;
	v2 =	vand.u32 $0x3FFF, v2;
	[tilespmem:s5+$0x0] =	vst v6  }
0x80: {  	v10 =	vshra.s32 v4, $0xE;
	v4 =	vand.u32 $0x3FFF, v4;
	[tilespmem:s5+$0x10] =	vst v7;
	vm0 =	veq.s32 v6, v9  }
0x81: {  	[tilespmem:s5+$0x20] =	vst v8;
	vm1 =	veq.s32 v7, v2;
	v6 =	vand.u32 $0x3FFF, v3;
	v7 =	vshra.s32 v5, $0xE  }
0x82: {  	s7 =	simm.s32 $0x80;
	[tilespmem:s5+$0x30] =	vst v10;
	vm3 =	veq.s32 v10, v4;
	vm2 =	veq.s32 v8, v6;
	v8 =	vand.u32 $0x3FFF, v5  }
0x83: {  	v1 =	vld [tilespmem:s7+$0x0];
	[tilespmem:s5+$0x40] =	vst v7;
	v5 =	vsel vm0, $0x2710, v9;
	v3 =	vsel vm1, $0x2710, v2;
	vm15 =	veq.s32 v7, v8  }
0x84: {  	s8 =	simm.s32 $0x400;
	v2 =	vld [tilespmem:s7+$0x10];
	[tilespmem:s5+$0x4000] =	vst v5;
	v6 =	vsel vm2, $0x2710, v6;
	v5 =	vsel vm3, $0x2710, v4;
	v4 =	vsel vm15, $0x2710, v8  }
.LBB2_4:
0x85: {  	p0 =	sne.s32 s8, $0xF800;
	v7 =	vld [tilespmem:s7+$0x20];
	[tilespmem:s5+$0x4010] =	vst v3  }
0x86: {  	v3 =	vld [tilespmem:s7+$0x30];
	[tilespmem:s5+$0x4020] =	vst v6  }
0x87: {  	v6 =	vld [tilespmem:s7+$0x40];
	[tilespmem:s5+$0x4030] =	vst v5  }
0x88: {  	v5 =	vshra.s32 v1, $0xE;
	v8 =	vand.u32 $0x3FFF, v1;
	[tilespmem:s5+$0x4040] =	vst v4;
	s5 =	smov.u32 s7  }
0x89: {  	[tilespmem:s5+$0x0] =	vst v5;
	vm0 =	veq.s32 v5, v8;
	v1 =	vshra.s32 v2, $0xE;
	v2 =	vand.u32 $0x3FFF, v2  }
.Ltmp1:
0x8a: {  	[tilespmem:s5+$0x10] =	vst v1;
	vm1 =	veq.s32 v1, v2;
	v1 =	vshra.s32 v7, $0xE;
	v4 =	vand.u32 $0x3FFF, v7;
	(pc) =	sbr.rel @p0 .LBB2_4-.Ltmp1, $4  }
0x8b: {  	[tilespmem:s5+$0x20] =	vst v1;
	vm2 =	veq.s32 v1, v4;
	v1 =	vshra.s32 v3, $0xE;
	v5 =	vand.u32 $0x3FFF, v3  }
0x8c: {  	s7 =	sshra.s32 s8, $0x2;
	[tilespmem:s5+$0x30] =	vst v1;
	vm3 =	veq.s32 v1, v5;
	v7 =	vshra.s32 v6, $0xE;
	v9 =	vand.u32 $0x3FFF, v6  }
0x8d: {  	v3 =	vsel vm1, $0x2710, v2;
	v6 =	vsel vm0, $0x2710, v8;
	v1 =	vld [tilespmem:s7+$0x0];
	[tilespmem:s5+$0x40] =	vst v7;
	vm0 =	veq.s32 v7, v9  }
0x8e: {  	s8 =	sadd.s32 $0x200, s8;
	v5 =	vsel vm3, $0x2710, v5;
	v2 =	vld [tilespmem:s7+$0x10];
	[tilespmem:s5+$0x4000] =	vst v6;
	v6 =	vsel vm2, $0x2710, v4;
	v4 =	vsel vm0, $0x2710, v9  }
0x8f: {  	v7 =	vld [tilespmem:s7+$0x20];
	[tilespmem:s5+$0x4010] =	vst v3  }
0x90: {  	v3 =	vld [tilespmem:s7+$0x30];
	[tilespmem:s5+$0x4020] =	vst v6  }
0x91: {  	v6 =	vld [tilespmem:s7+$0x40];
	[tilespmem:s5+$0x4030] =	vst v5  }
0x92: {  	[tilespmem:s5+$0x4040] =	vst v4;
	v60 =	vshra.s32 v1, $0xE  }
0x93: {  	v1 =	vand.u32 $0x3FFF, v1;
	[tilespmem:s7+$0x0] =	vst v60;
	v61 =	vshra.s32 v2, $0xE  }
0x94: {  	vm0 =	veq.s32 v60, v1;
	[tilespmem:s7+$0x10] =	vst v61;
	v8 =	vshra.s32 v7, $0xE  }
0x95: {  	v2 =	vand.u32 $0x3FFF, v2;
	v1 =	vsel vm0, $0x2710, v1;
	[tilespmem:s7+$0x20] =	vst v8  }
0x96: {  	vm1 =	veq.s32 v61, v2;
	v9 =	vshra.s32 v3, $0xE;
	[tilespmem:s7+$0x4000] =	vst v1  }
0x97: {  	v63 =	vand.u32 $0x3FFF, v7;
	v2 =	vsel vm1, $0x2710, v2;
	[tilespmem:s7+$0x30] =	vst v9  }
0x98: {  	vm13 =	veq.s32 v8, v63;
	v3 =	vand.u32 $0x3FFF, v3;
	v62 =	vshra.s32 v6, $0xE;
	[tilespmem:s7+$0x4010] =	vst v2  }
0x99: {  	vm14 =	veq.s32 v9, v3;
	v1 =	vand.u32 $0x3FFF, v6;
	v4 =	vsel vm13, $0x2710, v63;
	[tilespmem:s7+$0x40] =	vst v62  }
0x9a: {  	vm15 =	veq.s32 v62, v1;
	v2 =	vsel vm14, $0x2710, v3;
	[tilespmem:s7+$0x4020] =	vst v4  }
0x9b: {  	v1 =	vsel vm15, $0x2710, v1;
	[tilespmem:s7+$0x4030] =	vst v2  }
0x9c: {  	[tilespmem:s7+$0x4040] =	vst v1  }
0x9d: {  	s8 =	simm.s32 $0x0;
	[bflag:$0x0] =	sbarrier.arrive $0xFFFF  }
0x9e: {  	[tilespmem:s0], [sflag:$0x1] =	stream.indirect.gather [hbm4b:s4+s31], $0x80, s8, s31, $0xb8;
	[tilespmem:$0x1F800] =	vst v63  }
0x9f: {  	_ =	swait.ge [sflag:s3], $0x2800  }
0xa0: {  	[sflag:s3] =	ssyncset.done $0x0  }
0xa1: {  	s9 =	simm.s32 $0x4000;
	[sflag:s3] =	ssyncadd.s32 $0xFFFFD800  }
0xa2: {  	[spmem:s2] =	stream.indirect.scatter.add.f32 [tilespmem:s0], [sflag:$0x2], $0x80, s9, s31, $0xb8;
	[tilespmem:$0x1F800] =	vst v63  }
0xa3: {  	_ =	swait.ge [sflag:s29], $0x2800  }
0xa4: {  	s5 =	simm.s32 $0x200;
	s7 =	simm.s32 $0x400;
	[sflag:s29] =	ssyncset.done $0x0  }
.LBB2_6:
0xa5: {  	s8 =	sshra.s32 s5, $0x2  }
0xa6: {  	[sflag:s29] =	ssyncadd.s32 $0xFFFFD800;
	s5 =	smov.u32 s7;
	s9 =	sadd.s32 $0x200, s7  }
0xa7: {  	[tilespmem:s0], [sflag:$0x1] =	stream.indirect.gather [hbm4b:s4+s31], $0x80, s8, s31, $0xb8;
	[tilespmem:$0x1F800] =	vst v63  }
0xa8: {  	p0 =	sne.s32 s7, $0xF800;
	_ =	swait.ge [sflag:s3], $0x2800  }
.Ltmp2:
0xa9: {  	[sflag:s3] =	ssyncset.done $0x0;
	(pc) =	sbr.rel @p0 .LBB2_6-.Ltmp2, $4  }
0xaa: {  	s7 =	sadd.s32 $0x4000, s8;
	[sflag:s3] =	ssyncadd.s32 $0xFFFFD800  }
0xab: {  	[spmem:s2] =	stream.indirect.scatter.add.f32 [tilespmem:s0], [sflag:$0x2], $0x80, s7, s31, $0xb8;
	[tilespmem:$0x1F800] =	vst v63  }
0xac: {  	_ =	swait.ge [sflag:s29], $0x2800  }
0xad: {  	s7 =	smov.u32 s9;
	[sflag:s29] =	ssyncset.done $0x0  }
0xae: {  	s5 =	sshra.s32 s5, $0x2;
	[sflag:s29] =	ssyncadd.s32 $0xFFFFD800  }
0xaf: {  	[tilespmem:s0], [sflag:$0x1] =	stream.indirect.gather [hbm4b:s4+s31], $0x80, s5, s31, $0xb8;
	[tilespmem:$0x1F800] =	vst v63  }
0xb0: {  	_ =	swait.ge [sflag:s3], $0x2800  }
0xb1: {  	[sflag:s3] =	ssyncset.done $0x0  }
0xb2: {  	s5 =	sadd.s32 $0x4000, s5;
	[sflag:s3] =	ssyncadd.s32 $0xFFFFD800  }
0xb3: {  	[spmem:s2] =	stream.indirect.scatter.add.f32 [tilespmem:s0], [sflag:$0x2], $0x80, s5, s31, $0xb8;
	[tilespmem:$0x1F800] =	vst v63  }
0xb4: {  	_ =	swait.ge [sflag:s29], $0x2800  }
0xb5: {  	[sflag:s29] =	ssyncset.done $0x0  }
0xb6: {  	s8 =	stileid.u32;
	[sflag:s29] =	ssyncadd.s32 $0xFFFFD800  }
0xb7: {  	s5 =	sshll.u32 s8, $0x6;
	[bflag:$0x0] =	sbarrier.arrive $0xFFFF  }
0xb8: {  	s7 =	sshrl.u32 s6, $0x3;
	s5 =	sor.u32 $0x1C02, s5;
	s8 =	rddreg [dreg:$0x4]  }
0xb9: {  	[hbm:s8], [sflag:s5] =	dma.local [spmem:s7], $0x2800  }
0xba: {  	_ =	swait.ge [sflag:s29], $0x2800  }
0xbb: {  	s1 =	sadd.s32 $0x1, s1;
	s9 =	rddreg [dreg:$0x5]  }
0xbc: {  	p0 =	sne.s32 s1, s9  }
.Ltmp3:
0xbd: {  	_ = 	snop;
	(pc) =	sbr.rel @p0 .LBB2_1-.Ltmp3, $3  }
0xbe: {  	_ =	sdelay $0x1  }
0xbf: {  	[sflag:s29] =	ssyncset.done $0x0  }
0xc0: {  	[sflag:s29] =	ssyncadd.s32 $0xFFFFD800  }
0xc1: {  	_ =	sfence.sel $0x180000  }
0xc2: {  	[bflag:$0x0] =	sbarrier.arrive $0xFFFF  }
0xc3: {  	_ =	strace $0x90000053  }
0xc4: {  	s0 =	stileid.u32;
	[bflag:$0x2] =	sbarrier.arrive $0xFFFF  }
0xc5: {  	p0 =	sne.s32 s0, $0x0;
	s0 =	rddreg [dreg:$0x2]  }
0xc6: {  	s0 =	sadd.s32 @!p0 $0x100000, s0  }
0xc7: {  	[sflag:s0] =	ssyncadd.tile.s32 @!p0 $0x1;
	_ =	shalt  }
.Lfunc_end2:
_tile_overlayer_lowered:
.L_overlay_start_2:
0xc8: {  	(tag) =	ssettag $0x2  }
0xc9: {  	s0 =	rddreg [dreg:$0x0];
	s2 =	stileid.u32  }
0xca: {  	s1 =	rddreg [dreg:$0x1];
	p0 =	sne.s32 s2, $0x0  }
0xcb: {  	s3 =	rddreg [dreg:$0x2];
	[bflag:$0x3] =	sbarrier.arrive $0xFFFF;
	s2 =	simm.s32 @!p0 $0x1C02  }
0xcc: {  	[timem:s3], [sflag:s2] =	dma.local @!p0 [hbm:s0], s1  }
0xcd: {  	s0 =	simm.s32 @!p0 $0x2  }
0xce: {  	_ =	swait.ge @!p0 [sflag:s0], s1  }
0xcf: {  	s1 =	ssub.s32 @!p0 $0x0, s1;
	[sflag:s0] =	ssyncset.done @!p0 $0x0  }
0xd0: {  	[sflag:s0] =	ssyncadd.s32 @!p0 s1  }
0xd1: {  	[bflag:$0x3] =	sbarrier.arrive $0xFFFF  }
0xd2: {  	_ =	shalt  }

// kernel: kernel.34.cloned.1.call-start
scs
__scs_entry_jumppad:
0x0: {  	(pc) =	sbr.rel $0x88, $3  }
0x1: {  	(tag) =	ssettag $0x0;
	lr =	simm.s32 $0x1  }
0x2: {  	[smem:$0x3F96] =	sst lr;
	_ =	strace $0xD0000000  }
0x3: {  	_ = 	snop  }
0x4: {  	_ = 	snop  }
0x5: {  	_ = 	snop  }
0x6: {  	_ = 	snop  }
0x7: {  	_ = 	snop  }
__scs_overlays_trampoline_lowered:
0x8: {  	[smem:$0x3FA5] =	sst s0  }
0x9: {  	[smem:$0x3FA6] =	sst s1  }
0xa: {  	[smem:$0x3FA7] =	sst s2  }
0xb: {  	[smem:$0x3FA8] =	sst s3  }
0xc: {  	[smem:$0x3FA9] =	sst s4  }
0xd: {  	[smem:$0x3FAA] =	sst s5  }
0xe: {  	[smem:$0x3FAB] =	sst s6  }
0xf: {  	[smem:$0x3FAC] =	sst s7  }
0x10: {  	[smem:$0x3FAD] =	sst s8  }
0x11: {  	[smem:$0x3FAE] =	sst s9;
	s0 =	simm.s32 @!p0 $0x0  }
0x12: {  	s1 =	sld [smem:$0x3F94];
	s0 =	simm.s32 @p0 $0x1  }
0x13: {  	[smem:$0x3FAF] =	sst s0;
	s0 =	simm.s32 @!p1 $0x0  }
0x14: {  	s2 =	sld [smem:$0x3F93];
	s0 =	simm.s32 @p1 $0x1  }
0x15: {  	[smem:$0x3FB0] =	sst s0;
	s0 =	simm.s32 @!p2 $0x0  }
0x16: {  	s3 =	sld [smem:$0x3FDB];
	s0 =	simm.s32 @p2 $0x1  }
0x17: {  	s4 =	simm.s32 $0x1BF5;
	[smem:$0x3FB2] =	sst s0  }
0x18: {  	s0 =	sld [smem:$0x3F95];
	_ =	swait.ge [sflag:s4], $0x0  }
0x19: {  	s7 =	sld [smem:$0x3F96]  }
0x1a: {  	s8 =	sadd.s32 $0xFFFFE003, lr  }
0x1b: {  	s9 =	sadd.s32 $0xFFFFFEF7, lr;
	s5 =	simm.s32 $0xFFFFFFFF;
	p2 =	slt.u32 s8, $0xFFFFF086  }
0x1c: {  	p1 =	slt.u32 s9, $0xF7A;
	s5 =	simm.s32 @!p2 $0x0  }
0x1d: {  	s5 =	simm.s32 @p1 $0x1;
	p0 =	seq.s32 s7, s2  }
0x1e: {  	s7 =	smul.u32 @!p0 $0xF7A, s2;
	p2 =	seq.s32 @!p0 s5, $0x0  }
0x1f: {  	s9 =	smul.u32 $0xF7A, s1;
	s8 =	simm.s32 @!p0 $0x1BF5;
	p2 =	por !p2, p0  }
0x20: {  	[sflag:s8] =	ssyncset.s32 @!p0 $0xFFFFF086;
	s6 =	sadd.s32 @!p0 s3, s7;
	s7 =	simm.s32 @!p0 $0x108  }
0x21: {  	s3 =	sadd.s32 s3, s9;
	s6 =	sadd.s32 @!p0 $0x88, s6;
	s7 =	simm.s32 @p2 $0x1082  }
0x22: {  	[simem:s7], [sflag:s8] =	dma.local @!p0 [hbm:s6], $0xF7A  }
0x23: {  	s9 =	sor.u32 $0xD0000000, s2;
	s6 =	simm.s32 $0x108;
	_ =	swait.ge @!p0 [sflag:s8], $0x0  }
0x24: {  	s3 =	sadd.s32 $0x88, s3;
	s6 =	simm.s32 @!p1 $0x1082;
	[sflag:s4] =	ssyncset.s32 $0xFFFFF086  }
0x25: {  	[simem:s6], [sflag:s4] =	dma.local [hbm:s3], $0xF7A  }
0x26: {  	[smem:$0x3F96] =	sst s1;
	(tag) =	ssettag s2;
	_ =	strace s9  }
0x27: {  	s1 =	sld [smem:$0x3FA6]  }
0x28: {  	s2 =	sld [smem:$0x3FA7]  }
0x29: {  	s4 =	sld [smem:$0x3FA9]  }
0x2a: {  	p0 =	seq.s32 s5, $0x0;
	s5 =	sld [smem:$0x3FAA]  }
0x2b: {  	s6 =	sld [smem:$0x3FAB]  }
0x2c: {  	s7 =	sld [smem:$0x3FAC]  }
0x2d: {  	s3 =	simm.s32 $0x108;
	s8 =	sld [smem:$0x3FAD]  }
0x2e: {  	s3 =	simm.s32 @!p0 $0x1082;
	s9 =	sld [smem:$0x3FAE]  }
0x2f: {  	lr =	sadd.s32 s0, s3;
	s0 =	sld [smem:$0x3FA5]  }
0x30: {  	s3 =	sld [smem:$0x3FA8]  }
0x31: {  	[smem:$0x3FB1] =	sst s10  }
0x32: {  	s10 =	sld [smem:$0x3FAF];
	_ =	sdelay $0x3  }
0x33: {  	p0 =	seq.s32 s10, $0x1;
	s10 =	sld [smem:$0x3FB1];
	_ =	sdelay $0x3  }
0x34: {  	[smem:$0x3FB1] =	sst s10  }
0x35: {  	s10 =	sld [smem:$0x3FB0];
	_ =	sdelay $0x3  }
0x36: {  	p1 =	seq.s32 s10, $0x1;
	s10 =	sld [smem:$0x3FB1];
	_ =	sdelay $0x3  }
0x37: {  	[smem:$0x3FB1] =	sst s10  }
0x38: {  	s10 =	sld [smem:$0x3FB2]  }
0x39: {  	_ = 	snop;
	(pc) =	sbr.ind lr, $3  }
0x3a: {  	_ = 	snop  }
0x3b: {  	_ = 	snop  }
0x3c: {  	p2 =	seq.s32 s10, $0x1;
	s10 =	sld [smem:$0x3FB1]  }
0x3d: {  	_ =	shalt  }
0x3e: {  	_ =	shalt  }
0x3f: {  	_ =	shalt  }
0x40: {  	_ =	shalt  }
0x41: {  	_ =	shalt  }
0x42: {  	_ =	shalt  }
0x43: {  	_ =	shalt  }
0x44: {  	_ =	shalt  }
0x45: {  	_ =	shalt  }
0x46: {  	_ =	shalt  }
0x47: {  	_ =	shalt  }
0x48: {  	_ =	shalt  }
0x49: {  	_ =	shalt  }
0x4a: {  	_ =	shalt  }
0x4b: {  	_ =	shalt  }
0x4c: {  	_ =	shalt  }
0x4d: {  	_ =	shalt  }
0x4e: {  	_ =	shalt  }
0x4f: {  	_ =	shalt  }
0x50: {  	_ =	shalt  }
0x51: {  	_ =	shalt  }
0x52: {  	_ =	shalt  }
0x53: {  	_ =	shalt  }
0x54: {  	_ =	shalt  }
0x55: {  	_ =	shalt  }
0x56: {  	_ =	shalt  }
0x57: {  	_ =	shalt  }
0x58: {  	_ =	shalt  }
0x59: {  	_ =	shalt  }
0x5a: {  	_ =	shalt  }
0x5b: {  	_ =	shalt  }
0x5c: {  	_ =	shalt  }
0x5d: {  	_ =	shalt  }
0x5e: {  	_ =	shalt  }
0x5f: {  	_ =	shalt  }
0x60: {  	_ =	shalt  }
0x61: {  	_ =	shalt  }
0x62: {  	_ =	shalt  }
0x63: {  	_ =	shalt  }
0x64: {  	_ =	shalt  }
0x65: {  	_ =	shalt  }
0x66: {  	_ =	shalt  }
0x67: {  	_ =	shalt  }
0x68: {  	_ =	shalt  }
0x69: {  	_ =	shalt  }
0x6a: {  	_ =	shalt  }
0x6b: {  	_ =	shalt  }
0x6c: {  	_ =	shalt  }
0x6d: {  	_ =	shalt  }
0x6e: {  	_ =	shalt  }
0x6f: {  	_ =	shalt  }
0x70: {  	_ =	shalt  }
0x71: {  	_ =	shalt  }
0x72: {  	_ =	shalt  }
0x73: {  	_ =	shalt  }
0x74: {  	_ =	shalt  }
0x75: {  	_ =	shalt  }
0x76: {  	_ =	shalt  }
0x77: {  	_ =	shalt  }
0x78: {  	_ =	shalt  }
0x79: {  	_ =	shalt  }
0x7a: {  	_ =	shalt  }
0x7b: {  	_ =	shalt  }
0x7c: {  	_ =	shalt  }
0x7d: {  	_ =	shalt  }
0x7e: {  	_ =	shalt  }
0x7f: {  	_ =	shalt  }
0x80: {  	_ =	shalt  }
0x81: {  	_ =	shalt  }
0x82: {  	_ =	shalt  }
0x83: {  	_ =	shalt  }
0x84: {  	_ =	shalt  }
0x85: {  	_ =	shalt  }
0x86: {  	_ =	shalt  }
0x87: {  	_ =	shalt  }
.Lfunc_end0:
.L_simem_size_0:
called_computation.5_lowered:
.L_overlay_start_0:
0x88: {  	s2 =	sld [smem:$0x3FD9]  }
0x89: {  	s3 =	sld [smem:$0x3FFE];
	_ =	sdelay $0x1  }
0x8a: {  	s1 =	srdreg.scid  }
0x8b: {  	s0 =	sand.u32 $0x1, s1  }
0x8c: {  	s16 =	sshll.u32 s0, $0xA;
	s2 =	sadd.s32 s3, s2  }
0x8d: {  	s2 =	sadd.s32 s2, s16  }
0x8e: {  	[smem:$0x3FBD] =	sst s2  }
0x8f: {  	_ = 	snop  }
0x90: {  	(tm) =	ssettm $0x1  }
0x91: {  	s17 =	sld [smem:$0x3FFB];
	_ =	sdelay $0x3  }
0x92: {  	_ =	strace s17  }
0x93: {  	s2 =	sld [smem:$0x3FFC];
	_ =	sdelay $0x3  }
0x94: {  	_ =	strace s2  }
0x95: {  	s2 =	sld [smem:$0x3FFD];
	_ =	sdelay $0x3  }
0x96: {  	_ =	strace s2  }
0x97: {  	_ =	strace $0x8FFFFFFF  }
0x98: {  	s18 =	sld [smem:$0x3FDB];
	_ =	sdelay $0x1  }
0x99: {  	s19 =	simm.s32 $_scs_section_size  }
0x9a: {  	s4 =	simm.s32 $_size__tile_overlayer_lowered;
	s5 =	simm.s32 $_tile_overlayer_lowered  }
0x9b: {  	s22 =	simm.s32 $0x1BFF;
	s21 =	sshll.u32 s5, $0x1;
	s2 =	sadd.s32 s19, s18  }
0x9c: {  	s6 =	simm.s32 $0x0;
	s20 =	sshll.u32 s4, $0x1;
	s4 =	sadd.s32 s21, s2  }
0x9d: {  	[timem:s6], [sflag:s22] =	dma.local [hbm:s4], s20  }
0x9e: {  	_ =	swait.ge [sflag:s22], s20  }
0x9f: {  	s3 =	ssub.s32 $0x0, s20;
	[sflag:s22] =	ssyncset.done $0x0  }
0xa0: {  	[sflag:s22] =	ssyncadd.s32 s3;
	_ =	sdelay $0x1  }
0xa1: {  	s23 =	simm.s32 $0x1B8B  }
0xa2: {  	_ =	swait.ge [sflag:s23], $0x1  }
0xa3: {  	[sflag:s23] =	ssyncset.done $0x0  }
0xa4: {  	s25 =	simm.s32 $0x1B8E;
	s24 =	sld [smem:$0x3FFE];
	[sflag:s23] =	ssyncadd.s32 $0xFFFFFFFF  }
0xa5: {  	s26 =	simm.s32 $execute0_lowered;
	[smem:$0x3FD2] =	sst s25  }
0xa6: {  	s4 =	sshll.u32 s26, $0x1;
	_ =	strace $0x80000055;
	[dreg:$0x1] =	wrdreg $0xFFFFFFFF  }
0xa7: {  	s28 =	simm.s32 $_size_execute0_lowered;
	s2 =	sadd.s32 s2, s4;
	[dreg:$0x0] =	wrdreg $0x0  }
0xa8: {  	s4 =	sshll.u32 s28, $0x1;
	[dreg:$0x2] =	wrdreg s2  }
0xa9: {  	[dreg:$0x3] =	wrdreg s4  }
0xaa: {  	[dreg:$0x4] =	wrdreg $0xC0  }
0xab: {  	_ =	task [dreg:s6], $0x5FFFF  }
0xac: {  	[dreg:$0x1] =	wrdreg $0xFFFFFFFF  }
0xad: {  	[dreg:$0x0] =	wrdreg $0x60  }
0xae: {  	[dreg:$0x2] =	wrdreg s24  }
0xaf: {  	[dreg:$0x3] =	wrdreg $0xB8000  }
0xb0: {  	[dreg:$0x4] =	wrdreg $0x9  }
0xb1: {  	_ =	task.clear_ibuf [dreg:s6], $0x5FFFF;
	_ =	strace $0x90000055  }
0xb2: {  	s29 =	simm.s32 $0x9;
	_ =	strace $0x80000057  }
0xb3: {  	_ =	swait.ge [sflag:s29], $0x1  }
0xb4: {  	[sflag:s29] =	ssyncadd.s32 $0xFFFFFFFF  }
0xb5: {  	_ =	strace $0x90000057  }
0xb6: {  	_ =	sfence  }
0xb7: {  	s30 =	sld [smem:$0x0];
	_ =	sdelay $0x2  }
0xb8: {  	s31 =	sshll.u32 s1, $0xD;
	s1 =	sshrl.u32 s1, $0x2  }
0xb9: {  	s3 =	sand.u32 $0x4000, s31;
	s1 =	sadd.s32 s1, s30  }
0xba: {  	s0 =	sor.u32 s3, s0;
	s1 =	sshll.u32 s1, $0x11  }
0xbb: {  	s0 =	sor.u32 s1, s0  }
0xbc: {  	s0 =	sadd.s32 $0x8F2B, s0  }
0xbd: {  	[sflag:s0] =	ssyncadd.remote.s32 $0x1  }
0xbe: {  	_ =	sfence.sel $0xFFFF  }
0xbf: {  	[dreg:$0x0] =	wrdreg $0xFFFFFFFF;
	(pc) =	sbr.abs _section_cstart, $3  }
0xc0: {  	[dreg:$0x1] =	wrdreg $0xFFFFFFFF  }
0xc1: {  	_ =	task.clear_ibuf [dreg:s6], $0x2FFFF;
	_ =	strace $0x9FFFFFFF  }
0xc2: {  	(tm) =	ssettm $0x7FFFFFFF  }
0xc3: {  	_ =	shalt  }
tec
execute0_lowered:
.L_overlay_start_1:
0x0: {  	(tag) =	ssettag $0x1  }
0x1: {  	s0 =	rddreg [dreg:$0x0];
	s1 =	srdreg.scid  }
0x2: {  	s2 =	rddreg [dreg:$0x1];
	s7 =	stileid.u32;
	s5 =	simm.s32 $0x0  }
0x3: {  	s29 =	simm.s32 $0x2;
	s30 =	simm.s32 $0xA800;
	s4 =	smul.u32 $0x14000, s7  }
0x4: {  	s31 =	simm.s32 $0x50;
	s1 =	sand.u32 $0x1, s1;
	s6 =	smul.u32 $0x50000, s7  }
0x5: {  	[smem:$0x7FF] =	sst s5;
	s22 =	sshll.u32 s7, $0xC;
	s3 =	smul.u32 $0x140000, s1  }
0x6: {  	s21 =	sshll.u32 s1, $0xB;
	_ =	strace $0x80000056;
	s1 =	ssub.s32 $0x2, s1  }
0x7: {  	s5 =	sadd.s32 s21, s0;
	s23 =	sshrl.u32 s1, $0x1;
	s24 =	sshrl.u32 s6, $0x2  }
0x8: {  	s3 =	sadd.s32 s4, s3;
	s4 =	sadd.s32 $0xB4E00, s0;
	s1 =	ssub.s32 s1, s23  }
0x9: {  	s6 =	sadd.s32 s24, s2;
	s3 =	sshrl.u32 s3, $0x3;
	s25 =	smax.u32 s1, $0x1  }
0xa: {  	s26 =	sadd.s32 $0x1000, s6;
	s10 =	sadd.s32 $0x2000, s6;
	s11 =	sadd.s32 $0x3000, s6  }
0xb: {  	s12 =	sadd.s32 $0x4000, s6;
	s13 =	sadd.s32 $0x5000, s6;
	s14 =	sadd.s32 $0x6000, s6  }
0xc: {  	s15 =	sadd.s32 $0x7000, s6;
	s16 =	sadd.s32 $0x8000, s6;
	s17 =	sadd.s32 $0x9000, s6  }
0xd: {  	s18 =	sadd.s32 $0xA000, s6;
	s19 =	sadd.s32 $0xB000, s6;
	s20 =	sadd.s32 $0xC000, s6  }
0xe: {  	s21 =	sadd.s32 $0xD000, s6;
	s23 =	sadd.s32 $0xF000, s6;
	s24 =	sadd.s32 $0x10000, s6  }
0xf: {  	s28 =	sadd.s32 $0x13000, s6;
	s1 =	simm.s32 $0x0;
	[dreg:$0x5] =	wrdreg s25  }
0x10: {  	s0 =	sadd.s32 s3, s0;
	s3 =	sadd.s32 s22, s5;
	[dreg:$0x6] =	wrdreg s26  }
0x11: {  	s22 =	sadd.s32 $0xE000, s6;
	s25 =	sadd.s32 $0x11000, s6;
	s3 =	sadd.s32 $0x4E00, s3  }
0x12: {  	s26 =	sadd.s32 $0x12000, s6;
	s0 =	sadd.s32 $0xDCE00, s0;
	[dreg:$0x3] =	wrdreg s3  }
0x13: {  	v0 =	vimm.f32 $0.0e+00;
	[dreg:$0x4] =	wrdreg s0;
	s0 =	simm.s32 $0x8000;
	s3 =	simm.s32 $0x1  }
.LBB2_1:
0x14: {  	s5 =	simm.s32 $0x0;
	s7 =	rddreg [dreg:$0x3]  }
0x15: {  	[tilespmem:s5], [sflag:$0x2] =	stream.linear.gather [hbm4b:s7+s5], $0x3E80, $0x38;
	[tilespmem:$0x1F800] =	vst v63  }
0x16: {  	_ =	swait.ge [sflag:s29], $0x3E80  }
0x17: {  	[sflag:s29] =	ssyncset.done $0x0  }
0x18: {  	s5 =	simm.s32 $0x0;
	s7 =	simm.s32 $0x200;
	[sflag:s29] =	ssyncadd.s32 $0xFFFFC180  }
.LBB2_2:
0x19: {  	p0 =	sne.s32 s7, $0x3E00;
	[tilespmem:s5+$0xA870] =	vst v0  }
0x1a: {  	[tilespmem:s5+$0xA800] =	vst v0  }
0x1b: {  	[tilespmem:s5+$0xA810] =	vst v0  }
.Ltmp0:
0x1c: {  	[tilespmem:s5+$0xA820] =	vst v0;
	(pc) =	sbr.rel @p0 .LBB2_2-.Ltmp0, $4  }
0x1d: {  	[tilespmem:s5+$0xA830] =	vst v0  }
0x1e: {  	[tilespmem:s5+$0xA840] =	vst v0  }
0x1f: {  	[tilespmem:s5+$0xA850] =	vst v0  }
0x20: {  	[tilespmem:s5+$0xA860] =	vst v0;
	s5 =	sshra.s32 s7, $0x2;
	s7 =	sadd.s32 $0x200, s7  }
0x21: {  	[tilespmem:s5+$0xA870] =	vst v0  }
0x22: {  	[tilespmem:s5+$0xA800] =	vst v0  }
0x23: {  	[tilespmem:s5+$0xA810] =	vst v0  }
0x24: {  	[tilespmem:s5+$0xA820] =	vst v0  }
0x25: {  	[tilespmem:s5+$0xA830] =	vst v0  }
0x26: {  	[tilespmem:s5+$0xA840] =	vst v0  }
0x27: {  	[tilespmem:s5+$0xA850] =	vst v0  }
0x28: {  	[tilespmem:s5+$0xA860] =	vst v0  }
0x29: {  	[spmem:s6] =	stream.linear.scatter [tilespmem:s30], [sflag:$0x2], $0x1000, $0x38;
	[tilespmem:$0x1F800] =	vst v63  }
0x2a: {  	_ =	swait.ge [sflag:s29], $0x1000  }
0x2b: {  	[sflag:s29] =	ssyncset.done $0x0  }
0x2c: {  	s9 =	rddreg [dreg:$0x6];
	[sflag:s29] =	ssyncadd.s32 $0xFFFFF000  }
0x2d: {  	[spmem:s9] =	stream.linear.scatter [tilespmem:s30], [sflag:$0x2], $0x1000, $0x38;
	[tilespmem:$0x1F800] =	vst v63  }
0x2e: {  	_ =	swait.ge [sflag:s29], $0x1000  }
0x2f: {  	[sflag:s29] =	ssyncset.done $0x0  }
0x30: {  	[sflag:s29] =	ssyncadd.s32 $0xFFFFF000  }
0x31: {  	[spmem:s10] =	stream.linear.scatter [tilespmem:s30], [sflag:$0x2], $0x1000, $0x38;
	[tilespmem:$0x1F800] =	vst v63  }
0x32: {  	_ =	swait.ge [sflag:s29], $0x1000  }
0x33: {  	[sflag:s29] =	ssyncset.done $0x0  }
0x34: {  	[sflag:s29] =	ssyncadd.s32 $0xFFFFF000  }
0x35: {  	[spmem:s11] =	stream.linear.scatter [tilespmem:s30], [sflag:$0x2], $0x1000, $0x38;
	[tilespmem:$0x1F800] =	vst v63  }
0x36: {  	_ =	swait.ge [sflag:s29], $0x1000  }
0x37: {  	[sflag:s29] =	ssyncset.done $0x0  }
0x38: {  	[sflag:s29] =	ssyncadd.s32 $0xFFFFF000  }
0x39: {  	[spmem:s12] =	stream.linear.scatter [tilespmem:s30], [sflag:$0x2], $0x1000, $0x38;
	[tilespmem:$0x1F800] =	vst v63  }
0x3a: {  	_ =	swait.ge [sflag:s29], $0x1000  }
0x3b: {  	[sflag:s29] =	ssyncset.done $0x0  }
0x3c: {  	[sflag:s29] =	ssyncadd.s32 $0xFFFFF000  }
0x3d: {  	[spmem:s13] =	stream.linear.scatter [tilespmem:s30], [sflag:$0x2], $0x1000, $0x38;
	[tilespmem:$0x1F800] =	vst v63  }
0x3e: {  	_ =	swait.ge [sflag:s29], $0x1000  }
0x3f: {  	[sflag:s29] =	ssyncset.done $0x0  }
0x40: {  	[sflag:s29] =	ssyncadd.s32 $0xFFFFF000  }
0x41: {  	[spmem:s14] =	stream.linear.scatter [tilespmem:s30], [sflag:$0x2], $0x1000, $0x38;
	[tilespmem:$0x1F800] =	vst v63  }
0x42: {  	_ =	swait.ge [sflag:s29], $0x1000  }
0x43: {  	[sflag:s29] =	ssyncset.done $0x0  }
0x44: {  	[sflag:s29] =	ssyncadd.s32 $0xFFFFF000  }
0x45: {  	[spmem:s15] =	stream.linear.scatter [tilespmem:s30], [sflag:$0x2], $0x1000, $0x38;
	[tilespmem:$0x1F800] =	vst v63  }
0x46: {  	_ =	swait.ge [sflag:s29], $0x1000  }
0x47: {  	[sflag:s29] =	ssyncset.done $0x0  }
0x48: {  	[sflag:s29] =	ssyncadd.s32 $0xFFFFF000  }
0x49: {  	[spmem:s16] =	stream.linear.scatter [tilespmem:s30], [sflag:$0x2], $0x1000, $0x38;
	[tilespmem:$0x1F800] =	vst v63  }
0x4a: {  	_ =	swait.ge [sflag:s29], $0x1000  }
0x4b: {  	[sflag:s29] =	ssyncset.done $0x0  }
0x4c: {  	[sflag:s29] =	ssyncadd.s32 $0xFFFFF000  }
0x4d: {  	[spmem:s17] =	stream.linear.scatter [tilespmem:s30], [sflag:$0x2], $0x1000, $0x38;
	[tilespmem:$0x1F800] =	vst v63  }
0x4e: {  	_ =	swait.ge [sflag:s29], $0x1000  }
0x4f: {  	[sflag:s29] =	ssyncset.done $0x0  }
0x50: {  	[sflag:s29] =	ssyncadd.s32 $0xFFFFF000  }
0x51: {  	[spmem:s18] =	stream.linear.scatter [tilespmem:s30], [sflag:$0x2], $0x1000, $0x38;
	[tilespmem:$0x1F800] =	vst v63  }
0x52: {  	_ =	swait.ge [sflag:s29], $0x1000  }
0x53: {  	[sflag:s29] =	ssyncset.done $0x0  }
0x54: {  	[sflag:s29] =	ssyncadd.s32 $0xFFFFF000  }
0x55: {  	[spmem:s19] =	stream.linear.scatter [tilespmem:s30], [sflag:$0x2], $0x1000, $0x38;
	[tilespmem:$0x1F800] =	vst v63  }
0x56: {  	_ =	swait.ge [sflag:s29], $0x1000  }
0x57: {  	[sflag:s29] =	ssyncset.done $0x0  }
0x58: {  	[sflag:s29] =	ssyncadd.s32 $0xFFFFF000  }
0x59: {  	[spmem:s20] =	stream.linear.scatter [tilespmem:s30], [sflag:$0x2], $0x1000, $0x38;
	[tilespmem:$0x1F800] =	vst v63  }
0x5a: {  	_ =	swait.ge [sflag:s29], $0x1000  }
0x5b: {  	[sflag:s29] =	ssyncset.done $0x0  }
0x5c: {  	[sflag:s29] =	ssyncadd.s32 $0xFFFFF000  }
0x5d: {  	[spmem:s21] =	stream.linear.scatter [tilespmem:s30], [sflag:$0x2], $0x1000, $0x38;
	[tilespmem:$0x1F800] =	vst v63  }
0x5e: {  	_ =	swait.ge [sflag:s29], $0x1000  }
0x5f: {  	[sflag:s29] =	ssyncset.done $0x0  }
0x60: {  	[sflag:s29] =	ssyncadd.s32 $0xFFFFF000  }
0x61: {  	[spmem:s22] =	stream.linear.scatter [tilespmem:s30], [sflag:$0x2], $0x1000, $0x38;
	[tilespmem:$0x1F800] =	vst v63  }
0x62: {  	_ =	swait.ge [sflag:s29], $0x1000  }
0x63: {  	[sflag:s29] =	ssyncset.done $0x0  }
0x64: {  	[sflag:s29] =	ssyncadd.s32 $0xFFFFF000  }
0x65: {  	[spmem:s23] =	stream.linear.scatter [tilespmem:s30], [sflag:$0x2], $0x1000, $0x38;
	[tilespmem:$0x1F800] =	vst v63  }
0x66: {  	_ =	swait.ge [sflag:s29], $0x1000  }
0x67: {  	[sflag:s29] =	ssyncset.done $0x0  }
0x68: {  	[sflag:s29] =	ssyncadd.s32 $0xFFFFF000  }
0x69: {  	[spmem:s24] =	stream.linear.scatter [tilespmem:s30], [sflag:$0x2], $0x1000, $0x38;
	[tilespmem:$0x1F800] =	vst v63  }
0x6a: {  	_ =	swait.ge [sflag:s29], $0x1000  }
0x6b: {  	[sflag:s29] =	ssyncset.done $0x0  }
0x6c: {  	[sflag:s29] =	ssyncadd.s32 $0xFFFFF000  }
0x6d: {  	[spmem:s25] =	stream.linear.scatter [tilespmem:s30], [sflag:$0x2], $0x1000, $0x38;
	[tilespmem:$0x1F800] =	vst v63  }
0x6e: {  	_ =	swait.ge [sflag:s29], $0x1000  }
0x6f: {  	[sflag:s29] =	ssyncset.done $0x0  }
0x70: {  	[sflag:s29] =	ssyncadd.s32 $0xFFFFF000  }
0x71: {  	[spmem:s26] =	stream.linear.scatter [tilespmem:s30], [sflag:$0x2], $0x1000, $0x38;
	[tilespmem:$0x1F800] =	vst v63  }
0x72: {  	_ =	swait.ge [sflag:s29], $0x1000  }
0x73: {  	[sflag:s29] =	ssyncset.done $0x0  }
0x74: {  	[sflag:s29] =	ssyncadd.s32 $0xFFFFF000  }
0x75: {  	[spmem:s28] =	stream.linear.scatter [tilespmem:s30], [sflag:$0x2], $0x1000, $0x38;
	[tilespmem:$0x1F800] =	vst v63  }
0x76: {  	_ =	swait.ge [sflag:s29], $0x1000  }
0x77: {  	[sflag:s29] =	ssyncset.done $0x0  }
0x78: {  	s5 =	simm.s32 $0x0;
	[sflag:s29] =	ssyncadd.s32 $0xFFFFF000  }
0x79: {  	v1 =	vld [tilespmem:s5+$0x0]  }
0x7a: {  	v2 =	vld [tilespmem:s5+$0x10]  }
0x7b: {  	v3 =	vld [tilespmem:s5+$0x20]  }
0x7c: {  	v4 =	vld [tilespmem:s5+$0x30]  }
0x7d: {  	v5 =	vld [tilespmem:s5+$0x40];
	_ =	sdelay $0x1  }
0x7e: {  	v6 =	vshra.s32 v1, $0xE;
	v7 =	vshra.s32 v2, $0xE  }
0x7f: {  	v8 =	vshra.s32 v3, $0xE;
	v9 =	vand.u32 $0x3FFF, v1;
	v2 =	vand.u32 $0x3FFF, v2;
	[tilespmem:s5+$0x0] =	vst v6  }
0x80: {  	v10 =	vshra.s32 v4, $0xE;
	v4 =	vand.u32 $0x3FFF, v4;
	[tilespmem:s5+$0x10] =	vst v7;
	vm0 =	veq.s32 v6, v9  }
0x81: {  	[tilespmem:s5+$0x20] =	vst v8;
	vm1 =	veq.s32 v7, v2;
	v6 =	vand.u32 $0x3FFF, v3;
	v7 =	vshra.s32 v5, $0xE  }
0x82: {  	s7 =	simm.s32 $0x80;
	[tilespmem:s5+$0x30] =	vst v10;
	vm3 =	veq.s32 v10, v4;
	vm2 =	veq.s32 v8, v6;
	v8 =	vand.u32 $0x3FFF, v5  }
0x83: {  	v1 =	vld [tilespmem:s7+$0x0];
	[tilespmem:s5+$0x40] =	vst v7;
	v5 =	vsel vm0, $0x2710, v9;
	v3 =	vsel vm1, $0x2710, v2;
	vm15 =	veq.s32 v7, v8  }
0x84: {  	s8 =	simm.s32 $0x400;
	v2 =	vld [tilespmem:s7+$0x10];
	[tilespmem:s5+$0x4000] =	vst v5;
	v6 =	vsel vm2, $0x2710, v6;
	v5 =	vsel vm3, $0x2710, v4;
	v4 =	vsel vm15, $0x2710, v8  }
.LBB2_4:
0x85: {  	p0 =	sne.s32 s8, $0xF800;
	v7 =	vld [tilespmem:s7+$0x20];
	[tilespmem:s5+$0x4010] =	vst v3  }
0x86: {  	v3 =	vld [tilespmem:s7+$0x30];
	[tilespmem:s5+$0x4020] =	vst v6  }
0x87: {  	v6 =	vld [tilespmem:s7+$0x40];
	[tilespmem:s5+$0x4030] =	vst v5  }
0x88: {  	v5 =	vshra.s32 v1, $0xE;
	v8 =	vand.u32 $0x3FFF, v1;
	[tilespmem:s5+$0x4040] =	vst v4;
	s5 =	smov.u32 s7  }
0x89: {  	[tilespmem:s5+$0x0] =	vst v5;
	vm0 =	veq.s32 v5, v8;
	v1 =	vshra.s32 v2, $0xE;
	v2 =	vand.u32 $0x3FFF, v2  }
.Ltmp1:
0x8a: {  	[tilespmem:s5+$0x10] =	vst v1;
	vm1 =	veq.s32 v1, v2;
	v1 =	vshra.s32 v7, $0xE;
	v4 =	vand.u32 $0x3FFF, v7;
	(pc) =	sbr.rel @p0 .LBB2_4-.Ltmp1, $4  }
0x8b: {  	[tilespmem:s5+$0x20] =	vst v1;
	vm2 =	veq.s32 v1, v4;
	v1 =	vshra.s32 v3, $0xE;
	v5 =	vand.u32 $0x3FFF, v3  }
0x8c: {  	s7 =	sshra.s32 s8, $0x2;
	[tilespmem:s5+$0x30] =	vst v1;
	vm3 =	veq.s32 v1, v5;
	v7 =	vshra.s32 v6, $0xE;
	v9 =	vand.u32 $0x3FFF, v6  }
0x8d: {  	v3 =	vsel vm1, $0x2710, v2;
	v6 =	vsel vm0, $0x2710, v8;
	v1 =	vld [tilespmem:s7+$0x0];
	[tilespmem:s5+$0x40] =	vst v7;
	vm0 =	veq.s32 v7, v9  }
0x8e: {  	s8 =	sadd.s32 $0x200, s8;
	v5 =	vsel vm3, $0x2710, v5;
	v2 =	vld [tilespmem:s7+$0x10];
	[tilespmem:s5+$0x4000] =	vst v6;
	v6 =	vsel vm2, $0x2710, v4;
	v4 =	vsel vm0, $0x2710, v9  }
0x8f: {  	v7 =	vld [tilespmem:s7+$0x20];
	[tilespmem:s5+$0x4010] =	vst v3  }
0x90: {  	v3 =	vld [tilespmem:s7+$0x30];
	[tilespmem:s5+$0x4020] =	vst v6  }
0x91: {  	v6 =	vld [tilespmem:s7+$0x40];
	[tilespmem:s5+$0x4030] =	vst v5  }
0x92: {  	[tilespmem:s5+$0x4040] =	vst v4;
	v60 =	vshra.s32 v1, $0xE  }
0x93: {  	v1 =	vand.u32 $0x3FFF, v1;
	[tilespmem:s7+$0x0] =	vst v60;
	v61 =	vshra.s32 v2, $0xE  }
0x94: {  	vm0 =	veq.s32 v60, v1;
	[tilespmem:s7+$0x10] =	vst v61;
	v8 =	vshra.s32 v7, $0xE  }
0x95: {  	v2 =	vand.u32 $0x3FFF, v2;
	v1 =	vsel vm0, $0x2710, v1;
	[tilespmem:s7+$0x20] =	vst v8  }
0x96: {  	vm1 =	veq.s32 v61, v2;
	v9 =	vshra.s32 v3, $0xE;
	[tilespmem:s7+$0x4000] =	vst v1  }
0x97: {  	v63 =	vand.u32 $0x3FFF, v7;
	v2 =	vsel vm1, $0x2710, v2;
	[tilespmem:s7+$0x30] =	vst v9  }
0x98: {  	vm13 =	veq.s32 v8, v63;
	v3 =	vand.u32 $0x3FFF, v3;
	v62 =	vshra.s32 v6, $0xE;
	[tilespmem:s7+$0x4010] =	vst v2  }
0x99: {  	vm14 =	veq.s32 v9, v3;
	v1 =	vand.u32 $0x3FFF, v6;
	v4 =	vsel vm13, $0x2710, v63;
	[tilespmem:s7+$0x40] =	vst v62  }
0x9a: {  	vm15 =	veq.s32 v62, v1;
	v2 =	vsel vm14, $0x2710, v3;
	[tilespmem:s7+$0x4020] =	vst v4  }
0x9b: {  	v1 =	vsel vm15, $0x2710, v1;
	[tilespmem:s7+$0x4030] =	vst v2  }
0x9c: {  	[tilespmem:s7+$0x4040] =	vst v1  }
0x9d: {  	s8 =	simm.s32 $0x0;
	[bflag:$0x0] =	sbarrier.arrive $0xFFFF  }
0x9e: {  	[tilespmem:s0], [sflag:$0x1] =	stream.indirect.gather [hbm4b:s4+s31], $0x80, s8, s31, $0xb8;
	[tilespmem:$0x1F800] =	vst v63  }
0x9f: {  	_ =	swait.ge [sflag:s3], $0x2800  }
0xa0: {  	[sflag:s3] =	ssyncset.done $0x0  }
0xa1: {  	s9 =	simm.s32 $0x4000;
	[sflag:s3] =	ssyncadd.s32 $0xFFFFD800  }
0xa2: {  	[spmem:s2] =	stream.indirect.scatter.add.f32 [tilespmem:s0], [sflag:$0x2], $0x80, s9, s31, $0xb8;
	[tilespmem:$0x1F800] =	vst v63  }
0xa3: {  	_ =	swait.ge [sflag:s29], $0x2800  }
0xa4: {  	s5 =	simm.s32 $0x200;
	s7 =	simm.s32 $0x400;
	[sflag:s29] =	ssyncset.done $0x0  }
.LBB2_6:
0xa5: {  	s8 =	sshra.s32 s5, $0x2  }
0xa6: {  	[sflag:s29] =	ssyncadd.s32 $0xFFFFD800;
	s5 =	smov.u32 s7;
	s9 =	sadd.s32 $0x200, s7  }
0xa7: {  	[tilespmem:s0], [sflag:$0x1] =	stream.indirect.gather [hbm4b:s4+s31], $0x80, s8, s31, $0xb8;
	[tilespmem:$0x1F800] =	vst v63  }
0xa8: {  	p0 =	sne.s32 s7, $0xF800;
	_ =	swait.ge [sflag:s3], $0x2800  }
.Ltmp2:
0xa9: {  	[sflag:s3] =	ssyncset.done $0x0;
	(pc) =	sbr.rel @p0 .LBB2_6-.Ltmp2, $4  }
0xaa: {  	s7 =	sadd.s32 $0x4000, s8;
	[sflag:s3] =	ssyncadd.s32 $0xFFFFD800  }
0xab: {  	[spmem:s2] =	stream.indirect.scatter.add.f32 [tilespmem:s0], [sflag:$0x2], $0x80, s7, s31, $0xb8;
	[tilespmem:$0x1F800] =	vst v63  }
0xac: {  	_ =	swait.ge [sflag:s29], $0x2800  }
0xad: {  	s7 =	smov.u32 s9;
	[sflag:s29] =	ssyncset.done $0x0  }
0xae: {  	s5 =	sshra.s32 s5, $0x2;
	[sflag:s29] =	ssyncadd.s32 $0xFFFFD800  }
0xaf: {  	[tilespmem:s0], [sflag:$0x1] =	stream.indirect.gather [hbm4b:s4+s31], $0x80, s5, s31, $0xb8;
	[tilespmem:$0x1F800] =	vst v63  }
0xb0: {  	_ =	swait.ge [sflag:s3], $0x2800  }
0xb1: {  	[sflag:s3] =	ssyncset.done $0x0  }
0xb2: {  	s5 =	sadd.s32 $0x4000, s5;
	[sflag:s3] =	ssyncadd.s32 $0xFFFFD800  }
0xb3: {  	[spmem:s2] =	stream.indirect.scatter.add.f32 [tilespmem:s0], [sflag:$0x2], $0x80, s5, s31, $0xb8;
	[tilespmem:$0x1F800] =	vst v63  }
0xb4: {  	_ =	swait.ge [sflag:s29], $0x2800  }
0xb5: {  	[sflag:s29] =	ssyncset.done $0x0  }
0xb6: {  	s8 =	stileid.u32;
	[sflag:s29] =	ssyncadd.s32 $0xFFFFD800  }
0xb7: {  	s5 =	sshll.u32 s8, $0x6;
	[bflag:$0x0] =	sbarrier.arrive $0xFFFF  }
0xb8: {  	s7 =	sshrl.u32 s6, $0x3;
	s5 =	sor.u32 $0x1C02, s5;
	s8 =	rddreg [dreg:$0x4]  }
0xb9: {  	[hbm:s8], [sflag:s5] =	dma.local [spmem:s7], $0x2800  }
0xba: {  	_ =	swait.ge [sflag:s29], $0x2800  }
0xbb: {  	s1 =	sadd.s32 $0x1, s1;
	s9 =	rddreg [dreg:$0x5]  }
0xbc: {  	p0 =	sne.s32 s1, s9  }
.Ltmp3:
0xbd: {  	_ = 	snop;
	(pc) =	sbr.rel @p0 .LBB2_1-.Ltmp3, $3  }
0xbe: {  	_ =	sdelay $0x1  }
0xbf: {  	[sflag:s29] =	ssyncset.done $0x0  }
0xc0: {  	[sflag:s29] =	ssyncadd.s32 $0xFFFFD800  }
0xc1: {  	_ =	sfence.sel $0x180000  }
0xc2: {  	[bflag:$0x0] =	sbarrier.arrive $0xFFFF  }
0xc3: {  	_ =	strace $0x90000056  }
0xc4: {  	s0 =	stileid.u32;
	[bflag:$0x2] =	sbarrier.arrive $0xFFFF  }
0xc5: {  	p0 =	sne.s32 s0, $0x0;
	s0 =	rddreg [dreg:$0x2]  }
0xc6: {  	s0 =	sadd.s32 @!p0 $0x100000, s0  }
0xc7: {  	[sflag:s0] =	ssyncadd.tile.s32 @!p0 $0x1;
	_ =	shalt  }
.Lfunc_end2:
_tile_overlayer_lowered:
.L_overlay_start_2:
0xc8: {  	(tag) =	ssettag $0x2  }
0xc9: {  	s0 =	rddreg [dreg:$0x0];
	s2 =	stileid.u32  }
0xca: {  	s1 =	rddreg [dreg:$0x1];
	p0 =	sne.s32 s2, $0x0  }
0xcb: {  	s3 =	rddreg [dreg:$0x2];
	[bflag:$0x3] =	sbarrier.arrive $0xFFFF;
	s2 =	simm.s32 @!p0 $0x1C02  }
0xcc: {  	[timem:s3], [sflag:s2] =	dma.local @!p0 [hbm:s0], s1  }
0xcd: {  	s0 =	simm.s32 @!p0 $0x2  }
0xce: {  	_ =	swait.ge @!p0 [sflag:s0], s1  }
0xcf: {  	s1 =	ssub.s32 @!p0 $0x0, s1;
	[sflag:s0] =	ssyncset.done @!p0 $0x0  }
0xd0: {  	[sflag:s0] =	ssyncadd.s32 @!p0 s1  }
0xd1: {  	[bflag:$0x3] =	sbarrier.arrive $0xFFFF  }
0xd2: {  	_ =	shalt  }

// kernel: kernel.37.cloned.1.call-start
scs
__scs_entry_jumppad:
0x0: {  	(pc) =	sbr.rel $0x88, $3  }
0x1: {  	(tag) =	ssettag $0x0;
	lr =	simm.s32 $0x1  }
0x2: {  	[smem:$0x3F96] =	sst lr;
	_ =	strace $0xD0000000  }
0x3: {  	_ = 	snop  }
0x4: {  	_ = 	snop  }
0x5: {  	_ = 	snop  }
0x6: {  	_ = 	snop  }
0x7: {  	_ = 	snop  }
__scs_overlays_trampoline_lowered:
0x8: {  	[smem:$0x3FA5] =	sst s0  }
0x9: {  	[smem:$0x3FA6] =	sst s1  }
0xa: {  	[smem:$0x3FA7] =	sst s2  }
0xb: {  	[smem:$0x3FA8] =	sst s3  }
0xc: {  	[smem:$0x3FA9] =	sst s4  }
0xd: {  	[smem:$0x3FAA] =	sst s5  }
0xe: {  	[smem:$0x3FAB] =	sst s6  }
0xf: {  	[smem:$0x3FAC] =	sst s7  }
0x10: {  	[smem:$0x3FAD] =	sst s8  }
0x11: {  	[smem:$0x3FAE] =	sst s9;
	s0 =	simm.s32 @!p0 $0x0  }
0x12: {  	s1 =	sld [smem:$0x3F94];
	s0 =	simm.s32 @p0 $0x1  }
0x13: {  	[smem:$0x3FAF] =	sst s0;
	s0 =	simm.s32 @!p1 $0x0  }
0x14: {  	s2 =	sld [smem:$0x3F93];
	s0 =	simm.s32 @p1 $0x1  }
0x15: {  	[smem:$0x3FB0] =	sst s0;
	s0 =	simm.s32 @!p2 $0x0  }
0x16: {  	s3 =	sld [smem:$0x3FDB];
	s0 =	simm.s32 @p2 $0x1  }
0x17: {  	s4 =	simm.s32 $0x1BF5;
	[smem:$0x3FB2] =	sst s0  }
0x18: {  	s0 =	sld [smem:$0x3F95];
	_ =	swait.ge [sflag:s4], $0x0  }
0x19: {  	s7 =	sld [smem:$0x3F96]  }
0x1a: {  	s8 =	sadd.s32 $0xFFFFE003, lr  }
0x1b: {  	s9 =	sadd.s32 $0xFFFFFEF7, lr;
	s5 =	simm.s32 $0xFFFFFFFF;
	p2 =	slt.u32 s8, $0xFFFFF086  }
0x1c: {  	p1 =	slt.u32 s9, $0xF7A;
	s5 =	simm.s32 @!p2 $0x0  }
0x1d: {  	s5 =	simm.s32 @p1 $0x1;
	p0 =	seq.s32 s7, s2  }
0x1e: {  	s7 =	smul.u32 @!p0 $0xF7A, s2;
	p2 =	seq.s32 @!p0 s5, $0x0  }
0x1f: {  	s9 =	smul.u32 $0xF7A, s1;
	s8 =	simm.s32 @!p0 $0x1BF5;
	p2 =	por !p2, p0  }
0x20: {  	[sflag:s8] =	ssyncset.s32 @!p0 $0xFFFFF086;
	s6 =	sadd.s32 @!p0 s3, s7;
	s7 =	simm.s32 @!p0 $0x108  }
0x21: {  	s3 =	sadd.s32 s3, s9;
	s6 =	sadd.s32 @!p0 $0x88, s6;
	s7 =	simm.s32 @p2 $0x1082  }
0x22: {  	[simem:s7], [sflag:s8] =	dma.local @!p0 [hbm:s6], $0xF7A  }
0x23: {  	s9 =	sor.u32 $0xD0000000, s2;
	s6 =	simm.s32 $0x108;
	_ =	swait.ge @!p0 [sflag:s8], $0x0  }
0x24: {  	s3 =	sadd.s32 $0x88, s3;
	s6 =	simm.s32 @!p1 $0x1082;
	[sflag:s4] =	ssyncset.s32 $0xFFFFF086  }
0x25: {  	[simem:s6], [sflag:s4] =	dma.local [hbm:s3], $0xF7A  }
0x26: {  	[smem:$0x3F96] =	sst s1;
	(tag) =	ssettag s2;
	_ =	strace s9  }
0x27: {  	s1 =	sld [smem:$0x3FA6]  }
0x28: {  	s2 =	sld [smem:$0x3FA7]  }
0x29: {  	s4 =	sld [smem:$0x3FA9]  }
0x2a: {  	p0 =	seq.s32 s5, $0x0;
	s5 =	sld [smem:$0x3FAA]  }
0x2b: {  	s6 =	sld [smem:$0x3FAB]  }
0x2c: {  	s7 =	sld [smem:$0x3FAC]  }
0x2d: {  	s3 =	simm.s32 $0x108;
	s8 =	sld [smem:$0x3FAD]  }
0x2e: {  	s3 =	simm.s32 @!p0 $0x1082;
	s9 =	sld [smem:$0x3FAE]  }
0x2f: {  	lr =	sadd.s32 s0, s3;
	s0 =	sld [smem:$0x3FA5]  }
0x30: {  	s3 =	sld [smem:$0x3FA8]  }
0x31: {  	[smem:$0x3FB1] =	sst s10  }
0x32: {  	s10 =	sld [smem:$0x3FAF];
	_ =	sdelay $0x3  }
0x33: {  	p0 =	seq.s32 s10, $0x1;
	s10 =	sld [smem:$0x3FB1];
	_ =	sdelay $0x3  }
0x34: {  	[smem:$0x3FB1] =	sst s10  }
0x35: {  	s10 =	sld [smem:$0x3FB0];
	_ =	sdelay $0x3  }
0x36: {  	p1 =	seq.s32 s10, $0x1;
	s10 =	sld [smem:$0x3FB1];
	_ =	sdelay $0x3  }
0x37: {  	[smem:$0x3FB1] =	sst s10  }
0x38: {  	s10 =	sld [smem:$0x3FB2]  }
0x39: {  	_ = 	snop;
	(pc) =	sbr.ind lr, $3  }
0x3a: {  	_ = 	snop  }
0x3b: {  	_ = 	snop  }
0x3c: {  	p2 =	seq.s32 s10, $0x1;
	s10 =	sld [smem:$0x3FB1]  }
0x3d: {  	_ =	shalt  }
0x3e: {  	_ =	shalt  }
0x3f: {  	_ =	shalt  }
0x40: {  	_ =	shalt  }
0x41: {  	_ =	shalt  }
0x42: {  	_ =	shalt  }
0x43: {  	_ =	shalt  }
0x44: {  	_ =	shalt  }
0x45: {  	_ =	shalt  }
0x46: {  	_ =	shalt  }
0x47: {  	_ =	shalt  }
0x48: {  	_ =	shalt  }
0x49: {  	_ =	shalt  }
0x4a: {  	_ =	shalt  }
0x4b: {  	_ =	shalt  }
0x4c: {  	_ =	shalt  }
0x4d: {  	_ =	shalt  }
0x4e: {  	_ =	shalt  }
0x4f: {  	_ =	shalt  }
0x50: {  	_ =	shalt  }
0x51: {  	_ =	shalt  }
0x52: {  	_ =	shalt  }
0x53: {  	_ =	shalt  }
0x54: {  	_ =	shalt  }
0x55: {  	_ =	shalt  }
0x56: {  	_ =	shalt  }
0x57: {  	_ =	shalt  }
0x58: {  	_ =	shalt  }
0x59: {  	_ =	shalt  }
0x5a: {  	_ =	shalt  }
0x5b: {  	_ =	shalt  }
0x5c: {  	_ =	shalt  }
0x5d: {  	_ =	shalt  }
0x5e: {  	_ =	shalt  }
0x5f: {  	_ =	shalt  }
0x60: {  	_ =	shalt  }
0x61: {  	_ =	shalt  }
0x62: {  	_ =	shalt  }
0x63: {  	_ =	shalt  }
0x64: {  	_ =	shalt  }
0x65: {  	_ =	shalt  }
0x66: {  	_ =	shalt  }
0x67: {  	_ =	shalt  }
0x68: {  	_ =	shalt  }
0x69: {  	_ =	shalt  }
0x6a: {  	_ =	shalt  }
0x6b: {  	_ =	shalt  }
0x6c: {  	_ =	shalt  }
0x6d: {  	_ =	shalt  }
0x6e: {  	_ =	shalt  }
0x6f: {  	_ =	shalt  }
0x70: {  	_ =	shalt  }
0x71: {  	_ =	shalt  }
0x72: {  	_ =	shalt  }
0x73: {  	_ =	shalt  }
0x74: {  	_ =	shalt  }
0x75: {  	_ =	shalt  }
0x76: {  	_ =	shalt  }
0x77: {  	_ =	shalt  }
0x78: {  	_ =	shalt  }
0x79: {  	_ =	shalt  }
0x7a: {  	_ =	shalt  }
0x7b: {  	_ =	shalt  }
0x7c: {  	_ =	shalt  }
0x7d: {  	_ =	shalt  }
0x7e: {  	_ =	shalt  }
0x7f: {  	_ =	shalt  }
0x80: {  	_ =	shalt  }
0x81: {  	_ =	shalt  }
0x82: {  	_ =	shalt  }
0x83: {  	_ =	shalt  }
0x84: {  	_ =	shalt  }
0x85: {  	_ =	shalt  }
0x86: {  	_ =	shalt  }
0x87: {  	_ =	shalt  }
.Lfunc_end0:
.L_simem_size_0:
called_computation.6_lowered:
.L_overlay_start_0:
0x88: {  	s2 =	sld [smem:$0x3FD9]  }
0x89: {  	s3 =	sld [smem:$0x3FFE];
	_ =	sdelay $0x1  }
0x8a: {  	s1 =	srdreg.scid  }
0x8b: {  	s0 =	sand.u32 $0x1, s1  }
0x8c: {  	s16 =	sshll.u32 s0, $0xA;
	s2 =	sadd.s32 s3, s2  }
0x8d: {  	s2 =	sadd.s32 s2, s16  }
0x8e: {  	[smem:$0x3FBD] =	sst s2  }
0x8f: {  	_ = 	snop  }
0x90: {  	(tm) =	ssettm $0x1  }
0x91: {  	s17 =	sld [smem:$0x3FFB];
	_ =	sdelay $0x3  }
0x92: {  	_ =	strace s17  }
0x93: {  	s2 =	sld [smem:$0x3FFC];
	_ =	sdelay $0x3  }
0x94: {  	_ =	strace s2  }
0x95: {  	s2 =	sld [smem:$0x3FFD];
	_ =	sdelay $0x3  }
0x96: {  	_ =	strace s2  }
0x97: {  	_ =	strace $0x8FFFFFFF  }
0x98: {  	s18 =	sld [smem:$0x3FDB];
	_ =	sdelay $0x1  }
0x99: {  	s19 =	simm.s32 $_scs_section_size  }
0x9a: {  	s4 =	simm.s32 $_size__tile_overlayer_lowered;
	s5 =	simm.s32 $_tile_overlayer_lowered  }
0x9b: {  	s22 =	simm.s32 $0x1BFF;
	s21 =	sshll.u32 s5, $0x1;
	s2 =	sadd.s32 s19, s18  }
0x9c: {  	s6 =	simm.s32 $0x0;
	s20 =	sshll.u32 s4, $0x1;
	s4 =	sadd.s32 s21, s2  }
0x9d: {  	[timem:s6], [sflag:s22] =	dma.local [hbm:s4], s20  }
0x9e: {  	_ =	swait.ge [sflag:s22], s20  }
0x9f: {  	s3 =	ssub.s32 $0x0, s20;
	[sflag:s22] =	ssyncset.done $0x0  }
0xa0: {  	[sflag:s22] =	ssyncadd.s32 s3;
	_ =	sdelay $0x1  }
0xa1: {  	s23 =	simm.s32 $0x1B8B  }
0xa2: {  	_ =	swait.ge [sflag:s23], $0x1  }
0xa3: {  	[sflag:s23] =	ssyncset.done $0x0  }
0xa4: {  	s25 =	simm.s32 $0x1B8E;
	s24 =	sld [smem:$0x3FFE];
	[sflag:s23] =	ssyncadd.s32 $0xFFFFFFFF  }
0xa5: {  	s26 =	simm.s32 $execute0_lowered;
	[smem:$0x3FD2] =	sst s25  }
0xa6: {  	s4 =	sshll.u32 s26, $0x1;
	_ =	strace $0x80000058;
	[dreg:$0x1] =	wrdreg $0xFFFFFFFF  }
0xa7: {  	s28 =	simm.s32 $_size_execute0_lowered;
	s2 =	sadd.s32 s2, s4;
	[dreg:$0x0] =	wrdreg $0x0  }
0xa8: {  	s4 =	sshll.u32 s28, $0x1;
	[dreg:$0x2] =	wrdreg s2  }
0xa9: {  	[dreg:$0x3] =	wrdreg s4  }
0xaa: {  	[dreg:$0x4] =	wrdreg $0xC0  }
0xab: {  	_ =	task [dreg:s6], $0x5FFFF  }
0xac: {  	[dreg:$0x1] =	wrdreg $0xFFFFFFFF  }
0xad: {  	[dreg:$0x0] =	wrdreg $0x60  }
0xae: {  	[dreg:$0x2] =	wrdreg s24  }
0xaf: {  	[dreg:$0x3] =	wrdreg $0xB8000  }
0xb0: {  	[dreg:$0x4] =	wrdreg $0x9  }
0xb1: {  	_ =	task.clear_ibuf [dreg:s6], $0x5FFFF;
	_ =	strace $0x90000058  }
0xb2: {  	s29 =	simm.s32 $0x9;
	_ =	strace $0x8000005A  }
0xb3: {  	_ =	swait.ge [sflag:s29], $0x1  }
0xb4: {  	[sflag:s29] =	ssyncadd.s32 $0xFFFFFFFF  }
0xb5: {  	_ =	strace $0x9000005A  }
0xb6: {  	_ =	sfence  }
0xb7: {  	s30 =	sld [smem:$0x0];
	_ =	sdelay $0x2  }
0xb8: {  	s31 =	sshll.u32 s1, $0xD;
	s1 =	sshrl.u32 s1, $0x2  }
0xb9: {  	s3 =	sand.u32 $0x4000, s31;
	s1 =	sadd.s32 s1, s30  }
0xba: {  	s0 =	sor.u32 s3, s0;
	s1 =	sshll.u32 s1, $0x11  }
0xbb: {  	s0 =	sor.u32 s1, s0  }
0xbc: {  	s0 =	sadd.s32 $0x8F2B, s0  }
0xbd: {  	[sflag:s0] =	ssyncadd.remote.s32 $0x1  }
0xbe: {  	_ =	sfence.sel $0xFFFF  }
0xbf: {  	[dreg:$0x0] =	wrdreg $0xFFFFFFFF;
	(pc) =	sbr.abs _section_cstart, $3  }
0xc0: {  	[dreg:$0x1] =	wrdreg $0xFFFFFFFF  }
0xc1: {  	_ =	task.clear_ibuf [dreg:s6], $0x2FFFF;
	_ =	strace $0x9FFFFFFF  }
0xc2: {  	(tm) =	ssettm $0x7FFFFFFF  }
0xc3: {  	_ =	shalt  }
tec
execute0_lowered:
.L_overlay_start_1:
0x0: {  	(tag) =	ssettag $0x1  }
0x1: {  	s0 =	rddreg [dreg:$0x0];
	s1 =	srdreg.scid  }
0x2: {  	s2 =	rddreg [dreg:$0x1];
	s7 =	stileid.u32;
	s5 =	simm.s32 $0x0  }
0x3: {  	s29 =	simm.s32 $0x2;
	s30 =	simm.s32 $0xA800;
	s4 =	smul.u32 $0x14000, s7  }
0x4: {  	s31 =	simm.s32 $0x50;
	s1 =	sand.u32 $0x1, s1;
	s6 =	smul.u32 $0x50000, s7  }
0x5: {  	[smem:$0x7FF] =	sst s5;
	s22 =	sshll.u32 s7, $0xC;
	s3 =	smul.u32 $0x140000, s1  }
0x6: {  	s21 =	sshll.u32 s1, $0xB;
	_ =	strace $0x80000059;
	s1 =	ssub.s32 $0x2, s1  }
0x7: {  	s5 =	sadd.s32 s21, s0;
	s23 =	sshrl.u32 s1, $0x1;
	s24 =	sshrl.u32 s6, $0x2  }
0x8: {  	s3 =	sadd.s32 s4, s3;
	s4 =	sadd.s32 $0xB4E00, s0;
	s1 =	ssub.s32 s1, s23  }
0x9: {  	s6 =	sadd.s32 s24, s2;
	s3 =	sshrl.u32 s3, $0x3;
	s25 =	smax.u32 s1, $0x1  }
0xa: {  	s26 =	sadd.s32 $0x1000, s6;
	s10 =	sadd.s32 $0x2000, s6;
	s11 =	sadd.s32 $0x3000, s6  }
0xb: {  	s12 =	sadd.s32 $0x4000, s6;
	s13 =	sadd.s32 $0x5000, s6;
	s14 =	sadd.s32 $0x6000, s6  }
0xc: {  	s15 =	sadd.s32 $0x7000, s6;
	s16 =	sadd.s32 $0x8000, s6;
	s17 =	sadd.s32 $0x9000, s6  }
0xd: {  	s18 =	sadd.s32 $0xA000, s6;
	s19 =	sadd.s32 $0xB000, s6;
	s20 =	sadd.s32 $0xC000, s6  }
0xe: {  	s21 =	sadd.s32 $0xD000, s6;
	s23 =	sadd.s32 $0xF000, s6;
	s24 =	sadd.s32 $0x10000, s6  }
0xf: {  	s28 =	sadd.s32 $0x13000, s6;
	s1 =	simm.s32 $0x0;
	[dreg:$0x5] =	wrdreg s25  }
0x10: {  	s0 =	sadd.s32 s3, s0;
	s3 =	sadd.s32 s22, s5;
	[dreg:$0x6] =	wrdreg s26  }
0x11: {  	s22 =	sadd.s32 $0xE000, s6;
	s25 =	sadd.s32 $0x11000, s6;
	s3 =	sadd.s32 $0x4E00, s3  }
0x12: {  	s26 =	sadd.s32 $0x12000, s6;
	s0 =	sadd.s32 $0xDCE00, s0;
	[dreg:$0x3] =	wrdreg s3  }
0x13: {  	v0 =	vimm.f32 $0.0e+00;
	[dreg:$0x4] =	wrdreg s0;
	s0 =	simm.s32 $0x8000;
	s3 =	simm.s32 $0x1  }
.LBB2_1:
0x14: {  	s5 =	simm.s32 $0x0;
	s7 =	rddreg [dreg:$0x3]  }
0x15: {  	[tilespmem:s5], [sflag:$0x2] =	stream.linear.gather [hbm4b:s7+s5], $0x3E80, $0x38;
	[tilespmem:$0x1F800] =	vst v63  }
0x16: {  	_ =	swait.ge [sflag:s29], $0x3E80  }
0x17: {  	[sflag:s29] =	ssyncset.done $0x0  }
0x18: {  	s5 =	simm.s32 $0x0;
	s7 =	simm.s32 $0x200;
	[sflag:s29] =	ssyncadd.s32 $0xFFFFC180  }
.LBB2_2:
0x19: {  	p0 =	sne.s32 s7, $0x3E00;
	[tilespmem:s5+$0xA870] =	vst v0  }
0x1a: {  	[tilespmem:s5+$0xA800] =	vst v0  }
0x1b: {  	[tilespmem:s5+$0xA810] =	vst v0  }
.Ltmp0:
0x1c: {  	[tilespmem:s5+$0xA820] =	vst v0;
	(pc) =	sbr.rel @p0 .LBB2_2-.Ltmp0, $4  }
0x1d: {  	[tilespmem:s5+$0xA830] =	vst v0  }
0x1e: {  	[tilespmem:s5+$0xA840] =	vst v0  }
0x1f: {  	[tilespmem:s5+$0xA850] =	vst v0  }
0x20: {  	[tilespmem:s5+$0xA860] =	vst v0;
	s5 =	sshra.s32 s7, $0x2;
	s7 =	sadd.s32 $0x200, s7  }
0x21: {  	[tilespmem:s5+$0xA870] =	vst v0  }
0x22: {  	[tilespmem:s5+$0xA800] =	vst v0  }
0x23: {  	[tilespmem:s5+$0xA810] =	vst v0  }
0x24: {  	[tilespmem:s5+$0xA820] =	vst v0  }
0x25: {  	[tilespmem:s5+$0xA830] =	vst v0  }
0x26: {  	[tilespmem:s5+$0xA840] =	vst v0  }
0x27: {  	[tilespmem:s5+$0xA850] =	vst v0  }
0x28: {  	[tilespmem:s5+$0xA860] =	vst v0  }
0x29: {  	[spmem:s6] =	stream.linear.scatter [tilespmem:s30], [sflag:$0x2], $0x1000, $0x38;
	[tilespmem:$0x1F800] =	vst v63  }
0x2a: {  	_ =	swait.ge [sflag:s29], $0x1000  }
0x2b: {  	[sflag:s29] =	ssyncset.done $0x0  }
0x2c: {  	s9 =	rddreg [dreg:$0x6];
	[sflag:s29] =	ssyncadd.s32 $0xFFFFF000  }
0x2d: {  	[spmem:s9] =	stream.linear.scatter [tilespmem:s30], [sflag:$0x2], $0x1000, $0x38;
	[tilespmem:$0x1F800] =	vst v63  }
0x2e: {  	_ =	swait.ge [sflag:s29], $0x1000  }
0x2f: {  	[sflag:s29] =	ssyncset.done $0x0  }
0x30: {  	[sflag:s29] =	ssyncadd.s32 $0xFFFFF000  }
0x31: {  	[spmem:s10] =	stream.linear.scatter [tilespmem:s30], [sflag:$0x2], $0x1000, $0x38;
	[tilespmem:$0x1F800] =	vst v63  }
0x32: {  	_ =	swait.ge [sflag:s29], $0x1000  }
0x33: {  	[sflag:s29] =	ssyncset.done $0x0  }
0x34: {  	[sflag:s29] =	ssyncadd.s32 $0xFFFFF000  }
0x35: {  	[spmem:s11] =	stream.linear.scatter [tilespmem:s30], [sflag:$0x2], $0x1000, $0x38;
	[tilespmem:$0x1F800] =	vst v63  }
0x36: {  	_ =	swait.ge [sflag:s29], $0x1000  }
0x37: {  	[sflag:s29] =	ssyncset.done $0x0  }
0x38: {  	[sflag:s29] =	ssyncadd.s32 $0xFFFFF000  }
0x39: {  	[spmem:s12] =	stream.linear.scatter [tilespmem:s30], [sflag:$0x2], $0x1000, $0x38;
	[tilespmem:$0x1F800] =	vst v63  }
0x3a: {  	_ =	swait.ge [sflag:s29], $0x1000  }
0x3b: {  	[sflag:s29] =	ssyncset.done $0x0  }
0x3c: {  	[sflag:s29] =	ssyncadd.s32 $0xFFFFF000  }
0x3d: {  	[spmem:s13] =	stream.linear.scatter [tilespmem:s30], [sflag:$0x2], $0x1000, $0x38;
	[tilespmem:$0x1F800] =	vst v63  }
0x3e: {  	_ =	swait.ge [sflag:s29], $0x1000  }
0x3f: {  	[sflag:s29] =	ssyncset.done $0x0  }
0x40: {  	[sflag:s29] =	ssyncadd.s32 $0xFFFFF000  }
0x41: {  	[spmem:s14] =	stream.linear.scatter [tilespmem:s30], [sflag:$0x2], $0x1000, $0x38;
	[tilespmem:$0x1F800] =	vst v63  }
0x42: {  	_ =	swait.ge [sflag:s29], $0x1000  }
0x43: {  	[sflag:s29] =	ssyncset.done $0x0  }
0x44: {  	[sflag:s29] =	ssyncadd.s32 $0xFFFFF000  }
0x45: {  	[spmem:s15] =	stream.linear.scatter [tilespmem:s30], [sflag:$0x2], $0x1000, $0x38;
	[tilespmem:$0x1F800] =	vst v63  }
0x46: {  	_ =	swait.ge [sflag:s29], $0x1000  }
0x47: {  	[sflag:s29] =	ssyncset.done $0x0  }
0x48: {  	[sflag:s29] =	ssyncadd.s32 $0xFFFFF000  }
0x49: {  	[spmem:s16] =	stream.linear.scatter [tilespmem:s30], [sflag:$0x2], $0x1000, $0x38;
	[tilespmem:$0x1F800] =	vst v63  }
0x4a: {  	_ =	swait.ge [sflag:s29], $0x1000  }
0x4b: {  	[sflag:s29] =	ssyncset.done $0x0  }
0x4c: {  	[sflag:s29] =	ssyncadd.s32 $0xFFFFF000  }
0x4d: {  	[spmem:s17] =	stream.linear.scatter [tilespmem:s30], [sflag:$0x2], $0x1000, $0x38;
	[tilespmem:$0x1F800] =	vst v63  }
0x4e: {  	_ =	swait.ge [sflag:s29], $0x1000  }
0x4f: {  	[sflag:s29] =	ssyncset.done $0x0  }
0x50: {  	[sflag:s29] =	ssyncadd.s32 $0xFFFFF000  }
0x51: {  	[spmem:s18] =	stream.linear.scatter [tilespmem:s30], [sflag:$0x2], $0x1000, $0x38;
	[tilespmem:$0x1F800] =	vst v63  }
0x52: {  	_ =	swait.ge [sflag:s29], $0x1000  }
0x53: {  	[sflag:s29] =	ssyncset.done $0x0  }
0x54: {  	[sflag:s29] =	ssyncadd.s32 $0xFFFFF000  }
0x55: {  	[spmem:s19] =	stream.linear.scatter [tilespmem:s30], [sflag:$0x2], $0x1000, $0x38;
	[tilespmem:$0x1F800] =	vst v63  }
0x56: {  	_ =	swait.ge [sflag:s29], $0x1000  }
0x57: {  	[sflag:s29] =	ssyncset.done $0x0  }
0x58: {  	[sflag:s29] =	ssyncadd.s32 $0xFFFFF000  }
0x59: {  	[spmem:s20] =	stream.linear.scatter [tilespmem:s30], [sflag:$0x2], $0x1000, $0x38;
	[tilespmem:$0x1F800] =	vst v63  }
0x5a: {  	_ =	swait.ge [sflag:s29], $0x1000  }
0x5b: {  	[sflag:s29] =	ssyncset.done $0x0  }
0x5c: {  	[sflag:s29] =	ssyncadd.s32 $0xFFFFF000  }
0x5d: {  	[spmem:s21] =	stream.linear.scatter [tilespmem:s30], [sflag:$0x2], $0x1000, $0x38;
	[tilespmem:$0x1F800] =	vst v63  }
0x5e: {  	_ =	swait.ge [sflag:s29], $0x1000  }
0x5f: {  	[sflag:s29] =	ssyncset.done $0x0  }
0x60: {  	[sflag:s29] =	ssyncadd.s32 $0xFFFFF000  }
0x61: {  	[spmem:s22] =	stream.linear.scatter [tilespmem:s30], [sflag:$0x2], $0x1000, $0x38;
	[tilespmem:$0x1F800] =	vst v63  }
0x62: {  	_ =	swait.ge [sflag:s29], $0x1000  }
0x63: {  	[sflag:s29] =	ssyncset.done $0x0  }
0x64: {  	[sflag:s29] =	ssyncadd.s32 $0xFFFFF000  }
0x65: {  	[spmem:s23] =	stream.linear.scatter [tilespmem:s30], [sflag:$0x2], $0x1000, $0x38;
	[tilespmem:$0x1F800] =	vst v63  }
0x66: {  	_ =	swait.ge [sflag:s29], $0x1000  }
0x67: {  	[sflag:s29] =	ssyncset.done $0x0  }
0x68: {  	[sflag:s29] =	ssyncadd.s32 $0xFFFFF000  }
0x69: {  	[spmem:s24] =	stream.linear.scatter [tilespmem:s30], [sflag:$0x2], $0x1000, $0x38;
	[tilespmem:$0x1F800] =	vst v63  }
0x6a: {  	_ =	swait.ge [sflag:s29], $0x1000  }
0x6b: {  	[sflag:s29] =	ssyncset.done $0x0  }
0x6c: {  	[sflag:s29] =	ssyncadd.s32 $0xFFFFF000  }
0x6d: {  	[spmem:s25] =	stream.linear.scatter [tilespmem:s30], [sflag:$0x2], $0x1000, $0x38;
	[tilespmem:$0x1F800] =	vst v63  }
0x6e: {  	_ =	swait.ge [sflag:s29], $0x1000  }
0x6f: {  	[sflag:s29] =	ssyncset.done $0x0  }
0x70: {  	[sflag:s29] =	ssyncadd.s32 $0xFFFFF000  }
0x71: {  	[spmem:s26] =	stream.linear.scatter [tilespmem:s30], [sflag:$0x2], $0x1000, $0x38;
	[tilespmem:$0x1F800] =	vst v63  }
0x72: {  	_ =	swait.ge [sflag:s29], $0x1000  }
0x73: {  	[sflag:s29] =	ssyncset.done $0x0  }
0x74: {  	[sflag:s29] =	ssyncadd.s32 $0xFFFFF000  }
0x75: {  	[spmem:s28] =	stream.linear.scatter [tilespmem:s30], [sflag:$0x2], $0x1000, $0x38;
	[tilespmem:$0x1F800] =	vst v63  }
0x76: {  	_ =	swait.ge [sflag:s29], $0x1000  }
0x77: {  	[sflag:s29] =	ssyncset.done $0x0  }
0x78: {  	s5 =	simm.s32 $0x0;
	[sflag:s29] =	ssyncadd.s32 $0xFFFFF000  }
0x79: {  	v1 =	vld [tilespmem:s5+$0x0]  }
0x7a: {  	v2 =	vld [tilespmem:s5+$0x10]  }
0x7b: {  	v3 =	vld [tilespmem:s5+$0x20]  }
0x7c: {  	v4 =	vld [tilespmem:s5+$0x30]  }
0x7d: {  	v5 =	vld [tilespmem:s5+$0x40];
	_ =	sdelay $0x1  }
0x7e: {  	v6 =	vshra.s32 v1, $0xE;
	v7 =	vshra.s32 v2, $0xE  }
0x7f: {  	v8 =	vshra.s32 v3, $0xE;
	v9 =	vand.u32 $0x3FFF, v1;
	v2 =	vand.u32 $0x3FFF, v2;
	[tilespmem:s5+$0x0] =	vst v6  }
0x80: {  	v10 =	vshra.s32 v4, $0xE;
	v4 =	vand.u32 $0x3FFF, v4;
	[tilespmem:s5+$0x10] =	vst v7;
	vm0 =	veq.s32 v6, v9  }
0x81: {  	[tilespmem:s5+$0x20] =	vst v8;
	vm1 =	veq.s32 v7, v2;
	v6 =	vand.u32 $0x3FFF, v3;
	v7 =	vshra.s32 v5, $0xE  }
0x82: {  	s7 =	simm.s32 $0x80;
	[tilespmem:s5+$0x30] =	vst v10;
	vm3 =	veq.s32 v10, v4;
	vm2 =	veq.s32 v8, v6;
	v8 =	vand.u32 $0x3FFF, v5  }
0x83: {  	v1 =	vld [tilespmem:s7+$0x0];
	[tilespmem:s5+$0x40] =	vst v7;
	v5 =	vsel vm0, $0x2710, v9;
	v3 =	vsel vm1, $0x2710, v2;
	vm15 =	veq.s32 v7, v8  }
0x84: {  	s8 =	simm.s32 $0x400;
	v2 =	vld [tilespmem:s7+$0x10];
	[tilespmem:s5+$0x4000] =	vst v5;
	v6 =	vsel vm2, $0x2710, v6;
	v5 =	vsel vm3, $0x2710, v4;
	v4 =	vsel vm15, $0x2710, v8  }
.LBB2_4:
0x85: {  	p0 =	sne.s32 s8, $0xF800;
	v7 =	vld [tilespmem:s7+$0x20];
	[tilespmem:s5+$0x4010] =	vst v3  }
0x86: {  	v3 =	vld [tilespmem:s7+$0x30];
	[tilespmem:s5+$0x4020] =	vst v6  }
0x87: {  	v6 =	vld [tilespmem:s7+$0x40];
	[tilespmem:s5+$0x4030] =	vst v5  }
0x88: {  	v5 =	vshra.s32 v1, $0xE;
	v8 =	vand.u32 $0x3FFF, v1;
	[tilespmem:s5+$0x4040] =	vst v4;
	s5 =	smov.u32 s7  }
0x89: {  	[tilespmem:s5+$0x0] =	vst v5;
	vm0 =	veq.s32 v5, v8;
	v1 =	vshra.s32 v2, $0xE;
	v2 =	vand.u32 $0x3FFF, v2  }
.Ltmp1:
0x8a: {  	[tilespmem:s5+$0x10] =	vst v1;
	vm1 =	veq.s32 v1, v2;
	v1 =	vshra.s32 v7, $0xE;
	v4 =	vand.u32 $0x3FFF, v7;
	(pc) =	sbr.rel @p0 .LBB2_4-.Ltmp1, $4  }
0x8b: {  	[tilespmem:s5+$0x20] =	vst v1;
	vm2 =	veq.s32 v1, v4;
	v1 =	vshra.s32 v3, $0xE;
	v5 =	vand.u32 $0x3FFF, v3  }
0x8c: {  	s7 =	sshra.s32 s8, $0x2;
	[tilespmem:s5+$0x30] =	vst v1;
	vm3 =	veq.s32 v1, v5;
	v7 =	vshra.s32 v6, $0xE;
	v9 =	vand.u32 $0x3FFF, v6  }
0x8d: {  	v3 =	vsel vm1, $0x2710, v2;
	v6 =	vsel vm0, $0x2710, v8;
	v1 =	vld [tilespmem:s7+$0x0];
	[tilespmem:s5+$0x40] =	vst v7;
	vm0 =	veq.s32 v7, v9  }
0x8e: {  	s8 =	sadd.s32 $0x200, s8;
	v5 =	vsel vm3, $0x2710, v5;
	v2 =	vld [tilespmem:s7+$0x10];
	[tilespmem:s5+$0x4000] =	vst v6;
	v6 =	vsel vm2, $0x2710, v4;
	v4 =	vsel vm0, $0x2710, v9  }
0x8f: {  	v7 =	vld [tilespmem:s7+$0x20];
	[tilespmem:s5+$0x4010] =	vst v3  }
0x90: {  	v3 =	vld [tilespmem:s7+$0x30];
	[tilespmem:s5+$0x4020] =	vst v6  }
0x91: {  	v6 =	vld [tilespmem:s7+$0x40];
	[tilespmem:s5+$0x4030] =	vst v5  }
0x92: {  	[tilespmem:s5+$0x4040] =	vst v4;
	v60 =	vshra.s32 v1, $0xE  }
0x93: {  	v1 =	vand.u32 $0x3FFF, v1;
	[tilespmem:s7+$0x0] =	vst v60;
	v61 =	vshra.s32 v2, $0xE  }
0x94: {  	vm0 =	veq.s32 v60, v1;
	[tilespmem:s7+$0x10] =	vst v61;
	v8 =	vshra.s32 v7, $0xE  }
0x95: {  	v2 =	vand.u32 $0x3FFF, v2;
	v1 =	vsel vm0, $0x2710, v1;
	[tilespmem:s7+$0x20] =	vst v8  }
0x96: {  	vm1 =	veq.s32 v61, v2;
	v9 =	vshra.s32 v3, $0xE;
	[tilespmem:s7+$0x4000] =	vst v1  }
0x97: {  	v63 =	vand.u32 $0x3FFF, v7;
	v2 =	vsel vm1, $0x2710, v2;
	[tilespmem:s7+$0x30] =	vst v9  }
0x98: {  	vm13 =	veq.s32 v8, v63;
	v3 =	vand.u32 $0x3FFF, v3;
	v62 =	vshra.s32 v6, $0xE;
	[tilespmem:s7+$0x4010] =	vst v2  }
0x99: {  	vm14 =	veq.s32 v9, v3;
	v1 =	vand.u32 $0x3FFF, v6;
	v4 =	vsel vm13, $0x2710, v63;
	[tilespmem:s7+$0x40] =	vst v62  }
0x9a: {  	vm15 =	veq.s32 v62, v1;
	v2 =	vsel vm14, $0x2710, v3;
	[tilespmem:s7+$0x4020] =	vst v4  }
0x9b: {  	v1 =	vsel vm15, $0x2710, v1;
	[tilespmem:s7+$0x4030] =	vst v2  }
0x9c: {  	[tilespmem:s7+$0x4040] =	vst v1  }
0x9d: {  	s8 =	simm.s32 $0x0;
	[bflag:$0x0] =	sbarrier.arrive $0xFFFF  }
0x9e: {  	[tilespmem:s0], [sflag:$0x1] =	stream.indirect.gather [hbm4b:s4+s31], $0x80, s8, s31, $0xb8;
	[tilespmem:$0x1F800] =	vst v63  }
0x9f: {  	_ =	swait.ge [sflag:s3], $0x2800  }
0xa0: {  	[sflag:s3] =	ssyncset.done $0x0  }
0xa1: {  	s9 =	simm.s32 $0x4000;
	[sflag:s3] =	ssyncadd.s32 $0xFFFFD800  }
0xa2: {  	[spmem:s2] =	stream.indirect.scatter.add.f32 [tilespmem:s0], [sflag:$0x2], $0x80, s9, s31, $0xb8;
	[tilespmem:$0x1F800] =	vst v63  }
0xa3: {  	_ =	swait.ge [sflag:s29], $0x2800  }
0xa4: {  	s5 =	simm.s32 $0x200;
	s7 =	simm.s32 $0x400;
	[sflag:s29] =	ssyncset.done $0x0  }
.LBB2_6:
0xa5: {  	s8 =	sshra.s32 s5, $0x2  }
0xa6: {  	[sflag:s29] =	ssyncadd.s32 $0xFFFFD800;
	s5 =	smov.u32 s7;
	s9 =	sadd.s32 $0x200, s7  }
0xa7: {  	[tilespmem:s0], [sflag:$0x1] =	stream.indirect.gather [hbm4b:s4+s31], $0x80, s8, s31, $0xb8;
	[tilespmem:$0x1F800] =	vst v63  }
0xa8: {  	p0 =	sne.s32 s7, $0xF800;
	_ =	swait.ge [sflag:s3], $0x2800  }
.Ltmp2:
0xa9: {  	[sflag:s3] =	ssyncset.done $0x0;
	(pc) =	sbr.rel @p0 .LBB2_6-.Ltmp2, $4  }
0xaa: {  	s7 =	sadd.s32 $0x4000, s8;
	[sflag:s3] =	ssyncadd.s32 $0xFFFFD800  }
0xab: {  	[spmem:s2] =	stream.indirect.scatter.add.f32 [tilespmem:s0], [sflag:$0x2], $0x80, s7, s31, $0xb8;
	[tilespmem:$0x1F800] =	vst v63  }
0xac: {  	_ =	swait.ge [sflag:s29], $0x2800  }
0xad: {  	s7 =	smov.u32 s9;
	[sflag:s29] =	ssyncset.done $0x0  }
0xae: {  	s5 =	sshra.s32 s5, $0x2;
	[sflag:s29] =	ssyncadd.s32 $0xFFFFD800  }
0xaf: {  	[tilespmem:s0], [sflag:$0x1] =	stream.indirect.gather [hbm4b:s4+s31], $0x80, s5, s31, $0xb8;
	[tilespmem:$0x1F800] =	vst v63  }
0xb0: {  	_ =	swait.ge [sflag:s3], $0x2800  }
0xb1: {  	[sflag:s3] =	ssyncset.done $0x0  }
0xb2: {  	s5 =	sadd.s32 $0x4000, s5;
	[sflag:s3] =	ssyncadd.s32 $0xFFFFD800  }
0xb3: {  	[spmem:s2] =	stream.indirect.scatter.add.f32 [tilespmem:s0], [sflag:$0x2], $0x80, s5, s31, $0xb8;
	[tilespmem:$0x1F800] =	vst v63  }
0xb4: {  	_ =	swait.ge [sflag:s29], $0x2800  }
0xb5: {  	[sflag:s29] =	ssyncset.done $0x0  }
0xb6: {  	s8 =	stileid.u32;
	[sflag:s29] =	ssyncadd.s32 $0xFFFFD800  }
0xb7: {  	s5 =	sshll.u32 s8, $0x6;
	[bflag:$0x0] =	sbarrier.arrive $0xFFFF  }
0xb8: {  	s7 =	sshrl.u32 s6, $0x3;
	s5 =	sor.u32 $0x1C02, s5;
	s8 =	rddreg [dreg:$0x4]  }
0xb9: {  	[hbm:s8], [sflag:s5] =	dma.local [spmem:s7], $0x2800  }
0xba: {  	_ =	swait.ge [sflag:s29], $0x2800  }
0xbb: {  	s1 =	sadd.s32 $0x1, s1;
	s9 =	rddreg [dreg:$0x5]  }
0xbc: {  	p0 =	sne.s32 s1, s9  }
.Ltmp3:
0xbd: {  	_ = 	snop;
	(pc) =	sbr.rel @p0 .LBB2_1-.Ltmp3, $3  }
0xbe: {  	_ =	sdelay $0x1  }
0xbf: {  	[sflag:s29] =	ssyncset.done $0x0  }
0xc0: {  	[sflag:s29] =	ssyncadd.s32 $0xFFFFD800  }
0xc1: {  	_ =	sfence.sel $0x180000  }
0xc2: {  	[bflag:$0x0] =	sbarrier.arrive $0xFFFF  }
0xc3: {  	_ =	strace $0x90000059  }
0xc4: {  	s0 =	stileid.u32;
	[bflag:$0x2] =	sbarrier.arrive $0xFFFF  }
0xc5: {  	p0 =	sne.s32 s0, $0x0;
	s0 =	rddreg [dreg:$0x2]  }
0xc6: {  	s0 =	sadd.s32 @!p0 $0x100000, s0  }
0xc7: {  	[sflag:s0] =	ssyncadd.tile.s32 @!p0 $0x1;
	_ =	shalt  }
.Lfunc_end2:
_tile_overlayer_lowered:
.L_overlay_start_2:
0xc8: {  	(tag) =	ssettag $0x2  }
0xc9: {  	s0 =	rddreg [dreg:$0x0];
	s2 =	stileid.u32  }
0xca: {  	s1 =	rddreg [dreg:$0x1];
	p0 =	sne.s32 s2, $0x0  }
0xcb: {  	s3 =	rddreg [dreg:$0x2];
	[bflag:$0x3] =	sbarrier.arrive $0xFFFF;
	s2 =	simm.s32 @!p0 $0x1C02  }
0xcc: {  	[timem:s3], [sflag:s2] =	dma.local @!p0 [hbm:s0], s1  }
0xcd: {  	s0 =	simm.s32 @!p0 $0x2  }
0xce: {  	_ =	swait.ge @!p0 [sflag:s0], s1  }
0xcf: {  	s1 =	ssub.s32 @!p0 $0x0, s1;
	[sflag:s0] =	ssyncset.done @!p0 $0x0  }
0xd0: {  	[sflag:s0] =	ssyncadd.s32 @!p0 s1  }
0xd1: {  	[bflag:$0x3] =	sbarrier.arrive $0xFFFF  }
0xd2: {  	_ =	shalt  }

</sc_bundles>
